<compile_context>
chip_gen: v7x
topology: tpu7x:2x2x1
jax: 0.10.2.dev20260603
libtpu: 0.0.44.dev20260713+nightly
codegen_flags: <defaults>
</compile_context>

<pallas_src>
import functools

import jax
import jax.numpy as jnp
from jax import lax
from jax.experimental import pallas as pl
from jax.experimental.pallas import tpu as pltpu
from jax.experimental.pallas import tpu_sc as plsc

N = 10000
D = 128
ALPHA = 0.2
E1 = 256000
E2 = 64000
E = E1 + E2

NC = 2
NS = 16
L = 16

N_PAD = 10240
ROWS_PER_TILE = N_PAD // NS
RS_ROWS = 80
RS_PT = 8
RS_TILES = RS_ROWS // RS_PT
CHUNK = 64
NUM_CHUNKS = E // CHUNK
CHUNKS_E1 = E1 // CHUNK
BASE_COUNT = NUM_CHUNKS // NS


def _dot_nt(x, w):
    return lax.dot_general(x, w, (((1,), (1,)), ((), ())),
                           preferred_element_type=jnp.float32)



def _node_scalar_body(x_ref, a_ref, a2_ref, o_ref):
    ra = lax.dot_general(a2_ref[...], a_ref[...], (((1,), (0,)), ((), ())),
                         preferred_element_type=jnp.float32)
    w = jnp.concatenate([ra[:, :D], ra[:, D:2 * D]], axis=0)
    o_ref[...] = _dot_nt(x_ref[...], w)


_node_scalars = pl.pallas_call(
    _node_scalar_body,
    out_shape=jax.ShapeDtypeStruct((N, 2), jnp.float32),
)


def _pw_body(a_ref, a2_ref, ee_ref, o_ref):
    ra = lax.dot_general(a2_ref[...], a_ref[...], (((1,), (0,)), ((), ())),
                         preferred_element_type=jnp.float32)
    o_ref[...] = _dot_nt(ee_ref[...], ra[:, 2 * D:])


_PW_BE = 8000


def _make_pw(rows):
    return pl.pallas_call(
        _pw_body,
        grid=(rows // _PW_BE,),
        in_specs=[
            pl.BlockSpec((D, 3 * D), lambda i: (0, 0)),
            pl.BlockSpec((1, D), lambda i: (0, 0)),
            pl.BlockSpec((_PW_BE, D), lambda i: (i, 0)),
        ],
        out_specs=pl.BlockSpec((_PW_BE, 1), lambda i: (i, 0)),
        out_shape=jax.ShapeDtypeStruct((rows, 1), jnp.float32),
    )


_pw_e1 = _make_pw(E1)
_pw_e2 = _make_pw(E2)



def _sc_edge_body(x_hbm, i0_hbm, i1_hbm, pw_hbm, pu_hbm, pv_hbm, ee1_hbm, ee2_hbm,
                  rs_out, hv_out, hw_out,
                  acc_sh, pu_sh, pv_sh,
                  pu_v, pv_v, i0_v, i1_v, pw_v, g_v, rows_v, rowsum_v,
                  red_v, acc1_v, sem):
    cid = lax.axis_index("c")
    sid = lax.axis_index("s")
    row0 = sid * ROWS_PER_TILE
    zeros16 = jnp.zeros((L,), jnp.float32)

    @pl.when(sid == 0)
    def _():
        pltpu.sync_copy(pu_hbm, pu_sh)
        pltpu.sync_copy(pv_hbm, pv_sh)
    plsc.subcore_barrier()
    pltpu.sync_copy(pu_sh, pu_v)
    pltpu.sync_copy(pv_sh, pv_v)

    def _z1(j, carry):
        for k in range(D // L):
            rowsum_v[j, pl.ds(k * L, L)] = zeros16
        return carry
    lax.fori_loop(0, RS_ROWS, _z1, None)

    def _zr(j, carry):
        for k in range(D // L):
            rows_v[j, pl.ds(k * L, L)] = zeros16
        return carry
    lax.fori_loop(0, CHUNK, _zr, None)
    for q in range(ROWS_PER_TILE // CHUNK):
        pltpu.sync_copy(rows_v, acc_sh.at[pl.ds(row0 + q * CHUNK, CHUNK)])
    plsc.subcore_barrier()

    count = BASE_COUNT + jnp.where(sid < NUM_CHUNKS - BASE_COUNT * NS, 1, 0)

    def _chunk(i, carry):
        c = sid + i * NS
        base = c * CHUNK
        pltpu.sync_copy(i0_hbm.at[pl.ds(base, CHUNK)], i0_v)
        pltpu.sync_copy(i1_hbm.at[pl.ds(base, CHUNK)], i1_v)
        pltpu.sync_copy(pw_hbm.at[pl.ds(base, CHUNK)], pw_v)

        @pl.when(cid == 0)
        def _():
            pltpu.async_copy(x_hbm.at[i1_v], rows_v, sem).wait()

        @pl.when(cid == 1)
        def _():
            @pl.when(c < CHUNKS_E1)
            def _():
                pltpu.sync_copy(ee1_hbm.at[pl.ds(base, CHUNK)], rows_v)

            @pl.when(c >= CHUNKS_E1)
            def _():
                pltpu.sync_copy(ee2_hbm.at[pl.ds(base - E1, CHUNK)], rows_v)

        for j8 in range(CHUNK // L):
            sl = pl.ds(j8 * L, L)
            i0_16 = i0_v[sl]
            i1_16 = i1_v[sl]
            s = (plsc.load_gather(pu_v, [i0_16])
                 + plsc.load_gather(pv_v, [i1_16]) + pw_v[sl])
            g16 = jnp.exp(jnp.minimum(-s, -ALPHA * s))
            g_v[sl] = g16

            @pl.when(cid == 0)
            def _(g16=g16, i0_16=i0_16):
                plsc.addupdate_scatter(rowsum_v,
                                       [i0_16 >> 7, i0_16 & (D - 1)], g16)

        def _scale(j8, carry):
            g16 = g_v[pl.ds(j8 * L, L)]
            for e in range(L):
                g = g16[e]
                j = j8 * L + e
                for k in range(D // L):
                    slk = pl.ds(k * L, L)
                    rows_v[j, slk] = rows_v[j, slk] * g
            return carry
        lax.fori_loop(0, CHUNK // L, _scale, None)

        pltpu.sync_copy(rows_v, acc_sh.at[i0_v], add=True)
        return carry

    lax.fori_loop(0, count, _chunk, None)
    plsc.subcore_barrier()

    rsl = pl.ds(row0, ROWS_PER_TILE)

    @pl.when(cid == 0)
    def _():
        pltpu.sync_copy(acc_sh.at[rsl], hv_out.at[rsl])

    @pl.when(cid == 1)
    def _():
        pltpu.sync_copy(acc_sh.at[rsl], hw_out.at[rsl])

    plsc.subcore_barrier()

    @pl.when(cid == 0)
    def _():
        pltpu.sync_copy(rowsum_v, acc_sh.at[pl.ds(sid * RS_ROWS, RS_ROWS)])
        plsc.subcore_barrier()

        @pl.when(sid < RS_TILES)
        def _():
            pltpu.sync_copy(acc_sh.at[pl.ds(sid * RS_PT, RS_PT)], acc1_v)

            def _redt(t, carry):
                pltpu.sync_copy(
                    acc_sh.at[pl.ds(t * RS_ROWS + sid * RS_PT, RS_PT)], red_v)
                for r in range(RS_PT):
                    for k in range(D // L):
                        slk = pl.ds(k * L, L)
                        acc1_v[r, slk] = acc1_v[r, slk] + red_v[r, slk]
                return carry
            lax.fori_loop(1, NS, _redt, None)
            pltpu.sync_copy(acc1_v, rs_out.at[pl.ds(sid * RS_PT, RS_PT)])


_sc_edge = functools.partial(
    pl.kernel,
    out_type=(
        jax.ShapeDtypeStruct((RS_ROWS, D), jnp.float32),
        jax.ShapeDtypeStruct((N_PAD, D), jnp.float32),
        jax.ShapeDtypeStruct((N_PAD, D), jnp.float32),
    ),
    mesh=plsc.VectorSubcoreMesh(core_axis_name="c", subcore_axis_name="s",
                                num_cores=NC, num_subcores=NS),
    compiler_params=pltpu.CompilerParams(needs_layout_passes=False),
    scratch_types=[
        pltpu.VMEM_SHARED((N_PAD, D), jnp.float32),
        pltpu.VMEM_SHARED((N_PAD,), jnp.float32),
        pltpu.VMEM_SHARED((N_PAD,), jnp.float32),
        pltpu.VMEM((N_PAD,), jnp.float32),
        pltpu.VMEM((N_PAD,), jnp.float32),
        pltpu.VMEM((CHUNK,), jnp.int32),
        pltpu.VMEM((CHUNK,), jnp.int32),
        pltpu.VMEM((CHUNK,), jnp.float32),
        pltpu.VMEM((CHUNK,), jnp.float32),
        pltpu.VMEM((CHUNK, D), jnp.float32),
        pltpu.VMEM((RS_ROWS, D), jnp.float32),
        pltpu.VMEM((RS_PT, D), jnp.float32),
        pltpu.VMEM((RS_PT, D), jnp.float32),
        pltpu.SemaphoreType.DMA,
    ],
)(_sc_edge_body)



def _final_body(x_ref, a_ref, rs_ref, hv_ref, hw_ref, o_ref):
    a_all = a_ref[...]
    rs = rs_ref[...]
    num = rs * _dot_nt(x_ref[...], a_all[:, :D])
    num = num + _dot_nt(hv_ref[...], a_all[:, D:2 * D])
    num = num + _dot_nt(hw_ref[...], a_all[:, 2 * D:])
    den = jnp.where(rs == 0.0, 1e-12, rs)
    h = num / den
    o_ref[...] = jnp.where(h > 0, h, jnp.exp(jnp.minimum(h, 0.0)) - 1.0)


_final = pl.pallas_call(
    _final_body,
    out_shape=jax.ShapeDtypeStruct((N, D), jnp.float32),
)


def kernel(input, edge, edge_embed, edge_list_nhop, edge_embed_nhop, a, a_2):
    x = input
    idx0 = jnp.concatenate([edge[0], edge_list_nhop[0]])
    idx1 = jnp.concatenate([edge[1], edge_list_nhop[1]])
    puv = _node_scalars(x, a, a_2)
    pu = jnp.pad(puv[:, 0], (0, N_PAD - N))
    pv = jnp.pad(puv[:, 1], (0, N_PAD - N))
    pw = jnp.concatenate([_pw_e1(a, a_2, edge_embed)[:, 0],
                          _pw_e2(a, a_2, edge_embed_nhop)[:, 0]])
    rs_pad, hv_pad, hw_pad = _sc_edge(x, idx0, idx1, pw, pu, pv,
                                      edge_embed, edge_embed_nhop)
    rs = rs_pad.reshape(-1)[:N, None]
    return _final(x, a, rs, hv_pad[:N], hw_pad[:N])

# --- scband reference (transcript-rebuilt; emitter-appended) ---
"""Pipeline reference for scband-kbat-24532853194753 (READ-ONLY COPY).

The authoritative reference and input builder live on the scoring server;
editing this copy changes nothing except your own understanding.
"""

import jax, jax.numpy as jnp
import numpy as np

N = 10000
E1 = 256000
E2 = 64000
D_IN = 128
D_OUT = 128
D_REL = 128
ALPHA = 0.2


def setup_inputs(seed: int = 0) -> dict:
    key = jax.random.key(seed)
    ks = jax.random.split(key, 8)
    # xavier-like scaling to keep exp(-leakyrelu(...)) numerically sane
    a_scale = float(np.sqrt(2.0 / (2 * D_IN + D_REL + D_OUT)))
    a2_scale = float(np.sqrt(2.0 / (D_OUT + 1)))
    return {
        "input": jax.random.normal(ks[0], (N, D_IN), dtype=jnp.float32),
        "edge": jax.random.randint(ks[1], (2, E1), 0, N, dtype=jnp.int32),
        "edge_embed": jax.random.normal(ks[2], (E1, D_REL), dtype=jnp.float32),
        "edge_list_nhop": jax.random.randint(ks[3], (2, E2), 0, N, dtype=jnp.int32),
        "edge_embed_nhop": jax.random.normal(ks[4], (E2, D_REL), dtype=jnp.float32),
        "a": jax.random.normal(ks[5], (D_OUT, 2 * D_IN + D_REL), dtype=jnp.float32) * a_scale,
        "a_2": jax.random.normal(ks[6], (1, D_OUT), dtype=jnp.float32) * a2_scale,
    }


def reference(input, edge, edge_embed, edge_list_nhop, edge_embed_nhop, a, a_2):
    # GraphAttentionLayer.forward (sparse GAT layer used inside KBAT), eval mode (dropout = identity)
    N_nodes = input.shape[0]
    edge_all = jnp.concatenate([edge, edge_list_nhop], axis=1)  # [2, E]
    ee = jnp.concatenate([edge_embed, edge_embed_nhop], axis=0)  # [E, nrela_dim]
    src = jnp.take(input, edge_all[0], axis=0)  # gather [E, in]
    dst = jnp.take(input, edge_all[1], axis=0)  # gather [E, in]
    edge_h = jnp.concatenate([src, dst, ee], axis=1).T  # [2*in+nrela, E]
    edge_m = a @ edge_h  # [out, E]
    powers = -jax.nn.leaky_relu(jnp.squeeze(a_2 @ edge_m), negative_slope=ALPHA)  # [E]
    edge_e = jnp.exp(powers)  # [E]
    # torch.sparse_coo_tensor([N,N,1]) summed over dim=1 == segment-sum over edge_all[0]
    e_rowsum = jax.ops.segment_sum(edge_e, edge_all[0], num_segments=N_nodes)[:, None]  # [N, 1]
    e_rowsum = jnp.where(e_rowsum == 0.0, 1e-12, e_rowsum)
    edge_w = (edge_e[None, :] * edge_m).T  # [E, out]
    h_prime = jax.ops.segment_sum(edge_w, edge_all[0], num_segments=N_nodes)  # scatter-add [N, out]
    h_prime = h_prime / e_rowsum
    return jax.nn.elu(h_prime)  # concat=True

if __name__ == "__main__":
    import jax
    _d = setup_inputs()
    print(jax.jit(kernel)(*tuple(_d.values())))

</pallas_src>

<mosaic_0001>
#map = affine_map<(d0, d1) -> (0, 0)>
#map1 = affine_map<(d0, d1) -> (0)>
module attributes {stable_mosaic.version = 14 : i64} {
  func.func @_sc_edge_body(%arg0: i32, %arg1: i32, %arg2: memref<10000x128xf32, #tpu.memory_space<hbm>>, %arg3: memref<320000xi32, #tpu.memory_space<hbm>>, %arg4: memref<320000xi32, #tpu.memory_space<hbm>>, %arg5: memref<320000xf32, #tpu.memory_space<hbm>>, %arg6: memref<10240xf32, #tpu.memory_space<hbm>>, %arg7: memref<10240xf32, #tpu.memory_space<hbm>>, %arg8: memref<256000x128xf32, #tpu.memory_space<hbm>>, %arg9: memref<64000x128xf32, #tpu.memory_space<hbm>>, %arg10: memref<80x128xf32, #tpu.memory_space<hbm>>, %arg11: memref<10240x128xf32, #tpu.memory_space<hbm>>, %arg12: memref<10240x128xf32, #tpu.memory_space<hbm>>, %arg13: memref<10240x128xf32, #tpu.memory_space<vmem_shared>>, %arg14: memref<10240xf32, #tpu.memory_space<vmem_shared>>, %arg15: memref<10240xf32, #tpu.memory_space<vmem_shared>>, %arg16: memref<10240xf32, #tpu.memory_space<vmem>>, %arg17: memref<10240xf32, #tpu.memory_space<vmem>>, %arg18: memref<64xi32, #tpu.memory_space<vmem>>, %arg19: memref<64xi32, #tpu.memory_space<vmem>>, %arg20: memref<64xf32, #tpu.memory_space<vmem>>, %arg21: memref<64xf32, #tpu.memory_space<vmem>>, %arg22: memref<64x128xf32, #tpu.memory_space<vmem>>, %arg23: memref<80x128xf32, #tpu.memory_space<vmem>>, %arg24: memref<8x128xf32, #tpu.memory_space<vmem>>, %arg25: memref<8x128xf32, #tpu.memory_space<vmem>>, %arg26: memref<!tpu.dma_semaphore, #tpu.memory_space<semaphore_mem>>) attributes {dimension_semantics = [#tpu.dimension_semantics<core_parallel>, #tpu.dimension_semantics<subcore_parallel>], iteration_bounds = array<i64: 2, 16>, scalar_prefetch = 0 : i64, scratch_operands = 14 : i64, tpu.core_type = #tpu.core_type<sc_vector_subcore>, window_params = [{transform_indices = #map}, {transform_indices = #map1}, {transform_indices = #map1}, {transform_indices = #map1}, {transform_indices = #map1}, {transform_indices = #map1}, {transform_indices = #map}, {transform_indices = #map}, {transform_indices = #map}, {transform_indices = #map}, {transform_indices = #map}]} {
    %mul3A = arith.constant 640 : i32
    %mul3A_0 = arith.muli %arg1, %mul3A : i32
    %broadcast_in_dim3A = arith.constant 0.000000e+00 : f32
    %broadcast_in_dim3A_1 = vector.broadcast %broadcast_in_dim3A : f32 to vector<16xf32>
    %eq3A = arith.constant 0 : i32
    %eq3A_2 = arith.cmpi eq, %arg1, %eq3A : i32
    %convert_element_type3A = arith.extui %eq3A_2 : i1 to i32
    %cond3A = arith.constant 0 : i32
    %cond3A_3 = arith.cmpi ne, %convert_element_type3A, %cond3A : i32
    scf.if %cond3A_3 {
      "tpu.region"() ({
        %run_scoped3A = tpu.sem_alloc : memref<!tpu.dma_semaphore, #tpu.memory_space<semaphore_mem>>
        tpu.enqueue_dma source(%arg6 : memref<10240xf32, #tpu.memory_space<hbm>>) target(%arg14 : memref<10240xf32, #tpu.memory_space<vmem_shared>>) target_semaphore(%run_scoped3A : memref<!tpu.dma_semaphore, #tpu.memory_space<semaphore_mem>>)
        tpu.wait_dma2 semaphore(%run_scoped3A : memref<!tpu.dma_semaphore, #tpu.memory_space<semaphore_mem>>) src(%arg6 : memref<10240xf32, #tpu.memory_space<hbm>>) dst(%arg14 : memref<10240xf32, #tpu.memory_space<vmem_shared>>)
        tpu.yield
      }) : () -> ()
      "tpu.region"() ({
        %run_scoped3A = tpu.sem_alloc : memref<!tpu.dma_semaphore, #tpu.memory_space<semaphore_mem>>
        tpu.enqueue_dma source(%arg7 : memref<10240xf32, #tpu.memory_space<hbm>>) target(%arg15 : memref<10240xf32, #tpu.memory_space<vmem_shared>>) target_semaphore(%run_scoped3A : memref<!tpu.dma_semaphore, #tpu.memory_space<semaphore_mem>>)
        tpu.wait_dma2 semaphore(%run_scoped3A : memref<!tpu.dma_semaphore, #tpu.memory_space<semaphore_mem>>) src(%arg7 : memref<10240xf32, #tpu.memory_space<hbm>>) dst(%arg15 : memref<10240xf32, #tpu.memory_space<vmem_shared>>)
        tpu.yield
      }) : () -> ()
    } else {
    }
    %barrier3A = arith.constant 0 : index
    tpu.barrier barrier_id(%barrier3A)
    "tpu.region"() ({
      %run_scoped3A = tpu.sem_alloc : memref<!tpu.dma_semaphore, #tpu.memory_space<semaphore_mem>>
      tpu.enqueue_dma source(%arg14 : memref<10240xf32, #tpu.memory_space<vmem_shared>>) target(%arg16 : memref<10240xf32, #tpu.memory_space<vmem>>) target_semaphore(%run_scoped3A : memref<!tpu.dma_semaphore, #tpu.memory_space<semaphore_mem>>)
      tpu.wait_dma2 semaphore(%run_scoped3A : memref<!tpu.dma_semaphore, #tpu.memory_space<semaphore_mem>>) src(%arg14 : memref<10240xf32, #tpu.memory_space<vmem_shared>>) dst(%arg16 : memref<10240xf32, #tpu.memory_space<vmem>>)
      tpu.yield
    }) : () -> ()
    "tpu.region"() ({
      %run_scoped3A = tpu.sem_alloc : memref<!tpu.dma_semaphore, #tpu.memory_space<semaphore_mem>>
      tpu.enqueue_dma source(%arg15 : memref<10240xf32, #tpu.memory_space<vmem_shared>>) target(%arg17 : memref<10240xf32, #tpu.memory_space<vmem>>) target_semaphore(%run_scoped3A : memref<!tpu.dma_semaphore, #tpu.memory_space<semaphore_mem>>)
      tpu.wait_dma2 semaphore(%run_scoped3A : memref<!tpu.dma_semaphore, #tpu.memory_space<semaphore_mem>>) src(%arg15 : memref<10240xf32, #tpu.memory_space<vmem_shared>>) dst(%arg17 : memref<10240xf32, #tpu.memory_space<vmem>>)
      tpu.yield
    }) : () -> ()
    %scan3A = arith.constant 0 : i32
    %scan3A_4 = arith.constant 80 : i32
    %scan3A_5 = arith.addi %scan3A, %scan3A_4 : i32
    %scan3A_6 = arith.constant 1 : i32
    scf.for %scan3A_62 = %scan3A to %scan3A_5 step %scan3A_6  : i32 {
      %swap3A = arith.index_cast %scan3A_62 : i32 to index
      %swap3A_63 = arith.constant 0 : index
      %swap3A_64 = tpu.vector_load %arg23[%swap3A, %swap3A_63] {strides = array<i32>} : memref<80x128xf32, #tpu.memory_space<vmem>>, vector<16xf32>,
      tpu.vector_store %arg23[%swap3A, %swap3A_63], %broadcast_in_dim3A_1 {strides = array<i32>} : memref<80x128xf32, #tpu.memory_space<vmem>>, vector<16xf32>,
      %swap3A_65 = arith.index_cast %scan3A_62 : i32 to index
      %swap3A_66 = arith.constant 16 : index
      %swap3A_67 = tpu.vector_load %arg23[%swap3A_65, %swap3A_66] {strides = array<i32>} : memref<80x128xf32, #tpu.memory_space<vmem>>, vector<16xf32>,
      tpu.vector_store %arg23[%swap3A_65, %swap3A_66], %broadcast_in_dim3A_1 {strides = array<i32>} : memref<80x128xf32, #tpu.memory_space<vmem>>, vector<16xf32>,
      %swap3A_68 = arith.index_cast %scan3A_62 : i32 to index
      %swap3A_69 = arith.constant 32 : index
      %swap3A_70 = tpu.vector_load %arg23[%swap3A_68, %swap3A_69] {strides = array<i32>} : memref<80x128xf32, #tpu.memory_space<vmem>>, vector<16xf32>,
      tpu.vector_store %arg23[%swap3A_68, %swap3A_69], %broadcast_in_dim3A_1 {strides = array<i32>} : memref<80x128xf32, #tpu.memory_space<vmem>>, vector<16xf32>,
      %swap3A_71 = arith.index_cast %scan3A_62 : i32 to index
      %swap3A_72 = arith.constant 48 : index
      %swap3A_73 = tpu.vector_load %arg23[%swap3A_71, %swap3A_72] {strides = array<i32>} : memref<80x128xf32, #tpu.memory_space<vmem>>, vector<16xf32>,
      tpu.vector_store %arg23[%swap3A_71, %swap3A_72], %broadcast_in_dim3A_1 {strides = array<i32>} : memref<80x128xf32, #tpu.memory_space<vmem>>, vector<16xf32>,
      %swap3A_74 = arith.index_cast %scan3A_62 : i32 to index
      %swap3A_75 = arith.constant 64 : index
      %swap3A_76 = tpu.vector_load %arg23[%swap3A_74, %swap3A_75] {strides = array<i32>} : memref<80x128xf32, #tpu.memory_space<vmem>>, vector<16xf32>,
      tpu.vector_store %arg23[%swap3A_74, %swap3A_75], %broadcast_in_dim3A_1 {strides = array<i32>} : memref<80x128xf32, #tpu.memory_space<vmem>>, vector<16xf32>,
      %swap3A_77 = arith.index_cast %scan3A_62 : i32 to index
      %swap3A_78 = arith.constant 80 : index
      %swap3A_79 = tpu.vector_load %arg23[%swap3A_77, %swap3A_78] {strides = array<i32>} : memref<80x128xf32, #tpu.memory_space<vmem>>, vector<16xf32>,
      tpu.vector_store %arg23[%swap3A_77, %swap3A_78], %broadcast_in_dim3A_1 {strides = array<i32>} : memref<80x128xf32, #tpu.memory_space<vmem>>, vector<16xf32>,
      %swap3A_80 = arith.index_cast %scan3A_62 : i32 to index
      %swap3A_81 = arith.constant 96 : index
      %swap3A_82 = tpu.vector_load %arg23[%swap3A_80, %swap3A_81] {strides = array<i32>} : memref<80x128xf32, #tpu.memory_space<vmem>>, vector<16xf32>,
      tpu.vector_store %arg23[%swap3A_80, %swap3A_81], %broadcast_in_dim3A_1 {strides = array<i32>} : memref<80x128xf32, #tpu.memory_space<vmem>>, vector<16xf32>,
      %swap3A_83 = arith.index_cast %scan3A_62 : i32 to index
      %swap3A_84 = arith.constant 112 : index
      %swap3A_85 = tpu.vector_load %arg23[%swap3A_83, %swap3A_84] {strides = array<i32>} : memref<80x128xf32, #tpu.memory_space<vmem>>, vector<16xf32>,
      tpu.vector_store %arg23[%swap3A_83, %swap3A_84], %broadcast_in_dim3A_1 {strides = array<i32>} : memref<80x128xf32, #tpu.memory_space<vmem>>, vector<16xf32>,
    }
    %scan3A_7 = arith.constant 80 : i32
    %scan3A_8 = arith.constant 0 : i32
    %scan3A_9 = arith.constant 64 : i32
    %scan3A_10 = arith.addi %scan3A_8, %scan3A_9 : i32
    %scan3A_11 = arith.constant 1 : i32
    scf.for %scan3A_62 = %scan3A_8 to %scan3A_10 step %scan3A_11  : i32 {
      %swap3A = arith.index_cast %scan3A_62 : i32 to index
      %swap3A_63 = arith.constant 0 : index
      %swap3A_64 = tpu.vector_load %arg22[%swap3A, %swap3A_63] {strides = array<i32>} : memref<64x128xf32, #tpu.memory_space<vmem>>, vector<16xf32>,
      tpu.vector_store %arg22[%swap3A, %swap3A_63], %broadcast_in_dim3A_1 {strides = array<i32>} : memref<64x128xf32, #tpu.memory_space<vmem>>, vector<16xf32>,
      %swap3A_65 = arith.index_cast %scan3A_62 : i32 to index
      %swap3A_66 = arith.constant 16 : index
      %swap3A_67 = tpu.vector_load %arg22[%swap3A_65, %swap3A_66] {strides = array<i32>} : memref<64x128xf32, #tpu.memory_space<vmem>>, vector<16xf32>,
      tpu.vector_store %arg22[%swap3A_65, %swap3A_66], %broadcast_in_dim3A_1 {strides = array<i32>} : memref<64x128xf32, #tpu.memory_space<vmem>>, vector<16xf32>,
      %swap3A_68 = arith.index_cast %scan3A_62 : i32 to index
      %swap3A_69 = arith.constant 32 : index
      %swap3A_70 = tpu.vector_load %arg22[%swap3A_68, %swap3A_69] {strides = array<i32>} : memref<64x128xf32, #tpu.memory_space<vmem>>, vector<16xf32>,
      tpu.vector_store %arg22[%swap3A_68, %swap3A_69], %broadcast_in_dim3A_1 {strides = array<i32>} : memref<64x128xf32, #tpu.memory_space<vmem>>, vector<16xf32>,
      %swap3A_71 = arith.index_cast %scan3A_62 : i32 to index
      %swap3A_72 = arith.constant 48 : index
      %swap3A_73 = tpu.vector_load %arg22[%swap3A_71, %swap3A_72] {strides = array<i32>} : memref<64x128xf32, #tpu.memory_space<vmem>>, vector<16xf32>,
      tpu.vector_store %arg22[%swap3A_71, %swap3A_72], %broadcast_in_dim3A_1 {strides = array<i32>} : memref<64x128xf32, #tpu.memory_space<vmem>>, vector<16xf32>,
      %swap3A_74 = arith.index_cast %scan3A_62 : i32 to index
      %swap3A_75 = arith.constant 64 : index
      %swap3A_76 = tpu.vector_load %arg22[%swap3A_74, %swap3A_75] {strides = array<i32>} : memref<64x128xf32, #tpu.memory_space<vmem>>, vector<16xf32>,
      tpu.vector_store %arg22[%swap3A_74, %swap3A_75], %broadcast_in_dim3A_1 {strides = array<i32>} : memref<64x128xf32, #tpu.memory_space<vmem>>, vector<16xf32>,
      %swap3A_77 = arith.index_cast %scan3A_62 : i32 to index
      %swap3A_78 = arith.constant 80 : index
      %swap3A_79 = tpu.vector_load %arg22[%swap3A_77, %swap3A_78] {strides = array<i32>} : memref<64x128xf32, #tpu.memory_space<vmem>>, vector<16xf32>,
      tpu.vector_store %arg22[%swap3A_77, %swap3A_78], %broadcast_in_dim3A_1 {strides = array<i32>} : memref<64x128xf32, #tpu.memory_space<vmem>>, vector<16xf32>,
      %swap3A_80 = arith.index_cast %scan3A_62 : i32 to index
      %swap3A_81 = arith.constant 96 : index
      %swap3A_82 = tpu.vector_load %arg22[%swap3A_80, %swap3A_81] {strides = array<i32>} : memref<64x128xf32, #tpu.memory_space<vmem>>, vector<16xf32>,
      tpu.vector_store %arg22[%swap3A_80, %swap3A_81], %broadcast_in_dim3A_1 {strides = array<i32>} : memref<64x128xf32, #tpu.memory_space<vmem>>, vector<16xf32>,
      %swap3A_83 = arith.index_cast %scan3A_62 : i32 to index
      %swap3A_84 = arith.constant 112 : index
      %swap3A_85 = tpu.vector_load %arg22[%swap3A_83, %swap3A_84] {strides = array<i32>} : memref<64x128xf32, #tpu.memory_space<vmem>>, vector<16xf32>,
      tpu.vector_store %arg22[%swap3A_83, %swap3A_84], %broadcast_in_dim3A_1 {strides = array<i32>} : memref<64x128xf32, #tpu.memory_space<vmem>>, vector<16xf32>,
    }
    %scan3A_12 = arith.constant 64 : i32
    %add3A = arith.constant 0 : i32
    %add3A_13 = arith.addi %mul3A_0, %add3A : i32
    "tpu.region"() ({
      %run_scoped3A = tpu.sem_alloc : memref<!tpu.dma_semaphore, #tpu.memory_space<semaphore_mem>>
      %dma_start3A = arith.constant 0 : i32
      %dma_start3A_62 = tpu.memref_slice %arg13[%add3A_13, %dma_start3A] : memref<10240x128xf32, #tpu.memory_space<vmem_shared>> -> memref<64x128xf32, #tpu.memory_space<vmem_shared>>
      %dma_start3A_63 = arith.constant 0 : i32
      %dma_start3A_64 = tpu.memref_slice %arg13[%add3A_13, %dma_start3A_63] : memref<10240x128xf32, #tpu.memory_space<vmem_shared>> -> memref<64x128xf32, #tpu.memory_space<vmem_shared>>
      tpu.enqueue_dma source(%arg22 : memref<64x128xf32, #tpu.memory_space<vmem>>) target(%dma_start3A_64 : memref<64x128xf32, #tpu.memory_space<vmem_shared>>) target_semaphore(%run_scoped3A : memref<!tpu.dma_semaphore, #tpu.memory_space<semaphore_mem>>)
      %dma_wait3A = arith.constant 0 : i32
      %dma_wait3A_65 = tpu.memref_slice %arg13[%add3A_13, %dma_wait3A] : memref<10240x128xf32, #tpu.memory_space<vmem_shared>> -> memref<64x128xf32, #tpu.memory_space<vmem_shared>>
      %dma_wait3A_66 = arith.constant 0 : i32
      %dma_wait3A_67 = tpu.memref_slice %arg13[%add3A_13, %dma_wait3A_66] : memref<10240x128xf32, #tpu.memory_space<vmem_shared>> -> memref<64x128xf32, #tpu.memory_space<vmem_shared>>
      tpu.wait_dma2 semaphore(%run_scoped3A : memref<!tpu.dma_semaphore, #tpu.memory_space<semaphore_mem>>) src(%arg22 : memref<64x128xf32, #tpu.memory_space<vmem>>) dst(%dma_wait3A_67 : memref<64x128xf32, #tpu.memory_space<vmem_shared>>)
      tpu.yield
    }) : () -> ()
    %add3A_14 = arith.constant 64 : i32
    %add3A_15 = arith.addi %mul3A_0, %add3A_14 : i32
    "tpu.region"() ({
      %run_scoped3A = tpu.sem_alloc : memref<!tpu.dma_semaphore, #tpu.memory_space<semaphore_mem>>
      %dma_start3A = arith.constant 0 : i32
      %dma_start3A_62 = tpu.memref_slice %arg13[%add3A_15, %dma_start3A] : memref<10240x128xf32, #tpu.memory_space<vmem_shared>> -> memref<64x128xf32, #tpu.memory_space<vmem_shared>>
      %dma_start3A_63 = arith.constant 0 : i32
      %dma_start3A_64 = tpu.memref_slice %arg13[%add3A_15, %dma_start3A_63] : memref<10240x128xf32, #tpu.memory_space<vmem_shared>> -> memref<64x128xf32, #tpu.memory_space<vmem_shared>>
      tpu.enqueue_dma source(%arg22 : memref<64x128xf32, #tpu.memory_space<vmem>>) target(%dma_start3A_64 : memref<64x128xf32, #tpu.memory_space<vmem_shared>>) target_semaphore(%run_scoped3A : memref<!tpu.dma_semaphore, #tpu.memory_space<semaphore_mem>>)
      %dma_wait3A = arith.constant 0 : i32
      %dma_wait3A_65 = tpu.memref_slice %arg13[%add3A_15, %dma_wait3A] : memref<10240x128xf32, #tpu.memory_space<vmem_shared>> -> memref<64x128xf32, #tpu.memory_space<vmem_shared>>
      %dma_wait3A_66 = arith.constant 0 : i32
      %dma_wait3A_67 = tpu.memref_slice %arg13[%add3A_15, %dma_wait3A_66] : memref<10240x128xf32, #tpu.memory_space<vmem_shared>> -> memref<64x128xf32, #tpu.memory_space<vmem_shared>>
      tpu.wait_dma2 semaphore(%run_scoped3A : memref<!tpu.dma_semaphore, #tpu.memory_space<semaphore_mem>>) src(%arg22 : memref<64x128xf32, #tpu.memory_space<vmem>>) dst(%dma_wait3A_67 : memref<64x128xf32, #tpu.memory_space<vmem_shared>>)
      tpu.yield
    }) : () -> ()
    %add3A_16 = arith.constant 128 : i32
    %add3A_17 = arith.addi %mul3A_0, %add3A_16 : i32
    "tpu.region"() ({
      %run_scoped3A = tpu.sem_alloc : memref<!tpu.dma_semaphore, #tpu.memory_space<semaphore_mem>>
      %dma_start3A = arith.constant 0 : i32
      %dma_start3A_62 = tpu.memref_slice %arg13[%add3A_17, %dma_start3A] : memref<10240x128xf32, #tpu.memory_space<vmem_shared>> -> memref<64x128xf32, #tpu.memory_space<vmem_shared>>
      %dma_start3A_63 = arith.constant 0 : i32
      %dma_start3A_64 = tpu.memref_slice %arg13[%add3A_17, %dma_start3A_63] : memref<10240x128xf32, #tpu.memory_space<vmem_shared>> -> memref<64x128xf32, #tpu.memory_space<vmem_shared>>
      tpu.enqueue_dma source(%arg22 : memref<64x128xf32, #tpu.memory_space<vmem>>) target(%dma_start3A_64 : memref<64x128xf32, #tpu.memory_space<vmem_shared>>) target_semaphore(%run_scoped3A : memref<!tpu.dma_semaphore, #tpu.memory_space<semaphore_mem>>)
      %dma_wait3A = arith.constant 0 : i32
      %dma_wait3A_65 = tpu.memref_slice %arg13[%add3A_17, %dma_wait3A] : memref<10240x128xf32, #tpu.memory_space<vmem_shared>> -> memref<64x128xf32, #tpu.memory_space<vmem_shared>>
      %dma_wait3A_66 = arith.constant 0 : i32
      %dma_wait3A_67 = tpu.memref_slice %arg13[%add3A_17, %dma_wait3A_66] : memref<10240x128xf32, #tpu.memory_space<vmem_shared>> -> memref<64x128xf32, #tpu.memory_space<vmem_shared>>
      tpu.wait_dma2 semaphore(%run_scoped3A : memref<!tpu.dma_semaphore, #tpu.memory_space<semaphore_mem>>) src(%arg22 : memref<64x128xf32, #tpu.memory_space<vmem>>) dst(%dma_wait3A_67 : memref<64x128xf32, #tpu.memory_space<vmem_shared>>)
      tpu.yield
    }) : () -> ()
    %add3A_18 = arith.constant 192 : i32
    %add3A_19 = arith.addi %mul3A_0, %add3A_18 : i32
    "tpu.region"() ({
      %run_scoped3A = tpu.sem_alloc : memref<!tpu.dma_semaphore, #tpu.memory_space<semaphore_mem>>
      %dma_start3A = arith.constant 0 : i32
      %dma_start3A_62 = tpu.memref_slice %arg13[%add3A_19, %dma_start3A] : memref<10240x128xf32, #tpu.memory_space<vmem_shared>> -> memref<64x128xf32, #tpu.memory_space<vmem_shared>>
      %dma_start3A_63 = arith.constant 0 : i32
      %dma_start3A_64 = tpu.memref_slice %arg13[%add3A_19, %dma_start3A_63] : memref<10240x128xf32, #tpu.memory_space<vmem_shared>> -> memref<64x128xf32, #tpu.memory_space<vmem_shared>>
      tpu.enqueue_dma source(%arg22 : memref<64x128xf32, #tpu.memory_space<vmem>>) target(%dma_start3A_64 : memref<64x128xf32, #tpu.memory_space<vmem_shared>>) target_semaphore(%run_scoped3A : memref<!tpu.dma_semaphore, #tpu.memory_space<semaphore_mem>>)
      %dma_wait3A = arith.constant 0 : i32
      %dma_wait3A_65 = tpu.memref_slice %arg13[%add3A_19, %dma_wait3A] : memref<10240x128xf32, #tpu.memory_space<vmem_shared>> -> memref<64x128xf32, #tpu.memory_space<vmem_shared>>
      %dma_wait3A_66 = arith.constant 0 : i32
      %dma_wait3A_67 = tpu.memref_slice %arg13[%add3A_19, %dma_wait3A_66] : memref<10240x128xf32, #tpu.memory_space<vmem_shared>> -> memref<64x128xf32, #tpu.memory_space<vmem_shared>>
      tpu.wait_dma2 semaphore(%run_scoped3A : memref<!tpu.dma_semaphore, #tpu.memory_space<semaphore_mem>>) src(%arg22 : memref<64x128xf32, #tpu.memory_space<vmem>>) dst(%dma_wait3A_67 : memref<64x128xf32, #tpu.memory_space<vmem_shared>>)
      tpu.yield
    }) : () -> ()
    %add3A_20 = arith.constant 256 : i32
    %add3A_21 = arith.addi %mul3A_0, %add3A_20 : i32
    "tpu.region"() ({
      %run_scoped3A = tpu.sem_alloc : memref<!tpu.dma_semaphore, #tpu.memory_space<semaphore_mem>>
      %dma_start3A = arith.constant 0 : i32
      %dma_start3A_62 = tpu.memref_slice %arg13[%add3A_21, %dma_start3A] : memref<10240x128xf32, #tpu.memory_space<vmem_shared>> -> memref<64x128xf32, #tpu.memory_space<vmem_shared>>
      %dma_start3A_63 = arith.constant 0 : i32
      %dma_start3A_64 = tpu.memref_slice %arg13[%add3A_21, %dma_start3A_63] : memref<10240x128xf32, #tpu.memory_space<vmem_shared>> -> memref<64x128xf32, #tpu.memory_space<vmem_shared>>
      tpu.enqueue_dma source(%arg22 : memref<64x128xf32, #tpu.memory_space<vmem>>) target(%dma_start3A_64 : memref<64x128xf32, #tpu.memory_space<vmem_shared>>) target_semaphore(%run_scoped3A : memref<!tpu.dma_semaphore, #tpu.memory_space<semaphore_mem>>)
      %dma_wait3A = arith.constant 0 : i32
      %dma_wait3A_65 = tpu.memref_slice %arg13[%add3A_21, %dma_wait3A] : memref<10240x128xf32, #tpu.memory_space<vmem_shared>> -> memref<64x128xf32, #tpu.memory_space<vmem_shared>>
      %dma_wait3A_66 = arith.constant 0 : i32
      %dma_wait3A_67 = tpu.memref_slice %arg13[%add3A_21, %dma_wait3A_66] : memref<10240x128xf32, #tpu.memory_space<vmem_shared>> -> memref<64x128xf32, #tpu.memory_space<vmem_shared>>
      tpu.wait_dma2 semaphore(%run_scoped3A : memref<!tpu.dma_semaphore, #tpu.memory_space<semaphore_mem>>) src(%arg22 : memref<64x128xf32, #tpu.memory_space<vmem>>) dst(%dma_wait3A_67 : memref<64x128xf32, #tpu.memory_space<vmem_shared>>)
      tpu.yield
    }) : () -> ()
    %add3A_22 = arith.constant 320 : i32
    %add3A_23 = arith.addi %mul3A_0, %add3A_22 : i32
    "tpu.region"() ({
      %run_scoped3A = tpu.sem_alloc : memref<!tpu.dma_semaphore, #tpu.memory_space<semaphore_mem>>
      %dma_start3A = arith.constant 0 : i32
      %dma_start3A_62 = tpu.memref_slice %arg13[%add3A_23, %dma_start3A] : memref<10240x128xf32, #tpu.memory_space<vmem_shared>> -> memref<64x128xf32, #tpu.memory_space<vmem_shared>>
      %dma_start3A_63 = arith.constant 0 : i32
      %dma_start3A_64 = tpu.memref_slice %arg13[%add3A_23, %dma_start3A_63] : memref<10240x128xf32, #tpu.memory_space<vmem_shared>> -> memref<64x128xf32, #tpu.memory_space<vmem_shared>>
      tpu.enqueue_dma source(%arg22 : memref<64x128xf32, #tpu.memory_space<vmem>>) target(%dma_start3A_64 : memref<64x128xf32, #tpu.memory_space<vmem_shared>>) target_semaphore(%run_scoped3A : memref<!tpu.dma_semaphore, #tpu.memory_space<semaphore_mem>>)
      %dma_wait3A = arith.constant 0 : i32
      %dma_wait3A_65 = tpu.memref_slice %arg13[%add3A_23, %dma_wait3A] : memref<10240x128xf32, #tpu.memory_space<vmem_shared>> -> memref<64x128xf32, #tpu.memory_space<vmem_shared>>
      %dma_wait3A_66 = arith.constant 0 : i32
      %dma_wait3A_67 = tpu.memref_slice %arg13[%add3A_23, %dma_wait3A_66] : memref<10240x128xf32, #tpu.memory_space<vmem_shared>> -> memref<64x128xf32, #tpu.memory_space<vmem_shared>>
      tpu.wait_dma2 semaphore(%run_scoped3A : memref<!tpu.dma_semaphore, #tpu.memory_space<semaphore_mem>>) src(%arg22 : memref<64x128xf32, #tpu.memory_space<vmem>>) dst(%dma_wait3A_67 : memref<64x128xf32, #tpu.memory_space<vmem_shared>>)
      tpu.yield
    }) : () -> ()
    %add3A_24 = arith.constant 384 : i32
    %add3A_25 = arith.addi %mul3A_0, %add3A_24 : i32
    "tpu.region"() ({
      %run_scoped3A = tpu.sem_alloc : memref<!tpu.dma_semaphore, #tpu.memory_space<semaphore_mem>>
      %dma_start3A = arith.constant 0 : i32
      %dma_start3A_62 = tpu.memref_slice %arg13[%add3A_25, %dma_start3A] : memref<10240x128xf32, #tpu.memory_space<vmem_shared>> -> memref<64x128xf32, #tpu.memory_space<vmem_shared>>
      %dma_start3A_63 = arith.constant 0 : i32
      %dma_start3A_64 = tpu.memref_slice %arg13[%add3A_25, %dma_start3A_63] : memref<10240x128xf32, #tpu.memory_space<vmem_shared>> -> memref<64x128xf32, #tpu.memory_space<vmem_shared>>
      tpu.enqueue_dma source(%arg22 : memref<64x128xf32, #tpu.memory_space<vmem>>) target(%dma_start3A_64 : memref<64x128xf32, #tpu.memory_space<vmem_shared>>) target_semaphore(%run_scoped3A : memref<!tpu.dma_semaphore, #tpu.memory_space<semaphore_mem>>)
      %dma_wait3A = arith.constant 0 : i32
      %dma_wait3A_65 = tpu.memref_slice %arg13[%add3A_25, %dma_wait3A] : memref<10240x128xf32, #tpu.memory_space<vmem_shared>> -> memref<64x128xf32, #tpu.memory_space<vmem_shared>>
      %dma_wait3A_66 = arith.constant 0 : i32
      %dma_wait3A_67 = tpu.memref_slice %arg13[%add3A_25, %dma_wait3A_66] : memref<10240x128xf32, #tpu.memory_space<vmem_shared>> -> memref<64x128xf32, #tpu.memory_space<vmem_shared>>
      tpu.wait_dma2 semaphore(%run_scoped3A : memref<!tpu.dma_semaphore, #tpu.memory_space<semaphore_mem>>) src(%arg22 : memref<64x128xf32, #tpu.memory_space<vmem>>) dst(%dma_wait3A_67 : memref<64x128xf32, #tpu.memory_space<vmem_shared>>)
      tpu.yield
    }) : () -> ()
    %add3A_26 = arith.constant 448 : i32
    %add3A_27 = arith.addi %mul3A_0, %add3A_26 : i32
    "tpu.region"() ({
      %run_scoped3A = tpu.sem_alloc : memref<!tpu.dma_semaphore, #tpu.memory_space<semaphore_mem>>
      %dma_start3A = arith.constant 0 : i32
      %dma_start3A_62 = tpu.memref_slice %arg13[%add3A_27, %dma_start3A] : memref<10240x128xf32, #tpu.memory_space<vmem_shared>> -> memref<64x128xf32, #tpu.memory_space<vmem_shared>>
      %dma_start3A_63 = arith.constant 0 : i32
      %dma_start3A_64 = tpu.memref_slice %arg13[%add3A_27, %dma_start3A_63] : memref<10240x128xf32, #tpu.memory_space<vmem_shared>> -> memref<64x128xf32, #tpu.memory_space<vmem_shared>>
      tpu.enqueue_dma source(%arg22 : memref<64x128xf32, #tpu.memory_space<vmem>>) target(%dma_start3A_64 : memref<64x128xf32, #tpu.memory_space<vmem_shared>>) target_semaphore(%run_scoped3A : memref<!tpu.dma_semaphore, #tpu.memory_space<semaphore_mem>>)
      %dma_wait3A = arith.constant 0 : i32
      %dma_wait3A_65 = tpu.memref_slice %arg13[%add3A_27, %dma_wait3A] : memref<10240x128xf32, #tpu.memory_space<vmem_shared>> -> memref<64x128xf32, #tpu.memory_space<vmem_shared>>
      %dma_wait3A_66 = arith.constant 0 : i32
      %dma_wait3A_67 = tpu.memref_slice %arg13[%add3A_27, %dma_wait3A_66] : memref<10240x128xf32, #tpu.memory_space<vmem_shared>> -> memref<64x128xf32, #tpu.memory_space<vmem_shared>>
      tpu.wait_dma2 semaphore(%run_scoped3A : memref<!tpu.dma_semaphore, #tpu.memory_space<semaphore_mem>>) src(%arg22 : memref<64x128xf32, #tpu.memory_space<vmem>>) dst(%dma_wait3A_67 : memref<64x128xf32, #tpu.memory_space<vmem_shared>>)
      tpu.yield
    }) : () -> ()
    %add3A_28 = arith.constant 512 : i32
    %add3A_29 = arith.addi %mul3A_0, %add3A_28 : i32
    "tpu.region"() ({
      %run_scoped3A = tpu.sem_alloc : memref<!tpu.dma_semaphore, #tpu.memory_space<semaphore_mem>>
      %dma_start3A = arith.constant 0 : i32
      %dma_start3A_62 = tpu.memref_slice %arg13[%add3A_29, %dma_start3A] : memref<10240x128xf32, #tpu.memory_space<vmem_shared>> -> memref<64x128xf32, #tpu.memory_space<vmem_shared>>
      %dma_start3A_63 = arith.constant 0 : i32
      %dma_start3A_64 = tpu.memref_slice %arg13[%add3A_29, %dma_start3A_63] : memref<10240x128xf32, #tpu.memory_space<vmem_shared>> -> memref<64x128xf32, #tpu.memory_space<vmem_shared>>
      tpu.enqueue_dma source(%arg22 : memref<64x128xf32, #tpu.memory_space<vmem>>) target(%dma_start3A_64 : memref<64x128xf32, #tpu.memory_space<vmem_shared>>) target_semaphore(%run_scoped3A : memref<!tpu.dma_semaphore, #tpu.memory_space<semaphore_mem>>)
      %dma_wait3A = arith.constant 0 : i32
      %dma_wait3A_65 = tpu.memref_slice %arg13[%add3A_29, %dma_wait3A] : memref<10240x128xf32, #tpu.memory_space<vmem_shared>> -> memref<64x128xf32, #tpu.memory_space<vmem_shared>>
      %dma_wait3A_66 = arith.constant 0 : i32
      %dma_wait3A_67 = tpu.memref_slice %arg13[%add3A_29, %dma_wait3A_66] : memref<10240x128xf32, #tpu.memory_space<vmem_shared>> -> memref<64x128xf32, #tpu.memory_space<vmem_shared>>
      tpu.wait_dma2 semaphore(%run_scoped3A : memref<!tpu.dma_semaphore, #tpu.memory_space<semaphore_mem>>) src(%arg22 : memref<64x128xf32, #tpu.memory_space<vmem>>) dst(%dma_wait3A_67 : memref<64x128xf32, #tpu.memory_space<vmem_shared>>)
      tpu.yield
    }) : () -> ()
    %add3A_30 = arith.constant 576 : i32
    %add3A_31 = arith.addi %mul3A_0, %add3A_30 : i32
    "tpu.region"() ({
      %run_scoped3A = tpu.sem_alloc : memref<!tpu.dma_semaphore, #tpu.memory_space<semaphore_mem>>
      %dma_start3A = arith.constant 0 : i32
      %dma_start3A_62 = tpu.memref_slice %arg13[%add3A_31, %dma_start3A] : memref<10240x128xf32, #tpu.memory_space<vmem_shared>> -> memref<64x128xf32, #tpu.memory_space<vmem_shared>>
      %dma_start3A_63 = arith.constant 0 : i32
      %dma_start3A_64 = tpu.memref_slice %arg13[%add3A_31, %dma_start3A_63] : memref<10240x128xf32, #tpu.memory_space<vmem_shared>> -> memref<64x128xf32, #tpu.memory_space<vmem_shared>>
      tpu.enqueue_dma source(%arg22 : memref<64x128xf32, #tpu.memory_space<vmem>>) target(%dma_start3A_64 : memref<64x128xf32, #tpu.memory_space<vmem_shared>>) target_semaphore(%run_scoped3A : memref<!tpu.dma_semaphore, #tpu.memory_space<semaphore_mem>>)
      %dma_wait3A = arith.constant 0 : i32
      %dma_wait3A_65 = tpu.memref_slice %arg13[%add3A_31, %dma_wait3A] : memref<10240x128xf32, #tpu.memory_space<vmem_shared>> -> memref<64x128xf32, #tpu.memory_space<vmem_shared>>
      %dma_wait3A_66 = arith.constant 0 : i32
      %dma_wait3A_67 = tpu.memref_slice %arg13[%add3A_31, %dma_wait3A_66] : memref<10240x128xf32, #tpu.memory_space<vmem_shared>> -> memref<64x128xf32, #tpu.memory_space<vmem_shared>>
      tpu.wait_dma2 semaphore(%run_scoped3A : memref<!tpu.dma_semaphore, #tpu.memory_space<semaphore_mem>>) src(%arg22 : memref<64x128xf32, #tpu.memory_space<vmem>>) dst(%dma_wait3A_67 : memref<64x128xf32, #tpu.memory_space<vmem_shared>>)
      tpu.yield
    }) : () -> ()
    %barrier3A_32 = arith.constant 0 : index
    tpu.barrier barrier_id(%barrier3A_32)
    %lt3A = arith.constant 8 : i32
    %lt3A_33 = arith.cmpi slt, %arg1, %lt3A : i32
    %jit3A = arith.constant 1 : i32
    %jit3A_34 = arith.constant 0 : i32
    %select_n3A = arith.select %lt3A_33, %jit3A, %jit3A_34 : i32
    %add3A_35 = arith.constant 312 : i32
    %add3A_36 = arith.addi %add3A_35, %select_n3A : i32
    %while3A = arith.constant 0 : i32
    %while3A_37 = arith.subi %add3A_36, %while3A : i32
    %while3A_38 = arith.addi %while3A, %while3A_37 : i32
    %while3A_39 = arith.constant 1 : i32
    %while3A_40 = arith.divsi %while3A_37, %while3A_39 : i32
    %while3A_41 = arith.muli %while3A_40, %while3A_39 : i32
    %while3A_42 = arith.addi %while3A, %while3A_41 : i32
    %while3A_43 = arith.constant 1 : i32
    scf.for %while3A_62 = %while3A to %while3A_42 step %while3A_43  : i32 {
      %mul3A_63 = arith.constant 16 : i32
      %mul3A_64 = arith.muli %while3A_62, %mul3A_63 : i32
      %add3A_65 = arith.addi %arg1, %mul3A_64 : i32
      %mul3A_66 = arith.constant 64 : i32
      %mul3A_67 = arith.muli %add3A_65, %mul3A_66 : i32
      "tpu.region"() ({
        %run_scoped3A = tpu.sem_alloc : memref<!tpu.dma_semaphore, #tpu.memory_space<semaphore_mem>>
        %dma_start3A = tpu.memref_slice %arg3[%mul3A_67] : memref<320000xi32, #tpu.memory_space<hbm>> -> memref<64xi32, #tpu.memory_space<hbm>>
        %dma_start3A_177 = tpu.memref_slice %arg3[%mul3A_67] : memref<320000xi32, #tpu.memory_space<hbm>> -> memref<64xi32, #tpu.memory_space<hbm>>
        tpu.enqueue_dma source(%dma_start3A_177 : memref<64xi32, #tpu.memory_space<hbm>>) target(%arg18 : memref<64xi32, #tpu.memory_space<vmem>>) target_semaphore(%run_scoped3A : memref<!tpu.dma_semaphore, #tpu.memory_space<semaphore_mem>>)
        %dma_wait3A = tpu.memref_slice %arg3[%mul3A_67] : memref<320000xi32, #tpu.memory_space<hbm>> -> memref<64xi32, #tpu.memory_space<hbm>>
        %dma_wait3A_178 = tpu.memref_slice %arg3[%mul3A_67] : memref<320000xi32, #tpu.memory_space<hbm>> -> memref<64xi32, #tpu.memory_space<hbm>>
        tpu.wait_dma2 semaphore(%run_scoped3A : memref<!tpu.dma_semaphore, #tpu.memory_space<semaphore_mem>>) src(%dma_wait3A_178 : memref<64xi32, #tpu.memory_space<hbm>>) dst(%arg18 : memref<64xi32, #tpu.memory_space<vmem>>)
        tpu.yield
      }) : () -> ()
      "tpu.region"() ({
        %run_scoped3A = tpu.sem_alloc : memref<!tpu.dma_semaphore, #tpu.memory_space<semaphore_mem>>
        %dma_start3A = tpu.memref_slice %arg4[%mul3A_67] : memref<320000xi32, #tpu.memory_space<hbm>> -> memref<64xi32, #tpu.memory_space<hbm>>
        %dma_start3A_177 = tpu.memref_slice %arg4[%mul3A_67] : memref<320000xi32, #tpu.memory_space<hbm>> -> memref<64xi32, #tpu.memory_space<hbm>>
        tpu.enqueue_dma source(%dma_start3A_177 : memref<64xi32, #tpu.memory_space<hbm>>) target(%arg19 : memref<64xi32, #tpu.memory_space<vmem>>) target_semaphore(%run_scoped3A : memref<!tpu.dma_semaphore, #tpu.memory_space<semaphore_mem>>)
        %dma_wait3A = tpu.memref_slice %arg4[%mul3A_67] : memref<320000xi32, #tpu.memory_space<hbm>> -> memref<64xi32, #tpu.memory_space<hbm>>
        %dma_wait3A_178 = tpu.memref_slice %arg4[%mul3A_67] : memref<320000xi32, #tpu.memory_space<hbm>> -> memref<64xi32, #tpu.memory_space<hbm>>
        tpu.wait_dma2 semaphore(%run_scoped3A : memref<!tpu.dma_semaphore, #tpu.memory_space<semaphore_mem>>) src(%dma_wait3A_178 : memref<64xi32, #tpu.memory_space<hbm>>) dst(%arg19 : memref<64xi32, #tpu.memory_space<vmem>>)
        tpu.yield
      }) : () -> ()
      "tpu.region"() ({
        %run_scoped3A = tpu.sem_alloc : memref<!tpu.dma_semaphore, #tpu.memory_space<semaphore_mem>>
        %dma_start3A = tpu.memref_slice %arg5[%mul3A_67] : memref<320000xf32, #tpu.memory_space<hbm>> -> memref<64xf32, #tpu.memory_space<hbm>>
        %dma_start3A_177 = tpu.memref_slice %arg5[%mul3A_67] : memref<320000xf32, #tpu.memory_space<hbm>> -> memref<64xf32, #tpu.memory_space<hbm>>
        tpu.enqueue_dma source(%dma_start3A_177 : memref<64xf32, #tpu.memory_space<hbm>>) target(%arg20 : memref<64xf32, #tpu.memory_space<vmem>>) target_semaphore(%run_scoped3A : memref<!tpu.dma_semaphore, #tpu.memory_space<semaphore_mem>>)
        %dma_wait3A = tpu.memref_slice %arg5[%mul3A_67] : memref<320000xf32, #tpu.memory_space<hbm>> -> memref<64xf32, #tpu.memory_space<hbm>>
        %dma_wait3A_178 = tpu.memref_slice %arg5[%mul3A_67] : memref<320000xf32, #tpu.memory_space<hbm>> -> memref<64xf32, #tpu.memory_space<hbm>>
        tpu.wait_dma2 semaphore(%run_scoped3A : memref<!tpu.dma_semaphore, #tpu.memory_space<semaphore_mem>>) src(%dma_wait3A_178 : memref<64xf32, #tpu.memory_space<hbm>>) dst(%arg20 : memref<64xf32, #tpu.memory_space<vmem>>)
        tpu.yield
      }) : () -> ()
      %eq3A_68 = arith.constant 0 : i32
      %eq3A_69 = arith.cmpi eq, %arg0, %eq3A_68 : i32
      %convert_element_type3A_70 = arith.extui %eq3A_69 : i1 to i32
      %cond3A_71 = arith.constant 0 : i32
      %cond3A_72 = arith.cmpi ne, %convert_element_type3A_70, %cond3A_71 : i32
      scf.if %cond3A_72 {
        %dma_start3A = arith.constant 0 : i32
        %dma_start3A_177 = arith.constant 0 : i32
        %dma_start3A_178 = tpu.memref_slice %arg2[%dma_start3A, %dma_start3A_177] : memref<10000x128xf32, #tpu.memory_space<hbm>> -> memref<10000x128xf32, #tpu.memory_space<hbm>>
        tpu.enqueue_indirect_dma source(%dma_start3A_178 : memref<10000x128xf32, #tpu.memory_space<hbm>>) target(%arg22 : memref<64x128xf32, #tpu.memory_space<vmem>>) offsets(%arg19 : memref<64xi32, #tpu.memory_space<vmem>>) semaphore(%arg26 : memref<!tpu.dma_semaphore, #tpu.memory_space<semaphore_mem>>)
        %dma_wait3A = arith.constant 0 : i32
        %dma_wait3A_179 = arith.constant 0 : i32
        %dma_wait3A_180 = tpu.memref_slice %arg2[%dma_wait3A, %dma_wait3A_179] : memref<10000x128xf32, #tpu.memory_space<hbm>> -> memref<10000x128xf32, #tpu.memory_space<hbm>>
        tpu.wait_indirect_dma semaphore(%arg26 : memref<!tpu.dma_semaphore, #tpu.memory_space<semaphore_mem>>) src(%dma_wait3A_180 : memref<10000x128xf32, #tpu.memory_space<hbm>>) dst(%arg22 : memref<64x128xf32, #tpu.memory_space<vmem>>)
      } else {
      }
      %eq3A_73 = arith.constant 1 : i32
      %eq3A_74 = arith.cmpi eq, %arg0, %eq3A_73 : i32
      %convert_element_type3A_75 = arith.extui %eq3A_74 : i1 to i32
      %cond3A_76 = arith.constant 0 : i32
      %cond3A_77 = arith.cmpi ne, %convert_element_type3A_75, %cond3A_76 : i32
      scf.if %cond3A_77 {
        %lt3A_177 = arith.constant 4000 : i32
        %lt3A_178 = arith.cmpi slt, %add3A_65, %lt3A_177 : i32
        %convert_element_type3A_179 = arith.extui %lt3A_178 : i1 to i32
        %cond3A_180 = arith.constant 0 : i32
        %cond3A_181 = arith.cmpi ne, %convert_element_type3A_179, %cond3A_180 : i32
        scf.if %cond3A_181 {
          "tpu.region"() ({
            %run_scoped3A = tpu.sem_alloc : memref<!tpu.dma_semaphore, #tpu.memory_space<semaphore_mem>>
            %dma_start3A = arith.constant 0 : i32
            %dma_start3A_186 = tpu.memref_slice %arg8[%mul3A_67, %dma_start3A] : memref<256000x128xf32, #tpu.memory_space<hbm>> -> memref<64x128xf32, #tpu.memory_space<hbm>>
            %dma_start3A_187 = arith.constant 0 : i32
            %dma_start3A_188 = tpu.memref_slice %arg8[%mul3A_67, %dma_start3A_187] : memref<256000x128xf32, #tpu.memory_space<hbm>> -> memref<64x128xf32, #tpu.memory_space<hbm>>
            tpu.enqueue_dma source(%dma_start3A_188 : memref<64x128xf32, #tpu.memory_space<hbm>>) target(%arg22 : memref<64x128xf32, #tpu.memory_space<vmem>>) target_semaphore(%run_scoped3A : memref<!tpu.dma_semaphore, #tpu.memory_space<semaphore_mem>>)
            %dma_wait3A = arith.constant 0 : i32
            %dma_wait3A_189 = tpu.memref_slice %arg8[%mul3A_67, %dma_wait3A] : memref<256000x128xf32, #tpu.memory_space<hbm>> -> memref<64x128xf32, #tpu.memory_space<hbm>>
            %dma_wait3A_190 = arith.constant 0 : i32
            %dma_wait3A_191 = tpu.memref_slice %arg8[%mul3A_67, %dma_wait3A_190] : memref<256000x128xf32, #tpu.memory_space<hbm>> -> memref<64x128xf32, #tpu.memory_space<hbm>>
            tpu.wait_dma2 semaphore(%run_scoped3A : memref<!tpu.dma_semaphore, #tpu.memory_space<semaphore_mem>>) src(%dma_wait3A_191 : memref<64x128xf32, #tpu.memory_space<hbm>>) dst(%arg22 : memref<64x128xf32, #tpu.memory_space<vmem>>)
            tpu.yield
          }) : () -> ()
        } else {
        }
        %ge3A = arith.constant 4000 : i32
        %ge3A_182 = arith.cmpi sge, %add3A_65, %ge3A : i32
        %convert_element_type3A_183 = arith.extui %ge3A_182 : i1 to i32
        %cond3A_184 = arith.constant 0 : i32
        %cond3A_185 = arith.cmpi ne, %convert_element_type3A_183, %cond3A_184 : i32
        scf.if %cond3A_185 {
          %sub3A = arith.constant 256000 : i32
          %sub3A_186 = arith.subi %mul3A_67, %sub3A : i32
          "tpu.region"() ({
            %run_scoped3A = tpu.sem_alloc : memref<!tpu.dma_semaphore, #tpu.memory_space<semaphore_mem>>
            %dma_start3A = arith.constant 0 : i32
            %dma_start3A_187 = tpu.memref_slice %arg9[%sub3A_186, %dma_start3A] : memref<64000x128xf32, #tpu.memory_space<hbm>> -> memref<64x128xf32, #tpu.memory_space<hbm>>
            %dma_start3A_188 = arith.constant 0 : i32
            %dma_start3A_189 = tpu.memref_slice %arg9[%sub3A_186, %dma_start3A_188] : memref<64000x128xf32, #tpu.memory_space<hbm>> -> memref<64x128xf32, #tpu.memory_space<hbm>>
            tpu.enqueue_dma source(%dma_start3A_189 : memref<64x128xf32, #tpu.memory_space<hbm>>) target(%arg22 : memref<64x128xf32, #tpu.memory_space<vmem>>) target_semaphore(%run_scoped3A : memref<!tpu.dma_semaphore, #tpu.memory_space<semaphore_mem>>)
            %dma_wait3A = arith.constant 0 : i32
            %dma_wait3A_190 = tpu.memref_slice %arg9[%sub3A_186, %dma_wait3A] : memref<64000x128xf32, #tpu.memory_space<hbm>> -> memref<64x128xf32, #tpu.memory_space<hbm>>
            %dma_wait3A_191 = arith.constant 0 : i32
            %dma_wait3A_192 = tpu.memref_slice %arg9[%sub3A_186, %dma_wait3A_191] : memref<64000x128xf32, #tpu.memory_space<hbm>> -> memref<64x128xf32, #tpu.memory_space<hbm>>
            tpu.wait_dma2 semaphore(%run_scoped3A : memref<!tpu.dma_semaphore, #tpu.memory_space<semaphore_mem>>) src(%dma_wait3A_192 : memref<64x128xf32, #tpu.memory_space<hbm>>) dst(%arg22 : memref<64x128xf32, #tpu.memory_space<vmem>>)
            tpu.yield
          }) : () -> ()
        } else {
        }
      } else {
      }
      %get3A = arith.constant 0 : index
      %get3A_78 = tpu.vector_load %arg18[%get3A] {strides = array<i32>} : memref<64xi32, #tpu.memory_space<vmem>>, vector<16xi32>,
      %get3A_79 = arith.constant 0 : index
      %get3A_80 = tpu.vector_load %arg19[%get3A_79] {strides = array<i32>} : memref<64xi32, #tpu.memory_space<vmem>>, vector<16xi32>,
      %gather3A = tpu.vector_load_idx %arg16[%get3A_78] : memref<10240xf32, #tpu.memory_space<vmem>>[vector<16xi32>], vector<16xf32>,
      %gather3A_81 = tpu.vector_load_idx %arg17[%get3A_80] : memref<10240xf32, #tpu.memory_space<vmem>>[vector<16xi32>], vector<16xf32>,
      %add3A_82 = arith.addf %gather3A, %gather3A_81 : vector<16xf32>
      %get3A_83 = arith.constant 0 : index
      %get3A_84 = tpu.vector_load %arg20[%get3A_83] {strides = array<i32>} : memref<64xf32, #tpu.memory_space<vmem>>, vector<16xf32>,
      %add3A_85 = arith.addf %add3A_82, %get3A_84 : vector<16xf32>
      %neg3A = arith.constant 0.000000e+00 : f32
      %neg3A_86 = vector.broadcast %neg3A : f32 to vector<16xf32>
      %neg3A_87 = arith.subf %neg3A_86, %add3A_85 : vector<16xf32>
      %mul3A_88 = arith.constant -2.000000e-01 : f32
      %mul3A_89 = vector.broadcast %mul3A_88 : f32 to vector<16xf32>
      %mul3A_90 = arith.mulf %mul3A_89, %add3A_85 : vector<16xf32>
      %min3A = arith.minimumf %neg3A_87, %mul3A_90 : vector<16xf32>
      %exp3A = math.exp %min3A : vector<16xf32>
      %swap3A = arith.constant 0 : index
      %swap3A_91 = tpu.vector_load %arg21[%swap3A] {strides = array<i32>} : memref<64xf32, #tpu.memory_space<vmem>>, vector<16xf32>,
      tpu.vector_store %arg21[%swap3A], %exp3A {strides = array<i32>} : memref<64xf32, #tpu.memory_space<vmem>>, vector<16xf32>,
      %eq3A_92 = arith.constant 0 : i32
      %eq3A_93 = arith.cmpi eq, %arg0, %eq3A_92 : i32
      %convert_element_type3A_94 = arith.extui %eq3A_93 : i1 to i32
      %cond3A_95 = arith.constant 0 : i32
      %cond3A_96 = arith.cmpi ne, %convert_element_type3A_94, %cond3A_95 : i32
      scf.if %cond3A_96 {
        %shift_right_arithmetic3A = arith.constant 7 : i32
        %shift_right_arithmetic3A_177 = vector.broadcast %shift_right_arithmetic3A : i32 to vector<16xi32>
        %shift_right_arithmetic3A_178 = arith.shrsi %get3A_78, %shift_right_arithmetic3A_177 : vector<16xi32>
        %and3A = arith.constant 127 : i32
        %and3A_179 = vector.broadcast %and3A : i32 to vector<16xi32>
        %and3A_180 = arith.andi %get3A_78, %and3A_179 : vector<16xi32>
        tpu.vector_store_idx %arg23[%shift_right_arithmetic3A_178, %and3A_180], %exp3A {add = true} : memref<80x128xf32, #tpu.memory_space<vmem>>[vector<16xi32>, vector<16xi32>], vector<16xf32>,
      } else {
      }
      %get3A_97 = arith.constant 16 : index
      %get3A_98 = tpu.vector_load %arg18[%get3A_97] {strides = array<i32>} : memref<64xi32, #tpu.memory_space<vmem>>, vector<16xi32>,
      %get3A_99 = arith.constant 16 : index
      %get3A_100 = tpu.vector_load %arg19[%get3A_99] {strides = array<i32>} : memref<64xi32, #tpu.memory_space<vmem>>, vector<16xi32>,
      %gather3A_101 = tpu.vector_load_idx %arg16[%get3A_98] : memref<10240xf32, #tpu.memory_space<vmem>>[vector<16xi32>], vector<16xf32>,
      %gather3A_102 = tpu.vector_load_idx %arg17[%get3A_100] : memref<10240xf32, #tpu.memory_space<vmem>>[vector<16xi32>], vector<16xf32>,
      %add3A_103 = arith.addf %gather3A_101, %gather3A_102 : vector<16xf32>
      %get3A_104 = arith.constant 16 : index
      %get3A_105 = tpu.vector_load %arg20[%get3A_104] {strides = array<i32>} : memref<64xf32, #tpu.memory_space<vmem>>, vector<16xf32>,
      %add3A_106 = arith.addf %add3A_103, %get3A_105 : vector<16xf32>
      %neg3A_107 = arith.constant 0.000000e+00 : f32
      %neg3A_108 = vector.broadcast %neg3A_107 : f32 to vector<16xf32>
      %neg3A_109 = arith.subf %neg3A_108, %add3A_106 : vector<16xf32>
      %mul3A_110 = arith.constant -2.000000e-01 : f32
      %mul3A_111 = vector.broadcast %mul3A_110 : f32 to vector<16xf32>
      %mul3A_112 = arith.mulf %mul3A_111, %add3A_106 : vector<16xf32>
      %min3A_113 = arith.minimumf %neg3A_109, %mul3A_112 : vector<16xf32>
      %exp3A_114 = math.exp %min3A_113 : vector<16xf32>
      %swap3A_115 = arith.constant 16 : index
      %swap3A_116 = tpu.vector_load %arg21[%swap3A_115] {strides = array<i32>} : memref<64xf32, #tpu.memory_space<vmem>>, vector<16xf32>,
      tpu.vector_store %arg21[%swap3A_115], %exp3A_114 {strides = array<i32>} : memref<64xf32, #tpu.memory_space<vmem>>, vector<16xf32>,
      %eq3A_117 = arith.constant 0 : i32
      %eq3A_118 = arith.cmpi eq, %arg0, %eq3A_117 : i32
      %convert_element_type3A_119 = arith.extui %eq3A_118 : i1 to i32
      %cond3A_120 = arith.constant 0 : i32
      %cond3A_121 = arith.cmpi ne, %convert_element_type3A_119, %cond3A_120 : i32
      scf.if %cond3A_121 {
        %shift_right_arithmetic3A = arith.constant 7 : i32
        %shift_right_arithmetic3A_177 = vector.broadcast %shift_right_arithmetic3A : i32 to vector<16xi32>
        %shift_right_arithmetic3A_178 = arith.shrsi %get3A_98, %shift_right_arithmetic3A_177 : vector<16xi32>
        %and3A = arith.constant 127 : i32
        %and3A_179 = vector.broadcast %and3A : i32 to vector<16xi32>
        %and3A_180 = arith.andi %get3A_98, %and3A_179 : vector<16xi32>
        tpu.vector_store_idx %arg23[%shift_right_arithmetic3A_178, %and3A_180], %exp3A_114 {add = true} : memref<80x128xf32, #tpu.memory_space<vmem>>[vector<16xi32>, vector<16xi32>], vector<16xf32>,
      } else {
      }
      %get3A_122 = arith.constant 32 : index
      %get3A_123 = tpu.vector_load %arg18[%get3A_122] {strides = array<i32>} : memref<64xi32, #tpu.memory_space<vmem>>, vector<16xi32>,
      %get3A_124 = arith.constant 32 : index
      %get3A_125 = tpu.vector_load %arg19[%get3A_124] {strides = array<i32>} : memref<64xi32, #tpu.memory_space<vmem>>, vector<16xi32>,
      %gather3A_126 = tpu.vector_load_idx %arg16[%get3A_123] : memref<10240xf32, #tpu.memory_space<vmem>>[vector<16xi32>], vector<16xf32>,
      %gather3A_127 = tpu.vector_load_idx %arg17[%get3A_125] : memref<10240xf32, #tpu.memory_space<vmem>>[vector<16xi32>], vector<16xf32>,
      %add3A_128 = arith.addf %gather3A_126, %gather3A_127 : vector<16xf32>
      %get3A_129 = arith.constant 32 : index
      %get3A_130 = tpu.vector_load %arg20[%get3A_129] {strides = array<i32>} : memref<64xf32, #tpu.memory_space<vmem>>, vector<16xf32>,
      %add3A_131 = arith.addf %add3A_128, %get3A_130 : vector<16xf32>
      %neg3A_132 = arith.constant 0.000000e+00 : f32
      %neg3A_133 = vector.broadcast %neg3A_132 : f32 to vector<16xf32>
      %neg3A_134 = arith.subf %neg3A_133, %add3A_131 : vector<16xf32>
      %mul3A_135 = arith.constant -2.000000e-01 : f32
      %mul3A_136 = vector.broadcast %mul3A_135 : f32 to vector<16xf32>
      %mul3A_137 = arith.mulf %mul3A_136, %add3A_131 : vector<16xf32>
      %min3A_138 = arith.minimumf %neg3A_134, %mul3A_137 : vector<16xf32>
      %exp3A_139 = math.exp %min3A_138 : vector<16xf32>
      %swap3A_140 = arith.constant 32 : index
      %swap3A_141 = tpu.vector_load %arg21[%swap3A_140] {strides = array<i32>} : memref<64xf32, #tpu.memory_space<vmem>>, vector<16xf32>,
      tpu.vector_store %arg21[%swap3A_140], %exp3A_139 {strides = array<i32>} : memref<64xf32, #tpu.memory_space<vmem>>, vector<16xf32>,
      %eq3A_142 = arith.constant 0 : i32
      %eq3A_143 = arith.cmpi eq, %arg0, %eq3A_142 : i32
      %convert_element_type3A_144 = arith.extui %eq3A_143 : i1 to i32
      %cond3A_145 = arith.constant 0 : i32
      %cond3A_146 = arith.cmpi ne, %convert_element_type3A_144, %cond3A_145 : i32
      scf.if %cond3A_146 {
        %shift_right_arithmetic3A = arith.constant 7 : i32
        %shift_right_arithmetic3A_177 = vector.broadcast %shift_right_arithmetic3A : i32 to vector<16xi32>
        %shift_right_arithmetic3A_178 = arith.shrsi %get3A_123, %shift_right_arithmetic3A_177 : vector<16xi32>
        %and3A = arith.constant 127 : i32
        %and3A_179 = vector.broadcast %and3A : i32 to vector<16xi32>
        %and3A_180 = arith.andi %get3A_123, %and3A_179 : vector<16xi32>
        tpu.vector_store_idx %arg23[%shift_right_arithmetic3A_178, %and3A_180], %exp3A_139 {add = true} : memref<80x128xf32, #tpu.memory_space<vmem>>[vector<16xi32>, vector<16xi32>], vector<16xf32>,
      } else {
      }
      %get3A_147 = arith.constant 48 : index
      %get3A_148 = tpu.vector_load %arg18[%get3A_147] {strides = array<i32>} : memref<64xi32, #tpu.memory_space<vmem>>, vector<16xi32>,
      %get3A_149 = arith.constant 48 : index
      %get3A_150 = tpu.vector_load %arg19[%get3A_149] {strides = array<i32>} : memref<64xi32, #tpu.memory_space<vmem>>, vector<16xi32>,
      %gather3A_151 = tpu.vector_load_idx %arg16[%get3A_148] : memref<10240xf32, #tpu.memory_space<vmem>>[vector<16xi32>], vector<16xf32>,
      %gather3A_152 = tpu.vector_load_idx %arg17[%get3A_150] : memref<10240xf32, #tpu.memory_space<vmem>>[vector<16xi32>], vector<16xf32>,
      %add3A_153 = arith.addf %gather3A_151, %gather3A_152 : vector<16xf32>
      %get3A_154 = arith.constant 48 : index
      %get3A_155 = tpu.vector_load %arg20[%get3A_154] {strides = array<i32>} : memref<64xf32, #tpu.memory_space<vmem>>, vector<16xf32>,
      %add3A_156 = arith.addf %add3A_153, %get3A_155 : vector<16xf32>
      %neg3A_157 = arith.constant 0.000000e+00 : f32
      %neg3A_158 = vector.broadcast %neg3A_157 : f32 to vector<16xf32>
      %neg3A_159 = arith.subf %neg3A_158, %add3A_156 : vector<16xf32>
      %mul3A_160 = arith.constant -2.000000e-01 : f32
      %mul3A_161 = vector.broadcast %mul3A_160 : f32 to vector<16xf32>
      %mul3A_162 = arith.mulf %mul3A_161, %add3A_156 : vector<16xf32>
      %min3A_163 = arith.minimumf %neg3A_159, %mul3A_162 : vector<16xf32>
      %exp3A_164 = math.exp %min3A_163 : vector<16xf32>
      %swap3A_165 = arith.constant 48 : index
      %swap3A_166 = tpu.vector_load %arg21[%swap3A_165] {strides = array<i32>} : memref<64xf32, #tpu.memory_space<vmem>>, vector<16xf32>,
      tpu.vector_store %arg21[%swap3A_165], %exp3A_164 {strides = array<i32>} : memref<64xf32, #tpu.memory_space<vmem>>, vector<16xf32>,
      %eq3A_167 = arith.constant 0 : i32
      %eq3A_168 = arith.cmpi eq, %arg0, %eq3A_167 : i32
      %convert_element_type3A_169 = arith.extui %eq3A_168 : i1 to i32
      %cond3A_170 = arith.constant 0 : i32
      %cond3A_171 = arith.cmpi ne, %convert_element_type3A_169, %cond3A_170 : i32
      scf.if %cond3A_171 {
        %shift_right_arithmetic3A = arith.constant 7 : i32
        %shift_right_arithmetic3A_177 = vector.broadcast %shift_right_arithmetic3A : i32 to vector<16xi32>
        %shift_right_arithmetic3A_178 = arith.shrsi %get3A_148, %shift_right_arithmetic3A_177 : vector<16xi32>
        %and3A = arith.constant 127 : i32
        %and3A_179 = vector.broadcast %and3A : i32 to vector<16xi32>
        %and3A_180 = arith.andi %get3A_148, %and3A_179 : vector<16xi32>
        tpu.vector_store_idx %arg23[%shift_right_arithmetic3A_178, %and3A_180], %exp3A_164 {add = true} : memref<80x128xf32, #tpu.memory_space<vmem>>[vector<16xi32>, vector<16xi32>], vector<16xf32>,
      } else {
      }
      %scan3A_172 = arith.constant 0 : i32
      %scan3A_173 = arith.constant 4 : i32
      %scan3A_174 = arith.addi %scan3A_172, %scan3A_173 : i32
      %scan3A_175 = arith.constant 1 : i32
      scf.for %scan3A_177 = %scan3A_172 to %scan3A_174 step %scan3A_175  : i32 {
        %mul3A_178 = arith.constant 16 : i32
        %mul3A_179 = arith.muli %scan3A_177, %mul3A_178 : i32
        %get3A_180 = arith.index_cast %mul3A_179 : i32 to index
        %get3A_181 = tpu.vector_load %arg21[%get3A_180] {strides = array<i32>} : memref<64xf32, #tpu.memory_space<vmem>>, vector<16xf32>,
        %slice3A = vector.extract_strided_slice %get3A_181 {offsets = [0], sizes = [1], strides = [1]} : vector<16xf32> to vector<1xf32>
        %squeeze3A = vector.extract %slice3A[0] : f32 from vector<1xf32>
        %mul3A_182 = arith.constant 16 : i32
        %mul3A_183 = arith.muli %scan3A_177, %mul3A_182 : i32
        %add3A_184 = arith.constant 0 : i32
        %add3A_185 = arith.addi %mul3A_183, %add3A_184 : i32
        %get3A_186 = arith.index_cast %add3A_185 : i32 to index
        %get3A_187 = arith.constant 0 : index
        %get3A_188 = tpu.vector_load %arg22[%get3A_186, %get3A_187] {strides = array<i32>} : memref<64x128xf32, #tpu.memory_space<vmem>>, vector<16xf32>,
        %mul3A_189 = vector.broadcast %squeeze3A : f32 to vector<16xf32>
        %mul3A_190 = arith.mulf %get3A_188, %mul3A_189 : vector<16xf32>
        %swap3A_191 = arith.index_cast %add3A_185 : i32 to index
        %swap3A_192 = arith.constant 0 : index
        %swap3A_193 = tpu.vector_load %arg22[%swap3A_191, %swap3A_192] {strides = array<i32>} : memref<64x128xf32, #tpu.memory_space<vmem>>, vector<16xf32>,
        tpu.vector_store %arg22[%swap3A_191, %swap3A_192], %mul3A_190 {strides = array<i32>} : memref<64x128xf32, #tpu.memory_space<vmem>>, vector<16xf32>,
        %get3A_194 = arith.index_cast %add3A_185 : i32 to index
        %get3A_195 = arith.constant 16 : index
        %get3A_196 = tpu.vector_load %arg22[%get3A_194, %get3A_195] {strides = array<i32>} : memref<64x128xf32, #tpu.memory_space<vmem>>, vector<16xf32>,
        %mul3A_197 = vector.broadcast %squeeze3A : f32 to vector<16xf32>
        %mul3A_198 = arith.mulf %get3A_196, %mul3A_197 : vector<16xf32>
        %swap3A_199 = arith.index_cast %add3A_185 : i32 to index
        %swap3A_200 = arith.constant 16 : index
        %swap3A_201 = tpu.vector_load %arg22[%swap3A_199, %swap3A_200] {strides = array<i32>} : memref<64x128xf32, #tpu.memory_space<vmem>>, vector<16xf32>,
        tpu.vector_store %arg22[%swap3A_199, %swap3A_200], %mul3A_198 {strides = array<i32>} : memref<64x128xf32, #tpu.memory_space<vmem>>, vector<16xf32>,
        %get3A_202 = arith.index_cast %add3A_185 : i32 to index
        %get3A_203 = arith.constant 32 : index
        %get3A_204 = tpu.vector_load %arg22[%get3A_202, %get3A_203] {strides = array<i32>} : memref<64x128xf32, #tpu.memory_space<vmem>>, vector<16xf32>,
        %mul3A_205 = vector.broadcast %squeeze3A : f32 to vector<16xf32>
        %mul3A_206 = arith.mulf %get3A_204, %mul3A_205 : vector<16xf32>
        %swap3A_207 = arith.index_cast %add3A_185 : i32 to index
        %swap3A_208 = arith.constant 32 : index
        %swap3A_209 = tpu.vector_load %arg22[%swap3A_207, %swap3A_208] {strides = array<i32>} : memref<64x128xf32, #tpu.memory_space<vmem>>, vector<16xf32>,
        tpu.vector_store %arg22[%swap3A_207, %swap3A_208], %mul3A_206 {strides = array<i32>} : memref<64x128xf32, #tpu.memory_space<vmem>>, vector<16xf32>,
        %get3A_210 = arith.index_cast %add3A_185 : i32 to index
        %get3A_211 = arith.constant 48 : index
        %get3A_212 = tpu.vector_load %arg22[%get3A_210, %get3A_211] {strides = array<i32>} : memref<64x128xf32, #tpu.memory_space<vmem>>, vector<16xf32>,
        %mul3A_213 = vector.broadcast %squeeze3A : f32 to vector<16xf32>
        %mul3A_214 = arith.mulf %get3A_212, %mul3A_213 : vector<16xf32>
        %swap3A_215 = arith.index_cast %add3A_185 : i32 to index
        %swap3A_216 = arith.constant 48 : index
        %swap3A_217 = tpu.vector_load %arg22[%swap3A_215, %swap3A_216] {strides = array<i32>} : memref<64x128xf32, #tpu.memory_space<vmem>>, vector<16xf32>,
        tpu.vector_store %arg22[%swap3A_215, %swap3A_216], %mul3A_214 {strides = array<i32>} : memref<64x128xf32, #tpu.memory_space<vmem>>, vector<16xf32>,
        %get3A_218 = arith.index_cast %add3A_185 : i32 to index
        %get3A_219 = arith.constant 64 : index
        %get3A_220 = tpu.vector_load %arg22[%get3A_218, %get3A_219] {strides = array<i32>} : memref<64x128xf32, #tpu.memory_space<vmem>>, vector<16xf32>,
        %mul3A_221 = vector.broadcast %squeeze3A : f32 to vector<16xf32>
        %mul3A_222 = arith.mulf %get3A_220, %mul3A_221 : vector<16xf32>
        %swap3A_223 = arith.index_cast %add3A_185 : i32 to index
        %swap3A_224 = arith.constant 64 : index
        %swap3A_225 = tpu.vector_load %arg22[%swap3A_223, %swap3A_224] {strides = array<i32>} : memref<64x128xf32, #tpu.memory_space<vmem>>, vector<16xf32>,
        tpu.vector_store %arg22[%swap3A_223, %swap3A_224], %mul3A_222 {strides = array<i32>} : memref<64x128xf32, #tpu.memory_space<vmem>>, vector<16xf32>,
        %get3A_226 = arith.index_cast %add3A_185 : i32 to index
        %get3A_227 = arith.constant 80 : index
        %get3A_228 = tpu.vector_load %arg22[%get3A_226, %get3A_227] {strides = array<i32>} : memref<64x128xf32, #tpu.memory_space<vmem>>, vector<16xf32>,
        %mul3A_229 = vector.broadcast %squeeze3A : f32 to vector<16xf32>
        %mul3A_230 = arith.mulf %get3A_228, %mul3A_229 : vector<16xf32>
        %swap3A_231 = arith.index_cast %add3A_185 : i32 to index
        %swap3A_232 = arith.constant 80 : index
        %swap3A_233 = tpu.vector_load %arg22[%swap3A_231, %swap3A_232] {strides = array<i32>} : memref<64x128xf32, #tpu.memory_space<vmem>>, vector<16xf32>,
        tpu.vector_store %arg22[%swap3A_231, %swap3A_232], %mul3A_230 {strides = array<i32>} : memref<64x128xf32, #tpu.memory_space<vmem>>, vector<16xf32>,
        %get3A_234 = arith.index_cast %add3A_185 : i32 to index
        %get3A_235 = arith.constant 96 : index
        %get3A_236 = tpu.vector_load %arg22[%get3A_234, %get3A_235] {strides = array<i32>} : memref<64x128xf32, #tpu.memory_space<vmem>>, vector<16xf32>,
        %mul3A_237 = vector.broadcast %squeeze3A : f32 to vector<16xf32>
        %mul3A_238 = arith.mulf %get3A_236, %mul3A_237 : vector<16xf32>
        %swap3A_239 = arith.index_cast %add3A_185 : i32 to index
        %swap3A_240 = arith.constant 96 : index
        %swap3A_241 = tpu.vector_load %arg22[%swap3A_239, %swap3A_240] {strides = array<i32>} : memref<64x128xf32, #tpu.memory_space<vmem>>, vector<16xf32>,
        tpu.vector_store %arg22[%swap3A_239, %swap3A_240], %mul3A_238 {strides = array<i32>} : memref<64x128xf32, #tpu.memory_space<vmem>>, vector<16xf32>,
        %get3A_242 = arith.index_cast %add3A_185 : i32 to index
        %get3A_243 = arith.constant 112 : index
        %get3A_244 = tpu.vector_load %arg22[%get3A_242, %get3A_243] {strides = array<i32>} : memref<64x128xf32, #tpu.memory_space<vmem>>, vector<16xf32>,
        %mul3A_245 = vector.broadcast %squeeze3A : f32 to vector<16xf32>
        %mul3A_246 = arith.mulf %get3A_244, %mul3A_245 : vector<16xf32>
        %swap3A_247 = arith.index_cast %add3A_185 : i32 to index
        %swap3A_248 = arith.constant 112 : index
        %swap3A_249 = tpu.vector_load %arg22[%swap3A_247, %swap3A_248] {strides = array<i32>} : memref<64x128xf32, #tpu.memory_space<vmem>>, vector<16xf32>,
        tpu.vector_store %arg22[%swap3A_247, %swap3A_248], %mul3A_246 {strides = array<i32>} : memref<64x128xf32, #tpu.memory_space<vmem>>, vector<16xf32>,
        %slice3A_250 = vector.extract_strided_slice %get3A_181 {offsets = [1], sizes = [1], strides = [1]} : vector<16xf32> to vector<1xf32>
        %squeeze3A_251 = vector.extract %slice3A_250[0] : f32 from vector<1xf32>
        %mul3A_252 = arith.constant 16 : i32
        %mul3A_253 = arith.muli %scan3A_177, %mul3A_252 : i32
        %add3A_254 = arith.constant 1 : i32
        %add3A_255 = arith.addi %mul3A_253, %add3A_254 : i32
        %get3A_256 = arith.index_cast %add3A_255 : i32 to index
        %get3A_257 = arith.constant 0 : index
        %get3A_258 = tpu.vector_load %arg22[%get3A_256, %get3A_257] {strides = array<i32>} : memref<64x128xf32, #tpu.memory_space<vmem>>, vector<16xf32>,
        %mul3A_259 = vector.broadcast %squeeze3A_251 : f32 to vector<16xf32>
        %mul3A_260 = arith.mulf %get3A_258, %mul3A_259 : vector<16xf32>
        %swap3A_261 = arith.index_cast %add3A_255 : i32 to index
        %swap3A_262 = arith.constant 0 : index
        %swap3A_263 = tpu.vector_load %arg22[%swap3A_261, %swap3A_262] {strides = array<i32>} : memref<64x128xf32, #tpu.memory_space<vmem>>, vector<16xf32>,
        tpu.vector_store %arg22[%swap3A_261, %swap3A_262], %mul3A_260 {strides = array<i32>} : memref<64x128xf32, #tpu.memory_space<vmem>>, vector<16xf32>,
        %get3A_264 = arith.index_cast %add3A_255 : i32 to index
        %get3A_265 = arith.constant 16 : index
        %get3A_266 = tpu.vector_load %arg22[%get3A_264, %get3A_265] {strides = array<i32>} : memref<64x128xf32, #tpu.memory_space<vmem>>, vector<16xf32>,
        %mul3A_267 = vector.broadcast %squeeze3A_251 : f32 to vector<16xf32>
        %mul3A_268 = arith.mulf %get3A_266, %mul3A_267 : vector<16xf32>
        %swap3A_269 = arith.index_cast %add3A_255 : i32 to index
        %swap3A_270 = arith.constant 16 : index
        %swap3A_271 = tpu.vector_load %arg22[%swap3A_269, %swap3A_270] {strides = array<i32>} : memref<64x128xf32, #tpu.memory_space<vmem>>, vector<16xf32>,
        tpu.vector_store %arg22[%swap3A_269, %swap3A_270], %mul3A_268 {strides = array<i32>} : memref<64x128xf32, #tpu.memory_space<vmem>>, vector<16xf32>,
        %get3A_272 = arith.index_cast %add3A_255 : i32 to index
        %get3A_273 = arith.constant 32 : index
        %get3A_274 = tpu.vector_load %arg22[%get3A_272, %get3A_273] {strides = array<i32>} : memref<64x128xf32, #tpu.memory_space<vmem>>, vector<16xf32>,
        %mul3A_275 = vector.broadcast %squeeze3A_251 : f32 to vector<16xf32>
        %mul3A_276 = arith.mulf %get3A_274, %mul3A_275 : vector<16xf32>
        %swap3A_277 = arith.index_cast %add3A_255 : i32 to index
        %swap3A_278 = arith.constant 32 : index
        %swap3A_279 = tpu.vector_load %arg22[%swap3A_277, %swap3A_278] {strides = array<i32>} : memref<64x128xf32, #tpu.memory_space<vmem>>, vector<16xf32>,
        tpu.vector_store %arg22[%swap3A_277, %swap3A_278], %mul3A_276 {strides = array<i32>} : memref<64x128xf32, #tpu.memory_space<vmem>>, vector<16xf32>,
        %get3A_280 = arith.index_cast %add3A_255 : i32 to index
        %get3A_281 = arith.constant 48 : index
        %get3A_282 = tpu.vector_load %arg22[%get3A_280, %get3A_281] {strides = array<i32>} : memref<64x128xf32, #tpu.memory_space<vmem>>, vector<16xf32>,
        %mul3A_283 = vector.broadcast %squeeze3A_251 : f32 to vector<16xf32>
        %mul3A_284 = arith.mulf %get3A_282, %mul3A_283 : vector<16xf32>
        %swap3A_285 = arith.index_cast %add3A_255 : i32 to index
        %swap3A_286 = arith.constant 48 : index
        %swap3A_287 = tpu.vector_load %arg22[%swap3A_285, %swap3A_286] {strides = array<i32>} : memref<64x128xf32, #tpu.memory_space<vmem>>, vector<16xf32>,
        tpu.vector_store %arg22[%swap3A_285, %swap3A_286], %mul3A_284 {strides = array<i32>} : memref<64x128xf32, #tpu.memory_space<vmem>>, vector<16xf32>,
        %get3A_288 = arith.index_cast %add3A_255 : i32 to index
        %get3A_289 = arith.constant 64 : index
        %get3A_290 = tpu.vector_load %arg22[%get3A_288, %get3A_289] {strides = array<i32>} : memref<64x128xf32, #tpu.memory_space<vmem>>, vector<16xf32>,
        %mul3A_291 = vector.broadcast %squeeze3A_251 : f32 to vector<16xf32>
        %mul3A_292 = arith.mulf %get3A_290, %mul3A_291 : vector<16xf32>
        %swap3A_293 = arith.index_cast %add3A_255 : i32 to index
        %swap3A_294 = arith.constant 64 : index
        %swap3A_295 = tpu.vector_load %arg22[%swap3A_293, %swap3A_294] {strides = array<i32>} : memref<64x128xf32, #tpu.memory_space<vmem>>, vector<16xf32>,
        tpu.vector_store %arg22[%swap3A_293, %swap3A_294], %mul3A_292 {strides = array<i32>} : memref<64x128xf32, #tpu.memory_space<vmem>>, vector<16xf32>,
        %get3A_296 = arith.index_cast %add3A_255 : i32 to index
        %get3A_297 = arith.constant 80 : index
        %get3A_298 = tpu.vector_load %arg22[%get3A_296, %get3A_297] {strides = array<i32>} : memref<64x128xf32, #tpu.memory_space<vmem>>, vector<16xf32>,
        %mul3A_299 = vector.broadcast %squeeze3A_251 : f32 to vector<16xf32>
        %mul3A_300 = arith.mulf %get3A_298, %mul3A_299 : vector<16xf32>
        %swap3A_301 = arith.index_cast %add3A_255 : i32 to index
        %swap3A_302 = arith.constant 80 : index
        %swap3A_303 = tpu.vector_load %arg22[%swap3A_301, %swap3A_302] {strides = array<i32>} : memref<64x128xf32, #tpu.memory_space<vmem>>, vector<16xf32>,
        tpu.vector_store %arg22[%swap3A_301, %swap3A_302], %mul3A_300 {strides = array<i32>} : memref<64x128xf32, #tpu.memory_space<vmem>>, vector<16xf32>,
        %get3A_304 = arith.index_cast %add3A_255 : i32 to index
        %get3A_305 = arith.constant 96 : index
        %get3A_306 = tpu.vector_load %arg22[%get3A_304, %get3A_305] {strides = array<i32>} : memref<64x128xf32, #tpu.memory_space<vmem>>, vector<16xf32>,
        %mul3A_307 = vector.broadcast %squeeze3A_251 : f32 to vector<16xf32>
        %mul3A_308 = arith.mulf %get3A_306, %mul3A_307 : vector<16xf32>
        %swap3A_309 = arith.index_cast %add3A_255 : i32 to index
        %swap3A_310 = arith.constant 96 : index
        %swap3A_311 = tpu.vector_load %arg22[%swap3A_309, %swap3A_310] {strides = array<i32>} : memref<64x128xf32, #tpu.memory_space<vmem>>, vector<16xf32>,
        tpu.vector_store %arg22[%swap3A_309, %swap3A_310], %mul3A_308 {strides = array<i32>} : memref<64x128xf32, #tpu.memory_space<vmem>>, vector<16xf32>,
        %get3A_312 = arith.index_cast %add3A_255 : i32 to index
        %get3A_313 = arith.constant 112 : index
        %get3A_314 = tpu.vector_load %arg22[%get3A_312, %get3A_313] {strides = array<i32>} : memref<64x128xf32, #tpu.memory_space<vmem>>, vector<16xf32>,
        %mul3A_315 = vector.broadcast %squeeze3A_251 : f32 to vector<16xf32>
        %mul3A_316 = arith.mulf %get3A_314, %mul3A_315 : vector<16xf32>
        %swap3A_317 = arith.index_cast %add3A_255 : i32 to index
        %swap3A_318 = arith.constant 112 : index
        %swap3A_319 = tpu.vector_load %arg22[%swap3A_317, %swap3A_318] {strides = array<i32>} : memref<64x128xf32, #tpu.memory_space<vmem>>, vector<16xf32>,
        tpu.vector_store %arg22[%swap3A_317, %swap3A_318], %mul3A_316 {strides = array<i32>} : memref<64x128xf32, #tpu.memory_space<vmem>>, vector<16xf32>,
        %slice3A_320 = vector.extract_strided_slice %get3A_181 {offsets = [2], sizes = [1], strides = [1]} : vector<16xf32> to vector<1xf32>
        %squeeze3A_321 = vector.extract %slice3A_320[0] : f32 from vector<1xf32>
        %mul3A_322 = arith.constant 16 : i32
        %mul3A_323 = arith.muli %scan3A_177, %mul3A_322 : i32
        %add3A_324 = arith.constant 2 : i32
        %add3A_325 = arith.addi %mul3A_323, %add3A_324 : i32
        %get3A_326 = arith.index_cast %add3A_325 : i32 to index
        %get3A_327 = arith.constant 0 : index
        %get3A_328 = tpu.vector_load %arg22[%get3A_326, %get3A_327] {strides = array<i32>} : memref<64x128xf32, #tpu.memory_space<vmem>>, vector<16xf32>,
        %mul3A_329 = vector.broadcast %squeeze3A_321 : f32 to vector<16xf32>
        %mul3A_330 = arith.mulf %get3A_328, %mul3A_329 : vector<16xf32>
        %swap3A_331 = arith.index_cast %add3A_325 : i32 to index
        %swap3A_332 = arith.constant 0 : index
        %swap3A_333 = tpu.vector_load %arg22[%swap3A_331, %swap3A_332] {strides = array<i32>} : memref<64x128xf32, #tpu.memory_space<vmem>>, vector<16xf32>,
        tpu.vector_store %arg22[%swap3A_331, %swap3A_332], %mul3A_330 {strides = array<i32>} : memref<64x128xf32, #tpu.memory_space<vmem>>, vector<16xf32>,
        %get3A_334 = arith.index_cast %add3A_325 : i32 to index
        %get3A_335 = arith.constant 16 : index
        %get3A_336 = tpu.vector_load %arg22[%get3A_334, %get3A_335] {strides = array<i32>} : memref<64x128xf32, #tpu.memory_space<vmem>>, vector<16xf32>,
        %mul3A_337 = vector.broadcast %squeeze3A_321 : f32 to vector<16xf32>
        %mul3A_338 = arith.mulf %get3A_336, %mul3A_337 : vector<16xf32>
        %swap3A_339 = arith.index_cast %add3A_325 : i32 to index
        %swap3A_340 = arith.constant 16 : index
        %swap3A_341 = tpu.vector_load %arg22[%swap3A_339, %swap3A_340] {strides = array<i32>} : memref<64x128xf32, #tpu.memory_space<vmem>>, vector<16xf32>,
        tpu.vector_store %arg22[%swap3A_339, %swap3A_340], %mul3A_338 {strides = array<i32>} : memref<64x128xf32, #tpu.memory_space<vmem>>, vector<16xf32>,
        %get3A_342 = arith.index_cast %add3A_325 : i32 to index
        %get3A_343 = arith.constant 32 : index
        %get3A_344 = tpu.vector_load %arg22[%get3A_342, %get3A_343] {strides = array<i32>} : memref<64x128xf32, #tpu.memory_space<vmem>>, vector<16xf32>,
        %mul3A_345 = vector.broadcast %squeeze3A_321 : f32 to vector<16xf32>
        %mul3A_346 = arith.mulf %get3A_344, %mul3A_345 : vector<16xf32>
        %swap3A_347 = arith.index_cast %add3A_325 : i32 to index
        %swap3A_348 = arith.constant 32 : index
        %swap3A_349 = tpu.vector_load %arg22[%swap3A_347, %swap3A_348] {strides = array<i32>} : memref<64x128xf32, #tpu.memory_space<vmem>>, vector<16xf32>,
        tpu.vector_store %arg22[%swap3A_347, %swap3A_348], %mul3A_346 {strides = array<i32>} : memref<64x128xf32, #tpu.memory_space<vmem>>, vector<16xf32>,
        %get3A_350 = arith.index_cast %add3A_325 : i32 to index
        %get3A_351 = arith.constant 48 : index
        %get3A_352 = tpu.vector_load %arg22[%get3A_350, %get3A_351] {strides = array<i32>} : memref<64x128xf32, #tpu.memory_space<vmem>>, vector<16xf32>,
        %mul3A_353 = vector.broadcast %squeeze3A_321 : f32 to vector<16xf32>
        %mul3A_354 = arith.mulf %get3A_352, %mul3A_353 : vector<16xf32>
        %swap3A_355 = arith.index_cast %add3A_325 : i32 to index
        %swap3A_356 = arith.constant 48 : index
        %swap3A_357 = tpu.vector_load %arg22[%swap3A_355, %swap3A_356] {strides = array<i32>} : memref<64x128xf32, #tpu.memory_space<vmem>>, vector<16xf32>,
        tpu.vector_store %arg22[%swap3A_355, %swap3A_356], %mul3A_354 {strides = array<i32>} : memref<64x128xf32, #tpu.memory_space<vmem>>, vector<16xf32>,
        %get3A_358 = arith.index_cast %add3A_325 : i32 to index
        %get3A_359 = arith.constant 64 : index
        %get3A_360 = tpu.vector_load %arg22[%get3A_358, %get3A_359] {strides = array<i32>} : memref<64x128xf32, #tpu.memory_space<vmem>>, vector<16xf32>,
        %mul3A_361 = vector.broadcast %squeeze3A_321 : f32 to vector<16xf32>
        %mul3A_362 = arith.mulf %get3A_360, %mul3A_361 : vector<16xf32>
        %swap3A_363 = arith.index_cast %add3A_325 : i32 to index
        %swap3A_364 = arith.constant 64 : index
        %swap3A_365 = tpu.vector_load %arg22[%swap3A_363, %swap3A_364] {strides = array<i32>} : memref<64x128xf32, #tpu.memory_space<vmem>>, vector<16xf32>,
        tpu.vector_store %arg22[%swap3A_363, %swap3A_364], %mul3A_362 {strides = array<i32>} : memref<64x128xf32, #tpu.memory_space<vmem>>, vector<16xf32>,
        %get3A_366 = arith.index_cast %add3A_325 : i32 to index
        %get3A_367 = arith.constant 80 : index
        %get3A_368 = tpu.vector_load %arg22[%get3A_366, %get3A_367] {strides = array<i32>} : memref<64x128xf32, #tpu.memory_space<vmem>>, vector<16xf32>,
        %mul3A_369 = vector.broadcast %squeeze3A_321 : f32 to vector<16xf32>
        %mul3A_370 = arith.mulf %get3A_368, %mul3A_369 : vector<16xf32>
        %swap3A_371 = arith.index_cast %add3A_325 : i32 to index
        %swap3A_372 = arith.constant 80 : index
        %swap3A_373 = tpu.vector_load %arg22[%swap3A_371, %swap3A_372] {strides = array<i32>} : memref<64x128xf32, #tpu.memory_space<vmem>>, vector<16xf32>,
        tpu.vector_store %arg22[%swap3A_371, %swap3A_372], %mul3A_370 {strides = array<i32>} : memref<64x128xf32, #tpu.memory_space<vmem>>, vector<16xf32>,
        %get3A_374 = arith.index_cast %add3A_325 : i32 to index
        %get3A_375 = arith.constant 96 : index
        %get3A_376 = tpu.vector_load %arg22[%get3A_374, %get3A_375] {strides = array<i32>} : memref<64x128xf32, #tpu.memory_space<vmem>>, vector<16xf32>,
        %mul3A_377 = vector.broadcast %squeeze3A_321 : f32 to vector<16xf32>
        %mul3A_378 = arith.mulf %get3A_376, %mul3A_377 : vector<16xf32>
        %swap3A_379 = arith.index_cast %add3A_325 : i32 to index
        %swap3A_380 = arith.constant 96 : index
        %swap3A_381 = tpu.vector_load %arg22[%swap3A_379, %swap3A_380] {strides = array<i32>} : memref<64x128xf32, #tpu.memory_space<vmem>>, vector<16xf32>,
        tpu.vector_store %arg22[%swap3A_379, %swap3A_380], %mul3A_378 {strides = array<i32>} : memref<64x128xf32, #tpu.memory_space<vmem>>, vector<16xf32>,
        %get3A_382 = arith.index_cast %add3A_325 : i32 to index
        %get3A_383 = arith.constant 112 : index
        %get3A_384 = tpu.vector_load %arg22[%get3A_382, %get3A_383] {strides = array<i32>} : memref<64x128xf32, #tpu.memory_space<vmem>>, vector<16xf32>,
        %mul3A_385 = vector.broadcast %squeeze3A_321 : f32 to vector<16xf32>
        %mul3A_386 = arith.mulf %get3A_384, %mul3A_385 : vector<16xf32>
        %swap3A_387 = arith.index_cast %add3A_325 : i32 to index
        %swap3A_388 = arith.constant 112 : index
        %swap3A_389 = tpu.vector_load %arg22[%swap3A_387, %swap3A_388] {strides = array<i32>} : memref<64x128xf32, #tpu.memory_space<vmem>>, vector<16xf32>,
        tpu.vector_store %arg22[%swap3A_387, %swap3A_388], %mul3A_386 {strides = array<i32>} : memref<64x128xf32, #tpu.memory_space<vmem>>, vector<16xf32>,
        %slice3A_390 = vector.extract_strided_slice %get3A_181 {offsets = [3], sizes = [1], strides = [1]} : vector<16xf32> to vector<1xf32>
        %squeeze3A_391 = vector.extract %slice3A_390[0] : f32 from vector<1xf32>
        %mul3A_392 = arith.constant 16 : i32
        %mul3A_393 = arith.muli %scan3A_177, %mul3A_392 : i32
        %add3A_394 = arith.constant 3 : i32
        %add3A_395 = arith.addi %mul3A_393, %add3A_394 : i32
        %get3A_396 = arith.index_cast %add3A_395 : i32 to index
        %get3A_397 = arith.constant 0 : index
        %get3A_398 = tpu.vector_load %arg22[%get3A_396, %get3A_397] {strides = array<i32>} : memref<64x128xf32, #tpu.memory_space<vmem>>, vector<16xf32>,
        %mul3A_399 = vector.broadcast %squeeze3A_391 : f32 to vector<16xf32>
        %mul3A_400 = arith.mulf %get3A_398, %mul3A_399 : vector<16xf32>
        %swap3A_401 = arith.index_cast %add3A_395 : i32 to index
        %swap3A_402 = arith.constant 0 : index
        %swap3A_403 = tpu.vector_load %arg22[%swap3A_401, %swap3A_402] {strides = array<i32>} : memref<64x128xf32, #tpu.memory_space<vmem>>, vector<16xf32>,
        tpu.vector_store %arg22[%swap3A_401, %swap3A_402], %mul3A_400 {strides = array<i32>} : memref<64x128xf32, #tpu.memory_space<vmem>>, vector<16xf32>,
        %get3A_404 = arith.index_cast %add3A_395 : i32 to index
        %get3A_405 = arith.constant 16 : index
        %get3A_406 = tpu.vector_load %arg22[%get3A_404, %get3A_405] {strides = array<i32>} : memref<64x128xf32, #tpu.memory_space<vmem>>, vector<16xf32>,
        %mul3A_407 = vector.broadcast %squeeze3A_391 : f32 to vector<16xf32>
        %mul3A_408 = arith.mulf %get3A_406, %mul3A_407 : vector<16xf32>
        %swap3A_409 = arith.index_cast %add3A_395 : i32 to index
        %swap3A_410 = arith.constant 16 : index
        %swap3A_411 = tpu.vector_load %arg22[%swap3A_409, %swap3A_410] {strides = array<i32>} : memref<64x128xf32, #tpu.memory_space<vmem>>, vector<16xf32>,
        tpu.vector_store %arg22[%swap3A_409, %swap3A_410], %mul3A_408 {strides = array<i32>} : memref<64x128xf32, #tpu.memory_space<vmem>>, vector<16xf32>,
        %get3A_412 = arith.index_cast %add3A_395 : i32 to index
        %get3A_413 = arith.constant 32 : index
        %get3A_414 = tpu.vector_load %arg22[%get3A_412, %get3A_413] {strides = array<i32>} : memref<64x128xf32, #tpu.memory_space<vmem>>, vector<16xf32>,
        %mul3A_415 = vector.broadcast %squeeze3A_391 : f32 to vector<16xf32>
        %mul3A_416 = arith.mulf %get3A_414, %mul3A_415 : vector<16xf32>
        %swap3A_417 = arith.index_cast %add3A_395 : i32 to index
        %swap3A_418 = arith.constant 32 : index
        %swap3A_419 = tpu.vector_load %arg22[%swap3A_417, %swap3A_418] {strides = array<i32>} : memref<64x128xf32, #tpu.memory_space<vmem>>, vector<16xf32>,
        tpu.vector_store %arg22[%swap3A_417, %swap3A_418], %mul3A_416 {strides = array<i32>} : memref<64x128xf32, #tpu.memory_space<vmem>>, vector<16xf32>,
        %get3A_420 = arith.index_cast %add3A_395 : i32 to index
        %get3A_421 = arith.constant 48 : index
        %get3A_422 = tpu.vector_load %arg22[%get3A_420, %get3A_421] {strides = array<i32>} : memref<64x128xf32, #tpu.memory_space<vmem>>, vector<16xf32>,
        %mul3A_423 = vector.broadcast %squeeze3A_391 : f32 to vector<16xf32>
        %mul3A_424 = arith.mulf %get3A_422, %mul3A_423 : vector<16xf32>
        %swap3A_425 = arith.index_cast %add3A_395 : i32 to index
        %swap3A_426 = arith.constant 48 : index
        %swap3A_427 = tpu.vector_load %arg22[%swap3A_425, %swap3A_426] {strides = array<i32>} : memref<64x128xf32, #tpu.memory_space<vmem>>, vector<16xf32>,
        tpu.vector_store %arg22[%swap3A_425, %swap3A_426], %mul3A_424 {strides = array<i32>} : memref<64x128xf32, #tpu.memory_space<vmem>>, vector<16xf32>,
        %get3A_428 = arith.index_cast %add3A_395 : i32 to index
        %get3A_429 = arith.constant 64 : index
        %get3A_430 = tpu.vector_load %arg22[%get3A_428, %get3A_429] {strides = array<i32>} : memref<64x128xf32, #tpu.memory_space<vmem>>, vector<16xf32>,
        %mul3A_431 = vector.broadcast %squeeze3A_391 : f32 to vector<16xf32>
        %mul3A_432 = arith.mulf %get3A_430, %mul3A_431 : vector<16xf32>
        %swap3A_433 = arith.index_cast %add3A_395 : i32 to index
        %swap3A_434 = arith.constant 64 : index
        %swap3A_435 = tpu.vector_load %arg22[%swap3A_433, %swap3A_434] {strides = array<i32>} : memref<64x128xf32, #tpu.memory_space<vmem>>, vector<16xf32>,
        tpu.vector_store %arg22[%swap3A_433, %swap3A_434], %mul3A_432 {strides = array<i32>} : memref<64x128xf32, #tpu.memory_space<vmem>>, vector<16xf32>,
        %get3A_436 = arith.index_cast %add3A_395 : i32 to index
        %get3A_437 = arith.constant 80 : index
        %get3A_438 = tpu.vector_load %arg22[%get3A_436, %get3A_437] {strides = array<i32>} : memref<64x128xf32, #tpu.memory_space<vmem>>, vector<16xf32>,
        %mul3A_439 = vector.broadcast %squeeze3A_391 : f32 to vector<16xf32>
        %mul3A_440 = arith.mulf %get3A_438, %mul3A_439 : vector<16xf32>
        %swap3A_441 = arith.index_cast %add3A_395 : i32 to index
        %swap3A_442 = arith.constant 80 : index
        %swap3A_443 = tpu.vector_load %arg22[%swap3A_441, %swap3A_442] {strides = array<i32>} : memref<64x128xf32, #tpu.memory_space<vmem>>, vector<16xf32>,
        tpu.vector_store %arg22[%swap3A_441, %swap3A_442], %mul3A_440 {strides = array<i32>} : memref<64x128xf32, #tpu.memory_space<vmem>>, vector<16xf32>,
        %get3A_444 = arith.index_cast %add3A_395 : i32 to index
        %get3A_445 = arith.constant 96 : index
        %get3A_446 = tpu.vector_load %arg22[%get3A_444, %get3A_445] {strides = array<i32>} : memref<64x128xf32, #tpu.memory_space<vmem>>, vector<16xf32>,
        %mul3A_447 = vector.broadcast %squeeze3A_391 : f32 to vector<16xf32>
        %mul3A_448 = arith.mulf %get3A_446, %mul3A_447 : vector<16xf32>
        %swap3A_449 = arith.index_cast %add3A_395 : i32 to index
        %swap3A_450 = arith.constant 96 : index
        %swap3A_451 = tpu.vector_load %arg22[%swap3A_449, %swap3A_450] {strides = array<i32>} : memref<64x128xf32, #tpu.memory_space<vmem>>, vector<16xf32>,
        tpu.vector_store %arg22[%swap3A_449, %swap3A_450], %mul3A_448 {strides = array<i32>} : memref<64x128xf32, #tpu.memory_space<vmem>>, vector<16xf32>,
        %get3A_452 = arith.index_cast %add3A_395 : i32 to index
        %get3A_453 = arith.constant 112 : index
        %get3A_454 = tpu.vector_load %arg22[%get3A_452, %get3A_453] {strides = array<i32>} : memref<64x128xf32, #tpu.memory_space<vmem>>, vector<16xf32>,
        %mul3A_455 = vector.broadcast %squeeze3A_391 : f32 to vector<16xf32>
        %mul3A_456 = arith.mulf %get3A_454, %mul3A_455 : vector<16xf32>
        %swap3A_457 = arith.index_cast %add3A_395 : i32 to index
        %swap3A_458 = arith.constant 112 : index
        %swap3A_459 = tpu.vector_load %arg22[%swap3A_457, %swap3A_458] {strides = array<i32>} : memref<64x128xf32, #tpu.memory_space<vmem>>, vector<16xf32>,
        tpu.vector_store %arg22[%swap3A_457, %swap3A_458], %mul3A_456 {strides = array<i32>} : memref<64x128xf32, #tpu.memory_space<vmem>>, vector<16xf32>,
        %slice3A_460 = vector.extract_strided_slice %get3A_181 {offsets = [4], sizes = [1], strides = [1]} : vector<16xf32> to vector<1xf32>
        %squeeze3A_461 = vector.extract %slice3A_460[0] : f32 from vector<1xf32>
        %mul3A_462 = arith.constant 16 : i32
        %mul3A_463 = arith.muli %scan3A_177, %mul3A_462 : i32
        %add3A_464 = arith.constant 4 : i32
        %add3A_465 = arith.addi %mul3A_463, %add3A_464 : i32
        %get3A_466 = arith.index_cast %add3A_465 : i32 to index
        %get3A_467 = arith.constant 0 : index
        %get3A_468 = tpu.vector_load %arg22[%get3A_466, %get3A_467] {strides = array<i32>} : memref<64x128xf32, #tpu.memory_space<vmem>>, vector<16xf32>,
        %mul3A_469 = vector.broadcast %squeeze3A_461 : f32 to vector<16xf32>
        %mul3A_470 = arith.mulf %get3A_468, %mul3A_469 : vector<16xf32>
        %swap3A_471 = arith.index_cast %add3A_465 : i32 to index
        %swap3A_472 = arith.constant 0 : index
        %swap3A_473 = tpu.vector_load %arg22[%swap3A_471, %swap3A_472] {strides = array<i32>} : memref<64x128xf32, #tpu.memory_space<vmem>>, vector<16xf32>,
        tpu.vector_store %arg22[%swap3A_471, %swap3A_472], %mul3A_470 {strides = array<i32>} : memref<64x128xf32, #tpu.memory_space<vmem>>, vector<16xf32>,
        %get3A_474 = arith.index_cast %add3A_465 : i32 to index
        %get3A_475 = arith.constant 16 : index
        %get3A_476 = tpu.vector_load %arg22[%get3A_474, %get3A_475] {strides = array<i32>} : memref<64x128xf32, #tpu.memory_space<vmem>>, vector<16xf32>,
        %mul3A_477 = vector.broadcast %squeeze3A_461 : f32 to vector<16xf32>
        %mul3A_478 = arith.mulf %get3A_476, %mul3A_477 : vector<16xf32>
        %swap3A_479 = arith.index_cast %add3A_465 : i32 to index
        %swap3A_480 = arith.constant 16 : index
        %swap3A_481 = tpu.vector_load %arg22[%swap3A_479, %swap3A_480] {strides = array<i32>} : memref<64x128xf32, #tpu.memory_space<vmem>>, vector<16xf32>,
        tpu.vector_store %arg22[%swap3A_479, %swap3A_480], %mul3A_478 {strides = array<i32>} : memref<64x128xf32, #tpu.memory_space<vmem>>, vector<16xf32>,
        %get3A_482 = arith.index_cast %add3A_465 : i32 to index
        %get3A_483 = arith.constant 32 : index
        %get3A_484 = tpu.vector_load %arg22[%get3A_482, %get3A_483] {strides = array<i32>} : memref<64x128xf32, #tpu.memory_space<vmem>>, vector<16xf32>,
        %mul3A_485 = vector.broadcast %squeeze3A_461 : f32 to vector<16xf32>
        %mul3A_486 = arith.mulf %get3A_484, %mul3A_485 : vector<16xf32>
        %swap3A_487 = arith.index_cast %add3A_465 : i32 to index
        %swap3A_488 = arith.constant 32 : index
        %swap3A_489 = tpu.vector_load %arg22[%swap3A_487, %swap3A_488] {strides = array<i32>} : memref<64x128xf32, #tpu.memory_space<vmem>>, vector<16xf32>,
        tpu.vector_store %arg22[%swap3A_487, %swap3A_488], %mul3A_486 {strides = array<i32>} : memref<64x128xf32, #tpu.memory_space<vmem>>, vector<16xf32>,
        %get3A_490 = arith.index_cast %add3A_465 : i32 to index
        %get3A_491 = arith.constant 48 : index
        %get3A_492 = tpu.vector_load %arg22[%get3A_490, %get3A_491] {strides = array<i32>} : memref<64x128xf32, #tpu.memory_space<vmem>>, vector<16xf32>,
        %mul3A_493 = vector.broadcast %squeeze3A_461 : f32 to vector<16xf32>
        %mul3A_494 = arith.mulf %get3A_492, %mul3A_493 : vector<16xf32>
        %swap3A_495 = arith.index_cast %add3A_465 : i32 to index
        %swap3A_496 = arith.constant 48 : index
        %swap3A_497 = tpu.vector_load %arg22[%swap3A_495, %swap3A_496] {strides = array<i32>} : memref<64x128xf32, #tpu.memory_space<vmem>>, vector<16xf32>,
        tpu.vector_store %arg22[%swap3A_495, %swap3A_496], %mul3A_494 {strides = array<i32>} : memref<64x128xf32, #tpu.memory_space<vmem>>, vector<16xf32>,
        %get3A_498 = arith.index_cast %add3A_465 : i32 to index
        %get3A_499 = arith.constant 64 : index
        %get3A_500 = tpu.vector_load %arg22[%get3A_498, %get3A_499] {strides = array<i32>} : memref<64x128xf32, #tpu.memory_space<vmem>>, vector<16xf32>,
        %mul3A_501 = vector.broadcast %squeeze3A_461 : f32 to vector<16xf32>
        %mul3A_502 = arith.mulf %get3A_500, %mul3A_501 : vector<16xf32>
        %swap3A_503 = arith.index_cast %add3A_465 : i32 to index
        %swap3A_504 = arith.constant 64 : index
        %swap3A_505 = tpu.vector_load %arg22[%swap3A_503, %swap3A_504] {strides = array<i32>} : memref<64x128xf32, #tpu.memory_space<vmem>>, vector<16xf32>,
        tpu.vector_store %arg22[%swap3A_503, %swap3A_504], %mul3A_502 {strides = array<i32>} : memref<64x128xf32, #tpu.memory_space<vmem>>, vector<16xf32>,
        %get3A_506 = arith.index_cast %add3A_465 : i32 to index
        %get3A_507 = arith.constant 80 : index
        %get3A_508 = tpu.vector_load %arg22[%get3A_506, %get3A_507] {strides = array<i32>} : memref<64x128xf32, #tpu.memory_space<vmem>>, vector<16xf32>,
        %mul3A_509 = vector.broadcast %squeeze3A_461 : f32 to vector<16xf32>
        %mul3A_510 = arith.mulf %get3A_508, %mul3A_509 : vector<16xf32>
        %swap3A_511 = arith.index_cast %add3A_465 : i32 to index
        %swap3A_512 = arith.constant 80 : index
        %swap3A_513 = tpu.vector_load %arg22[%swap3A_511, %swap3A_512] {strides = array<i32>} : memref<64x128xf32, #tpu.memory_space<vmem>>, vector<16xf32>,
        tpu.vector_store %arg22[%swap3A_511, %swap3A_512], %mul3A_510 {strides = array<i32>} : memref<64x128xf32, #tpu.memory_space<vmem>>, vector<16xf32>,
        %get3A_514 = arith.index_cast %add3A_465 : i32 to index
        %get3A_515 = arith.constant 96 : index
        %get3A_516 = tpu.vector_load %arg22[%get3A_514, %get3A_515] {strides = array<i32>} : memref<64x128xf32, #tpu.memory_space<vmem>>, vector<16xf32>,
        %mul3A_517 = vector.broadcast %squeeze3A_461 : f32 to vector<16xf32>
        %mul3A_518 = arith.mulf %get3A_516, %mul3A_517 : vector<16xf32>
        %swap3A_519 = arith.index_cast %add3A_465 : i32 to index
        %swap3A_520 = arith.constant 96 : index
        %swap3A_521 = tpu.vector_load %arg22[%swap3A_519, %swap3A_520] {strides = array<i32>} : memref<64x128xf32, #tpu.memory_space<vmem>>, vector<16xf32>,
        tpu.vector_store %arg22[%swap3A_519, %swap3A_520], %mul3A_518 {strides = array<i32>} : memref<64x128xf32, #tpu.memory_space<vmem>>, vector<16xf32>,
        %get3A_522 = arith.index_cast %add3A_465 : i32 to index
        %get3A_523 = arith.constant 112 : index
        %get3A_524 = tpu.vector_load %arg22[%get3A_522, %get3A_523] {strides = array<i32>} : memref<64x128xf32, #tpu.memory_space<vmem>>, vector<16xf32>,
        %mul3A_525 = vector.broadcast %squeeze3A_461 : f32 to vector<16xf32>
        %mul3A_526 = arith.mulf %get3A_524, %mul3A_525 : vector<16xf32>
        %swap3A_527 = arith.index_cast %add3A_465 : i32 to index
        %swap3A_528 = arith.constant 112 : index
        %swap3A_529 = tpu.vector_load %arg22[%swap3A_527, %swap3A_528] {strides = array<i32>} : memref<64x128xf32, #tpu.memory_space<vmem>>, vector<16xf32>,
        tpu.vector_store %arg22[%swap3A_527, %swap3A_528], %mul3A_526 {strides = array<i32>} : memref<64x128xf32, #tpu.memory_space<vmem>>, vector<16xf32>,
        %slice3A_530 = vector.extract_strided_slice %get3A_181 {offsets = [5], sizes = [1], strides = [1]} : vector<16xf32> to vector<1xf32>
        %squeeze3A_531 = vector.extract %slice3A_530[0] : f32 from vector<1xf32>
        %mul3A_532 = arith.constant 16 : i32
        %mul3A_533 = arith.muli %scan3A_177, %mul3A_532 : i32
        %add3A_534 = arith.constant 5 : i32
        %add3A_535 = arith.addi %mul3A_533, %add3A_534 : i32
        %get3A_536 = arith.index_cast %add3A_535 : i32 to index
        %get3A_537 = arith.constant 0 : index
        %get3A_538 = tpu.vector_load %arg22[%get3A_536, %get3A_537] {strides = array<i32>} : memref<64x128xf32, #tpu.memory_space<vmem>>, vector<16xf32>,
        %mul3A_539 = vector.broadcast %squeeze3A_531 : f32 to vector<16xf32>
        %mul3A_540 = arith.mulf %get3A_538, %mul3A_539 : vector<16xf32>
        %swap3A_541 = arith.index_cast %add3A_535 : i32 to index
        %swap3A_542 = arith.constant 0 : index
        %swap3A_543 = tpu.vector_load %arg22[%swap3A_541, %swap3A_542] {strides = array<i32>} : memref<64x128xf32, #tpu.memory_space<vmem>>, vector<16xf32>,
        tpu.vector_store %arg22[%swap3A_541, %swap3A_542], %mul3A_540 {strides = array<i32>} : memref<64x128xf32, #tpu.memory_space<vmem>>, vector<16xf32>,
        %get3A_544 = arith.index_cast %add3A_535 : i32 to index
        %get3A_545 = arith.constant 16 : index
        %get3A_546 = tpu.vector_load %arg22[%get3A_544, %get3A_545] {strides = array<i32>} : memref<64x128xf32, #tpu.memory_space<vmem>>, vector<16xf32>,
        %mul3A_547 = vector.broadcast %squeeze3A_531 : f32 to vector<16xf32>
        %mul3A_548 = arith.mulf %get3A_546, %mul3A_547 : vector<16xf32>
        %swap3A_549 = arith.index_cast %add3A_535 : i32 to index
        %swap3A_550 = arith.constant 16 : index
        %swap3A_551 = tpu.vector_load %arg22[%swap3A_549, %swap3A_550] {strides = array<i32>} : memref<64x128xf32, #tpu.memory_space<vmem>>, vector<16xf32>,
        tpu.vector_store %arg22[%swap3A_549, %swap3A_550], %mul3A_548 {strides = array<i32>} : memref<64x128xf32, #tpu.memory_space<vmem>>, vector<16xf32>,
        %get3A_552 = arith.index_cast %add3A_535 : i32 to index
        %get3A_553 = arith.constant 32 : index
        %get3A_554 = tpu.vector_load %arg22[%get3A_552, %get3A_553] {strides = array<i32>} : memref<64x128xf32, #tpu.memory_space<vmem>>, vector<16xf32>,
        %mul3A_555 = vector.broadcast %squeeze3A_531 : f32 to vector<16xf32>
        %mul3A_556 = arith.mulf %get3A_554, %mul3A_555 : vector<16xf32>
        %swap3A_557 = arith.index_cast %add3A_535 : i32 to index
        %swap3A_558 = arith.constant 32 : index
        %swap3A_559 = tpu.vector_load %arg22[%swap3A_557, %swap3A_558] {strides = array<i32>} : memref<64x128xf32, #tpu.memory_space<vmem>>, vector<16xf32>,
        tpu.vector_store %arg22[%swap3A_557, %swap3A_558], %mul3A_556 {strides = array<i32>} : memref<64x128xf32, #tpu.memory_space<vmem>>, vector<16xf32>,
        %get3A_560 = arith.index_cast %add3A_535 : i32 to index
        %get3A_561 = arith.constant 48 : index
        %get3A_562 = tpu.vector_load %arg22[%get3A_560, %get3A_561] {strides = array<i32>} : memref<64x128xf32, #tpu.memory_space<vmem>>, vector<16xf32>,
        %mul3A_563 = vector.broadcast %squeeze3A_531 : f32 to vector<16xf32>
        %mul3A_564 = arith.mulf %get3A_562, %mul3A_563 : vector<16xf32>
        %swap3A_565 = arith.index_cast %add3A_535 : i32 to index
        %swap3A_566 = arith.constant 48 : index
        %swap3A_567 = tpu.vector_load %arg22[%swap3A_565, %swap3A_566] {strides = array<i32>} : memref<64x128xf32, #tpu.memory_space<vmem>>, vector<16xf32>,
        tpu.vector_store %arg22[%swap3A_565, %swap3A_566], %mul3A_564 {strides = array<i32>} : memref<64x128xf32, #tpu.memory_space<vmem>>, vector<16xf32>,
        %get3A_568 = arith.index_cast %add3A_535 : i32 to index
        %get3A_569 = arith.constant 64 : index
        %get3A_570 = tpu.vector_load %arg22[%get3A_568, %get3A_569] {strides = array<i32>} : memref<64x128xf32, #tpu.memory_space<vmem>>, vector<16xf32>,
        %mul3A_571 = vector.broadcast %squeeze3A_531 : f32 to vector<16xf32>
        %mul3A_572 = arith.mulf %get3A_570, %mul3A_571 : vector<16xf32>
        %swap3A_573 = arith.index_cast %add3A_535 : i32 to index
        %swap3A_574 = arith.constant 64 : index
        %swap3A_575 = tpu.vector_load %arg22[%swap3A_573, %swap3A_574] {strides = array<i32>} : memref<64x128xf32, #tpu.memory_space<vmem>>, vector<16xf32>,
        tpu.vector_store %arg22[%swap3A_573, %swap3A_574], %mul3A_572 {strides = array<i32>} : memref<64x128xf32, #tpu.memory_space<vmem>>, vector<16xf32>,
        %get3A_576 = arith.index_cast %add3A_535 : i32 to index
        %get3A_577 = arith.constant 80 : index
        %get3A_578 = tpu.vector_load %arg22[%get3A_576, %get3A_577] {strides = array<i32>} : memref<64x128xf32, #tpu.memory_space<vmem>>, vector<16xf32>,
        %mul3A_579 = vector.broadcast %squeeze3A_531 : f32 to vector<16xf32>
        %mul3A_580 = arith.mulf %get3A_578, %mul3A_579 : vector<16xf32>
        %swap3A_581 = arith.index_cast %add3A_535 : i32 to index
        %swap3A_582 = arith.constant 80 : index
        %swap3A_583 = tpu.vector_load %arg22[%swap3A_581, %swap3A_582] {strides = array<i32>} : memref<64x128xf32, #tpu.memory_space<vmem>>, vector<16xf32>,
        tpu.vector_store %arg22[%swap3A_581, %swap3A_582], %mul3A_580 {strides = array<i32>} : memref<64x128xf32, #tpu.memory_space<vmem>>, vector<16xf32>,
        %get3A_584 = arith.index_cast %add3A_535 : i32 to index
        %get3A_585 = arith.constant 96 : index
        %get3A_586 = tpu.vector_load %arg22[%get3A_584, %get3A_585] {strides = array<i32>} : memref<64x128xf32, #tpu.memory_space<vmem>>, vector<16xf32>,
        %mul3A_587 = vector.broadcast %squeeze3A_531 : f32 to vector<16xf32>
        %mul3A_588 = arith.mulf %get3A_586, %mul3A_587 : vector<16xf32>
        %swap3A_589 = arith.index_cast %add3A_535 : i32 to index
        %swap3A_590 = arith.constant 96 : index
        %swap3A_591 = tpu.vector_load %arg22[%swap3A_589, %swap3A_590] {strides = array<i32>} : memref<64x128xf32, #tpu.memory_space<vmem>>, vector<16xf32>,
        tpu.vector_store %arg22[%swap3A_589, %swap3A_590], %mul3A_588 {strides = array<i32>} : memref<64x128xf32, #tpu.memory_space<vmem>>, vector<16xf32>,
        %get3A_592 = arith.index_cast %add3A_535 : i32 to index
        %get3A_593 = arith.constant 112 : index
        %get3A_594 = tpu.vector_load %arg22[%get3A_592, %get3A_593] {strides = array<i32>} : memref<64x128xf32, #tpu.memory_space<vmem>>, vector<16xf32>,
        %mul3A_595 = vector.broadcast %squeeze3A_531 : f32 to vector<16xf32>
        %mul3A_596 = arith.mulf %get3A_594, %mul3A_595 : vector<16xf32>
        %swap3A_597 = arith.index_cast %add3A_535 : i32 to index
        %swap3A_598 = arith.constant 112 : index
        %swap3A_599 = tpu.vector_load %arg22[%swap3A_597, %swap3A_598] {strides = array<i32>} : memref<64x128xf32, #tpu.memory_space<vmem>>, vector<16xf32>,
        tpu.vector_store %arg22[%swap3A_597, %swap3A_598], %mul3A_596 {strides = array<i32>} : memref<64x128xf32, #tpu.memory_space<vmem>>, vector<16xf32>,
        %slice3A_600 = vector.extract_strided_slice %get3A_181 {offsets = [6], sizes = [1], strides = [1]} : vector<16xf32> to vector<1xf32>
        %squeeze3A_601 = vector.extract %slice3A_600[0] : f32 from vector<1xf32>
        %mul3A_602 = arith.constant 16 : i32
        %mul3A_603 = arith.muli %scan3A_177, %mul3A_602 : i32
        %add3A_604 = arith.constant 6 : i32
        %add3A_605 = arith.addi %mul3A_603, %add3A_604 : i32
        %get3A_606 = arith.index_cast %add3A_605 : i32 to index
        %get3A_607 = arith.constant 0 : index
        %get3A_608 = tpu.vector_load %arg22[%get3A_606, %get3A_607] {strides = array<i32>} : memref<64x128xf32, #tpu.memory_space<vmem>>, vector<16xf32>,
        %mul3A_609 = vector.broadcast %squeeze3A_601 : f32 to vector<16xf32>
        %mul3A_610 = arith.mulf %get3A_608, %mul3A_609 : vector<16xf32>
        %swap3A_611 = arith.index_cast %add3A_605 : i32 to index
        %swap3A_612 = arith.constant 0 : index
        %swap3A_613 = tpu.vector_load %arg22[%swap3A_611, %swap3A_612] {strides = array<i32>} : memref<64x128xf32, #tpu.memory_space<vmem>>, vector<16xf32>,
        tpu.vector_store %arg22[%swap3A_611, %swap3A_612], %mul3A_610 {strides = array<i32>} : memref<64x128xf32, #tpu.memory_space<vmem>>, vector<16xf32>,
        %get3A_614 = arith.index_cast %add3A_605 : i32 to index
        %get3A_615 = arith.constant 16 : index
        %get3A_616 = tpu.vector_load %arg22[%get3A_614, %get3A_615] {strides = array<i32>} : memref<64x128xf32, #tpu.memory_space<vmem>>, vector<16xf32>,
        %mul3A_617 = vector.broadcast %squeeze3A_601 : f32 to vector<16xf32>
        %mul3A_618 = arith.mulf %get3A_616, %mul3A_617 : vector<16xf32>
        %swap3A_619 = arith.index_cast %add3A_605 : i32 to index
        %swap3A_620 = arith.constant 16 : index
        %swap3A_621 = tpu.vector_load %arg22[%swap3A_619, %swap3A_620] {strides = array<i32>} : memref<64x128xf32, #tpu.memory_space<vmem>>, vector<16xf32>,
        tpu.vector_store %arg22[%swap3A_619, %swap3A_620], %mul3A_618 {strides = array<i32>} : memref<64x128xf32, #tpu.memory_space<vmem>>, vector<16xf32>,
        %get3A_622 = arith.index_cast %add3A_605 : i32 to index
        %get3A_623 = arith.constant 32 : index
        %get3A_624 = tpu.vector_load %arg22[%get3A_622, %get3A_623] {strides = array<i32>} : memref<64x128xf32, #tpu.memory_space<vmem>>, vector<16xf32>,
        %mul3A_625 = vector.broadcast %squeeze3A_601 : f32 to vector<16xf32>
        %mul3A_626 = arith.mulf %get3A_624, %mul3A_625 : vector<16xf32>
        %swap3A_627 = arith.index_cast %add3A_605 : i32 to index
        %swap3A_628 = arith.constant 32 : index
        %swap3A_629 = tpu.vector_load %arg22[%swap3A_627, %swap3A_628] {strides = array<i32>} : memref<64x128xf32, #tpu.memory_space<vmem>>, vector<16xf32>,
        tpu.vector_store %arg22[%swap3A_627, %swap3A_628], %mul3A_626 {strides = array<i32>} : memref<64x128xf32, #tpu.memory_space<vmem>>, vector<16xf32>,
        %get3A_630 = arith.index_cast %add3A_605 : i32 to index
        %get3A_631 = arith.constant 48 : index
        %get3A_632 = tpu.vector_load %arg22[%get3A_630, %get3A_631] {strides = array<i32>} : memref<64x128xf32, #tpu.memory_space<vmem>>, vector<16xf32>,
        %mul3A_633 = vector.broadcast %squeeze3A_601 : f32 to vector<16xf32>
        %mul3A_634 = arith.mulf %get3A_632, %mul3A_633 : vector<16xf32>
        %swap3A_635 = arith.index_cast %add3A_605 : i32 to index
        %swap3A_636 = arith.constant 48 : index
        %swap3A_637 = tpu.vector_load %arg22[%swap3A_635, %swap3A_636] {strides = array<i32>} : memref<64x128xf32, #tpu.memory_space<vmem>>, vector<16xf32>,
        tpu.vector_store %arg22[%swap3A_635, %swap3A_636], %mul3A_634 {strides = array<i32>} : memref<64x128xf32, #tpu.memory_space<vmem>>, vector<16xf32>,
        %get3A_638 = arith.index_cast %add3A_605 : i32 to index
        %get3A_639 = arith.constant 64 : index
        %get3A_640 = tpu.vector_load %arg22[%get3A_638, %get3A_639] {strides = array<i32>} : memref<64x128xf32, #tpu.memory_space<vmem>>, vector<16xf32>,
        %mul3A_641 = vector.broadcast %squeeze3A_601 : f32 to vector<16xf32>
        %mul3A_642 = arith.mulf %get3A_640, %mul3A_641 : vector<16xf32>
        %swap3A_643 = arith.index_cast %add3A_605 : i32 to index
        %swap3A_644 = arith.constant 64 : index
        %swap3A_645 = tpu.vector_load %arg22[%swap3A_643, %swap3A_644] {strides = array<i32>} : memref<64x128xf32, #tpu.memory_space<vmem>>, vector<16xf32>,
        tpu.vector_store %arg22[%swap3A_643, %swap3A_644], %mul3A_642 {strides = array<i32>} : memref<64x128xf32, #tpu.memory_space<vmem>>, vector<16xf32>,
        %get3A_646 = arith.index_cast %add3A_605 : i32 to index
        %get3A_647 = arith.constant 80 : index
        %get3A_648 = tpu.vector_load %arg22[%get3A_646, %get3A_647] {strides = array<i32>} : memref<64x128xf32, #tpu.memory_space<vmem>>, vector<16xf32>,
        %mul3A_649 = vector.broadcast %squeeze3A_601 : f32 to vector<16xf32>
        %mul3A_650 = arith.mulf %get3A_648, %mul3A_649 : vector<16xf32>
        %swap3A_651 = arith.index_cast %add3A_605 : i32 to index
        %swap3A_652 = arith.constant 80 : index
        %swap3A_653 = tpu.vector_load %arg22[%swap3A_651, %swap3A_652] {strides = array<i32>} : memref<64x128xf32, #tpu.memory_space<vmem>>, vector<16xf32>,
        tpu.vector_store %arg22[%swap3A_651, %swap3A_652], %mul3A_650 {strides = array<i32>} : memref<64x128xf32, #tpu.memory_space<vmem>>, vector<16xf32>,
        %get3A_654 = arith.index_cast %add3A_605 : i32 to index
        %get3A_655 = arith.constant 96 : index
        %get3A_656 = tpu.vector_load %arg22[%get3A_654, %get3A_655] {strides = array<i32>} : memref<64x128xf32, #tpu.memory_space<vmem>>, vector<16xf32>,
        %mul3A_657 = vector.broadcast %squeeze3A_601 : f32 to vector<16xf32>
        %mul3A_658 = arith.mulf %get3A_656, %mul3A_657 : vector<16xf32>
        %swap3A_659 = arith.index_cast %add3A_605 : i32 to index
        %swap3A_660 = arith.constant 96 : index
        %swap3A_661 = tpu.vector_load %arg22[%swap3A_659, %swap3A_660] {strides = array<i32>} : memref<64x128xf32, #tpu.memory_space<vmem>>, vector<16xf32>,
        tpu.vector_store %arg22[%swap3A_659, %swap3A_660], %mul3A_658 {strides = array<i32>} : memref<64x128xf32, #tpu.memory_space<vmem>>, vector<16xf32>,
        %get3A_662 = arith.index_cast %add3A_605 : i32 to index
        %get3A_663 = arith.constant 112 : index
        %get3A_664 = tpu.vector_load %arg22[%get3A_662, %get3A_663] {strides = array<i32>} : memref<64x128xf32, #tpu.memory_space<vmem>>, vector<16xf32>,
        %mul3A_665 = vector.broadcast %squeeze3A_601 : f32 to vector<16xf32>
        %mul3A_666 = arith.mulf %get3A_664, %mul3A_665 : vector<16xf32>
        %swap3A_667 = arith.index_cast %add3A_605 : i32 to index
        %swap3A_668 = arith.constant 112 : index
        %swap3A_669 = tpu.vector_load %arg22[%swap3A_667, %swap3A_668] {strides = array<i32>} : memref<64x128xf32, #tpu.memory_space<vmem>>, vector<16xf32>,
        tpu.vector_store %arg22[%swap3A_667, %swap3A_668], %mul3A_666 {strides = array<i32>} : memref<64x128xf32, #tpu.memory_space<vmem>>, vector<16xf32>,
        %slice3A_670 = vector.extract_strided_slice %get3A_181 {offsets = [7], sizes = [1], strides = [1]} : vector<16xf32> to vector<1xf32>
        %squeeze3A_671 = vector.extract %slice3A_670[0] : f32 from vector<1xf32>
        %mul3A_672 = arith.constant 16 : i32
        %mul3A_673 = arith.muli %scan3A_177, %mul3A_672 : i32
        %add3A_674 = arith.constant 7 : i32
        %add3A_675 = arith.addi %mul3A_673, %add3A_674 : i32
        %get3A_676 = arith.index_cast %add3A_675 : i32 to index
        %get3A_677 = arith.constant 0 : index
        %get3A_678 = tpu.vector_load %arg22[%get3A_676, %get3A_677] {strides = array<i32>} : memref<64x128xf32, #tpu.memory_space<vmem>>, vector<16xf32>,
        %mul3A_679 = vector.broadcast %squeeze3A_671 : f32 to vector<16xf32>
        %mul3A_680 = arith.mulf %get3A_678, %mul3A_679 : vector<16xf32>
        %swap3A_681 = arith.index_cast %add3A_675 : i32 to index
        %swap3A_682 = arith.constant 0 : index
        %swap3A_683 = tpu.vector_load %arg22[%swap3A_681, %swap3A_682] {strides = array<i32>} : memref<64x128xf32, #tpu.memory_space<vmem>>, vector<16xf32>,
        tpu.vector_store %arg22[%swap3A_681, %swap3A_682], %mul3A_680 {strides = array<i32>} : memref<64x128xf32, #tpu.memory_space<vmem>>, vector<16xf32>,
        %get3A_684 = arith.index_cast %add3A_675 : i32 to index
        %get3A_685 = arith.constant 16 : index
        %get3A_686 = tpu.vector_load %arg22[%get3A_684, %get3A_685] {strides = array<i32>} : memref<64x128xf32, #tpu.memory_space<vmem>>, vector<16xf32>,
        %mul3A_687 = vector.broadcast %squeeze3A_671 : f32 to vector<16xf32>
        %mul3A_688 = arith.mulf %get3A_686, %mul3A_687 : vector<16xf32>
        %swap3A_689 = arith.index_cast %add3A_675 : i32 to index
        %swap3A_690 = arith.constant 16 : index
        %swap3A_691 = tpu.vector_load %arg22[%swap3A_689, %swap3A_690] {strides = array<i32>} : memref<64x128xf32, #tpu.memory_space<vmem>>, vector<16xf32>,
        tpu.vector_store %arg22[%swap3A_689, %swap3A_690], %mul3A_688 {strides = array<i32>} : memref<64x128xf32, #tpu.memory_space<vmem>>, vector<16xf32>,
        %get3A_692 = arith.index_cast %add3A_675 : i32 to index
        %get3A_693 = arith.constant 32 : index
        %get3A_694 = tpu.vector_load %arg22[%get3A_692, %get3A_693] {strides = array<i32>} : memref<64x128xf32, #tpu.memory_space<vmem>>, vector<16xf32>,
        %mul3A_695 = vector.broadcast %squeeze3A_671 : f32 to vector<16xf32>
        %mul3A_696 = arith.mulf %get3A_694, %mul3A_695 : vector<16xf32>
        %swap3A_697 = arith.index_cast %add3A_675 : i32 to index
        %swap3A_698 = arith.constant 32 : index
        %swap3A_699 = tpu.vector_load %arg22[%swap3A_697, %swap3A_698] {strides = array<i32>} : memref<64x128xf32, #tpu.memory_space<vmem>>, vector<16xf32>,
        tpu.vector_store %arg22[%swap3A_697, %swap3A_698], %mul3A_696 {strides = array<i32>} : memref<64x128xf32, #tpu.memory_space<vmem>>, vector<16xf32>,
        %get3A_700 = arith.index_cast %add3A_675 : i32 to index
        %get3A_701 = arith.constant 48 : index
        %get3A_702 = tpu.vector_load %arg22[%get3A_700, %get3A_701] {strides = array<i32>} : memref<64x128xf32, #tpu.memory_space<vmem>>, vector<16xf32>,
        %mul3A_703 = vector.broadcast %squeeze3A_671 : f32 to vector<16xf32>
        %mul3A_704 = arith.mulf %get3A_702, %mul3A_703 : vector<16xf32>
        %swap3A_705 = arith.index_cast %add3A_675 : i32 to index
        %swap3A_706 = arith.constant 48 : index
        %swap3A_707 = tpu.vector_load %arg22[%swap3A_705, %swap3A_706] {strides = array<i32>} : memref<64x128xf32, #tpu.memory_space<vmem>>, vector<16xf32>,
        tpu.vector_store %arg22[%swap3A_705, %swap3A_706], %mul3A_704 {strides = array<i32>} : memref<64x128xf32, #tpu.memory_space<vmem>>, vector<16xf32>,
        %get3A_708 = arith.index_cast %add3A_675 : i32 to index
        %get3A_709 = arith.constant 64 : index
        %get3A_710 = tpu.vector_load %arg22[%get3A_708, %get3A_709] {strides = array<i32>} : memref<64x128xf32, #tpu.memory_space<vmem>>, vector<16xf32>,
        %mul3A_711 = vector.broadcast %squeeze3A_671 : f32 to vector<16xf32>
        %mul3A_712 = arith.mulf %get3A_710, %mul3A_711 : vector<16xf32>
        %swap3A_713 = arith.index_cast %add3A_675 : i32 to index
        %swap3A_714 = arith.constant 64 : index
        %swap3A_715 = tpu.vector_load %arg22[%swap3A_713, %swap3A_714] {strides = array<i32>} : memref<64x128xf32, #tpu.memory_space<vmem>>, vector<16xf32>,
        tpu.vector_store %arg22[%swap3A_713, %swap3A_714], %mul3A_712 {strides = array<i32>} : memref<64x128xf32, #tpu.memory_space<vmem>>, vector<16xf32>,
        %get3A_716 = arith.index_cast %add3A_675 : i32 to index
        %get3A_717 = arith.constant 80 : index
        %get3A_718 = tpu.vector_load %arg22[%get3A_716, %get3A_717] {strides = array<i32>} : memref<64x128xf32, #tpu.memory_space<vmem>>, vector<16xf32>,
        %mul3A_719 = vector.broadcast %squeeze3A_671 : f32 to vector<16xf32>
        %mul3A_720 = arith.mulf %get3A_718, %mul3A_719 : vector<16xf32>
        %swap3A_721 = arith.index_cast %add3A_675 : i32 to index
        %swap3A_722 = arith.constant 80 : index
        %swap3A_723 = tpu.vector_load %arg22[%swap3A_721, %swap3A_722] {strides = array<i32>} : memref<64x128xf32, #tpu.memory_space<vmem>>, vector<16xf32>,
        tpu.vector_store %arg22[%swap3A_721, %swap3A_722], %mul3A_720 {strides = array<i32>} : memref<64x128xf32, #tpu.memory_space<vmem>>, vector<16xf32>,
        %get3A_724 = arith.index_cast %add3A_675 : i32 to index
        %get3A_725 = arith.constant 96 : index
        %get3A_726 = tpu.vector_load %arg22[%get3A_724, %get3A_725] {strides = array<i32>} : memref<64x128xf32, #tpu.memory_space<vmem>>, vector<16xf32>,
        %mul3A_727 = vector.broadcast %squeeze3A_671 : f32 to vector<16xf32>
        %mul3A_728 = arith.mulf %get3A_726, %mul3A_727 : vector<16xf32>
        %swap3A_729 = arith.index_cast %add3A_675 : i32 to index
        %swap3A_730 = arith.constant 96 : index
        %swap3A_731 = tpu.vector_load %arg22[%swap3A_729, %swap3A_730] {strides = array<i32>} : memref<64x128xf32, #tpu.memory_space<vmem>>, vector<16xf32>,
        tpu.vector_store %arg22[%swap3A_729, %swap3A_730], %mul3A_728 {strides = array<i32>} : memref<64x128xf32, #tpu.memory_space<vmem>>, vector<16xf32>,
        %get3A_732 = arith.index_cast %add3A_675 : i32 to index
        %get3A_733 = arith.constant 112 : index
        %get3A_734 = tpu.vector_load %arg22[%get3A_732, %get3A_733] {strides = array<i32>} : memref<64x128xf32, #tpu.memory_space<vmem>>, vector<16xf32>,
        %mul3A_735 = vector.broadcast %squeeze3A_671 : f32 to vector<16xf32>
        %mul3A_736 = arith.mulf %get3A_734, %mul3A_735 : vector<16xf32>
        %swap3A_737 = arith.index_cast %add3A_675 : i32 to index
        %swap3A_738 = arith.constant 112 : index
        %swap3A_739 = tpu.vector_load %arg22[%swap3A_737, %swap3A_738] {strides = array<i32>} : memref<64x128xf32, #tpu.memory_space<vmem>>, vector<16xf32>,
        tpu.vector_store %arg22[%swap3A_737, %swap3A_738], %mul3A_736 {strides = array<i32>} : memref<64x128xf32, #tpu.memory_space<vmem>>, vector<16xf32>,
        %slice3A_740 = vector.extract_strided_slice %get3A_181 {offsets = [8], sizes = [1], strides = [1]} : vector<16xf32> to vector<1xf32>
        %squeeze3A_741 = vector.extract %slice3A_740[0] : f32 from vector<1xf32>
        %mul3A_742 = arith.constant 16 : i32
        %mul3A_743 = arith.muli %scan3A_177, %mul3A_742 : i32
        %add3A_744 = arith.constant 8 : i32
        %add3A_745 = arith.addi %mul3A_743, %add3A_744 : i32
        %get3A_746 = arith.index_cast %add3A_745 : i32 to index
        %get3A_747 = arith.constant 0 : index
        %get3A_748 = tpu.vector_load %arg22[%get3A_746, %get3A_747] {strides = array<i32>} : memref<64x128xf32, #tpu.memory_space<vmem>>, vector<16xf32>,
        %mul3A_749 = vector.broadcast %squeeze3A_741 : f32 to vector<16xf32>
        %mul3A_750 = arith.mulf %get3A_748, %mul3A_749 : vector<16xf32>
        %swap3A_751 = arith.index_cast %add3A_745 : i32 to index
        %swap3A_752 = arith.constant 0 : index
        %swap3A_753 = tpu.vector_load %arg22[%swap3A_751, %swap3A_752] {strides = array<i32>} : memref<64x128xf32, #tpu.memory_space<vmem>>, vector<16xf32>,
        tpu.vector_store %arg22[%swap3A_751, %swap3A_752], %mul3A_750 {strides = array<i32>} : memref<64x128xf32, #tpu.memory_space<vmem>>, vector<16xf32>,
        %get3A_754 = arith.index_cast %add3A_745 : i32 to index
        %get3A_755 = arith.constant 16 : index
        %get3A_756 = tpu.vector_load %arg22[%get3A_754, %get3A_755] {strides = array<i32>} : memref<64x128xf32, #tpu.memory_space<vmem>>, vector<16xf32>,
        %mul3A_757 = vector.broadcast %squeeze3A_741 : f32 to vector<16xf32>
        %mul3A_758 = arith.mulf %get3A_756, %mul3A_757 : vector<16xf32>
        %swap3A_759 = arith.index_cast %add3A_745 : i32 to index
        %swap3A_760 = arith.constant 16 : index
        %swap3A_761 = tpu.vector_load %arg22[%swap3A_759, %swap3A_760] {strides = array<i32>} : memref<64x128xf32, #tpu.memory_space<vmem>>, vector<16xf32>,
        tpu.vector_store %arg22[%swap3A_759, %swap3A_760], %mul3A_758 {strides = array<i32>} : memref<64x128xf32, #tpu.memory_space<vmem>>, vector<16xf32>,
        %get3A_762 = arith.index_cast %add3A_745 : i32 to index
        %get3A_763 = arith.constant 32 : index
        %get3A_764 = tpu.vector_load %arg22[%get3A_762, %get3A_763] {strides = array<i32>} : memref<64x128xf32, #tpu.memory_space<vmem>>, vector<16xf32>,
        %mul3A_765 = vector.broadcast %squeeze3A_741 : f32 to vector<16xf32>
        %mul3A_766 = arith.mulf %get3A_764, %mul3A_765 : vector<16xf32>
        %swap3A_767 = arith.index_cast %add3A_745 : i32 to index
        %swap3A_768 = arith.constant 32 : index
        %swap3A_769 = tpu.vector_load %arg22[%swap3A_767, %swap3A_768] {strides = array<i32>} : memref<64x128xf32, #tpu.memory_space<vmem>>, vector<16xf32>,
        tpu.vector_store %arg22[%swap3A_767, %swap3A_768], %mul3A_766 {strides = array<i32>} : memref<64x128xf32, #tpu.memory_space<vmem>>, vector<16xf32>,
        %get3A_770 = arith.index_cast %add3A_745 : i32 to index
        %get3A_771 = arith.constant 48 : index
        %get3A_772 = tpu.vector_load %arg22[%get3A_770, %get3A_771] {strides = array<i32>} : memref<64x128xf32, #tpu.memory_space<vmem>>, vector<16xf32>,
        %mul3A_773 = vector.broadcast %squeeze3A_741 : f32 to vector<16xf32>
        %mul3A_774 = arith.mulf %get3A_772, %mul3A_773 : vector<16xf32>
        %swap3A_775 = arith.index_cast %add3A_745 : i32 to index
        %swap3A_776 = arith.constant 48 : index
        %swap3A_777 = tpu.vector_load %arg22[%swap3A_775, %swap3A_776] {strides = array<i32>} : memref<64x128xf32, #tpu.memory_space<vmem>>, vector<16xf32>,
        tpu.vector_store %arg22[%swap3A_775, %swap3A_776], %mul3A_774 {strides = array<i32>} : memref<64x128xf32, #tpu.memory_space<vmem>>, vector<16xf32>,
        %get3A_778 = arith.index_cast %add3A_745 : i32 to index
        %get3A_779 = arith.constant 64 : index
        %get3A_780 = tpu.vector_load %arg22[%get3A_778, %get3A_779] {strides = array<i32>} : memref<64x128xf32, #tpu.memory_space<vmem>>, vector<16xf32>,
        %mul3A_781 = vector.broadcast %squeeze3A_741 : f32 to vector<16xf32>
        %mul3A_782 = arith.mulf %get3A_780, %mul3A_781 : vector<16xf32>
        %swap3A_783 = arith.index_cast %add3A_745 : i32 to index
        %swap3A_784 = arith.constant 64 : index
        %swap3A_785 = tpu.vector_load %arg22[%swap3A_783, %swap3A_784] {strides = array<i32>} : memref<64x128xf32, #tpu.memory_space<vmem>>, vector<16xf32>,
        tpu.vector_store %arg22[%swap3A_783, %swap3A_784], %mul3A_782 {strides = array<i32>} : memref<64x128xf32, #tpu.memory_space<vmem>>, vector<16xf32>,
        %get3A_786 = arith.index_cast %add3A_745 : i32 to index
        %get3A_787 = arith.constant 80 : index
        %get3A_788 = tpu.vector_load %arg22[%get3A_786, %get3A_787] {strides = array<i32>} : memref<64x128xf32, #tpu.memory_space<vmem>>, vector<16xf32>,
        %mul3A_789 = vector.broadcast %squeeze3A_741 : f32 to vector<16xf32>
        %mul3A_790 = arith.mulf %get3A_788, %mul3A_789 : vector<16xf32>
        %swap3A_791 = arith.index_cast %add3A_745 : i32 to index
        %swap3A_792 = arith.constant 80 : index
        %swap3A_793 = tpu.vector_load %arg22[%swap3A_791, %swap3A_792] {strides = array<i32>} : memref<64x128xf32, #tpu.memory_space<vmem>>, vector<16xf32>,
        tpu.vector_store %arg22[%swap3A_791, %swap3A_792], %mul3A_790 {strides = array<i32>} : memref<64x128xf32, #tpu.memory_space<vmem>>, vector<16xf32>,
        %get3A_794 = arith.index_cast %add3A_745 : i32 to index
        %get3A_795 = arith.constant 96 : index
        %get3A_796 = tpu.vector_load %arg22[%get3A_794, %get3A_795] {strides = array<i32>} : memref<64x128xf32, #tpu.memory_space<vmem>>, vector<16xf32>,
        %mul3A_797 = vector.broadcast %squeeze3A_741 : f32 to vector<16xf32>
        %mul3A_798 = arith.mulf %get3A_796, %mul3A_797 : vector<16xf32>
        %swap3A_799 = arith.index_cast %add3A_745 : i32 to index
        %swap3A_800 = arith.constant 96 : index
        %swap3A_801 = tpu.vector_load %arg22[%swap3A_799, %swap3A_800] {strides = array<i32>} : memref<64x128xf32, #tpu.memory_space<vmem>>, vector<16xf32>,
        tpu.vector_store %arg22[%swap3A_799, %swap3A_800], %mul3A_798 {strides = array<i32>} : memref<64x128xf32, #tpu.memory_space<vmem>>, vector<16xf32>,
        %get3A_802 = arith.index_cast %add3A_745 : i32 to index
        %get3A_803 = arith.constant 112 : index
        %get3A_804 = tpu.vector_load %arg22[%get3A_802, %get3A_803] {strides = array<i32>} : memref<64x128xf32, #tpu.memory_space<vmem>>, vector<16xf32>,
        %mul3A_805 = vector.broadcast %squeeze3A_741 : f32 to vector<16xf32>
        %mul3A_806 = arith.mulf %get3A_804, %mul3A_805 : vector<16xf32>
        %swap3A_807 = arith.index_cast %add3A_745 : i32 to index
        %swap3A_808 = arith.constant 112 : index
        %swap3A_809 = tpu.vector_load %arg22[%swap3A_807, %swap3A_808] {strides = array<i32>} : memref<64x128xf32, #tpu.memory_space<vmem>>, vector<16xf32>,
        tpu.vector_store %arg22[%swap3A_807, %swap3A_808], %mul3A_806 {strides = array<i32>} : memref<64x128xf32, #tpu.memory_space<vmem>>, vector<16xf32>,
        %slice3A_810 = vector.extract_strided_slice %get3A_181 {offsets = [9], sizes = [1], strides = [1]} : vector<16xf32> to vector<1xf32>
        %squeeze3A_811 = vector.extract %slice3A_810[0] : f32 from vector<1xf32>
        %mul3A_812 = arith.constant 16 : i32
        %mul3A_813 = arith.muli %scan3A_177, %mul3A_812 : i32
        %add3A_814 = arith.constant 9 : i32
        %add3A_815 = arith.addi %mul3A_813, %add3A_814 : i32
        %get3A_816 = arith.index_cast %add3A_815 : i32 to index
        %get3A_817 = arith.constant 0 : index
        %get3A_818 = tpu.vector_load %arg22[%get3A_816, %get3A_817] {strides = array<i32>} : memref<64x128xf32, #tpu.memory_space<vmem>>, vector<16xf32>,
        %mul3A_819 = vector.broadcast %squeeze3A_811 : f32 to vector<16xf32>
        %mul3A_820 = arith.mulf %get3A_818, %mul3A_819 : vector<16xf32>
        %swap3A_821 = arith.index_cast %add3A_815 : i32 to index
        %swap3A_822 = arith.constant 0 : index
        %swap3A_823 = tpu.vector_load %arg22[%swap3A_821, %swap3A_822] {strides = array<i32>} : memref<64x128xf32, #tpu.memory_space<vmem>>, vector<16xf32>,
        tpu.vector_store %arg22[%swap3A_821, %swap3A_822], %mul3A_820 {strides = array<i32>} : memref<64x128xf32, #tpu.memory_space<vmem>>, vector<16xf32>,
        %get3A_824 = arith.index_cast %add3A_815 : i32 to index
        %get3A_825 = arith.constant 16 : index
        %get3A_826 = tpu.vector_load %arg22[%get3A_824, %get3A_825] {strides = array<i32>} : memref<64x128xf32, #tpu.memory_space<vmem>>, vector<16xf32>,
        %mul3A_827 = vector.broadcast %squeeze3A_811 : f32 to vector<16xf32>
        %mul3A_828 = arith.mulf %get3A_826, %mul3A_827 : vector<16xf32>
        %swap3A_829 = arith.index_cast %add3A_815 : i32 to index
        %swap3A_830 = arith.constant 16 : index
        %swap3A_831 = tpu.vector_load %arg22[%swap3A_829, %swap3A_830] {strides = array<i32>} : memref<64x128xf32, #tpu.memory_space<vmem>>, vector<16xf32>,
        tpu.vector_store %arg22[%swap3A_829, %swap3A_830], %mul3A_828 {strides = array<i32>} : memref<64x128xf32, #tpu.memory_space<vmem>>, vector<16xf32>,
        %get3A_832 = arith.index_cast %add3A_815 : i32 to index
        %get3A_833 = arith.constant 32 : index
        %get3A_834 = tpu.vector_load %arg22[%get3A_832, %get3A_833] {strides = array<i32>} : memref<64x128xf32, #tpu.memory_space<vmem>>, vector<16xf32>,
        %mul3A_835 = vector.broadcast %squeeze3A_811 : f32 to vector<16xf32>
        %mul3A_836 = arith.mulf %get3A_834, %mul3A_835 : vector<16xf32>
        %swap3A_837 = arith.index_cast %add3A_815 : i32 to index
        %swap3A_838 = arith.constant 32 : index
        %swap3A_839 = tpu.vector_load %arg22[%swap3A_837, %swap3A_838] {strides = array<i32>} : memref<64x128xf32, #tpu.memory_space<vmem>>, vector<16xf32>,
        tpu.vector_store %arg22[%swap3A_837, %swap3A_838], %mul3A_836 {strides = array<i32>} : memref<64x128xf32, #tpu.memory_space<vmem>>, vector<16xf32>,
        %get3A_840 = arith.index_cast %add3A_815 : i32 to index
        %get3A_841 = arith.constant 48 : index
        %get3A_842 = tpu.vector_load %arg22[%get3A_840, %get3A_841] {strides = array<i32>} : memref<64x128xf32, #tpu.memory_space<vmem>>, vector<16xf32>,
        %mul3A_843 = vector.broadcast %squeeze3A_811 : f32 to vector<16xf32>
        %mul3A_844 = arith.mulf %get3A_842, %mul3A_843 : vector<16xf32>
        %swap3A_845 = arith.index_cast %add3A_815 : i32 to index
        %swap3A_846 = arith.constant 48 : index
        %swap3A_847 = tpu.vector_load %arg22[%swap3A_845, %swap3A_846] {strides = array<i32>} : memref<64x128xf32, #tpu.memory_space<vmem>>, vector<16xf32>,
        tpu.vector_store %arg22[%swap3A_845, %swap3A_846], %mul3A_844 {strides = array<i32>} : memref<64x128xf32, #tpu.memory_space<vmem>>, vector<16xf32>,
        %get3A_848 = arith.index_cast %add3A_815 : i32 to index
        %get3A_849 = arith.constant 64 : index
        %get3A_850 = tpu.vector_load %arg22[%get3A_848, %get3A_849] {strides = array<i32>} : memref<64x128xf32, #tpu.memory_space<vmem>>, vector<16xf32>,
        %mul3A_851 = vector.broadcast %squeeze3A_811 : f32 to vector<16xf32>
        %mul3A_852 = arith.mulf %get3A_850, %mul3A_851 : vector<16xf32>
        %swap3A_853 = arith.index_cast %add3A_815 : i32 to index
        %swap3A_854 = arith.constant 64 : index
        %swap3A_855 = tpu.vector_load %arg22[%swap3A_853, %swap3A_854] {strides = array<i32>} : memref<64x128xf32, #tpu.memory_space<vmem>>, vector<16xf32>,
        tpu.vector_store %arg22[%swap3A_853, %swap3A_854], %mul3A_852 {strides = array<i32>} : memref<64x128xf32, #tpu.memory_space<vmem>>, vector<16xf32>,
        %get3A_856 = arith.index_cast %add3A_815 : i32 to index
        %get3A_857 = arith.constant 80 : index
        %get3A_858 = tpu.vector_load %arg22[%get3A_856, %get3A_857] {strides = array<i32>} : memref<64x128xf32, #tpu.memory_space<vmem>>, vector<16xf32>,
        %mul3A_859 = vector.broadcast %squeeze3A_811 : f32 to vector<16xf32>
        %mul3A_860 = arith.mulf %get3A_858, %mul3A_859 : vector<16xf32>
        %swap3A_861 = arith.index_cast %add3A_815 : i32 to index
        %swap3A_862 = arith.constant 80 : index
        %swap3A_863 = tpu.vector_load %arg22[%swap3A_861, %swap3A_862] {strides = array<i32>} : memref<64x128xf32, #tpu.memory_space<vmem>>, vector<16xf32>,
        tpu.vector_store %arg22[%swap3A_861, %swap3A_862], %mul3A_860 {strides = array<i32>} : memref<64x128xf32, #tpu.memory_space<vmem>>, vector<16xf32>,
        %get3A_864 = arith.index_cast %add3A_815 : i32 to index
        %get3A_865 = arith.constant 96 : index
        %get3A_866 = tpu.vector_load %arg22[%get3A_864, %get3A_865] {strides = array<i32>} : memref<64x128xf32, #tpu.memory_space<vmem>>, vector<16xf32>,
        %mul3A_867 = vector.broadcast %squeeze3A_811 : f32 to vector<16xf32>
        %mul3A_868 = arith.mulf %get3A_866, %mul3A_867 : vector<16xf32>
        %swap3A_869 = arith.index_cast %add3A_815 : i32 to index
        %swap3A_870 = arith.constant 96 : index
        %swap3A_871 = tpu.vector_load %arg22[%swap3A_869, %swap3A_870] {strides = array<i32>} : memref<64x128xf32, #tpu.memory_space<vmem>>, vector<16xf32>,
        tpu.vector_store %arg22[%swap3A_869, %swap3A_870], %mul3A_868 {strides = array<i32>} : memref<64x128xf32, #tpu.memory_space<vmem>>, vector<16xf32>,
        %get3A_872 = arith.index_cast %add3A_815 : i32 to index
        %get3A_873 = arith.constant 112 : index
        %get3A_874 = tpu.vector_load %arg22[%get3A_872, %get3A_873] {strides = array<i32>} : memref<64x128xf32, #tpu.memory_space<vmem>>, vector<16xf32>,
        %mul3A_875 = vector.broadcast %squeeze3A_811 : f32 to vector<16xf32>
        %mul3A_876 = arith.mulf %get3A_874, %mul3A_875 : vector<16xf32>
        %swap3A_877 = arith.index_cast %add3A_815 : i32 to index
        %swap3A_878 = arith.constant 112 : index
        %swap3A_879 = tpu.vector_load %arg22[%swap3A_877, %swap3A_878] {strides = array<i32>} : memref<64x128xf32, #tpu.memory_space<vmem>>, vector<16xf32>,
        tpu.vector_store %arg22[%swap3A_877, %swap3A_878], %mul3A_876 {strides = array<i32>} : memref<64x128xf32, #tpu.memory_space<vmem>>, vector<16xf32>,
        %slice3A_880 = vector.extract_strided_slice %get3A_181 {offsets = [10], sizes = [1], strides = [1]} : vector<16xf32> to vector<1xf32>
        %squeeze3A_881 = vector.extract %slice3A_880[0] : f32 from vector<1xf32>
        %mul3A_882 = arith.constant 16 : i32
        %mul3A_883 = arith.muli %scan3A_177, %mul3A_882 : i32
        %add3A_884 = arith.constant 10 : i32
        %add3A_885 = arith.addi %mul3A_883, %add3A_884 : i32
        %get3A_886 = arith.index_cast %add3A_885 : i32 to index
        %get3A_887 = arith.constant 0 : index
        %get3A_888 = tpu.vector_load %arg22[%get3A_886, %get3A_887] {strides = array<i32>} : memref<64x128xf32, #tpu.memory_space<vmem>>, vector<16xf32>,
        %mul3A_889 = vector.broadcast %squeeze3A_881 : f32 to vector<16xf32>
        %mul3A_890 = arith.mulf %get3A_888, %mul3A_889 : vector<16xf32>
        %swap3A_891 = arith.index_cast %add3A_885 : i32 to index
        %swap3A_892 = arith.constant 0 : index
        %swap3A_893 = tpu.vector_load %arg22[%swap3A_891, %swap3A_892] {strides = array<i32>} : memref<64x128xf32, #tpu.memory_space<vmem>>, vector<16xf32>,
        tpu.vector_store %arg22[%swap3A_891, %swap3A_892], %mul3A_890 {strides = array<i32>} : memref<64x128xf32, #tpu.memory_space<vmem>>, vector<16xf32>,
        %get3A_894 = arith.index_cast %add3A_885 : i32 to index
        %get3A_895 = arith.constant 16 : index
        %get3A_896 = tpu.vector_load %arg22[%get3A_894, %get3A_895] {strides = array<i32>} : memref<64x128xf32, #tpu.memory_space<vmem>>, vector<16xf32>,
        %mul3A_897 = vector.broadcast %squeeze3A_881 : f32 to vector<16xf32>
        %mul3A_898 = arith.mulf %get3A_896, %mul3A_897 : vector<16xf32>
        %swap3A_899 = arith.index_cast %add3A_885 : i32 to index
        %swap3A_900 = arith.constant 16 : index
        %swap3A_901 = tpu.vector_load %arg22[%swap3A_899, %swap3A_900] {strides = array<i32>} : memref<64x128xf32, #tpu.memory_space<vmem>>, vector<16xf32>,
        tpu.vector_store %arg22[%swap3A_899, %swap3A_900], %mul3A_898 {strides = array<i32>} : memref<64x128xf32, #tpu.memory_space<vmem>>, vector<16xf32>,
        %get3A_902 = arith.index_cast %add3A_885 : i32 to index
        %get3A_903 = arith.constant 32 : index
        %get3A_904 = tpu.vector_load %arg22[%get3A_902, %get3A_903] {strides = array<i32>} : memref<64x128xf32, #tpu.memory_space<vmem>>, vector<16xf32>,
        %mul3A_905 = vector.broadcast %squeeze3A_881 : f32 to vector<16xf32>
        %mul3A_906 = arith.mulf %get3A_904, %mul3A_905 : vector<16xf32>
        %swap3A_907 = arith.index_cast %add3A_885 : i32 to index
        %swap3A_908 = arith.constant 32 : index
        %swap3A_909 = tpu.vector_load %arg22[%swap3A_907, %swap3A_908] {strides = array<i32>} : memref<64x128xf32, #tpu.memory_space<vmem>>, vector<16xf32>,
        tpu.vector_store %arg22[%swap3A_907, %swap3A_908], %mul3A_906 {strides = array<i32>} : memref<64x128xf32, #tpu.memory_space<vmem>>, vector<16xf32>,
        %get3A_910 = arith.index_cast %add3A_885 : i32 to index
        %get3A_911 = arith.constant 48 : index
        %get3A_912 = tpu.vector_load %arg22[%get3A_910, %get3A_911] {strides = array<i32>} : memref<64x128xf32, #tpu.memory_space<vmem>>, vector<16xf32>,
        %mul3A_913 = vector.broadcast %squeeze3A_881 : f32 to vector<16xf32>
        %mul3A_914 = arith.mulf %get3A_912, %mul3A_913 : vector<16xf32>
        %swap3A_915 = arith.index_cast %add3A_885 : i32 to index
        %swap3A_916 = arith.constant 48 : index
        %swap3A_917 = tpu.vector_load %arg22[%swap3A_915, %swap3A_916] {strides = array<i32>} : memref<64x128xf32, #tpu.memory_space<vmem>>, vector<16xf32>,
        tpu.vector_store %arg22[%swap3A_915, %swap3A_916], %mul3A_914 {strides = array<i32>} : memref<64x128xf32, #tpu.memory_space<vmem>>, vector<16xf32>,
        %get3A_918 = arith.index_cast %add3A_885 : i32 to index
        %get3A_919 = arith.constant 64 : index
        %get3A_920 = tpu.vector_load %arg22[%get3A_918, %get3A_919] {strides = array<i32>} : memref<64x128xf32, #tpu.memory_space<vmem>>, vector<16xf32>,
        %mul3A_921 = vector.broadcast %squeeze3A_881 : f32 to vector<16xf32>
        %mul3A_922 = arith.mulf %get3A_920, %mul3A_921 : vector<16xf32>
        %swap3A_923 = arith.index_cast %add3A_885 : i32 to index
        %swap3A_924 = arith.constant 64 : index
        %swap3A_925 = tpu.vector_load %arg22[%swap3A_923, %swap3A_924] {strides = array<i32>} : memref<64x128xf32, #tpu.memory_space<vmem>>, vector<16xf32>,
        tpu.vector_store %arg22[%swap3A_923, %swap3A_924], %mul3A_922 {strides = array<i32>} : memref<64x128xf32, #tpu.memory_space<vmem>>, vector<16xf32>,
        %get3A_926 = arith.index_cast %add3A_885 : i32 to index
        %get3A_927 = arith.constant 80 : index
        %get3A_928 = tpu.vector_load %arg22[%get3A_926, %get3A_927] {strides = array<i32>} : memref<64x128xf32, #tpu.memory_space<vmem>>, vector<16xf32>,
        %mul3A_929 = vector.broadcast %squeeze3A_881 : f32 to vector<16xf32>
        %mul3A_930 = arith.mulf %get3A_928, %mul3A_929 : vector<16xf32>
        %swap3A_931 = arith.index_cast %add3A_885 : i32 to index
        %swap3A_932 = arith.constant 80 : index
        %swap3A_933 = tpu.vector_load %arg22[%swap3A_931, %swap3A_932] {strides = array<i32>} : memref<64x128xf32, #tpu.memory_space<vmem>>, vector<16xf32>,
        tpu.vector_store %arg22[%swap3A_931, %swap3A_932], %mul3A_930 {strides = array<i32>} : memref<64x128xf32, #tpu.memory_space<vmem>>, vector<16xf32>,
        %get3A_934 = arith.index_cast %add3A_885 : i32 to index
        %get3A_935 = arith.constant 96 : index
        %get3A_936 = tpu.vector_load %arg22[%get3A_934, %get3A_935] {strides = array<i32>} : memref<64x128xf32, #tpu.memory_space<vmem>>, vector<16xf32>,
        %mul3A_937 = vector.broadcast %squeeze3A_881 : f32 to vector<16xf32>
        %mul3A_938 = arith.mulf %get3A_936, %mul3A_937 : vector<16xf32>
        %swap3A_939 = arith.index_cast %add3A_885 : i32 to index
        %swap3A_940 = arith.constant 96 : index
        %swap3A_941 = tpu.vector_load %arg22[%swap3A_939, %swap3A_940] {strides = array<i32>} : memref<64x128xf32, #tpu.memory_space<vmem>>, vector<16xf32>,
        tpu.vector_store %arg22[%swap3A_939, %swap3A_940], %mul3A_938 {strides = array<i32>} : memref<64x128xf32, #tpu.memory_space<vmem>>, vector<16xf32>,
        %get3A_942 = arith.index_cast %add3A_885 : i32 to index
        %get3A_943 = arith.constant 112 : index
        %get3A_944 = tpu.vector_load %arg22[%get3A_942, %get3A_943] {strides = array<i32>} : memref<64x128xf32, #tpu.memory_space<vmem>>, vector<16xf32>,
        %mul3A_945 = vector.broadcast %squeeze3A_881 : f32 to vector<16xf32>
        %mul3A_946 = arith.mulf %get3A_944, %mul3A_945 : vector<16xf32>
        %swap3A_947 = arith.index_cast %add3A_885 : i32 to index
        %swap3A_948 = arith.constant 112 : index
        %swap3A_949 = tpu.vector_load %arg22[%swap3A_947, %swap3A_948] {strides = array<i32>} : memref<64x128xf32, #tpu.memory_space<vmem>>, vector<16xf32>,
        tpu.vector_store %arg22[%swap3A_947, %swap3A_948], %mul3A_946 {strides = array<i32>} : memref<64x128xf32, #tpu.memory_space<vmem>>, vector<16xf32>,
        %slice3A_950 = vector.extract_strided_slice %get3A_181 {offsets = [11], sizes = [1], strides = [1]} : vector<16xf32> to vector<1xf32>
        %squeeze3A_951 = vector.extract %slice3A_950[0] : f32 from vector<1xf32>
        %mul3A_952 = arith.constant 16 : i32
        %mul3A_953 = arith.muli %scan3A_177, %mul3A_952 : i32
        %add3A_954 = arith.constant 11 : i32
        %add3A_955 = arith.addi %mul3A_953, %add3A_954 : i32
        %get3A_956 = arith.index_cast %add3A_955 : i32 to index
        %get3A_957 = arith.constant 0 : index
        %get3A_958 = tpu.vector_load %arg22[%get3A_956, %get3A_957] {strides = array<i32>} : memref<64x128xf32, #tpu.memory_space<vmem>>, vector<16xf32>,
        %mul3A_959 = vector.broadcast %squeeze3A_951 : f32 to vector<16xf32>
        %mul3A_960 = arith.mulf %get3A_958, %mul3A_959 : vector<16xf32>
        %swap3A_961 = arith.index_cast %add3A_955 : i32 to index
        %swap3A_962 = arith.constant 0 : index
        %swap3A_963 = tpu.vector_load %arg22[%swap3A_961, %swap3A_962] {strides = array<i32>} : memref<64x128xf32, #tpu.memory_space<vmem>>, vector<16xf32>,
        tpu.vector_store %arg22[%swap3A_961, %swap3A_962], %mul3A_960 {strides = array<i32>} : memref<64x128xf32, #tpu.memory_space<vmem>>, vector<16xf32>,
        %get3A_964 = arith.index_cast %add3A_955 : i32 to index
        %get3A_965 = arith.constant 16 : index
        %get3A_966 = tpu.vector_load %arg22[%get3A_964, %get3A_965] {strides = array<i32>} : memref<64x128xf32, #tpu.memory_space<vmem>>, vector<16xf32>,
        %mul3A_967 = vector.broadcast %squeeze3A_951 : f32 to vector<16xf32>
        %mul3A_968 = arith.mulf %get3A_966, %mul3A_967 : vector<16xf32>
        %swap3A_969 = arith.index_cast %add3A_955 : i32 to index
        %swap3A_970 = arith.constant 16 : index
        %swap3A_971 = tpu.vector_load %arg22[%swap3A_969, %swap3A_970] {strides = array<i32>} : memref<64x128xf32, #tpu.memory_space<vmem>>, vector<16xf32>,
        tpu.vector_store %arg22[%swap3A_969, %swap3A_970], %mul3A_968 {strides = array<i32>} : memref<64x128xf32, #tpu.memory_space<vmem>>, vector<16xf32>,
        %get3A_972 = arith.index_cast %add3A_955 : i32 to index
        %get3A_973 = arith.constant 32 : index
        %get3A_974 = tpu.vector_load %arg22[%get3A_972, %get3A_973] {strides = array<i32>} : memref<64x128xf32, #tpu.memory_space<vmem>>, vector<16xf32>,
        %mul3A_975 = vector.broadcast %squeeze3A_951 : f32 to vector<16xf32>
        %mul3A_976 = arith.mulf %get3A_974, %mul3A_975 : vector<16xf32>
        %swap3A_977 = arith.index_cast %add3A_955 : i32 to index
        %swap3A_978 = arith.constant 32 : index
        %swap3A_979 = tpu.vector_load %arg22[%swap3A_977, %swap3A_978] {strides = array<i32>} : memref<64x128xf32, #tpu.memory_space<vmem>>, vector<16xf32>,
        tpu.vector_store %arg22[%swap3A_977, %swap3A_978], %mul3A_976 {strides = array<i32>} : memref<64x128xf32, #tpu.memory_space<vmem>>, vector<16xf32>,
        %get3A_980 = arith.index_cast %add3A_955 : i32 to index
        %get3A_981 = arith.constant 48 : index
        %get3A_982 = tpu.vector_load %arg22[%get3A_980, %get3A_981] {strides = array<i32>} : memref<64x128xf32, #tpu.memory_space<vmem>>, vector<16xf32>,
        %mul3A_983 = vector.broadcast %squeeze3A_951 : f32 to vector<16xf32>
        %mul3A_984 = arith.mulf %get3A_982, %mul3A_983 : vector<16xf32>
        %swap3A_985 = arith.index_cast %add3A_955 : i32 to index
        %swap3A_986 = arith.constant 48 : index
        %swap3A_987 = tpu.vector_load %arg22[%swap3A_985, %swap3A_986] {strides = array<i32>} : memref<64x128xf32, #tpu.memory_space<vmem>>, vector<16xf32>,
        tpu.vector_store %arg22[%swap3A_985, %swap3A_986], %mul3A_984 {strides = array<i32>} : memref<64x128xf32, #tpu.memory_space<vmem>>, vector<16xf32>,
        %get3A_988 = arith.index_cast %add3A_955 : i32 to index
        %get3A_989 = arith.constant 64 : index
        %get3A_990 = tpu.vector_load %arg22[%get3A_988, %get3A_989] {strides = array<i32>} : memref<64x128xf32, #tpu.memory_space<vmem>>, vector<16xf32>,
        %mul3A_991 = vector.broadcast %squeeze3A_951 : f32 to vector<16xf32>
        %mul3A_992 = arith.mulf %get3A_990, %mul3A_991 : vector<16xf32>
        %swap3A_993 = arith.index_cast %add3A_955 : i32 to index
        %swap3A_994 = arith.constant 64 : index
        %swap3A_995 = tpu.vector_load %arg22[%swap3A_993, %swap3A_994] {strides = array<i32>} : memref<64x128xf32, #tpu.memory_space<vmem>>, vector<16xf32>,
        tpu.vector_store %arg22[%swap3A_993, %swap3A_994], %mul3A_992 {strides = array<i32>} : memref<64x128xf32, #tpu.memory_space<vmem>>, vector<16xf32>,
        %get3A_996 = arith.index_cast %add3A_955 : i32 to index
        %get3A_997 = arith.constant 80 : index
        %get3A_998 = tpu.vector_load %arg22[%get3A_996, %get3A_997] {strides = array<i32>} : memref<64x128xf32, #tpu.memory_space<vmem>>, vector<16xf32>,
        %mul3A_999 = vector.broadcast %squeeze3A_951 : f32 to vector<16xf32>
        %mul3A_1000 = arith.mulf %get3A_998, %mul3A_999 : vector<16xf32>
        %swap3A_1001 = arith.index_cast %add3A_955 : i32 to index
        %swap3A_1002 = arith.constant 80 : index
        %swap3A_1003 = tpu.vector_load %arg22[%swap3A_1001, %swap3A_1002] {strides = array<i32>} : memref<64x128xf32, #tpu.memory_space<vmem>>, vector<16xf32>,
        tpu.vector_store %arg22[%swap3A_1001, %swap3A_1002], %mul3A_1000 {strides = array<i32>} : memref<64x128xf32, #tpu.memory_space<vmem>>, vector<16xf32>,
        %get3A_1004 = arith.index_cast %add3A_955 : i32 to index
        %get3A_1005 = arith.constant 96 : index
        %get3A_1006 = tpu.vector_load %arg22[%get3A_1004, %get3A_1005] {strides = array<i32>} : memref<64x128xf32, #tpu.memory_space<vmem>>, vector<16xf32>,
        %mul3A_1007 = vector.broadcast %squeeze3A_951 : f32 to vector<16xf32>
        %mul3A_1008 = arith.mulf %get3A_1006, %mul3A_1007 : vector<16xf32>
        %swap3A_1009 = arith.index_cast %add3A_955 : i32 to index
        %swap3A_1010 = arith.constant 96 : index
        %swap3A_1011 = tpu.vector_load %arg22[%swap3A_1009, %swap3A_1010] {strides = array<i32>} : memref<64x128xf32, #tpu.memory_space<vmem>>, vector<16xf32>,
        tpu.vector_store %arg22[%swap3A_1009, %swap3A_1010], %mul3A_1008 {strides = array<i32>} : memref<64x128xf32, #tpu.memory_space<vmem>>, vector<16xf32>,
        %get3A_1012 = arith.index_cast %add3A_955 : i32 to index
        %get3A_1013 = arith.constant 112 : index
        %get3A_1014 = tpu.vector_load %arg22[%get3A_1012, %get3A_1013] {strides = array<i32>} : memref<64x128xf32, #tpu.memory_space<vmem>>, vector<16xf32>,
        %mul3A_1015 = vector.broadcast %squeeze3A_951 : f32 to vector<16xf32>
        %mul3A_1016 = arith.mulf %get3A_1014, %mul3A_1015 : vector<16xf32>
        %swap3A_1017 = arith.index_cast %add3A_955 : i32 to index
        %swap3A_1018 = arith.constant 112 : index
        %swap3A_1019 = tpu.vector_load %arg22[%swap3A_1017, %swap3A_1018] {strides = array<i32>} : memref<64x128xf32, #tpu.memory_space<vmem>>, vector<16xf32>,
        tpu.vector_store %arg22[%swap3A_1017, %swap3A_1018], %mul3A_1016 {strides = array<i32>} : memref<64x128xf32, #tpu.memory_space<vmem>>, vector<16xf32>,
        %slice3A_1020 = vector.extract_strided_slice %get3A_181 {offsets = [12], sizes = [1], strides = [1]} : vector<16xf32> to vector<1xf32>
        %squeeze3A_1021 = vector.extract %slice3A_1020[0] : f32 from vector<1xf32>
        %mul3A_1022 = arith.constant 16 : i32
        %mul3A_1023 = arith.muli %scan3A_177, %mul3A_1022 : i32
        %add3A_1024 = arith.constant 12 : i32
        %add3A_1025 = arith.addi %mul3A_1023, %add3A_1024 : i32
        %get3A_1026 = arith.index_cast %add3A_1025 : i32 to index
        %get3A_1027 = arith.constant 0 : index
        %get3A_1028 = tpu.vector_load %arg22[%get3A_1026, %get3A_1027] {strides = array<i32>} : memref<64x128xf32, #tpu.memory_space<vmem>>, vector<16xf32>,
        %mul3A_1029 = vector.broadcast %squeeze3A_1021 : f32 to vector<16xf32>
        %mul3A_1030 = arith.mulf %get3A_1028, %mul3A_1029 : vector<16xf32>
        %swap3A_1031 = arith.index_cast %add3A_1025 : i32 to index
        %swap3A_1032 = arith.constant 0 : index
        %swap3A_1033 = tpu.vector_load %arg22[%swap3A_1031, %swap3A_1032] {strides = array<i32>} : memref<64x128xf32, #tpu.memory_space<vmem>>, vector<16xf32>,
        tpu.vector_store %arg22[%swap3A_1031, %swap3A_1032], %mul3A_1030 {strides = array<i32>} : memref<64x128xf32, #tpu.memory_space<vmem>>, vector<16xf32>,
        %get3A_1034 = arith.index_cast %add3A_1025 : i32 to index
        %get3A_1035 = arith.constant 16 : index
        %get3A_1036 = tpu.vector_load %arg22[%get3A_1034, %get3A_1035] {strides = array<i32>} : memref<64x128xf32, #tpu.memory_space<vmem>>, vector<16xf32>,
        %mul3A_1037 = vector.broadcast %squeeze3A_1021 : f32 to vector<16xf32>
        %mul3A_1038 = arith.mulf %get3A_1036, %mul3A_1037 : vector<16xf32>
        %swap3A_1039 = arith.index_cast %add3A_1025 : i32 to index
        %swap3A_1040 = arith.constant 16 : index
        %swap3A_1041 = tpu.vector_load %arg22[%swap3A_1039, %swap3A_1040] {strides = array<i32>} : memref<64x128xf32, #tpu.memory_space<vmem>>, vector<16xf32>,
        tpu.vector_store %arg22[%swap3A_1039, %swap3A_1040], %mul3A_1038 {strides = array<i32>} : memref<64x128xf32, #tpu.memory_space<vmem>>, vector<16xf32>,
        %get3A_1042 = arith.index_cast %add3A_1025 : i32 to index
        %get3A_1043 = arith.constant 32 : index
        %get3A_1044 = tpu.vector_load %arg22[%get3A_1042, %get3A_1043] {strides = array<i32>} : memref<64x128xf32, #tpu.memory_space<vmem>>, vector<16xf32>,
        %mul3A_1045 = vector.broadcast %squeeze3A_1021 : f32 to vector<16xf32>
        %mul3A_1046 = arith.mulf %get3A_1044, %mul3A_1045 : vector<16xf32>
        %swap3A_1047 = arith.index_cast %add3A_1025 : i32 to index
        %swap3A_1048 = arith.constant 32 : index
        %swap3A_1049 = tpu.vector_load %arg22[%swap3A_1047, %swap3A_1048] {strides = array<i32>} : memref<64x128xf32, #tpu.memory_space<vmem>>, vector<16xf32>,
        tpu.vector_store %arg22[%swap3A_1047, %swap3A_1048], %mul3A_1046 {strides = array<i32>} : memref<64x128xf32, #tpu.memory_space<vmem>>, vector<16xf32>,
        %get3A_1050 = arith.index_cast %add3A_1025 : i32 to index
        %get3A_1051 = arith.constant 48 : index
        %get3A_1052 = tpu.vector_load %arg22[%get3A_1050, %get3A_1051] {strides = array<i32>} : memref<64x128xf32, #tpu.memory_space<vmem>>, vector<16xf32>,
        %mul3A_1053 = vector.broadcast %squeeze3A_1021 : f32 to vector<16xf32>
        %mul3A_1054 = arith.mulf %get3A_1052, %mul3A_1053 : vector<16xf32>
        %swap3A_1055 = arith.index_cast %add3A_1025 : i32 to index
        %swap3A_1056 = arith.constant 48 : index
        %swap3A_1057 = tpu.vector_load %arg22[%swap3A_1055, %swap3A_1056] {strides = array<i32>} : memref<64x128xf32, #tpu.memory_space<vmem>>, vector<16xf32>,
        tpu.vector_store %arg22[%swap3A_1055, %swap3A_1056], %mul3A_1054 {strides = array<i32>} : memref<64x128xf32, #tpu.memory_space<vmem>>, vector<16xf32>,
        %get3A_1058 = arith.index_cast %add3A_1025 : i32 to index
        %get3A_1059 = arith.constant 64 : index
        %get3A_1060 = tpu.vector_load %arg22[%get3A_1058, %get3A_1059] {strides = array<i32>} : memref<64x128xf32, #tpu.memory_space<vmem>>, vector<16xf32>,
        %mul3A_1061 = vector.broadcast %squeeze3A_1021 : f32 to vector<16xf32>
        %mul3A_1062 = arith.mulf %get3A_1060, %mul3A_1061 : vector<16xf32>
        %swap3A_1063 = arith.index_cast %add3A_1025 : i32 to index
        %swap3A_1064 = arith.constant 64 : index
        %swap3A_1065 = tpu.vector_load %arg22[%swap3A_1063, %swap3A_1064] {strides = array<i32>} : memref<64x128xf32, #tpu.memory_space<vmem>>, vector<16xf32>,
        tpu.vector_store %arg22[%swap3A_1063, %swap3A_1064], %mul3A_1062 {strides = array<i32>} : memref<64x128xf32, #tpu.memory_space<vmem>>, vector<16xf32>,
        %get3A_1066 = arith.index_cast %add3A_1025 : i32 to index
        %get3A_1067 = arith.constant 80 : index
        %get3A_1068 = tpu.vector_load %arg22[%get3A_1066, %get3A_1067] {strides = array<i32>} : memref<64x128xf32, #tpu.memory_space<vmem>>, vector<16xf32>,
        %mul3A_1069 = vector.broadcast %squeeze3A_1021 : f32 to vector<16xf32>
        %mul3A_1070 = arith.mulf %get3A_1068, %mul3A_1069 : vector<16xf32>
        %swap3A_1071 = arith.index_cast %add3A_1025 : i32 to index
        %swap3A_1072 = arith.constant 80 : index
        %swap3A_1073 = tpu.vector_load %arg22[%swap3A_1071, %swap3A_1072] {strides = array<i32>} : memref<64x128xf32, #tpu.memory_space<vmem>>, vector<16xf32>,
        tpu.vector_store %arg22[%swap3A_1071, %swap3A_1072], %mul3A_1070 {strides = array<i32>} : memref<64x128xf32, #tpu.memory_space<vmem>>, vector<16xf32>,
        %get3A_1074 = arith.index_cast %add3A_1025 : i32 to index
        %get3A_1075 = arith.constant 96 : index
        %get3A_1076 = tpu.vector_load %arg22[%get3A_1074, %get3A_1075] {strides = array<i32>} : memref<64x128xf32, #tpu.memory_space<vmem>>, vector<16xf32>,
        %mul3A_1077 = vector.broadcast %squeeze3A_1021 : f32 to vector<16xf32>
        %mul3A_1078 = arith.mulf %get3A_1076, %mul3A_1077 : vector<16xf32>
        %swap3A_1079 = arith.index_cast %add3A_1025 : i32 to index
        %swap3A_1080 = arith.constant 96 : index
        %swap3A_1081 = tpu.vector_load %arg22[%swap3A_1079, %swap3A_1080] {strides = array<i32>} : memref<64x128xf32, #tpu.memory_space<vmem>>, vector<16xf32>,
        tpu.vector_store %arg22[%swap3A_1079, %swap3A_1080], %mul3A_1078 {strides = array<i32>} : memref<64x128xf32, #tpu.memory_space<vmem>>, vector<16xf32>,
        %get3A_1082 = arith.index_cast %add3A_1025 : i32 to index
        %get3A_1083 = arith.constant 112 : index
        %get3A_1084 = tpu.vector_load %arg22[%get3A_1082, %get3A_1083] {strides = array<i32>} : memref<64x128xf32, #tpu.memory_space<vmem>>, vector<16xf32>,
        %mul3A_1085 = vector.broadcast %squeeze3A_1021 : f32 to vector<16xf32>
        %mul3A_1086 = arith.mulf %get3A_1084, %mul3A_1085 : vector<16xf32>
        %swap3A_1087 = arith.index_cast %add3A_1025 : i32 to index
        %swap3A_1088 = arith.constant 112 : index
        %swap3A_1089 = tpu.vector_load %arg22[%swap3A_1087, %swap3A_1088] {strides = array<i32>} : memref<64x128xf32, #tpu.memory_space<vmem>>, vector<16xf32>,
        tpu.vector_store %arg22[%swap3A_1087, %swap3A_1088], %mul3A_1086 {strides = array<i32>} : memref<64x128xf32, #tpu.memory_space<vmem>>, vector<16xf32>,
        %slice3A_1090 = vector.extract_strided_slice %get3A_181 {offsets = [13], sizes = [1], strides = [1]} : vector<16xf32> to vector<1xf32>
        %squeeze3A_1091 = vector.extract %slice3A_1090[0] : f32 from vector<1xf32>
        %mul3A_1092 = arith.constant 16 : i32
        %mul3A_1093 = arith.muli %scan3A_177, %mul3A_1092 : i32
        %add3A_1094 = arith.constant 13 : i32
        %add3A_1095 = arith.addi %mul3A_1093, %add3A_1094 : i32
        %get3A_1096 = arith.index_cast %add3A_1095 : i32 to index
        %get3A_1097 = arith.constant 0 : index
        %get3A_1098 = tpu.vector_load %arg22[%get3A_1096, %get3A_1097] {strides = array<i32>} : memref<64x128xf32, #tpu.memory_space<vmem>>, vector<16xf32>,
        %mul3A_1099 = vector.broadcast %squeeze3A_1091 : f32 to vector<16xf32>
        %mul3A_1100 = arith.mulf %get3A_1098, %mul3A_1099 : vector<16xf32>
        %swap3A_1101 = arith.index_cast %add3A_1095 : i32 to index
        %swap3A_1102 = arith.constant 0 : index
        %swap3A_1103 = tpu.vector_load %arg22[%swap3A_1101, %swap3A_1102] {strides = array<i32>} : memref<64x128xf32, #tpu.memory_space<vmem>>, vector<16xf32>,
        tpu.vector_store %arg22[%swap3A_1101, %swap3A_1102], %mul3A_1100 {strides = array<i32>} : memref<64x128xf32, #tpu.memory_space<vmem>>, vector<16xf32>,
        %get3A_1104 = arith.index_cast %add3A_1095 : i32 to index
        %get3A_1105 = arith.constant 16 : index
        %get3A_1106 = tpu.vector_load %arg22[%get3A_1104, %get3A_1105] {strides = array<i32>} : memref<64x128xf32, #tpu.memory_space<vmem>>, vector<16xf32>,
        %mul3A_1107 = vector.broadcast %squeeze3A_1091 : f32 to vector<16xf32>
        %mul3A_1108 = arith.mulf %get3A_1106, %mul3A_1107 : vector<16xf32>
        %swap3A_1109 = arith.index_cast %add3A_1095 : i32 to index
        %swap3A_1110 = arith.constant 16 : index
        %swap3A_1111 = tpu.vector_load %arg22[%swap3A_1109, %swap3A_1110] {strides = array<i32>} : memref<64x128xf32, #tpu.memory_space<vmem>>, vector<16xf32>,
        tpu.vector_store %arg22[%swap3A_1109, %swap3A_1110], %mul3A_1108 {strides = array<i32>} : memref<64x128xf32, #tpu.memory_space<vmem>>, vector<16xf32>,
        %get3A_1112 = arith.index_cast %add3A_1095 : i32 to index
        %get3A_1113 = arith.constant 32 : index
        %get3A_1114 = tpu.vector_load %arg22[%get3A_1112, %get3A_1113] {strides = array<i32>} : memref<64x128xf32, #tpu.memory_space<vmem>>, vector<16xf32>,
        %mul3A_1115 = vector.broadcast %squeeze3A_1091 : f32 to vector<16xf32>
        %mul3A_1116 = arith.mulf %get3A_1114, %mul3A_1115 : vector<16xf32>
        %swap3A_1117 = arith.index_cast %add3A_1095 : i32 to index
        %swap3A_1118 = arith.constant 32 : index
        %swap3A_1119 = tpu.vector_load %arg22[%swap3A_1117, %swap3A_1118] {strides = array<i32>} : memref<64x128xf32, #tpu.memory_space<vmem>>, vector<16xf32>,
        tpu.vector_store %arg22[%swap3A_1117, %swap3A_1118], %mul3A_1116 {strides = array<i32>} : memref<64x128xf32, #tpu.memory_space<vmem>>, vector<16xf32>,
        %get3A_1120 = arith.index_cast %add3A_1095 : i32 to index
        %get3A_1121 = arith.constant 48 : index
        %get3A_1122 = tpu.vector_load %arg22[%get3A_1120, %get3A_1121] {strides = array<i32>} : memref<64x128xf32, #tpu.memory_space<vmem>>, vector<16xf32>,
        %mul3A_1123 = vector.broadcast %squeeze3A_1091 : f32 to vector<16xf32>
        %mul3A_1124 = arith.mulf %get3A_1122, %mul3A_1123 : vector<16xf32>
        %swap3A_1125 = arith.index_cast %add3A_1095 : i32 to index
        %swap3A_1126 = arith.constant 48 : index
        %swap3A_1127 = tpu.vector_load %arg22[%swap3A_1125, %swap3A_1126] {strides = array<i32>} : memref<64x128xf32, #tpu.memory_space<vmem>>, vector<16xf32>,
        tpu.vector_store %arg22[%swap3A_1125, %swap3A_1126], %mul3A_1124 {strides = array<i32>} : memref<64x128xf32, #tpu.memory_space<vmem>>, vector<16xf32>,
        %get3A_1128 = arith.index_cast %add3A_1095 : i32 to index
        %get3A_1129 = arith.constant 64 : index
        %get3A_1130 = tpu.vector_load %arg22[%get3A_1128, %get3A_1129] {strides = array<i32>} : memref<64x128xf32, #tpu.memory_space<vmem>>, vector<16xf32>,
        %mul3A_1131 = vector.broadcast %squeeze3A_1091 : f32 to vector<16xf32>
        %mul3A_1132 = arith.mulf %get3A_1130, %mul3A_1131 : vector<16xf32>
        %swap3A_1133 = arith.index_cast %add3A_1095 : i32 to index
        %swap3A_1134 = arith.constant 64 : index
        %swap3A_1135 = tpu.vector_load %arg22[%swap3A_1133, %swap3A_1134] {strides = array<i32>} : memref<64x128xf32, #tpu.memory_space<vmem>>, vector<16xf32>,
        tpu.vector_store %arg22[%swap3A_1133, %swap3A_1134], %mul3A_1132 {strides = array<i32>} : memref<64x128xf32, #tpu.memory_space<vmem>>, vector<16xf32>,
        %get3A_1136 = arith.index_cast %add3A_1095 : i32 to index
        %get3A_1137 = arith.constant 80 : index
        %get3A_1138 = tpu.vector_load %arg22[%get3A_1136, %get3A_1137] {strides = array<i32>} : memref<64x128xf32, #tpu.memory_space<vmem>>, vector<16xf32>,
        %mul3A_1139 = vector.broadcast %squeeze3A_1091 : f32 to vector<16xf32>
        %mul3A_1140 = arith.mulf %get3A_1138, %mul3A_1139 : vector<16xf32>
        %swap3A_1141 = arith.index_cast %add3A_1095 : i32 to index
        %swap3A_1142 = arith.constant 80 : index
        %swap3A_1143 = tpu.vector_load %arg22[%swap3A_1141, %swap3A_1142] {strides = array<i32>} : memref<64x128xf32, #tpu.memory_space<vmem>>, vector<16xf32>,
        tpu.vector_store %arg22[%swap3A_1141, %swap3A_1142], %mul3A_1140 {strides = array<i32>} : memref<64x128xf32, #tpu.memory_space<vmem>>, vector<16xf32>,
        %get3A_1144 = arith.index_cast %add3A_1095 : i32 to index
        %get3A_1145 = arith.constant 96 : index
        %get3A_1146 = tpu.vector_load %arg22[%get3A_1144, %get3A_1145] {strides = array<i32>} : memref<64x128xf32, #tpu.memory_space<vmem>>, vector<16xf32>,
        %mul3A_1147 = vector.broadcast %squeeze3A_1091 : f32 to vector<16xf32>
        %mul3A_1148 = arith.mulf %get3A_1146, %mul3A_1147 : vector<16xf32>
        %swap3A_1149 = arith.index_cast %add3A_1095 : i32 to index
        %swap3A_1150 = arith.constant 96 : index
        %swap3A_1151 = tpu.vector_load %arg22[%swap3A_1149, %swap3A_1150] {strides = array<i32>} : memref<64x128xf32, #tpu.memory_space<vmem>>, vector<16xf32>,
        tpu.vector_store %arg22[%swap3A_1149, %swap3A_1150], %mul3A_1148 {strides = array<i32>} : memref<64x128xf32, #tpu.memory_space<vmem>>, vector<16xf32>,
        %get3A_1152 = arith.index_cast %add3A_1095 : i32 to index
        %get3A_1153 = arith.constant 112 : index
        %get3A_1154 = tpu.vector_load %arg22[%get3A_1152, %get3A_1153] {strides = array<i32>} : memref<64x128xf32, #tpu.memory_space<vmem>>, vector<16xf32>,
        %mul3A_1155 = vector.broadcast %squeeze3A_1091 : f32 to vector<16xf32>
        %mul3A_1156 = arith.mulf %get3A_1154, %mul3A_1155 : vector<16xf32>
        %swap3A_1157 = arith.index_cast %add3A_1095 : i32 to index
        %swap3A_1158 = arith.constant 112 : index
        %swap3A_1159 = tpu.vector_load %arg22[%swap3A_1157, %swap3A_1158] {strides = array<i32>} : memref<64x128xf32, #tpu.memory_space<vmem>>, vector<16xf32>,
        tpu.vector_store %arg22[%swap3A_1157, %swap3A_1158], %mul3A_1156 {strides = array<i32>} : memref<64x128xf32, #tpu.memory_space<vmem>>, vector<16xf32>,
        %slice3A_1160 = vector.extract_strided_slice %get3A_181 {offsets = [14], sizes = [1], strides = [1]} : vector<16xf32> to vector<1xf32>
        %squeeze3A_1161 = vector.extract %slice3A_1160[0] : f32 from vector<1xf32>
        %mul3A_1162 = arith.constant 16 : i32
        %mul3A_1163 = arith.muli %scan3A_177, %mul3A_1162 : i32
        %add3A_1164 = arith.constant 14 : i32
        %add3A_1165 = arith.addi %mul3A_1163, %add3A_1164 : i32
        %get3A_1166 = arith.index_cast %add3A_1165 : i32 to index
        %get3A_1167 = arith.constant 0 : index
        %get3A_1168 = tpu.vector_load %arg22[%get3A_1166, %get3A_1167] {strides = array<i32>} : memref<64x128xf32, #tpu.memory_space<vmem>>, vector<16xf32>,
        %mul3A_1169 = vector.broadcast %squeeze3A_1161 : f32 to vector<16xf32>
        %mul3A_1170 = arith.mulf %get3A_1168, %mul3A_1169 : vector<16xf32>
        %swap3A_1171 = arith.index_cast %add3A_1165 : i32 to index
        %swap3A_1172 = arith.constant 0 : index
        %swap3A_1173 = tpu.vector_load %arg22[%swap3A_1171, %swap3A_1172] {strides = array<i32>} : memref<64x128xf32, #tpu.memory_space<vmem>>, vector<16xf32>,
        tpu.vector_store %arg22[%swap3A_1171, %swap3A_1172], %mul3A_1170 {strides = array<i32>} : memref<64x128xf32, #tpu.memory_space<vmem>>, vector<16xf32>,
        %get3A_1174 = arith.index_cast %add3A_1165 : i32 to index
        %get3A_1175 = arith.constant 16 : index
        %get3A_1176 = tpu.vector_load %arg22[%get3A_1174, %get3A_1175] {strides = array<i32>} : memref<64x128xf32, #tpu.memory_space<vmem>>, vector<16xf32>,
        %mul3A_1177 = vector.broadcast %squeeze3A_1161 : f32 to vector<16xf32>
        %mul3A_1178 = arith.mulf %get3A_1176, %mul3A_1177 : vector<16xf32>
        %swap3A_1179 = arith.index_cast %add3A_1165 : i32 to index
        %swap3A_1180 = arith.constant 16 : index
        %swap3A_1181 = tpu.vector_load %arg22[%swap3A_1179, %swap3A_1180] {strides = array<i32>} : memref<64x128xf32, #tpu.memory_space<vmem>>, vector<16xf32>,
        tpu.vector_store %arg22[%swap3A_1179, %swap3A_1180], %mul3A_1178 {strides = array<i32>} : memref<64x128xf32, #tpu.memory_space<vmem>>, vector<16xf32>,
        %get3A_1182 = arith.index_cast %add3A_1165 : i32 to index
        %get3A_1183 = arith.constant 32 : index
        %get3A_1184 = tpu.vector_load %arg22[%get3A_1182, %get3A_1183] {strides = array<i32>} : memref<64x128xf32, #tpu.memory_space<vmem>>, vector<16xf32>,
        %mul3A_1185 = vector.broadcast %squeeze3A_1161 : f32 to vector<16xf32>
        %mul3A_1186 = arith.mulf %get3A_1184, %mul3A_1185 : vector<16xf32>
        %swap3A_1187 = arith.index_cast %add3A_1165 : i32 to index
        %swap3A_1188 = arith.constant 32 : index
        %swap3A_1189 = tpu.vector_load %arg22[%swap3A_1187, %swap3A_1188] {strides = array<i32>} : memref<64x128xf32, #tpu.memory_space<vmem>>, vector<16xf32>,
        tpu.vector_store %arg22[%swap3A_1187, %swap3A_1188], %mul3A_1186 {strides = array<i32>} : memref<64x128xf32, #tpu.memory_space<vmem>>, vector<16xf32>,
        %get3A_1190 = arith.index_cast %add3A_1165 : i32 to index
        %get3A_1191 = arith.constant 48 : index
        %get3A_1192 = tpu.vector_load %arg22[%get3A_1190, %get3A_1191] {strides = array<i32>} : memref<64x128xf32, #tpu.memory_space<vmem>>, vector<16xf32>,
        %mul3A_1193 = vector.broadcast %squeeze3A_1161 : f32 to vector<16xf32>
        %mul3A_1194 = arith.mulf %get3A_1192, %mul3A_1193 : vector<16xf32>
        %swap3A_1195 = arith.index_cast %add3A_1165 : i32 to index
        %swap3A_1196 = arith.constant 48 : index
        %swap3A_1197 = tpu.vector_load %arg22[%swap3A_1195, %swap3A_1196] {strides = array<i32>} : memref<64x128xf32, #tpu.memory_space<vmem>>, vector<16xf32>,
        tpu.vector_store %arg22[%swap3A_1195, %swap3A_1196], %mul3A_1194 {strides = array<i32>} : memref<64x128xf32, #tpu.memory_space<vmem>>, vector<16xf32>,
        %get3A_1198 = arith.index_cast %add3A_1165 : i32 to index
        %get3A_1199 = arith.constant 64 : index
        %get3A_1200 = tpu.vector_load %arg22[%get3A_1198, %get3A_1199] {strides = array<i32>} : memref<64x128xf32, #tpu.memory_space<vmem>>, vector<16xf32>,
        %mul3A_1201 = vector.broadcast %squeeze3A_1161 : f32 to vector<16xf32>
        %mul3A_1202 = arith.mulf %get3A_1200, %mul3A_1201 : vector<16xf32>
        %swap3A_1203 = arith.index_cast %add3A_1165 : i32 to index
        %swap3A_1204 = arith.constant 64 : index
        %swap3A_1205 = tpu.vector_load %arg22[%swap3A_1203, %swap3A_1204] {strides = array<i32>} : memref<64x128xf32, #tpu.memory_space<vmem>>, vector<16xf32>,
        tpu.vector_store %arg22[%swap3A_1203, %swap3A_1204], %mul3A_1202 {strides = array<i32>} : memref<64x128xf32, #tpu.memory_space<vmem>>, vector<16xf32>,
        %get3A_1206 = arith.index_cast %add3A_1165 : i32 to index
        %get3A_1207 = arith.constant 80 : index
        %get3A_1208 = tpu.vector_load %arg22[%get3A_1206, %get3A_1207] {strides = array<i32>} : memref<64x128xf32, #tpu.memory_space<vmem>>, vector<16xf32>,
        %mul3A_1209 = vector.broadcast %squeeze3A_1161 : f32 to vector<16xf32>
        %mul3A_1210 = arith.mulf %get3A_1208, %mul3A_1209 : vector<16xf32>
        %swap3A_1211 = arith.index_cast %add3A_1165 : i32 to index
        %swap3A_1212 = arith.constant 80 : index
        %swap3A_1213 = tpu.vector_load %arg22[%swap3A_1211, %swap3A_1212] {strides = array<i32>} : memref<64x128xf32, #tpu.memory_space<vmem>>, vector<16xf32>,
        tpu.vector_store %arg22[%swap3A_1211, %swap3A_1212], %mul3A_1210 {strides = array<i32>} : memref<64x128xf32, #tpu.memory_space<vmem>>, vector<16xf32>,
        %get3A_1214 = arith.index_cast %add3A_1165 : i32 to index
        %get3A_1215 = arith.constant 96 : index
        %get3A_1216 = tpu.vector_load %arg22[%get3A_1214, %get3A_1215] {strides = array<i32>} : memref<64x128xf32, #tpu.memory_space<vmem>>, vector<16xf32>,
        %mul3A_1217 = vector.broadcast %squeeze3A_1161 : f32 to vector<16xf32>
        %mul3A_1218 = arith.mulf %get3A_1216, %mul3A_1217 : vector<16xf32>
        %swap3A_1219 = arith.index_cast %add3A_1165 : i32 to index
        %swap3A_1220 = arith.constant 96 : index
        %swap3A_1221 = tpu.vector_load %arg22[%swap3A_1219, %swap3A_1220] {strides = array<i32>} : memref<64x128xf32, #tpu.memory_space<vmem>>, vector<16xf32>,
        tpu.vector_store %arg22[%swap3A_1219, %swap3A_1220], %mul3A_1218 {strides = array<i32>} : memref<64x128xf32, #tpu.memory_space<vmem>>, vector<16xf32>,
        %get3A_1222 = arith.index_cast %add3A_1165 : i32 to index
        %get3A_1223 = arith.constant 112 : index
        %get3A_1224 = tpu.vector_load %arg22[%get3A_1222, %get3A_1223] {strides = array<i32>} : memref<64x128xf32, #tpu.memory_space<vmem>>, vector<16xf32>,
        %mul3A_1225 = vector.broadcast %squeeze3A_1161 : f32 to vector<16xf32>
        %mul3A_1226 = arith.mulf %get3A_1224, %mul3A_1225 : vector<16xf32>
        %swap3A_1227 = arith.index_cast %add3A_1165 : i32 to index
        %swap3A_1228 = arith.constant 112 : index
        %swap3A_1229 = tpu.vector_load %arg22[%swap3A_1227, %swap3A_1228] {strides = array<i32>} : memref<64x128xf32, #tpu.memory_space<vmem>>, vector<16xf32>,
        tpu.vector_store %arg22[%swap3A_1227, %swap3A_1228], %mul3A_1226 {strides = array<i32>} : memref<64x128xf32, #tpu.memory_space<vmem>>, vector<16xf32>,
        %slice3A_1230 = vector.extract_strided_slice %get3A_181 {offsets = [15], sizes = [1], strides = [1]} : vector<16xf32> to vector<1xf32>
        %squeeze3A_1231 = vector.extract %slice3A_1230[0] : f32 from vector<1xf32>
        %mul3A_1232 = arith.constant 16 : i32
        %mul3A_1233 = arith.muli %scan3A_177, %mul3A_1232 : i32
        %add3A_1234 = arith.constant 15 : i32
        %add3A_1235 = arith.addi %mul3A_1233, %add3A_1234 : i32
        %get3A_1236 = arith.index_cast %add3A_1235 : i32 to index
        %get3A_1237 = arith.constant 0 : index
        %get3A_1238 = tpu.vector_load %arg22[%get3A_1236, %get3A_1237] {strides = array<i32>} : memref<64x128xf32, #tpu.memory_space<vmem>>, vector<16xf32>,
        %mul3A_1239 = vector.broadcast %squeeze3A_1231 : f32 to vector<16xf32>
        %mul3A_1240 = arith.mulf %get3A_1238, %mul3A_1239 : vector<16xf32>
        %swap3A_1241 = arith.index_cast %add3A_1235 : i32 to index
        %swap3A_1242 = arith.constant 0 : index
        %swap3A_1243 = tpu.vector_load %arg22[%swap3A_1241, %swap3A_1242] {strides = array<i32>} : memref<64x128xf32, #tpu.memory_space<vmem>>, vector<16xf32>,
        tpu.vector_store %arg22[%swap3A_1241, %swap3A_1242], %mul3A_1240 {strides = array<i32>} : memref<64x128xf32, #tpu.memory_space<vmem>>, vector<16xf32>,
        %get3A_1244 = arith.index_cast %add3A_1235 : i32 to index
        %get3A_1245 = arith.constant 16 : index
        %get3A_1246 = tpu.vector_load %arg22[%get3A_1244, %get3A_1245] {strides = array<i32>} : memref<64x128xf32, #tpu.memory_space<vmem>>, vector<16xf32>,
        %mul3A_1247 = vector.broadcast %squeeze3A_1231 : f32 to vector<16xf32>
        %mul3A_1248 = arith.mulf %get3A_1246, %mul3A_1247 : vector<16xf32>
        %swap3A_1249 = arith.index_cast %add3A_1235 : i32 to index
        %swap3A_1250 = arith.constant 16 : index
        %swap3A_1251 = tpu.vector_load %arg22[%swap3A_1249, %swap3A_1250] {strides = array<i32>} : memref<64x128xf32, #tpu.memory_space<vmem>>, vector<16xf32>,
        tpu.vector_store %arg22[%swap3A_1249, %swap3A_1250], %mul3A_1248 {strides = array<i32>} : memref<64x128xf32, #tpu.memory_space<vmem>>, vector<16xf32>,
        %get3A_1252 = arith.index_cast %add3A_1235 : i32 to index
        %get3A_1253 = arith.constant 32 : index
        %get3A_1254 = tpu.vector_load %arg22[%get3A_1252, %get3A_1253] {strides = array<i32>} : memref<64x128xf32, #tpu.memory_space<vmem>>, vector<16xf32>,
        %mul3A_1255 = vector.broadcast %squeeze3A_1231 : f32 to vector<16xf32>
        %mul3A_1256 = arith.mulf %get3A_1254, %mul3A_1255 : vector<16xf32>
        %swap3A_1257 = arith.index_cast %add3A_1235 : i32 to index
        %swap3A_1258 = arith.constant 32 : index
        %swap3A_1259 = tpu.vector_load %arg22[%swap3A_1257, %swap3A_1258] {strides = array<i32>} : memref<64x128xf32, #tpu.memory_space<vmem>>, vector<16xf32>,
        tpu.vector_store %arg22[%swap3A_1257, %swap3A_1258], %mul3A_1256 {strides = array<i32>} : memref<64x128xf32, #tpu.memory_space<vmem>>, vector<16xf32>,
        %get3A_1260 = arith.index_cast %add3A_1235 : i32 to index
        %get3A_1261 = arith.constant 48 : index
        %get3A_1262 = tpu.vector_load %arg22[%get3A_1260, %get3A_1261] {strides = array<i32>} : memref<64x128xf32, #tpu.memory_space<vmem>>, vector<16xf32>,
        %mul3A_1263 = vector.broadcast %squeeze3A_1231 : f32 to vector<16xf32>
        %mul3A_1264 = arith.mulf %get3A_1262, %mul3A_1263 : vector<16xf32>
        %swap3A_1265 = arith.index_cast %add3A_1235 : i32 to index
        %swap3A_1266 = arith.constant 48 : index
        %swap3A_1267 = tpu.vector_load %arg22[%swap3A_1265, %swap3A_1266] {strides = array<i32>} : memref<64x128xf32, #tpu.memory_space<vmem>>, vector<16xf32>,
        tpu.vector_store %arg22[%swap3A_1265, %swap3A_1266], %mul3A_1264 {strides = array<i32>} : memref<64x128xf32, #tpu.memory_space<vmem>>, vector<16xf32>,
        %get3A_1268 = arith.index_cast %add3A_1235 : i32 to index
        %get3A_1269 = arith.constant 64 : index
        %get3A_1270 = tpu.vector_load %arg22[%get3A_1268, %get3A_1269] {strides = array<i32>} : memref<64x128xf32, #tpu.memory_space<vmem>>, vector<16xf32>,
        %mul3A_1271 = vector.broadcast %squeeze3A_1231 : f32 to vector<16xf32>
        %mul3A_1272 = arith.mulf %get3A_1270, %mul3A_1271 : vector<16xf32>
        %swap3A_1273 = arith.index_cast %add3A_1235 : i32 to index
        %swap3A_1274 = arith.constant 64 : index
        %swap3A_1275 = tpu.vector_load %arg22[%swap3A_1273, %swap3A_1274] {strides = array<i32>} : memref<64x128xf32, #tpu.memory_space<vmem>>, vector<16xf32>,
        tpu.vector_store %arg22[%swap3A_1273, %swap3A_1274], %mul3A_1272 {strides = array<i32>} : memref<64x128xf32, #tpu.memory_space<vmem>>, vector<16xf32>,
        %get3A_1276 = arith.index_cast %add3A_1235 : i32 to index
        %get3A_1277 = arith.constant 80 : index
        %get3A_1278 = tpu.vector_load %arg22[%get3A_1276, %get3A_1277] {strides = array<i32>} : memref<64x128xf32, #tpu.memory_space<vmem>>, vector<16xf32>,
        %mul3A_1279 = vector.broadcast %squeeze3A_1231 : f32 to vector<16xf32>
        %mul3A_1280 = arith.mulf %get3A_1278, %mul3A_1279 : vector<16xf32>
        %swap3A_1281 = arith.index_cast %add3A_1235 : i32 to index
        %swap3A_1282 = arith.constant 80 : index
        %swap3A_1283 = tpu.vector_load %arg22[%swap3A_1281, %swap3A_1282] {strides = array<i32>} : memref<64x128xf32, #tpu.memory_space<vmem>>, vector<16xf32>,
        tpu.vector_store %arg22[%swap3A_1281, %swap3A_1282], %mul3A_1280 {strides = array<i32>} : memref<64x128xf32, #tpu.memory_space<vmem>>, vector<16xf32>,
        %get3A_1284 = arith.index_cast %add3A_1235 : i32 to index
        %get3A_1285 = arith.constant 96 : index
        %get3A_1286 = tpu.vector_load %arg22[%get3A_1284, %get3A_1285] {strides = array<i32>} : memref<64x128xf32, #tpu.memory_space<vmem>>, vector<16xf32>,
        %mul3A_1287 = vector.broadcast %squeeze3A_1231 : f32 to vector<16xf32>
        %mul3A_1288 = arith.mulf %get3A_1286, %mul3A_1287 : vector<16xf32>
        %swap3A_1289 = arith.index_cast %add3A_1235 : i32 to index
        %swap3A_1290 = arith.constant 96 : index
        %swap3A_1291 = tpu.vector_load %arg22[%swap3A_1289, %swap3A_1290] {strides = array<i32>} : memref<64x128xf32, #tpu.memory_space<vmem>>, vector<16xf32>,
        tpu.vector_store %arg22[%swap3A_1289, %swap3A_1290], %mul3A_1288 {strides = array<i32>} : memref<64x128xf32, #tpu.memory_space<vmem>>, vector<16xf32>,
        %get3A_1292 = arith.index_cast %add3A_1235 : i32 to index
        %get3A_1293 = arith.constant 112 : index
        %get3A_1294 = tpu.vector_load %arg22[%get3A_1292, %get3A_1293] {strides = array<i32>} : memref<64x128xf32, #tpu.memory_space<vmem>>, vector<16xf32>,
        %mul3A_1295 = vector.broadcast %squeeze3A_1231 : f32 to vector<16xf32>
        %mul3A_1296 = arith.mulf %get3A_1294, %mul3A_1295 : vector<16xf32>
        %swap3A_1297 = arith.index_cast %add3A_1235 : i32 to index
        %swap3A_1298 = arith.constant 112 : index
        %swap3A_1299 = tpu.vector_load %arg22[%swap3A_1297, %swap3A_1298] {strides = array<i32>} : memref<64x128xf32, #tpu.memory_space<vmem>>, vector<16xf32>,
        tpu.vector_store %arg22[%swap3A_1297, %swap3A_1298], %mul3A_1296 {strides = array<i32>} : memref<64x128xf32, #tpu.memory_space<vmem>>, vector<16xf32>,
      }
      %scan3A_176 = arith.constant 4 : i32
      "tpu.region"() ({
        %run_scoped3A = tpu.sem_alloc : memref<!tpu.dma_semaphore, #tpu.memory_space<semaphore_mem>>
        %dma_start3A = arith.constant 0 : i32
        %dma_start3A_177 = arith.constant 0 : i32
        %dma_start3A_178 = tpu.memref_slice %arg13[%dma_start3A, %dma_start3A_177] : memref<10240x128xf32, #tpu.memory_space<vmem_shared>> -> memref<10240x128xf32, #tpu.memory_space<vmem_shared>>
        tpu.enqueue_indirect_dma source(%arg22 : memref<64x128xf32, #tpu.memory_space<vmem>>) target(%dma_start3A_178 : memref<10240x128xf32, #tpu.memory_space<vmem_shared>>) offsets(%arg18 : memref<64xi32, #tpu.memory_space<vmem>>) semaphore(%run_scoped3A : memref<!tpu.dma_semaphore, #tpu.memory_space<semaphore_mem>>) {add = true}
        %dma_wait3A = arith.constant 0 : i32
        %dma_wait3A_179 = arith.constant 0 : i32
        %dma_wait3A_180 = tpu.memref_slice %arg13[%dma_wait3A, %dma_wait3A_179] : memref<10240x128xf32, #tpu.memory_space<vmem_shared>> -> memref<10240x128xf32, #tpu.memory_space<vmem_shared>>
        tpu.wait_indirect_dma semaphore(%run_scoped3A : memref<!tpu.dma_semaphore, #tpu.memory_space<semaphore_mem>>) src(%arg22 : memref<64x128xf32, #tpu.memory_space<vmem>>) dst(%dma_wait3A_180 : memref<10240x128xf32, #tpu.memory_space<vmem_shared>>)
        tpu.yield
      }) : () -> ()
    }
    %while3A_44 = arith.constant 1 : i32
    scf.for %while3A_62 = %while3A_42 to %while3A_38 step %while3A_44  : i32 {
      %mul3A_63 = arith.constant 16 : i32
      %mul3A_64 = arith.muli %while3A_62, %mul3A_63 : i32
      %add3A_65 = arith.addi %arg1, %mul3A_64 : i32
      %mul3A_66 = arith.constant 64 : i32
      %mul3A_67 = arith.muli %add3A_65, %mul3A_66 : i32
      "tpu.region"() ({
        %run_scoped3A = tpu.sem_alloc : memref<!tpu.dma_semaphore, #tpu.memory_space<semaphore_mem>>
        %dma_start3A = tpu.memref_slice %arg3[%mul3A_67] : memref<320000xi32, #tpu.memory_space<hbm>> -> memref<64xi32, #tpu.memory_space<hbm>>
        %dma_start3A_177 = tpu.memref_slice %arg3[%mul3A_67] : memref<320000xi32, #tpu.memory_space<hbm>> -> memref<64xi32, #tpu.memory_space<hbm>>
        tpu.enqueue_dma source(%dma_start3A_177 : memref<64xi32, #tpu.memory_space<hbm>>) target(%arg18 : memref<64xi32, #tpu.memory_space<vmem>>) target_semaphore(%run_scoped3A : memref<!tpu.dma_semaphore, #tpu.memory_space<semaphore_mem>>)
        %dma_wait3A = tpu.memref_slice %arg3[%mul3A_67] : memref<320000xi32, #tpu.memory_space<hbm>> -> memref<64xi32, #tpu.memory_space<hbm>>
        %dma_wait3A_178 = tpu.memref_slice %arg3[%mul3A_67] : memref<320000xi32, #tpu.memory_space<hbm>> -> memref<64xi32, #tpu.memory_space<hbm>>
        tpu.wait_dma2 semaphore(%run_scoped3A : memref<!tpu.dma_semaphore, #tpu.memory_space<semaphore_mem>>) src(%dma_wait3A_178 : memref<64xi32, #tpu.memory_space<hbm>>) dst(%arg18 : memref<64xi32, #tpu.memory_space<vmem>>)
        tpu.yield
      }) : () -> ()
      "tpu.region"() ({
        %run_scoped3A = tpu.sem_alloc : memref<!tpu.dma_semaphore, #tpu.memory_space<semaphore_mem>>
        %dma_start3A = tpu.memref_slice %arg4[%mul3A_67] : memref<320000xi32, #tpu.memory_space<hbm>> -> memref<64xi32, #tpu.memory_space<hbm>>
        %dma_start3A_177 = tpu.memref_slice %arg4[%mul3A_67] : memref<320000xi32, #tpu.memory_space<hbm>> -> memref<64xi32, #tpu.memory_space<hbm>>
        tpu.enqueue_dma source(%dma_start3A_177 : memref<64xi32, #tpu.memory_space<hbm>>) target(%arg19 : memref<64xi32, #tpu.memory_space<vmem>>) target_semaphore(%run_scoped3A : memref<!tpu.dma_semaphore, #tpu.memory_space<semaphore_mem>>)
        %dma_wait3A = tpu.memref_slice %arg4[%mul3A_67] : memref<320000xi32, #tpu.memory_space<hbm>> -> memref<64xi32, #tpu.memory_space<hbm>>
        %dma_wait3A_178 = tpu.memref_slice %arg4[%mul3A_67] : memref<320000xi32, #tpu.memory_space<hbm>> -> memref<64xi32, #tpu.memory_space<hbm>>
        tpu.wait_dma2 semaphore(%run_scoped3A : memref<!tpu.dma_semaphore, #tpu.memory_space<semaphore_mem>>) src(%dma_wait3A_178 : memref<64xi32, #tpu.memory_space<hbm>>) dst(%arg19 : memref<64xi32, #tpu.memory_space<vmem>>)
        tpu.yield
      }) : () -> ()
      "tpu.region"() ({
        %run_scoped3A = tpu.sem_alloc : memref<!tpu.dma_semaphore, #tpu.memory_space<semaphore_mem>>
        %dma_start3A = tpu.memref_slice %arg5[%mul3A_67] : memref<320000xf32, #tpu.memory_space<hbm>> -> memref<64xf32, #tpu.memory_space<hbm>>
        %dma_start3A_177 = tpu.memref_slice %arg5[%mul3A_67] : memref<320000xf32, #tpu.memory_space<hbm>> -> memref<64xf32, #tpu.memory_space<hbm>>
        tpu.enqueue_dma source(%dma_start3A_177 : memref<64xf32, #tpu.memory_space<hbm>>) target(%arg20 : memref<64xf32, #tpu.memory_space<vmem>>) target_semaphore(%run_scoped3A : memref<!tpu.dma_semaphore, #tpu.memory_space<semaphore_mem>>)
        %dma_wait3A = tpu.memref_slice %arg5[%mul3A_67] : memref<320000xf32, #tpu.memory_space<hbm>> -> memref<64xf32, #tpu.memory_space<hbm>>
        %dma_wait3A_178 = tpu.memref_slice %arg5[%mul3A_67] : memref<320000xf32, #tpu.memory_space<hbm>> -> memref<64xf32, #tpu.memory_space<hbm>>
        tpu.wait_dma2 semaphore(%run_scoped3A : memref<!tpu.dma_semaphore, #tpu.memory_space<semaphore_mem>>) src(%dma_wait3A_178 : memref<64xf32, #tpu.memory_space<hbm>>) dst(%arg20 : memref<64xf32, #tpu.memory_space<vmem>>)
        tpu.yield
      }) : () -> ()
      %eq3A_68 = arith.constant 0 : i32
      %eq3A_69 = arith.cmpi eq, %arg0, %eq3A_68 : i32
      %convert_element_type3A_70 = arith.extui %eq3A_69 : i1 to i32
      %cond3A_71 = arith.constant 0 : i32
      %cond3A_72 = arith.cmpi ne, %convert_element_type3A_70, %cond3A_71 : i32
      scf.if %cond3A_72 {
        %dma_start3A = arith.constant 0 : i32
        %dma_start3A_177 = arith.constant 0 : i32
        %dma_start3A_178 = tpu.memref_slice %arg2[%dma_start3A, %dma_start3A_177] : memref<10000x128xf32, #tpu.memory_space<hbm>> -> memref<10000x128xf32, #tpu.memory_space<hbm>>
        tpu.enqueue_indirect_dma source(%dma_start3A_178 : memref<10000x128xf32, #tpu.memory_space<hbm>>) target(%arg22 : memref<64x128xf32, #tpu.memory_space<vmem>>) offsets(%arg19 : memref<64xi32, #tpu.memory_space<vmem>>) semaphore(%arg26 : memref<!tpu.dma_semaphore, #tpu.memory_space<semaphore_mem>>)
        %dma_wait3A = arith.constant 0 : i32
        %dma_wait3A_179 = arith.constant 0 : i32
        %dma_wait3A_180 = tpu.memref_slice %arg2[%dma_wait3A, %dma_wait3A_179] : memref<10000x128xf32, #tpu.memory_space<hbm>> -> memref<10000x128xf32, #tpu.memory_space<hbm>>
        tpu.wait_indirect_dma semaphore(%arg26 : memref<!tpu.dma_semaphore, #tpu.memory_space<semaphore_mem>>) src(%dma_wait3A_180 : memref<10000x128xf32, #tpu.memory_space<hbm>>) dst(%arg22 : memref<64x128xf32, #tpu.memory_space<vmem>>)
      } else {
      }
      %eq3A_73 = arith.constant 1 : i32
      %eq3A_74 = arith.cmpi eq, %arg0, %eq3A_73 : i32
      %convert_element_type3A_75 = arith.extui %eq3A_74 : i1 to i32
      %cond3A_76 = arith.constant 0 : i32
      %cond3A_77 = arith.cmpi ne, %convert_element_type3A_75, %cond3A_76 : i32
      scf.if %cond3A_77 {
        %lt3A_177 = arith.constant 4000 : i32
        %lt3A_178 = arith.cmpi slt, %add3A_65, %lt3A_177 : i32
        %convert_element_type3A_179 = arith.extui %lt3A_178 : i1 to i32
        %cond3A_180 = arith.constant 0 : i32
        %cond3A_181 = arith.cmpi ne, %convert_element_type3A_179, %cond3A_180 : i32
        scf.if %cond3A_181 {
          "tpu.region"() ({
            %run_scoped3A = tpu.sem_alloc : memref<!tpu.dma_semaphore, #tpu.memory_space<semaphore_mem>>
            %dma_start3A = arith.constant 0 : i32
            %dma_start3A_186 = tpu.memref_slice %arg8[%mul3A_67, %dma_start3A] : memref<256000x128xf32, #tpu.memory_space<hbm>> -> memref<64x128xf32, #tpu.memory_space<hbm>>
            %dma_start3A_187 = arith.constant 0 : i32
            %dma_start3A_188 = tpu.memref_slice %arg8[%mul3A_67, %dma_start3A_187] : memref<256000x128xf32, #tpu.memory_space<hbm>> -> memref<64x128xf32, #tpu.memory_space<hbm>>
            tpu.enqueue_dma source(%dma_start3A_188 : memref<64x128xf32, #tpu.memory_space<hbm>>) target(%arg22 : memref<64x128xf32, #tpu.memory_space<vmem>>) target_semaphore(%run_scoped3A : memref<!tpu.dma_semaphore, #tpu.memory_space<semaphore_mem>>)
            %dma_wait3A = arith.constant 0 : i32
            %dma_wait3A_189 = tpu.memref_slice %arg8[%mul3A_67, %dma_wait3A] : memref<256000x128xf32, #tpu.memory_space<hbm>> -> memref<64x128xf32, #tpu.memory_space<hbm>>
            %dma_wait3A_190 = arith.constant 0 : i32
            %dma_wait3A_191 = tpu.memref_slice %arg8[%mul3A_67, %dma_wait3A_190] : memref<256000x128xf32, #tpu.memory_space<hbm>> -> memref<64x128xf32, #tpu.memory_space<hbm>>
            tpu.wait_dma2 semaphore(%run_scoped3A : memref<!tpu.dma_semaphore, #tpu.memory_space<semaphore_mem>>) src(%dma_wait3A_191 : memref<64x128xf32, #tpu.memory_space<hbm>>) dst(%arg22 : memref<64x128xf32, #tpu.memory_space<vmem>>)
            tpu.yield
          }) : () -> ()
        } else {
        }
        %ge3A = arith.constant 4000 : i32
        %ge3A_182 = arith.cmpi sge, %add3A_65, %ge3A : i32
        %convert_element_type3A_183 = arith.extui %ge3A_182 : i1 to i32
        %cond3A_184 = arith.constant 0 : i32
        %cond3A_185 = arith.cmpi ne, %convert_element_type3A_183, %cond3A_184 : i32
        scf.if %cond3A_185 {
          %sub3A = arith.constant 256000 : i32
          %sub3A_186 = arith.subi %mul3A_67, %sub3A : i32
          "tpu.region"() ({
            %run_scoped3A = tpu.sem_alloc : memref<!tpu.dma_semaphore, #tpu.memory_space<semaphore_mem>>
            %dma_start3A = arith.constant 0 : i32
            %dma_start3A_187 = tpu.memref_slice %arg9[%sub3A_186, %dma_start3A] : memref<64000x128xf32, #tpu.memory_space<hbm>> -> memref<64x128xf32, #tpu.memory_space<hbm>>
            %dma_start3A_188 = arith.constant 0 : i32
            %dma_start3A_189 = tpu.memref_slice %arg9[%sub3A_186, %dma_start3A_188] : memref<64000x128xf32, #tpu.memory_space<hbm>> -> memref<64x128xf32, #tpu.memory_space<hbm>>
            tpu.enqueue_dma source(%dma_start3A_189 : memref<64x128xf32, #tpu.memory_space<hbm>>) target(%arg22 : memref<64x128xf32, #tpu.memory_space<vmem>>) target_semaphore(%run_scoped3A : memref<!tpu.dma_semaphore, #tpu.memory_space<semaphore_mem>>)
            %dma_wait3A = arith.constant 0 : i32
            %dma_wait3A_190 = tpu.memref_slice %arg9[%sub3A_186, %dma_wait3A] : memref<64000x128xf32, #tpu.memory_space<hbm>> -> memref<64x128xf32, #tpu.memory_space<hbm>>
            %dma_wait3A_191 = arith.constant 0 : i32
            %dma_wait3A_192 = tpu.memref_slice %arg9[%sub3A_186, %dma_wait3A_191] : memref<64000x128xf32, #tpu.memory_space<hbm>> -> memref<64x128xf32, #tpu.memory_space<hbm>>
            tpu.wait_dma2 semaphore(%run_scoped3A : memref<!tpu.dma_semaphore, #tpu.memory_space<semaphore_mem>>) src(%dma_wait3A_192 : memref<64x128xf32, #tpu.memory_space<hbm>>) dst(%arg22 : memref<64x128xf32, #tpu.memory_space<vmem>>)
            tpu.yield
          }) : () -> ()
        } else {
        }
      } else {
      }
      %get3A = arith.constant 0 : index
      %get3A_78 = tpu.vector_load %arg18[%get3A] {strides = array<i32>} : memref<64xi32, #tpu.memory_space<vmem>>, vector<16xi32>,
      %get3A_79 = arith.constant 0 : index
      %get3A_80 = tpu.vector_load %arg19[%get3A_79] {strides = array<i32>} : memref<64xi32, #tpu.memory_space<vmem>>, vector<16xi32>,
      %gather3A = tpu.vector_load_idx %arg16[%get3A_78] : memref<10240xf32, #tpu.memory_space<vmem>>[vector<16xi32>], vector<16xf32>,
      %gather3A_81 = tpu.vector_load_idx %arg17[%get3A_80] : memref<10240xf32, #tpu.memory_space<vmem>>[vector<16xi32>], vector<16xf32>,
      %add3A_82 = arith.addf %gather3A, %gather3A_81 : vector<16xf32>
      %get3A_83 = arith.constant 0 : index
      %get3A_84 = tpu.vector_load %arg20[%get3A_83] {strides = array<i32>} : memref<64xf32, #tpu.memory_space<vmem>>, vector<16xf32>,
      %add3A_85 = arith.addf %add3A_82, %get3A_84 : vector<16xf32>
      %neg3A = arith.constant 0.000000e+00 : f32
      %neg3A_86 = vector.broadcast %neg3A : f32 to vector<16xf32>
      %neg3A_87 = arith.subf %neg3A_86, %add3A_85 : vector<16xf32>
      %mul3A_88 = arith.constant -2.000000e-01 : f32
      %mul3A_89 = vector.broadcast %mul3A_88 : f32 to vector<16xf32>
      %mul3A_90 = arith.mulf %mul3A_89, %add3A_85 : vector<16xf32>
      %min3A = arith.minimumf %neg3A_87, %mul3A_90 : vector<16xf32>
      %exp3A = math.exp %min3A : vector<16xf32>
      %swap3A = arith.constant 0 : index
      %swap3A_91 = tpu.vector_load %arg21[%swap3A] {strides = array<i32>} : memref<64xf32, #tpu.memory_space<vmem>>, vector<16xf32>,
      tpu.vector_store %arg21[%swap3A], %exp3A {strides = array<i32>} : memref<64xf32, #tpu.memory_space<vmem>>, vector<16xf32>,
      %eq3A_92 = arith.constant 0 : i32
      %eq3A_93 = arith.cmpi eq, %arg0, %eq3A_92 : i32
      %convert_element_type3A_94 = arith.extui %eq3A_93 : i1 to i32
      %cond3A_95 = arith.constant 0 : i32
      %cond3A_96 = arith.cmpi ne, %convert_element_type3A_94, %cond3A_95 : i32
      scf.if %cond3A_96 {
        %shift_right_arithmetic3A = arith.constant 7 : i32
        %shift_right_arithmetic3A_177 = vector.broadcast %shift_right_arithmetic3A : i32 to vector<16xi32>
        %shift_right_arithmetic3A_178 = arith.shrsi %get3A_78, %shift_right_arithmetic3A_177 : vector<16xi32>
        %and3A = arith.constant 127 : i32
        %and3A_179 = vector.broadcast %and3A : i32 to vector<16xi32>
        %and3A_180 = arith.andi %get3A_78, %and3A_179 : vector<16xi32>
        tpu.vector_store_idx %arg23[%shift_right_arithmetic3A_178, %and3A_180], %exp3A {add = true} : memref<80x128xf32, #tpu.memory_space<vmem>>[vector<16xi32>, vector<16xi32>], vector<16xf32>,
      } else {
      }
      %get3A_97 = arith.constant 16 : index
      %get3A_98 = tpu.vector_load %arg18[%get3A_97] {strides = array<i32>} : memref<64xi32, #tpu.memory_space<vmem>>, vector<16xi32>,
      %get3A_99 = arith.constant 16 : index
      %get3A_100 = tpu.vector_load %arg19[%get3A_99] {strides = array<i32>} : memref<64xi32, #tpu.memory_space<vmem>>, vector<16xi32>,
      %gather3A_101 = tpu.vector_load_idx %arg16[%get3A_98] : memref<10240xf32, #tpu.memory_space<vmem>>[vector<16xi32>], vector<16xf32>,
      %gather3A_102 = tpu.vector_load_idx %arg17[%get3A_100] : memref<10240xf32, #tpu.memory_space<vmem>>[vector<16xi32>], vector<16xf32>,
      %add3A_103 = arith.addf %gather3A_101, %gather3A_102 : vector<16xf32>
      %get3A_104 = arith.constant 16 : index
      %get3A_105 = tpu.vector_load %arg20[%get3A_104] {strides = array<i32>} : memref<64xf32, #tpu.memory_space<vmem>>, vector<16xf32>,
      %add3A_106 = arith.addf %add3A_103, %get3A_105 : vector<16xf32>
      %neg3A_107 = arith.constant 0.000000e+00 : f32
      %neg3A_108 = vector.broadcast %neg3A_107 : f32 to vector<16xf32>
      %neg3A_109 = arith.subf %neg3A_108, %add3A_106 : vector<16xf32>
      %mul3A_110 = arith.constant -2.000000e-01 : f32
      %mul3A_111 = vector.broadcast %mul3A_110 : f32 to vector<16xf32>
      %mul3A_112 = arith.mulf %mul3A_111, %add3A_106 : vector<16xf32>
      %min3A_113 = arith.minimumf %neg3A_109, %mul3A_112 : vector<16xf32>
      %exp3A_114 = math.exp %min3A_113 : vector<16xf32>
      %swap3A_115 = arith.constant 16 : index
      %swap3A_116 = tpu.vector_load %arg21[%swap3A_115] {strides = array<i32>} : memref<64xf32, #tpu.memory_space<vmem>>, vector<16xf32>,
      tpu.vector_store %arg21[%swap3A_115], %exp3A_114 {strides = array<i32>} : memref<64xf32, #tpu.memory_space<vmem>>, vector<16xf32>,
      %eq3A_117 = arith.constant 0 : i32
      %eq3A_118 = arith.cmpi eq, %arg0, %eq3A_117 : i32
      %convert_element_type3A_119 = arith.extui %eq3A_118 : i1 to i32
      %cond3A_120 = arith.constant 0 : i32
      %cond3A_121 = arith.cmpi ne, %convert_element_type3A_119, %cond3A_120 : i32
      scf.if %cond3A_121 {
        %shift_right_arithmetic3A = arith.constant 7 : i32
        %shift_right_arithmetic3A_177 = vector.broadcast %shift_right_arithmetic3A : i32 to vector<16xi32>
        %shift_right_arithmetic3A_178 = arith.shrsi %get3A_98, %shift_right_arithmetic3A_177 : vector<16xi32>
        %and3A = arith.constant 127 : i32
        %and3A_179 = vector.broadcast %and3A : i32 to vector<16xi32>
        %and3A_180 = arith.andi %get3A_98, %and3A_179 : vector<16xi32>
        tpu.vector_store_idx %arg23[%shift_right_arithmetic3A_178, %and3A_180], %exp3A_114 {add = true} : memref<80x128xf32, #tpu.memory_space<vmem>>[vector<16xi32>, vector<16xi32>], vector<16xf32>,
      } else {
      }
      %get3A_122 = arith.constant 32 : index
      %get3A_123 = tpu.vector_load %arg18[%get3A_122] {strides = array<i32>} : memref<64xi32, #tpu.memory_space<vmem>>, vector<16xi32>,
      %get3A_124 = arith.constant 32 : index
      %get3A_125 = tpu.vector_load %arg19[%get3A_124] {strides = array<i32>} : memref<64xi32, #tpu.memory_space<vmem>>, vector<16xi32>,
      %gather3A_126 = tpu.vector_load_idx %arg16[%get3A_123] : memref<10240xf32, #tpu.memory_space<vmem>>[vector<16xi32>], vector<16xf32>,
      %gather3A_127 = tpu.vector_load_idx %arg17[%get3A_125] : memref<10240xf32, #tpu.memory_space<vmem>>[vector<16xi32>], vector<16xf32>,
      %add3A_128 = arith.addf %gather3A_126, %gather3A_127 : vector<16xf32>
      %get3A_129 = arith.constant 32 : index
      %get3A_130 = tpu.vector_load %arg20[%get3A_129] {strides = array<i32>} : memref<64xf32, #tpu.memory_space<vmem>>, vector<16xf32>,
      %add3A_131 = arith.addf %add3A_128, %get3A_130 : vector<16xf32>
      %neg3A_132 = arith.constant 0.000000e+00 : f32
      %neg3A_133 = vector.broadcast %neg3A_132 : f32 to vector<16xf32>
      %neg3A_134 = arith.subf %neg3A_133, %add3A_131 : vector<16xf32>
      %mul3A_135 = arith.constant -2.000000e-01 : f32
      %mul3A_136 = vector.broadcast %mul3A_135 : f32 to vector<16xf32>
      %mul3A_137 = arith.mulf %mul3A_136, %add3A_131 : vector<16xf32>
      %min3A_138 = arith.minimumf %neg3A_134, %mul3A_137 : vector<16xf32>
      %exp3A_139 = math.exp %min3A_138 : vector<16xf32>
      %swap3A_140 = arith.constant 32 : index
      %swap3A_141 = tpu.vector_load %arg21[%swap3A_140] {strides = array<i32>} : memref<64xf32, #tpu.memory_space<vmem>>, vector<16xf32>,
      tpu.vector_store %arg21[%swap3A_140], %exp3A_139 {strides = array<i32>} : memref<64xf32, #tpu.memory_space<vmem>>, vector<16xf32>,
      %eq3A_142 = arith.constant 0 : i32
      %eq3A_143 = arith.cmpi eq, %arg0, %eq3A_142 : i32
      %convert_element_type3A_144 = arith.extui %eq3A_143 : i1 to i32
      %cond3A_145 = arith.constant 0 : i32
      %cond3A_146 = arith.cmpi ne, %convert_element_type3A_144, %cond3A_145 : i32
      scf.if %cond3A_146 {
        %shift_right_arithmetic3A = arith.constant 7 : i32
        %shift_right_arithmetic3A_177 = vector.broadcast %shift_right_arithmetic3A : i32 to vector<16xi32>
        %shift_right_arithmetic3A_178 = arith.shrsi %get3A_123, %shift_right_arithmetic3A_177 : vector<16xi32>
        %and3A = arith.constant 127 : i32
        %and3A_179 = vector.broadcast %and3A : i32 to vector<16xi32>
        %and3A_180 = arith.andi %get3A_123, %and3A_179 : vector<16xi32>
        tpu.vector_store_idx %arg23[%shift_right_arithmetic3A_178, %and3A_180], %exp3A_139 {add = true} : memref<80x128xf32, #tpu.memory_space<vmem>>[vector<16xi32>, vector<16xi32>], vector<16xf32>,
      } else {
      }
      %get3A_147 = arith.constant 48 : index
      %get3A_148 = tpu.vector_load %arg18[%get3A_147] {strides = array<i32>} : memref<64xi32, #tpu.memory_space<vmem>>, vector<16xi32>,
      %get3A_149 = arith.constant 48 : index
      %get3A_150 = tpu.vector_load %arg19[%get3A_149] {strides = array<i32>} : memref<64xi32, #tpu.memory_space<vmem>>, vector<16xi32>,
      %gather3A_151 = tpu.vector_load_idx %arg16[%get3A_148] : memref<10240xf32, #tpu.memory_space<vmem>>[vector<16xi32>], vector<16xf32>,
      %gather3A_152 = tpu.vector_load_idx %arg17[%get3A_150] : memref<10240xf32, #tpu.memory_space<vmem>>[vector<16xi32>], vector<16xf32>,
      %add3A_153 = arith.addf %gather3A_151, %gather3A_152 : vector<16xf32>
      %get3A_154 = arith.constant 48 : index
      %get3A_155 = tpu.vector_load %arg20[%get3A_154] {strides = array<i32>} : memref<64xf32, #tpu.memory_space<vmem>>, vector<16xf32>,
      %add3A_156 = arith.addf %add3A_153, %get3A_155 : vector<16xf32>
      %neg3A_157 = arith.constant 0.000000e+00 : f32
      %neg3A_158 = vector.broadcast %neg3A_157 : f32 to vector<16xf32>
      %neg3A_159 = arith.subf %neg3A_158, %add3A_156 : vector<16xf32>
      %mul3A_160 = arith.constant -2.000000e-01 : f32
      %mul3A_161 = vector.broadcast %mul3A_160 : f32 to vector<16xf32>
      %mul3A_162 = arith.mulf %mul3A_161, %add3A_156 : vector<16xf32>
      %min3A_163 = arith.minimumf %neg3A_159, %mul3A_162 : vector<16xf32>
      %exp3A_164 = math.exp %min3A_163 : vector<16xf32>
      %swap3A_165 = arith.constant 48 : index
      %swap3A_166 = tpu.vector_load %arg21[%swap3A_165] {strides = array<i32>} : memref<64xf32, #tpu.memory_space<vmem>>, vector<16xf32>,
      tpu.vector_store %arg21[%swap3A_165], %exp3A_164 {strides = array<i32>} : memref<64xf32, #tpu.memory_space<vmem>>, vector<16xf32>,
      %eq3A_167 = arith.constant 0 : i32
      %eq3A_168 = arith.cmpi eq, %arg0, %eq3A_167 : i32
      %convert_element_type3A_169 = arith.extui %eq3A_168 : i1 to i32
      %cond3A_170 = arith.constant 0 : i32
      %cond3A_171 = arith.cmpi ne, %convert_element_type3A_169, %cond3A_170 : i32
      scf.if %cond3A_171 {
        %shift_right_arithmetic3A = arith.constant 7 : i32
        %shift_right_arithmetic3A_177 = vector.broadcast %shift_right_arithmetic3A : i32 to vector<16xi32>
        %shift_right_arithmetic3A_178 = arith.shrsi %get3A_148, %shift_right_arithmetic3A_177 : vector<16xi32>
        %and3A = arith.constant 127 : i32
        %and3A_179 = vector.broadcast %and3A : i32 to vector<16xi32>
        %and3A_180 = arith.andi %get3A_148, %and3A_179 : vector<16xi32>
        tpu.vector_store_idx %arg23[%shift_right_arithmetic3A_178, %and3A_180], %exp3A_164 {add = true} : memref<80x128xf32, #tpu.memory_space<vmem>>[vector<16xi32>, vector<16xi32>], vector<16xf32>,
      } else {
      }
      %scan3A_172 = arith.constant 0 : i32
      %scan3A_173 = arith.constant 4 : i32
      %scan3A_174 = arith.addi %scan3A_172, %scan3A_173 : i32
      %scan3A_175 = arith.constant 1 : i32
      scf.for %scan3A_177 = %scan3A_172 to %scan3A_174 step %scan3A_175  : i32 {
        %mul3A_178 = arith.constant 16 : i32
        %mul3A_179 = arith.muli %scan3A_177, %mul3A_178 : i32
        %get3A_180 = arith.index_cast %mul3A_179 : i32 to index
        %get3A_181 = tpu.vector_load %arg21[%get3A_180] {strides = array<i32>} : memref<64xf32, #tpu.memory_space<vmem>>, vector<16xf32>,
        %slice3A = vector.extract_strided_slice %get3A_181 {offsets = [0], sizes = [1], strides = [1]} : vector<16xf32> to vector<1xf32>
        %squeeze3A = vector.extract %slice3A[0] : f32 from vector<1xf32>
        %mul3A_182 = arith.constant 16 : i32
        %mul3A_183 = arith.muli %scan3A_177, %mul3A_182 : i32
        %add3A_184 = arith.constant 0 : i32
        %add3A_185 = arith.addi %mul3A_183, %add3A_184 : i32
        %get3A_186 = arith.index_cast %add3A_185 : i32 to index
        %get3A_187 = arith.constant 0 : index
        %get3A_188 = tpu.vector_load %arg22[%get3A_186, %get3A_187] {strides = array<i32>} : memref<64x128xf32, #tpu.memory_space<vmem>>, vector<16xf32>,
        %mul3A_189 = vector.broadcast %squeeze3A : f32 to vector<16xf32>
        %mul3A_190 = arith.mulf %get3A_188, %mul3A_189 : vector<16xf32>
        %swap3A_191 = arith.index_cast %add3A_185 : i32 to index
        %swap3A_192 = arith.constant 0 : index
        %swap3A_193 = tpu.vector_load %arg22[%swap3A_191, %swap3A_192] {strides = array<i32>} : memref<64x128xf32, #tpu.memory_space<vmem>>, vector<16xf32>,
        tpu.vector_store %arg22[%swap3A_191, %swap3A_192], %mul3A_190 {strides = array<i32>} : memref<64x128xf32, #tpu.memory_space<vmem>>, vector<16xf32>,
        %get3A_194 = arith.index_cast %add3A_185 : i32 to index
        %get3A_195 = arith.constant 16 : index
        %get3A_196 = tpu.vector_load %arg22[%get3A_194, %get3A_195] {strides = array<i32>} : memref<64x128xf32, #tpu.memory_space<vmem>>, vector<16xf32>,
        %mul3A_197 = vector.broadcast %squeeze3A : f32 to vector<16xf32>
        %mul3A_198 = arith.mulf %get3A_196, %mul3A_197 : vector<16xf32>
        %swap3A_199 = arith.index_cast %add3A_185 : i32 to index
        %swap3A_200 = arith.constant 16 : index
        %swap3A_201 = tpu.vector_load %arg22[%swap3A_199, %swap3A_200] {strides = array<i32>} : memref<64x128xf32, #tpu.memory_space<vmem>>, vector<16xf32>,
        tpu.vector_store %arg22[%swap3A_199, %swap3A_200], %mul3A_198 {strides = array<i32>} : memref<64x128xf32, #tpu.memory_space<vmem>>, vector<16xf32>,
        %get3A_202 = arith.index_cast %add3A_185 : i32 to index
        %get3A_203 = arith.constant 32 : index
        %get3A_204 = tpu.vector_load %arg22[%get3A_202, %get3A_203] {strides = array<i32>} : memref<64x128xf32, #tpu.memory_space<vmem>>, vector<16xf32>,
        %mul3A_205 = vector.broadcast %squeeze3A : f32 to vector<16xf32>
        %mul3A_206 = arith.mulf %get3A_204, %mul3A_205 : vector<16xf32>
        %swap3A_207 = arith.index_cast %add3A_185 : i32 to index
        %swap3A_208 = arith.constant 32 : index
        %swap3A_209 = tpu.vector_load %arg22[%swap3A_207, %swap3A_208] {strides = array<i32>} : memref<64x128xf32, #tpu.memory_space<vmem>>, vector<16xf32>,
        tpu.vector_store %arg22[%swap3A_207, %swap3A_208], %mul3A_206 {strides = array<i32>} : memref<64x128xf32, #tpu.memory_space<vmem>>, vector<16xf32>,
        %get3A_210 = arith.index_cast %add3A_185 : i32 to index
        %get3A_211 = arith.constant 48 : index
        %get3A_212 = tpu.vector_load %arg22[%get3A_210, %get3A_211] {strides = array<i32>} : memref<64x128xf32, #tpu.memory_space<vmem>>, vector<16xf32>,
        %mul3A_213 = vector.broadcast %squeeze3A : f32 to vector<16xf32>
        %mul3A_214 = arith.mulf %get3A_212, %mul3A_213 : vector<16xf32>
        %swap3A_215 = arith.index_cast %add3A_185 : i32 to index
        %swap3A_216 = arith.constant 48 : index
        %swap3A_217 = tpu.vector_load %arg22[%swap3A_215, %swap3A_216] {strides = array<i32>} : memref<64x128xf32, #tpu.memory_space<vmem>>, vector<16xf32>,
        tpu.vector_store %arg22[%swap3A_215, %swap3A_216], %mul3A_214 {strides = array<i32>} : memref<64x128xf32, #tpu.memory_space<vmem>>, vector<16xf32>,
        %get3A_218 = arith.index_cast %add3A_185 : i32 to index
        %get3A_219 = arith.constant 64 : index
        %get3A_220 = tpu.vector_load %arg22[%get3A_218, %get3A_219] {strides = array<i32>} : memref<64x128xf32, #tpu.memory_space<vmem>>, vector<16xf32>,
        %mul3A_221 = vector.broadcast %squeeze3A : f32 to vector<16xf32>
        %mul3A_222 = arith.mulf %get3A_220, %mul3A_221 : vector<16xf32>
        %swap3A_223 = arith.index_cast %add3A_185 : i32 to index
        %swap3A_224 = arith.constant 64 : index
        %swap3A_225 = tpu.vector_load %arg22[%swap3A_223, %swap3A_224] {strides = array<i32>} : memref<64x128xf32, #tpu.memory_space<vmem>>, vector<16xf32>,
        tpu.vector_store %arg22[%swap3A_223, %swap3A_224], %mul3A_222 {strides = array<i32>} : memref<64x128xf32, #tpu.memory_space<vmem>>, vector<16xf32>,
        %get3A_226 = arith.index_cast %add3A_185 : i32 to index
        %get3A_227 = arith.constant 80 : index
        %get3A_228 = tpu.vector_load %arg22[%get3A_226, %get3A_227] {strides = array<i32>} : memref<64x128xf32, #tpu.memory_space<vmem>>, vector<16xf32>,
        %mul3A_229 = vector.broadcast %squeeze3A : f32 to vector<16xf32>
        %mul3A_230 = arith.mulf %get3A_228, %mul3A_229 : vector<16xf32>
        %swap3A_231 = arith.index_cast %add3A_185 : i32 to index
        %swap3A_232 = arith.constant 80 : index
        %swap3A_233 = tpu.vector_load %arg22[%swap3A_231, %swap3A_232] {strides = array<i32>} : memref<64x128xf32, #tpu.memory_space<vmem>>, vector<16xf32>,
        tpu.vector_store %arg22[%swap3A_231, %swap3A_232], %mul3A_230 {strides = array<i32>} : memref<64x128xf32, #tpu.memory_space<vmem>>, vector<16xf32>,
        %get3A_234 = arith.index_cast %add3A_185 : i32 to index
        %get3A_235 = arith.constant 96 : index
        %get3A_236 = tpu.vector_load %arg22[%get3A_234, %get3A_235] {strides = array<i32>} : memref<64x128xf32, #tpu.memory_space<vmem>>, vector<16xf32>,
        %mul3A_237 = vector.broadcast %squeeze3A : f32 to vector<16xf32>
        %mul3A_238 = arith.mulf %get3A_236, %mul3A_237 : vector<16xf32>
        %swap3A_239 = arith.index_cast %add3A_185 : i32 to index
        %swap3A_240 = arith.constant 96 : index
        %swap3A_241 = tpu.vector_load %arg22[%swap3A_239, %swap3A_240] {strides = array<i32>} : memref<64x128xf32, #tpu.memory_space<vmem>>, vector<16xf32>,
        tpu.vector_store %arg22[%swap3A_239, %swap3A_240], %mul3A_238 {strides = array<i32>} : memref<64x128xf32, #tpu.memory_space<vmem>>, vector<16xf32>,
        %get3A_242 = arith.index_cast %add3A_185 : i32 to index
        %get3A_243 = arith.constant 112 : index
        %get3A_244 = tpu.vector_load %arg22[%get3A_242, %get3A_243] {strides = array<i32>} : memref<64x128xf32, #tpu.memory_space<vmem>>, vector<16xf32>,
        %mul3A_245 = vector.broadcast %squeeze3A : f32 to vector<16xf32>
        %mul3A_246 = arith.mulf %get3A_244, %mul3A_245 : vector<16xf32>
        %swap3A_247 = arith.index_cast %add3A_185 : i32 to index
        %swap3A_248 = arith.constant 112 : index
        %swap3A_249 = tpu.vector_load %arg22[%swap3A_247, %swap3A_248] {strides = array<i32>} : memref<64x128xf32, #tpu.memory_space<vmem>>, vector<16xf32>,
        tpu.vector_store %arg22[%swap3A_247, %swap3A_248], %mul3A_246 {strides = array<i32>} : memref<64x128xf32, #tpu.memory_space<vmem>>, vector<16xf32>,
        %slice3A_250 = vector.extract_strided_slice %get3A_181 {offsets = [1], sizes = [1], strides = [1]} : vector<16xf32> to vector<1xf32>
        %squeeze3A_251 = vector.extract %slice3A_250[0] : f32 from vector<1xf32>
        %mul3A_252 = arith.constant 16 : i32
        %mul3A_253 = arith.muli %scan3A_177, %mul3A_252 : i32
        %add3A_254 = arith.constant 1 : i32
        %add3A_255 = arith.addi %mul3A_253, %add3A_254 : i32
        %get3A_256 = arith.index_cast %add3A_255 : i32 to index
        %get3A_257 = arith.constant 0 : index
        %get3A_258 = tpu.vector_load %arg22[%get3A_256, %get3A_257] {strides = array<i32>} : memref<64x128xf32, #tpu.memory_space<vmem>>, vector<16xf32>,
        %mul3A_259 = vector.broadcast %squeeze3A_251 : f32 to vector<16xf32>
        %mul3A_260 = arith.mulf %get3A_258, %mul3A_259 : vector<16xf32>
        %swap3A_261 = arith.index_cast %add3A_255 : i32 to index
        %swap3A_262 = arith.constant 0 : index
        %swap3A_263 = tpu.vector_load %arg22[%swap3A_261, %swap3A_262] {strides = array<i32>} : memref<64x128xf32, #tpu.memory_space<vmem>>, vector<16xf32>,
        tpu.vector_store %arg22[%swap3A_261, %swap3A_262], %mul3A_260 {strides = array<i32>} : memref<64x128xf32, #tpu.memory_space<vmem>>, vector<16xf32>,
        %get3A_264 = arith.index_cast %add3A_255 : i32 to index
        %get3A_265 = arith.constant 16 : index
        %get3A_266 = tpu.vector_load %arg22[%get3A_264, %get3A_265] {strides = array<i32>} : memref<64x128xf32, #tpu.memory_space<vmem>>, vector<16xf32>,
        %mul3A_267 = vector.broadcast %squeeze3A_251 : f32 to vector<16xf32>
        %mul3A_268 = arith.mulf %get3A_266, %mul3A_267 : vector<16xf32>
        %swap3A_269 = arith.index_cast %add3A_255 : i32 to index
        %swap3A_270 = arith.constant 16 : index
        %swap3A_271 = tpu.vector_load %arg22[%swap3A_269, %swap3A_270] {strides = array<i32>} : memref<64x128xf32, #tpu.memory_space<vmem>>, vector<16xf32>,
        tpu.vector_store %arg22[%swap3A_269, %swap3A_270], %mul3A_268 {strides = array<i32>} : memref<64x128xf32, #tpu.memory_space<vmem>>, vector<16xf32>,
        %get3A_272 = arith.index_cast %add3A_255 : i32 to index
        %get3A_273 = arith.constant 32 : index
        %get3A_274 = tpu.vector_load %arg22[%get3A_272, %get3A_273] {strides = array<i32>} : memref<64x128xf32, #tpu.memory_space<vmem>>, vector<16xf32>,
        %mul3A_275 = vector.broadcast %squeeze3A_251 : f32 to vector<16xf32>
        %mul3A_276 = arith.mulf %get3A_274, %mul3A_275 : vector<16xf32>
        %swap3A_277 = arith.index_cast %add3A_255 : i32 to index
        %swap3A_278 = arith.constant 32 : index
        %swap3A_279 = tpu.vector_load %arg22[%swap3A_277, %swap3A_278] {strides = array<i32>} : memref<64x128xf32, #tpu.memory_space<vmem>>, vector<16xf32>,
        tpu.vector_store %arg22[%swap3A_277, %swap3A_278], %mul3A_276 {strides = array<i32>} : memref<64x128xf32, #tpu.memory_space<vmem>>, vector<16xf32>,
        %get3A_280 = arith.index_cast %add3A_255 : i32 to index
        %get3A_281 = arith.constant 48 : index
        %get3A_282 = tpu.vector_load %arg22[%get3A_280, %get3A_281] {strides = array<i32>} : memref<64x128xf32, #tpu.memory_space<vmem>>, vector<16xf32>,
        %mul3A_283 = vector.broadcast %squeeze3A_251 : f32 to vector<16xf32>
        %mul3A_284 = arith.mulf %get3A_282, %mul3A_283 : vector<16xf32>
        %swap3A_285 = arith.index_cast %add3A_255 : i32 to index
        %swap3A_286 = arith.constant 48 : index
        %swap3A_287 = tpu.vector_load %arg22[%swap3A_285, %swap3A_286] {strides = array<i32>} : memref<64x128xf32, #tpu.memory_space<vmem>>, vector<16xf32>,
        tpu.vector_store %arg22[%swap3A_285, %swap3A_286], %mul3A_284 {strides = array<i32>} : memref<64x128xf32, #tpu.memory_space<vmem>>, vector<16xf32>,
        %get3A_288 = arith.index_cast %add3A_255 : i32 to index
        %get3A_289 = arith.constant 64 : index
        %get3A_290 = tpu.vector_load %arg22[%get3A_288, %get3A_289] {strides = array<i32>} : memref<64x128xf32, #tpu.memory_space<vmem>>, vector<16xf32>,
        %mul3A_291 = vector.broadcast %squeeze3A_251 : f32 to vector<16xf32>
        %mul3A_292 = arith.mulf %get3A_290, %mul3A_291 : vector<16xf32>
        %swap3A_293 = arith.index_cast %add3A_255 : i32 to index
        %swap3A_294 = arith.constant 64 : index
        %swap3A_295 = tpu.vector_load %arg22[%swap3A_293, %swap3A_294] {strides = array<i32>} : memref<64x128xf32, #tpu.memory_space<vmem>>, vector<16xf32>,
        tpu.vector_store %arg22[%swap3A_293, %swap3A_294], %mul3A_292 {strides = array<i32>} : memref<64x128xf32, #tpu.memory_space<vmem>>, vector<16xf32>,
        %get3A_296 = arith.index_cast %add3A_255 : i32 to index
        %get3A_297 = arith.constant 80 : index
        %get3A_298 = tpu.vector_load %arg22[%get3A_296, %get3A_297] {strides = array<i32>} : memref<64x128xf32, #tpu.memory_space<vmem>>, vector<16xf32>,
        %mul3A_299 = vector.broadcast %squeeze3A_251 : f32 to vector<16xf32>
        %mul3A_300 = arith.mulf %get3A_298, %mul3A_299 : vector<16xf32>
        %swap3A_301 = arith.index_cast %add3A_255 : i32 to index
        %swap3A_302 = arith.constant 80 : index
        %swap3A_303 = tpu.vector_load %arg22[%swap3A_301, %swap3A_302] {strides = array<i32>} : memref<64x128xf32, #tpu.memory_space<vmem>>, vector<16xf32>,
        tpu.vector_store %arg22[%swap3A_301, %swap3A_302], %mul3A_300 {strides = array<i32>} : memref<64x128xf32, #tpu.memory_space<vmem>>, vector<16xf32>,
        %get3A_304 = arith.index_cast %add3A_255 : i32 to index
        %get3A_305 = arith.constant 96 : index
        %get3A_306 = tpu.vector_load %arg22[%get3A_304, %get3A_305] {strides = array<i32>} : memref<64x128xf32, #tpu.memory_space<vmem>>, vector<16xf32>,
        %mul3A_307 = vector.broadcast %squeeze3A_251 : f32 to vector<16xf32>
        %mul3A_308 = arith.mulf %get3A_306, %mul3A_307 : vector<16xf32>
        %swap3A_309 = arith.index_cast %add3A_255 : i32 to index
        %swap3A_310 = arith.constant 96 : index
        %swap3A_311 = tpu.vector_load %arg22[%swap3A_309, %swap3A_310] {strides = array<i32>} : memref<64x128xf32, #tpu.memory_space<vmem>>, vector<16xf32>,
        tpu.vector_store %arg22[%swap3A_309, %swap3A_310], %mul3A_308 {strides = array<i32>} : memref<64x128xf32, #tpu.memory_space<vmem>>, vector<16xf32>,
        %get3A_312 = arith.index_cast %add3A_255 : i32 to index
        %get3A_313 = arith.constant 112 : index
        %get3A_314 = tpu.vector_load %arg22[%get3A_312, %get3A_313] {strides = array<i32>} : memref<64x128xf32, #tpu.memory_space<vmem>>, vector<16xf32>,
        %mul3A_315 = vector.broadcast %squeeze3A_251 : f32 to vector<16xf32>
        %mul3A_316 = arith.mulf %get3A_314, %mul3A_315 : vector<16xf32>
        %swap3A_317 = arith.index_cast %add3A_255 : i32 to index
        %swap3A_318 = arith.constant 112 : index
        %swap3A_319 = tpu.vector_load %arg22[%swap3A_317, %swap3A_318] {strides = array<i32>} : memref<64x128xf32, #tpu.memory_space<vmem>>, vector<16xf32>,
        tpu.vector_store %arg22[%swap3A_317, %swap3A_318], %mul3A_316 {strides = array<i32>} : memref<64x128xf32, #tpu.memory_space<vmem>>, vector<16xf32>,
        %slice3A_320 = vector.extract_strided_slice %get3A_181 {offsets = [2], sizes = [1], strides = [1]} : vector<16xf32> to vector<1xf32>
        %squeeze3A_321 = vector.extract %slice3A_320[0] : f32 from vector<1xf32>
        %mul3A_322 = arith.constant 16 : i32
        %mul3A_323 = arith.muli %scan3A_177, %mul3A_322 : i32
        %add3A_324 = arith.constant 2 : i32
        %add3A_325 = arith.addi %mul3A_323, %add3A_324 : i32
        %get3A_326 = arith.index_cast %add3A_325 : i32 to index
        %get3A_327 = arith.constant 0 : index
        %get3A_328 = tpu.vector_load %arg22[%get3A_326, %get3A_327] {strides = array<i32>} : memref<64x128xf32, #tpu.memory_space<vmem>>, vector<16xf32>,
        %mul3A_329 = vector.broadcast %squeeze3A_321 : f32 to vector<16xf32>
        %mul3A_330 = arith.mulf %get3A_328, %mul3A_329 : vector<16xf32>
        %swap3A_331 = arith.index_cast %add3A_325 : i32 to index
        %swap3A_332 = arith.constant 0 : index
        %swap3A_333 = tpu.vector_load %arg22[%swap3A_331, %swap3A_332] {strides = array<i32>} : memref<64x128xf32, #tpu.memory_space<vmem>>, vector<16xf32>,
        tpu.vector_store %arg22[%swap3A_331, %swap3A_332], %mul3A_330 {strides = array<i32>} : memref<64x128xf32, #tpu.memory_space<vmem>>, vector<16xf32>,
        %get3A_334 = arith.index_cast %add3A_325 : i32 to index
        %get3A_335 = arith.constant 16 : index
        %get3A_336 = tpu.vector_load %arg22[%get3A_334, %get3A_335] {strides = array<i32>} : memref<64x128xf32, #tpu.memory_space<vmem>>, vector<16xf32>,
        %mul3A_337 = vector.broadcast %squeeze3A_321 : f32 to vector<16xf32>
        %mul3A_338 = arith.mulf %get3A_336, %mul3A_337 : vector<16xf32>
        %swap3A_339 = arith.index_cast %add3A_325 : i32 to index
        %swap3A_340 = arith.constant 16 : index
        %swap3A_341 = tpu.vector_load %arg22[%swap3A_339, %swap3A_340] {strides = array<i32>} : memref<64x128xf32, #tpu.memory_space<vmem>>, vector<16xf32>,
        tpu.vector_store %arg22[%swap3A_339, %swap3A_340], %mul3A_338 {strides = array<i32>} : memref<64x128xf32, #tpu.memory_space<vmem>>, vector<16xf32>,
        %get3A_342 = arith.index_cast %add3A_325 : i32 to index
        %get3A_343 = arith.constant 32 : index
        %get3A_344 = tpu.vector_load %arg22[%get3A_342, %get3A_343] {strides = array<i32>} : memref<64x128xf32, #tpu.memory_space<vmem>>, vector<16xf32>,
        %mul3A_345 = vector.broadcast %squeeze3A_321 : f32 to vector<16xf32>
        %mul3A_346 = arith.mulf %get3A_344, %mul3A_345 : vector<16xf32>
        %swap3A_347 = arith.index_cast %add3A_325 : i32 to index
        %swap3A_348 = arith.constant 32 : index
        %swap3A_349 = tpu.vector_load %arg22[%swap3A_347, %swap3A_348] {strides = array<i32>} : memref<64x128xf32, #tpu.memory_space<vmem>>, vector<16xf32>,
        tpu.vector_store %arg22[%swap3A_347, %swap3A_348], %mul3A_346 {strides = array<i32>} : memref<64x128xf32, #tpu.memory_space<vmem>>, vector<16xf32>,
        %get3A_350 = arith.index_cast %add3A_325 : i32 to index
        %get3A_351 = arith.constant 48 : index
        %get3A_352 = tpu.vector_load %arg22[%get3A_350, %get3A_351] {strides = array<i32>} : memref<64x128xf32, #tpu.memory_space<vmem>>, vector<16xf32>,
        %mul3A_353 = vector.broadcast %squeeze3A_321 : f32 to vector<16xf32>
        %mul3A_354 = arith.mulf %get3A_352, %mul3A_353 : vector<16xf32>
        %swap3A_355 = arith.index_cast %add3A_325 : i32 to index
        %swap3A_356 = arith.constant 48 : index
        %swap3A_357 = tpu.vector_load %arg22[%swap3A_355, %swap3A_356] {strides = array<i32>} : memref<64x128xf32, #tpu.memory_space<vmem>>, vector<16xf32>,
        tpu.vector_store %arg22[%swap3A_355, %swap3A_356], %mul3A_354 {strides = array<i32>} : memref<64x128xf32, #tpu.memory_space<vmem>>, vector<16xf32>,
        %get3A_358 = arith.index_cast %add3A_325 : i32 to index
        %get3A_359 = arith.constant 64 : index
        %get3A_360 = tpu.vector_load %arg22[%get3A_358, %get3A_359] {strides = array<i32>} : memref<64x128xf32, #tpu.memory_space<vmem>>, vector<16xf32>,
        %mul3A_361 = vector.broadcast %squeeze3A_321 : f32 to vector<16xf32>
        %mul3A_362 = arith.mulf %get3A_360, %mul3A_361 : vector<16xf32>
        %swap3A_363 = arith.index_cast %add3A_325 : i32 to index
        %swap3A_364 = arith.constant 64 : index
        %swap3A_365 = tpu.vector_load %arg22[%swap3A_363, %swap3A_364] {strides = array<i32>} : memref<64x128xf32, #tpu.memory_space<vmem>>, vector<16xf32>,
        tpu.vector_store %arg22[%swap3A_363, %swap3A_364], %mul3A_362 {strides = array<i32>} : memref<64x128xf32, #tpu.memory_space<vmem>>, vector<16xf32>,
        %get3A_366 = arith.index_cast %add3A_325 : i32 to index
        %get3A_367 = arith.constant 80 : index
        %get3A_368 = tpu.vector_load %arg22[%get3A_366, %get3A_367] {strides = array<i32>} : memref<64x128xf32, #tpu.memory_space<vmem>>, vector<16xf32>,
        %mul3A_369 = vector.broadcast %squeeze3A_321 : f32 to vector<16xf32>
        %mul3A_370 = arith.mulf %get3A_368, %mul3A_369 : vector<16xf32>
        %swap3A_371 = arith.index_cast %add3A_325 : i32 to index
        %swap3A_372 = arith.constant 80 : index
        %swap3A_373 = tpu.vector_load %arg22[%swap3A_371, %swap3A_372] {strides = array<i32>} : memref<64x128xf32, #tpu.memory_space<vmem>>, vector<16xf32>,
        tpu.vector_store %arg22[%swap3A_371, %swap3A_372], %mul3A_370 {strides = array<i32>} : memref<64x128xf32, #tpu.memory_space<vmem>>, vector<16xf32>,
        %get3A_374 = arith.index_cast %add3A_325 : i32 to index
        %get3A_375 = arith.constant 96 : index
        %get3A_376 = tpu.vector_load %arg22[%get3A_374, %get3A_375] {strides = array<i32>} : memref<64x128xf32, #tpu.memory_space<vmem>>, vector<16xf32>,
        %mul3A_377 = vector.broadcast %squeeze3A_321 : f32 to vector<16xf32>
        %mul3A_378 = arith.mulf %get3A_376, %mul3A_377 : vector<16xf32>
        %swap3A_379 = arith.index_cast %add3A_325 : i32 to index
        %swap3A_380 = arith.constant 96 : index
        %swap3A_381 = tpu.vector_load %arg22[%swap3A_379, %swap3A_380] {strides = array<i32>} : memref<64x128xf32, #tpu.memory_space<vmem>>, vector<16xf32>,
        tpu.vector_store %arg22[%swap3A_379, %swap3A_380], %mul3A_378 {strides = array<i32>} : memref<64x128xf32, #tpu.memory_space<vmem>>, vector<16xf32>,
        %get3A_382 = arith.index_cast %add3A_325 : i32 to index
        %get3A_383 = arith.constant 112 : index
        %get3A_384 = tpu.vector_load %arg22[%get3A_382, %get3A_383] {strides = array<i32>} : memref<64x128xf32, #tpu.memory_space<vmem>>, vector<16xf32>,
        %mul3A_385 = vector.broadcast %squeeze3A_321 : f32 to vector<16xf32>
        %mul3A_386 = arith.mulf %get3A_384, %mul3A_385 : vector<16xf32>
        %swap3A_387 = arith.index_cast %add3A_325 : i32 to index
        %swap3A_388 = arith.constant 112 : index
        %swap3A_389 = tpu.vector_load %arg22[%swap3A_387, %swap3A_388] {strides = array<i32>} : memref<64x128xf32, #tpu.memory_space<vmem>>, vector<16xf32>,
        tpu.vector_store %arg22[%swap3A_387, %swap3A_388], %mul3A_386 {strides = array<i32>} : memref<64x128xf32, #tpu.memory_space<vmem>>, vector<16xf32>,
        %slice3A_390 = vector.extract_strided_slice %get3A_181 {offsets = [3], sizes = [1], strides = [1]} : vector<16xf32> to vector<1xf32>
        %squeeze3A_391 = vector.extract %slice3A_390[0] : f32 from vector<1xf32>
        %mul3A_392 = arith.constant 16 : i32
        %mul3A_393 = arith.muli %scan3A_177, %mul3A_392 : i32
        %add3A_394 = arith.constant 3 : i32
        %add3A_395 = arith.addi %mul3A_393, %add3A_394 : i32
        %get3A_396 = arith.index_cast %add3A_395 : i32 to index
        %get3A_397 = arith.constant 0 : index
        %get3A_398 = tpu.vector_load %arg22[%get3A_396, %get3A_397] {strides = array<i32>} : memref<64x128xf32, #tpu.memory_space<vmem>>, vector<16xf32>,
        %mul3A_399 = vector.broadcast %squeeze3A_391 : f32 to vector<16xf32>
        %mul3A_400 = arith.mulf %get3A_398, %mul3A_399 : vector<16xf32>
        %swap3A_401 = arith.index_cast %add3A_395 : i32 to index
        %swap3A_402 = arith.constant 0 : index
        %swap3A_403 = tpu.vector_load %arg22[%swap3A_401, %swap3A_402] {strides = array<i32>} : memref<64x128xf32, #tpu.memory_space<vmem>>, vector<16xf32>,
        tpu.vector_store %arg22[%swap3A_401, %swap3A_402], %mul3A_400 {strides = array<i32>} : memref<64x128xf32, #tpu.memory_space<vmem>>, vector<16xf32>,
        %get3A_404 = arith.index_cast %add3A_395 : i32 to index
        %get3A_405 = arith.constant 16 : index
        %get3A_406 = tpu.vector_load %arg22[%get3A_404, %get3A_405] {strides = array<i32>} : memref<64x128xf32, #tpu.memory_space<vmem>>, vector<16xf32>,
        %mul3A_407 = vector.broadcast %squeeze3A_391 : f32 to vector<16xf32>
        %mul3A_408 = arith.mulf %get3A_406, %mul3A_407 : vector<16xf32>
        %swap3A_409 = arith.index_cast %add3A_395 : i32 to index
        %swap3A_410 = arith.constant 16 : index
        %swap3A_411 = tpu.vector_load %arg22[%swap3A_409, %swap3A_410] {strides = array<i32>} : memref<64x128xf32, #tpu.memory_space<vmem>>, vector<16xf32>,
        tpu.vector_store %arg22[%swap3A_409, %swap3A_410], %mul3A_408 {strides = array<i32>} : memref<64x128xf32, #tpu.memory_space<vmem>>, vector<16xf32>,
        %get3A_412 = arith.index_cast %add3A_395 : i32 to index
        %get3A_413 = arith.constant 32 : index
        %get3A_414 = tpu.vector_load %arg22[%get3A_412, %get3A_413] {strides = array<i32>} : memref<64x128xf32, #tpu.memory_space<vmem>>, vector<16xf32>,
        %mul3A_415 = vector.broadcast %squeeze3A_391 : f32 to vector<16xf32>
        %mul3A_416 = arith.mulf %get3A_414, %mul3A_415 : vector<16xf32>
        %swap3A_417 = arith.index_cast %add3A_395 : i32 to index
        %swap3A_418 = arith.constant 32 : index
        %swap3A_419 = tpu.vector_load %arg22[%swap3A_417, %swap3A_418] {strides = array<i32>} : memref<64x128xf32, #tpu.memory_space<vmem>>, vector<16xf32>,
        tpu.vector_store %arg22[%swap3A_417, %swap3A_418], %mul3A_416 {strides = array<i32>} : memref<64x128xf32, #tpu.memory_space<vmem>>, vector<16xf32>,
        %get3A_420 = arith.index_cast %add3A_395 : i32 to index
        %get3A_421 = arith.constant 48 : index
        %get3A_422 = tpu.vector_load %arg22[%get3A_420, %get3A_421] {strides = array<i32>} : memref<64x128xf32, #tpu.memory_space<vmem>>, vector<16xf32>,
        %mul3A_423 = vector.broadcast %squeeze3A_391 : f32 to vector<16xf32>
        %mul3A_424 = arith.mulf %get3A_422, %mul3A_423 : vector<16xf32>
        %swap3A_425 = arith.index_cast %add3A_395 : i32 to index
        %swap3A_426 = arith.constant 48 : index
        %swap3A_427 = tpu.vector_load %arg22[%swap3A_425, %swap3A_426] {strides = array<i32>} : memref<64x128xf32, #tpu.memory_space<vmem>>, vector<16xf32>,
        tpu.vector_store %arg22[%swap3A_425, %swap3A_426], %mul3A_424 {strides = array<i32>} : memref<64x128xf32, #tpu.memory_space<vmem>>, vector<16xf32>,
        %get3A_428 = arith.index_cast %add3A_395 : i32 to index
        %get3A_429 = arith.constant 64 : index
        %get3A_430 = tpu.vector_load %arg22[%get3A_428, %get3A_429] {strides = array<i32>} : memref<64x128xf32, #tpu.memory_space<vmem>>, vector<16xf32>,
        %mul3A_431 = vector.broadcast %squeeze3A_391 : f32 to vector<16xf32>
        %mul3A_432 = arith.mulf %get3A_430, %mul3A_431 : vector<16xf32>
        %swap3A_433 = arith.index_cast %add3A_395 : i32 to index
        %swap3A_434 = arith.constant 64 : index
        %swap3A_435 = tpu.vector_load %arg22[%swap3A_433, %swap3A_434] {strides = array<i32>} : memref<64x128xf32, #tpu.memory_space<vmem>>, vector<16xf32>,
        tpu.vector_store %arg22[%swap3A_433, %swap3A_434], %mul3A_432 {strides = array<i32>} : memref<64x128xf32, #tpu.memory_space<vmem>>, vector<16xf32>,
        %get3A_436 = arith.index_cast %add3A_395 : i32 to index
        %get3A_437 = arith.constant 80 : index
        %get3A_438 = tpu.vector_load %arg22[%get3A_436, %get3A_437] {strides = array<i32>} : memref<64x128xf32, #tpu.memory_space<vmem>>, vector<16xf32>,
        %mul3A_439 = vector.broadcast %squeeze3A_391 : f32 to vector<16xf32>
        %mul3A_440 = arith.mulf %get3A_438, %mul3A_439 : vector<16xf32>
        %swap3A_441 = arith.index_cast %add3A_395 : i32 to index
        %swap3A_442 = arith.constant 80 : index
        %swap3A_443 = tpu.vector_load %arg22[%swap3A_441, %swap3A_442] {strides = array<i32>} : memref<64x128xf32, #tpu.memory_space<vmem>>, vector<16xf32>,
        tpu.vector_store %arg22[%swap3A_441, %swap3A_442], %mul3A_440 {strides = array<i32>} : memref<64x128xf32, #tpu.memory_space<vmem>>, vector<16xf32>,
        %get3A_444 = arith.index_cast %add3A_395 : i32 to index
        %get3A_445 = arith.constant 96 : index
        %get3A_446 = tpu.vector_load %arg22[%get3A_444, %get3A_445] {strides = array<i32>} : memref<64x128xf32, #tpu.memory_space<vmem>>, vector<16xf32>,
        %mul3A_447 = vector.broadcast %squeeze3A_391 : f32 to vector<16xf32>
        %mul3A_448 = arith.mulf %get3A_446, %mul3A_447 : vector<16xf32>
        %swap3A_449 = arith.index_cast %add3A_395 : i32 to index
        %swap3A_450 = arith.constant 96 : index
        %swap3A_451 = tpu.vector_load %arg22[%swap3A_449, %swap3A_450] {strides = array<i32>} : memref<64x128xf32, #tpu.memory_space<vmem>>, vector<16xf32>,
        tpu.vector_store %arg22[%swap3A_449, %swap3A_450], %mul3A_448 {strides = array<i32>} : memref<64x128xf32, #tpu.memory_space<vmem>>, vector<16xf32>,
        %get3A_452 = arith.index_cast %add3A_395 : i32 to index
        %get3A_453 = arith.constant 112 : index
        %get3A_454 = tpu.vector_load %arg22[%get3A_452, %get3A_453] {strides = array<i32>} : memref<64x128xf32, #tpu.memory_space<vmem>>, vector<16xf32>,
        %mul3A_455 = vector.broadcast %squeeze3A_391 : f32 to vector<16xf32>
        %mul3A_456 = arith.mulf %get3A_454, %mul3A_455 : vector<16xf32>
        %swap3A_457 = arith.index_cast %add3A_395 : i32 to index
        %swap3A_458 = arith.constant 112 : index
        %swap3A_459 = tpu.vector_load %arg22[%swap3A_457, %swap3A_458] {strides = array<i32>} : memref<64x128xf32, #tpu.memory_space<vmem>>, vector<16xf32>,
        tpu.vector_store %arg22[%swap3A_457, %swap3A_458], %mul3A_456 {strides = array<i32>} : memref<64x128xf32, #tpu.memory_space<vmem>>, vector<16xf32>,
        %slice3A_460 = vector.extract_strided_slice %get3A_181 {offsets = [4], sizes = [1], strides = [1]} : vector<16xf32> to vector<1xf32>
        %squeeze3A_461 = vector.extract %slice3A_460[0] : f32 from vector<1xf32>
        %mul3A_462 = arith.constant 16 : i32
        %mul3A_463 = arith.muli %scan3A_177, %mul3A_462 : i32
        %add3A_464 = arith.constant 4 : i32
        %add3A_465 = arith.addi %mul3A_463, %add3A_464 : i32
        %get3A_466 = arith.index_cast %add3A_465 : i32 to index
        %get3A_467 = arith.constant 0 : index
        %get3A_468 = tpu.vector_load %arg22[%get3A_466, %get3A_467] {strides = array<i32>} : memref<64x128xf32, #tpu.memory_space<vmem>>, vector<16xf32>,
        %mul3A_469 = vector.broadcast %squeeze3A_461 : f32 to vector<16xf32>
        %mul3A_470 = arith.mulf %get3A_468, %mul3A_469 : vector<16xf32>
        %swap3A_471 = arith.index_cast %add3A_465 : i32 to index
        %swap3A_472 = arith.constant 0 : index
        %swap3A_473 = tpu.vector_load %arg22[%swap3A_471, %swap3A_472] {strides = array<i32>} : memref<64x128xf32, #tpu.memory_space<vmem>>, vector<16xf32>,
        tpu.vector_store %arg22[%swap3A_471, %swap3A_472], %mul3A_470 {strides = array<i32>} : memref<64x128xf32, #tpu.memory_space<vmem>>, vector<16xf32>,
        %get3A_474 = arith.index_cast %add3A_465 : i32 to index
        %get3A_475 = arith.constant 16 : index
        %get3A_476 = tpu.vector_load %arg22[%get3A_474, %get3A_475] {strides = array<i32>} : memref<64x128xf32, #tpu.memory_space<vmem>>, vector<16xf32>,
        %mul3A_477 = vector.broadcast %squeeze3A_461 : f32 to vector<16xf32>
        %mul3A_478 = arith.mulf %get3A_476, %mul3A_477 : vector<16xf32>
        %swap3A_479 = arith.index_cast %add3A_465 : i32 to index
        %swap3A_480 = arith.constant 16 : index
        %swap3A_481 = tpu.vector_load %arg22[%swap3A_479, %swap3A_480] {strides = array<i32>} : memref<64x128xf32, #tpu.memory_space<vmem>>, vector<16xf32>,
        tpu.vector_store %arg22[%swap3A_479, %swap3A_480], %mul3A_478 {strides = array<i32>} : memref<64x128xf32, #tpu.memory_space<vmem>>, vector<16xf32>,
        %get3A_482 = arith.index_cast %add3A_465 : i32 to index
        %get3A_483 = arith.constant 32 : index
        %get3A_484 = tpu.vector_load %arg22[%get3A_482, %get3A_483] {strides = array<i32>} : memref<64x128xf32, #tpu.memory_space<vmem>>, vector<16xf32>,
        %mul3A_485 = vector.broadcast %squeeze3A_461 : f32 to vector<16xf32>
        %mul3A_486 = arith.mulf %get3A_484, %mul3A_485 : vector<16xf32>
        %swap3A_487 = arith.index_cast %add3A_465 : i32 to index
        %swap3A_488 = arith.constant 32 : index
        %swap3A_489 = tpu.vector_load %arg22[%swap3A_487, %swap3A_488] {strides = array<i32>} : memref<64x128xf32, #tpu.memory_space<vmem>>, vector<16xf32>,
        tpu.vector_store %arg22[%swap3A_487, %swap3A_488], %mul3A_486 {strides = array<i32>} : memref<64x128xf32, #tpu.memory_space<vmem>>, vector<16xf32>,
        %get3A_490 = arith.index_cast %add3A_465 : i32 to index
        %get3A_491 = arith.constant 48 : index
        %get3A_492 = tpu.vector_load %arg22[%get3A_490, %get3A_491] {strides = array<i32>} : memref<64x128xf32, #tpu.memory_space<vmem>>, vector<16xf32>,
        %mul3A_493 = vector.broadcast %squeeze3A_461 : f32 to vector<16xf32>
        %mul3A_494 = arith.mulf %get3A_492, %mul3A_493 : vector<16xf32>
        %swap3A_495 = arith.index_cast %add3A_465 : i32 to index
        %swap3A_496 = arith.constant 48 : index
        %swap3A_497 = tpu.vector_load %arg22[%swap3A_495, %swap3A_496] {strides = array<i32>} : memref<64x128xf32, #tpu.memory_space<vmem>>, vector<16xf32>,
        tpu.vector_store %arg22[%swap3A_495, %swap3A_496], %mul3A_494 {strides = array<i32>} : memref<64x128xf32, #tpu.memory_space<vmem>>, vector<16xf32>,
        %get3A_498 = arith.index_cast %add3A_465 : i32 to index
        %get3A_499 = arith.constant 64 : index
        %get3A_500 = tpu.vector_load %arg22[%get3A_498, %get3A_499] {strides = array<i32>} : memref<64x128xf32, #tpu.memory_space<vmem>>, vector<16xf32>,
        %mul3A_501 = vector.broadcast %squeeze3A_461 : f32 to vector<16xf32>
        %mul3A_502 = arith.mulf %get3A_500, %mul3A_501 : vector<16xf32>
        %swap3A_503 = arith.index_cast %add3A_465 : i32 to index
        %swap3A_504 = arith.constant 64 : index
        %swap3A_505 = tpu.vector_load %arg22[%swap3A_503, %swap3A_504] {strides = array<i32>} : memref<64x128xf32, #tpu.memory_space<vmem>>, vector<16xf32>,
        tpu.vector_store %arg22[%swap3A_503, %swap3A_504], %mul3A_502 {strides = array<i32>} : memref<64x128xf32, #tpu.memory_space<vmem>>, vector<16xf32>,
        %get3A_506 = arith.index_cast %add3A_465 : i32 to index
        %get3A_507 = arith.constant 80 : index
        %get3A_508 = tpu.vector_load %arg22[%get3A_506, %get3A_507] {strides = array<i32>} : memref<64x128xf32, #tpu.memory_space<vmem>>, vector<16xf32>,
        %mul3A_509 = vector.broadcast %squeeze3A_461 : f32 to vector<16xf32>
        %mul3A_510 = arith.mulf %get3A_508, %mul3A_509 : vector<16xf32>
        %swap3A_511 = arith.index_cast %add3A_465 : i32 to index
        %swap3A_512 = arith.constant 80 : index
        %swap3A_513 = tpu.vector_load %arg22[%swap3A_511, %swap3A_512] {strides = array<i32>} : memref<64x128xf32, #tpu.memory_space<vmem>>, vector<16xf32>,
        tpu.vector_store %arg22[%swap3A_511, %swap3A_512], %mul3A_510 {strides = array<i32>} : memref<64x128xf32, #tpu.memory_space<vmem>>, vector<16xf32>,
        %get3A_514 = arith.index_cast %add3A_465 : i32 to index
        %get3A_515 = arith.constant 96 : index
        %get3A_516 = tpu.vector_load %arg22[%get3A_514, %get3A_515] {strides = array<i32>} : memref<64x128xf32, #tpu.memory_space<vmem>>, vector<16xf32>,
        %mul3A_517 = vector.broadcast %squeeze3A_461 : f32 to vector<16xf32>
        %mul3A_518 = arith.mulf %get3A_516, %mul3A_517 : vector<16xf32>
        %swap3A_519 = arith.index_cast %add3A_465 : i32 to index
        %swap3A_520 = arith.constant 96 : index
        %swap3A_521 = tpu.vector_load %arg22[%swap3A_519, %swap3A_520] {strides = array<i32>} : memref<64x128xf32, #tpu.memory_space<vmem>>, vector<16xf32>,
        tpu.vector_store %arg22[%swap3A_519, %swap3A_520], %mul3A_518 {strides = array<i32>} : memref<64x128xf32, #tpu.memory_space<vmem>>, vector<16xf32>,
        %get3A_522 = arith.index_cast %add3A_465 : i32 to index
        %get3A_523 = arith.constant 112 : index
        %get3A_524 = tpu.vector_load %arg22[%get3A_522, %get3A_523] {strides = array<i32>} : memref<64x128xf32, #tpu.memory_space<vmem>>, vector<16xf32>,
        %mul3A_525 = vector.broadcast %squeeze3A_461 : f32 to vector<16xf32>
        %mul3A_526 = arith.mulf %get3A_524, %mul3A_525 : vector<16xf32>
        %swap3A_527 = arith.index_cast %add3A_465 : i32 to index
        %swap3A_528 = arith.constant 112 : index
        %swap3A_529 = tpu.vector_load %arg22[%swap3A_527, %swap3A_528] {strides = array<i32>} : memref<64x128xf32, #tpu.memory_space<vmem>>, vector<16xf32>,
        tpu.vector_store %arg22[%swap3A_527, %swap3A_528], %mul3A_526 {strides = array<i32>} : memref<64x128xf32, #tpu.memory_space<vmem>>, vector<16xf32>,
        %slice3A_530 = vector.extract_strided_slice %get3A_181 {offsets = [5], sizes = [1], strides = [1]} : vector<16xf32> to vector<1xf32>
        %squeeze3A_531 = vector.extract %slice3A_530[0] : f32 from vector<1xf32>
        %mul3A_532 = arith.constant 16 : i32
        %mul3A_533 = arith.muli %scan3A_177, %mul3A_532 : i32
        %add3A_534 = arith.constant 5 : i32
        %add3A_535 = arith.addi %mul3A_533, %add3A_534 : i32
        %get3A_536 = arith.index_cast %add3A_535 : i32 to index
        %get3A_537 = arith.constant 0 : index
        %get3A_538 = tpu.vector_load %arg22[%get3A_536, %get3A_537] {strides = array<i32>} : memref<64x128xf32, #tpu.memory_space<vmem>>, vector<16xf32>,
        %mul3A_539 = vector.broadcast %squeeze3A_531 : f32 to vector<16xf32>
        %mul3A_540 = arith.mulf %get3A_538, %mul3A_539 : vector<16xf32>
        %swap3A_541 = arith.index_cast %add3A_535 : i32 to index
        %swap3A_542 = arith.constant 0 : index
        %swap3A_543 = tpu.vector_load %arg22[%swap3A_541, %swap3A_542] {strides = array<i32>} : memref<64x128xf32, #tpu.memory_space<vmem>>, vector<16xf32>,
        tpu.vector_store %arg22[%swap3A_541, %swap3A_542], %mul3A_540 {strides = array<i32>} : memref<64x128xf32, #tpu.memory_space<vmem>>, vector<16xf32>,
        %get3A_544 = arith.index_cast %add3A_535 : i32 to index
        %get3A_545 = arith.constant 16 : index
        %get3A_546 = tpu.vector_load %arg22[%get3A_544, %get3A_545] {strides = array<i32>} : memref<64x128xf32, #tpu.memory_space<vmem>>, vector<16xf32>,
        %mul3A_547 = vector.broadcast %squeeze3A_531 : f32 to vector<16xf32>
        %mul3A_548 = arith.mulf %get3A_546, %mul3A_547 : vector<16xf32>
        %swap3A_549 = arith.index_cast %add3A_535 : i32 to index
        %swap3A_550 = arith.constant 16 : index
        %swap3A_551 = tpu.vector_load %arg22[%swap3A_549, %swap3A_550] {strides = array<i32>} : memref<64x128xf32, #tpu.memory_space<vmem>>, vector<16xf32>,
        tpu.vector_store %arg22[%swap3A_549, %swap3A_550], %mul3A_548 {strides = array<i32>} : memref<64x128xf32, #tpu.memory_space<vmem>>, vector<16xf32>,
        %get3A_552 = arith.index_cast %add3A_535 : i32 to index
        %get3A_553 = arith.constant 32 : index
        %get3A_554 = tpu.vector_load %arg22[%get3A_552, %get3A_553] {strides = array<i32>} : memref<64x128xf32, #tpu.memory_space<vmem>>, vector<16xf32>,
        %mul3A_555 = vector.broadcast %squeeze3A_531 : f32 to vector<16xf32>
        %mul3A_556 = arith.mulf %get3A_554, %mul3A_555 : vector<16xf32>
        %swap3A_557 = arith.index_cast %add3A_535 : i32 to index
        %swap3A_558 = arith.constant 32 : index
        %swap3A_559 = tpu.vector_load %arg22[%swap3A_557, %swap3A_558] {strides = array<i32>} : memref<64x128xf32, #tpu.memory_space<vmem>>, vector<16xf32>,
        tpu.vector_store %arg22[%swap3A_557, %swap3A_558], %mul3A_556 {strides = array<i32>} : memref<64x128xf32, #tpu.memory_space<vmem>>, vector<16xf32>,
        %get3A_560 = arith.index_cast %add3A_535 : i32 to index
        %get3A_561 = arith.constant 48 : index
        %get3A_562 = tpu.vector_load %arg22[%get3A_560, %get3A_561] {strides = array<i32>} : memref<64x128xf32, #tpu.memory_space<vmem>>, vector<16xf32>,
        %mul3A_563 = vector.broadcast %squeeze3A_531 : f32 to vector<16xf32>
        %mul3A_564 = arith.mulf %get3A_562, %mul3A_563 : vector<16xf32>
        %swap3A_565 = arith.index_cast %add3A_535 : i32 to index
        %swap3A_566 = arith.constant 48 : index
        %swap3A_567 = tpu.vector_load %arg22[%swap3A_565, %swap3A_566] {strides = array<i32>} : memref<64x128xf32, #tpu.memory_space<vmem>>, vector<16xf32>,
        tpu.vector_store %arg22[%swap3A_565, %swap3A_566], %mul3A_564 {strides = array<i32>} : memref<64x128xf32, #tpu.memory_space<vmem>>, vector<16xf32>,
        %get3A_568 = arith.index_cast %add3A_535 : i32 to index
        %get3A_569 = arith.constant 64 : index
        %get3A_570 = tpu.vector_load %arg22[%get3A_568, %get3A_569] {strides = array<i32>} : memref<64x128xf32, #tpu.memory_space<vmem>>, vector<16xf32>,
        %mul3A_571 = vector.broadcast %squeeze3A_531 : f32 to vector<16xf32>
        %mul3A_572 = arith.mulf %get3A_570, %mul3A_571 : vector<16xf32>
        %swap3A_573 = arith.index_cast %add3A_535 : i32 to index
        %swap3A_574 = arith.constant 64 : index
        %swap3A_575 = tpu.vector_load %arg22[%swap3A_573, %swap3A_574] {strides = array<i32>} : memref<64x128xf32, #tpu.memory_space<vmem>>, vector<16xf32>,
        tpu.vector_store %arg22[%swap3A_573, %swap3A_574], %mul3A_572 {strides = array<i32>} : memref<64x128xf32, #tpu.memory_space<vmem>>, vector<16xf32>,
        %get3A_576 = arith.index_cast %add3A_535 : i32 to index
        %get3A_577 = arith.constant 80 : index
        %get3A_578 = tpu.vector_load %arg22[%get3A_576, %get3A_577] {strides = array<i32>} : memref<64x128xf32, #tpu.memory_space<vmem>>, vector<16xf32>,
        %mul3A_579 = vector.broadcast %squeeze3A_531 : f32 to vector<16xf32>
        %mul3A_580 = arith.mulf %get3A_578, %mul3A_579 : vector<16xf32>
        %swap3A_581 = arith.index_cast %add3A_535 : i32 to index
        %swap3A_582 = arith.constant 80 : index
        %swap3A_583 = tpu.vector_load %arg22[%swap3A_581, %swap3A_582] {strides = array<i32>} : memref<64x128xf32, #tpu.memory_space<vmem>>, vector<16xf32>,
        tpu.vector_store %arg22[%swap3A_581, %swap3A_582], %mul3A_580 {strides = array<i32>} : memref<64x128xf32, #tpu.memory_space<vmem>>, vector<16xf32>,
        %get3A_584 = arith.index_cast %add3A_535 : i32 to index
        %get3A_585 = arith.constant 96 : index
        %get3A_586 = tpu.vector_load %arg22[%get3A_584, %get3A_585] {strides = array<i32>} : memref<64x128xf32, #tpu.memory_space<vmem>>, vector<16xf32>,
        %mul3A_587 = vector.broadcast %squeeze3A_531 : f32 to vector<16xf32>
        %mul3A_588 = arith.mulf %get3A_586, %mul3A_587 : vector<16xf32>
        %swap3A_589 = arith.index_cast %add3A_535 : i32 to index
        %swap3A_590 = arith.constant 96 : index
        %swap3A_591 = tpu.vector_load %arg22[%swap3A_589, %swap3A_590] {strides = array<i32>} : memref<64x128xf32, #tpu.memory_space<vmem>>, vector<16xf32>,
        tpu.vector_store %arg22[%swap3A_589, %swap3A_590], %mul3A_588 {strides = array<i32>} : memref<64x128xf32, #tpu.memory_space<vmem>>, vector<16xf32>,
        %get3A_592 = arith.index_cast %add3A_535 : i32 to index
        %get3A_593 = arith.constant 112 : index
        %get3A_594 = tpu.vector_load %arg22[%get3A_592, %get3A_593] {strides = array<i32>} : memref<64x128xf32, #tpu.memory_space<vmem>>, vector<16xf32>,
        %mul3A_595 = vector.broadcast %squeeze3A_531 : f32 to vector<16xf32>
        %mul3A_596 = arith.mulf %get3A_594, %mul3A_595 : vector<16xf32>
        %swap3A_597 = arith.index_cast %add3A_535 : i32 to index
        %swap3A_598 = arith.constant 112 : index
        %swap3A_599 = tpu.vector_load %arg22[%swap3A_597, %swap3A_598] {strides = array<i32>} : memref<64x128xf32, #tpu.memory_space<vmem>>, vector<16xf32>,
        tpu.vector_store %arg22[%swap3A_597, %swap3A_598], %mul3A_596 {strides = array<i32>} : memref<64x128xf32, #tpu.memory_space<vmem>>, vector<16xf32>,
        %slice3A_600 = vector.extract_strided_slice %get3A_181 {offsets = [6], sizes = [1], strides = [1]} : vector<16xf32> to vector<1xf32>
        %squeeze3A_601 = vector.extract %slice3A_600[0] : f32 from vector<1xf32>
        %mul3A_602 = arith.constant 16 : i32
        %mul3A_603 = arith.muli %scan3A_177, %mul3A_602 : i32
        %add3A_604 = arith.constant 6 : i32
        %add3A_605 = arith.addi %mul3A_603, %add3A_604 : i32
        %get3A_606 = arith.index_cast %add3A_605 : i32 to index
        %get3A_607 = arith.constant 0 : index
        %get3A_608 = tpu.vector_load %arg22[%get3A_606, %get3A_607] {strides = array<i32>} : memref<64x128xf32, #tpu.memory_space<vmem>>, vector<16xf32>,
        %mul3A_609 = vector.broadcast %squeeze3A_601 : f32 to vector<16xf32>
        %mul3A_610 = arith.mulf %get3A_608, %mul3A_609 : vector<16xf32>
        %swap3A_611 = arith.index_cast %add3A_605 : i32 to index
        %swap3A_612 = arith.constant 0 : index
        %swap3A_613 = tpu.vector_load %arg22[%swap3A_611, %swap3A_612] {strides = array<i32>} : memref<64x128xf32, #tpu.memory_space<vmem>>, vector<16xf32>,
        tpu.vector_store %arg22[%swap3A_611, %swap3A_612], %mul3A_610 {strides = array<i32>} : memref<64x128xf32, #tpu.memory_space<vmem>>, vector<16xf32>,
        %get3A_614 = arith.index_cast %add3A_605 : i32 to index
        %get3A_615 = arith.constant 16 : index
        %get3A_616 = tpu.vector_load %arg22[%get3A_614, %get3A_615] {strides = array<i32>} : memref<64x128xf32, #tpu.memory_space<vmem>>, vector<16xf32>,
        %mul3A_617 = vector.broadcast %squeeze3A_601 : f32 to vector<16xf32>
        %mul3A_618 = arith.mulf %get3A_616, %mul3A_617 : vector<16xf32>
        %swap3A_619 = arith.index_cast %add3A_605 : i32 to index
        %swap3A_620 = arith.constant 16 : index
        %swap3A_621 = tpu.vector_load %arg22[%swap3A_619, %swap3A_620] {strides = array<i32>} : memref<64x128xf32, #tpu.memory_space<vmem>>, vector<16xf32>,
        tpu.vector_store %arg22[%swap3A_619, %swap3A_620], %mul3A_618 {strides = array<i32>} : memref<64x128xf32, #tpu.memory_space<vmem>>, vector<16xf32>,
        %get3A_622 = arith.index_cast %add3A_605 : i32 to index
        %get3A_623 = arith.constant 32 : index
        %get3A_624 = tpu.vector_load %arg22[%get3A_622, %get3A_623] {strides = array<i32>} : memref<64x128xf32, #tpu.memory_space<vmem>>, vector<16xf32>,
        %mul3A_625 = vector.broadcast %squeeze3A_601 : f32 to vector<16xf32>
        %mul3A_626 = arith.mulf %get3A_624, %mul3A_625 : vector<16xf32>
        %swap3A_627 = arith.index_cast %add3A_605 : i32 to index
        %swap3A_628 = arith.constant 32 : index
        %swap3A_629 = tpu.vector_load %arg22[%swap3A_627, %swap3A_628] {strides = array<i32>} : memref<64x128xf32, #tpu.memory_space<vmem>>, vector<16xf32>,
        tpu.vector_store %arg22[%swap3A_627, %swap3A_628], %mul3A_626 {strides = array<i32>} : memref<64x128xf32, #tpu.memory_space<vmem>>, vector<16xf32>,
        %get3A_630 = arith.index_cast %add3A_605 : i32 to index
        %get3A_631 = arith.constant 48 : index
        %get3A_632 = tpu.vector_load %arg22[%get3A_630, %get3A_631] {strides = array<i32>} : memref<64x128xf32, #tpu.memory_space<vmem>>, vector<16xf32>,
        %mul3A_633 = vector.broadcast %squeeze3A_601 : f32 to vector<16xf32>
        %mul3A_634 = arith.mulf %get3A_632, %mul3A_633 : vector<16xf32>
        %swap3A_635 = arith.index_cast %add3A_605 : i32 to index
        %swap3A_636 = arith.constant 48 : index
        %swap3A_637 = tpu.vector_load %arg22[%swap3A_635, %swap3A_636] {strides = array<i32>} : memref<64x128xf32, #tpu.memory_space<vmem>>, vector<16xf32>,
        tpu.vector_store %arg22[%swap3A_635, %swap3A_636], %mul3A_634 {strides = array<i32>} : memref<64x128xf32, #tpu.memory_space<vmem>>, vector<16xf32>,
        %get3A_638 = arith.index_cast %add3A_605 : i32 to index
        %get3A_639 = arith.constant 64 : index
        %get3A_640 = tpu.vector_load %arg22[%get3A_638, %get3A_639] {strides = array<i32>} : memref<64x128xf32, #tpu.memory_space<vmem>>, vector<16xf32>,
        %mul3A_641 = vector.broadcast %squeeze3A_601 : f32 to vector<16xf32>
        %mul3A_642 = arith.mulf %get3A_640, %mul3A_641 : vector<16xf32>
        %swap3A_643 = arith.index_cast %add3A_605 : i32 to index
        %swap3A_644 = arith.constant 64 : index
        %swap3A_645 = tpu.vector_load %arg22[%swap3A_643, %swap3A_644] {strides = array<i32>} : memref<64x128xf32, #tpu.memory_space<vmem>>, vector<16xf32>,
        tpu.vector_store %arg22[%swap3A_643, %swap3A_644], %mul3A_642 {strides = array<i32>} : memref<64x128xf32, #tpu.memory_space<vmem>>, vector<16xf32>,
        %get3A_646 = arith.index_cast %add3A_605 : i32 to index
        %get3A_647 = arith.constant 80 : index
        %get3A_648 = tpu.vector_load %arg22[%get3A_646, %get3A_647] {strides = array<i32>} : memref<64x128xf32, #tpu.memory_space<vmem>>, vector<16xf32>,
        %mul3A_649 = vector.broadcast %squeeze3A_601 : f32 to vector<16xf32>
        %mul3A_650 = arith.mulf %get3A_648, %mul3A_649 : vector<16xf32>
        %swap3A_651 = arith.index_cast %add3A_605 : i32 to index
        %swap3A_652 = arith.constant 80 : index
        %swap3A_653 = tpu.vector_load %arg22[%swap3A_651, %swap3A_652] {strides = array<i32>} : memref<64x128xf32, #tpu.memory_space<vmem>>, vector<16xf32>,
        tpu.vector_store %arg22[%swap3A_651, %swap3A_652], %mul3A_650 {strides = array<i32>} : memref<64x128xf32, #tpu.memory_space<vmem>>, vector<16xf32>,
        %get3A_654 = arith.index_cast %add3A_605 : i32 to index
        %get3A_655 = arith.constant 96 : index
        %get3A_656 = tpu.vector_load %arg22[%get3A_654, %get3A_655] {strides = array<i32>} : memref<64x128xf32, #tpu.memory_space<vmem>>, vector<16xf32>,
        %mul3A_657 = vector.broadcast %squeeze3A_601 : f32 to vector<16xf32>
        %mul3A_658 = arith.mulf %get3A_656, %mul3A_657 : vector<16xf32>
        %swap3A_659 = arith.index_cast %add3A_605 : i32 to index
        %swap3A_660 = arith.constant 96 : index
        %swap3A_661 = tpu.vector_load %arg22[%swap3A_659, %swap3A_660] {strides = array<i32>} : memref<64x128xf32, #tpu.memory_space<vmem>>, vector<16xf32>,
        tpu.vector_store %arg22[%swap3A_659, %swap3A_660], %mul3A_658 {strides = array<i32>} : memref<64x128xf32, #tpu.memory_space<vmem>>, vector<16xf32>,
        %get3A_662 = arith.index_cast %add3A_605 : i32 to index
        %get3A_663 = arith.constant 112 : index
        %get3A_664 = tpu.vector_load %arg22[%get3A_662, %get3A_663] {strides = array<i32>} : memref<64x128xf32, #tpu.memory_space<vmem>>, vector<16xf32>,
        %mul3A_665 = vector.broadcast %squeeze3A_601 : f32 to vector<16xf32>
        %mul3A_666 = arith.mulf %get3A_664, %mul3A_665 : vector<16xf32>
        %swap3A_667 = arith.index_cast %add3A_605 : i32 to index
        %swap3A_668 = arith.constant 112 : index
        %swap3A_669 = tpu.vector_load %arg22[%swap3A_667, %swap3A_668] {strides = array<i32>} : memref<64x128xf32, #tpu.memory_space<vmem>>, vector<16xf32>,
        tpu.vector_store %arg22[%swap3A_667, %swap3A_668], %mul3A_666 {strides = array<i32>} : memref<64x128xf32, #tpu.memory_space<vmem>>, vector<16xf32>,
        %slice3A_670 = vector.extract_strided_slice %get3A_181 {offsets = [7], sizes = [1], strides = [1]} : vector<16xf32> to vector<1xf32>
        %squeeze3A_671 = vector.extract %slice3A_670[0] : f32 from vector<1xf32>
        %mul3A_672 = arith.constant 16 : i32
        %mul3A_673 = arith.muli %scan3A_177, %mul3A_672 : i32
        %add3A_674 = arith.constant 7 : i32
        %add3A_675 = arith.addi %mul3A_673, %add3A_674 : i32
        %get3A_676 = arith.index_cast %add3A_675 : i32 to index
        %get3A_677 = arith.constant 0 : index
        %get3A_678 = tpu.vector_load %arg22[%get3A_676, %get3A_677] {strides = array<i32>} : memref<64x128xf32, #tpu.memory_space<vmem>>, vector<16xf32>,
        %mul3A_679 = vector.broadcast %squeeze3A_671 : f32 to vector<16xf32>
        %mul3A_680 = arith.mulf %get3A_678, %mul3A_679 : vector<16xf32>
        %swap3A_681 = arith.index_cast %add3A_675 : i32 to index
        %swap3A_682 = arith.constant 0 : index
        %swap3A_683 = tpu.vector_load %arg22[%swap3A_681, %swap3A_682] {strides = array<i32>} : memref<64x128xf32, #tpu.memory_space<vmem>>, vector<16xf32>,
        tpu.vector_store %arg22[%swap3A_681, %swap3A_682], %mul3A_680 {strides = array<i32>} : memref<64x128xf32, #tpu.memory_space<vmem>>, vector<16xf32>,
        %get3A_684 = arith.index_cast %add3A_675 : i32 to index
        %get3A_685 = arith.constant 16 : index
        %get3A_686 = tpu.vector_load %arg22[%get3A_684, %get3A_685] {strides = array<i32>} : memref<64x128xf32, #tpu.memory_space<vmem>>, vector<16xf32>,
        %mul3A_687 = vector.broadcast %squeeze3A_671 : f32 to vector<16xf32>
        %mul3A_688 = arith.mulf %get3A_686, %mul3A_687 : vector<16xf32>
        %swap3A_689 = arith.index_cast %add3A_675 : i32 to index
        %swap3A_690 = arith.constant 16 : index
        %swap3A_691 = tpu.vector_load %arg22[%swap3A_689, %swap3A_690] {strides = array<i32>} : memref<64x128xf32, #tpu.memory_space<vmem>>, vector<16xf32>,
        tpu.vector_store %arg22[%swap3A_689, %swap3A_690], %mul3A_688 {strides = array<i32>} : memref<64x128xf32, #tpu.memory_space<vmem>>, vector<16xf32>,
        %get3A_692 = arith.index_cast %add3A_675 : i32 to index
        %get3A_693 = arith.constant 32 : index
        %get3A_694 = tpu.vector_load %arg22[%get3A_692, %get3A_693] {strides = array<i32>} : memref<64x128xf32, #tpu.memory_space<vmem>>, vector<16xf32>,
        %mul3A_695 = vector.broadcast %squeeze3A_671 : f32 to vector<16xf32>
        %mul3A_696 = arith.mulf %get3A_694, %mul3A_695 : vector<16xf32>
        %swap3A_697 = arith.index_cast %add3A_675 : i32 to index
        %swap3A_698 = arith.constant 32 : index
        %swap3A_699 = tpu.vector_load %arg22[%swap3A_697, %swap3A_698] {strides = array<i32>} : memref<64x128xf32, #tpu.memory_space<vmem>>, vector<16xf32>,
        tpu.vector_store %arg22[%swap3A_697, %swap3A_698], %mul3A_696 {strides = array<i32>} : memref<64x128xf32, #tpu.memory_space<vmem>>, vector<16xf32>,
        %get3A_700 = arith.index_cast %add3A_675 : i32 to index
        %get3A_701 = arith.constant 48 : index
        %get3A_702 = tpu.vector_load %arg22[%get3A_700, %get3A_701] {strides = array<i32>} : memref<64x128xf32, #tpu.memory_space<vmem>>, vector<16xf32>,
        %mul3A_703 = vector.broadcast %squeeze3A_671 : f32 to vector<16xf32>
        %mul3A_704 = arith.mulf %get3A_702, %mul3A_703 : vector<16xf32>
        %swap3A_705 = arith.index_cast %add3A_675 : i32 to index
        %swap3A_706 = arith.constant 48 : index
        %swap3A_707 = tpu.vector_load %arg22[%swap3A_705, %swap3A_706] {strides = array<i32>} : memref<64x128xf32, #tpu.memory_space<vmem>>, vector<16xf32>,
        tpu.vector_store %arg22[%swap3A_705, %swap3A_706], %mul3A_704 {strides = array<i32>} : memref<64x128xf32, #tpu.memory_space<vmem>>, vector<16xf32>,
        %get3A_708 = arith.index_cast %add3A_675 : i32 to index
        %get3A_709 = arith.constant 64 : index
        %get3A_710 = tpu.vector_load %arg22[%get3A_708, %get3A_709] {strides = array<i32>} : memref<64x128xf32, #tpu.memory_space<vmem>>, vector<16xf32>,
        %mul3A_711 = vector.broadcast %squeeze3A_671 : f32 to vector<16xf32>
        %mul3A_712 = arith.mulf %get3A_710, %mul3A_711 : vector<16xf32>
        %swap3A_713 = arith.index_cast %add3A_675 : i32 to index
        %swap3A_714 = arith.constant 64 : index
        %swap3A_715 = tpu.vector_load %arg22[%swap3A_713, %swap3A_714] {strides = array<i32>} : memref<64x128xf32, #tpu.memory_space<vmem>>, vector<16xf32>,
        tpu.vector_store %arg22[%swap3A_713, %swap3A_714], %mul3A_712 {strides = array<i32>} : memref<64x128xf32, #tpu.memory_space<vmem>>, vector<16xf32>,
        %get3A_716 = arith.index_cast %add3A_675 : i32 to index
        %get3A_717 = arith.constant 80 : index
        %get3A_718 = tpu.vector_load %arg22[%get3A_716, %get3A_717] {strides = array<i32>} : memref<64x128xf32, #tpu.memory_space<vmem>>, vector<16xf32>,
        %mul3A_719 = vector.broadcast %squeeze3A_671 : f32 to vector<16xf32>
        %mul3A_720 = arith.mulf %get3A_718, %mul3A_719 : vector<16xf32>
        %swap3A_721 = arith.index_cast %add3A_675 : i32 to index
        %swap3A_722 = arith.constant 80 : index
        %swap3A_723 = tpu.vector_load %arg22[%swap3A_721, %swap3A_722] {strides = array<i32>} : memref<64x128xf32, #tpu.memory_space<vmem>>, vector<16xf32>,
        tpu.vector_store %arg22[%swap3A_721, %swap3A_722], %mul3A_720 {strides = array<i32>} : memref<64x128xf32, #tpu.memory_space<vmem>>, vector<16xf32>,
        %get3A_724 = arith.index_cast %add3A_675 : i32 to index
        %get3A_725 = arith.constant 96 : index
        %get3A_726 = tpu.vector_load %arg22[%get3A_724, %get3A_725] {strides = array<i32>} : memref<64x128xf32, #tpu.memory_space<vmem>>, vector<16xf32>,
        %mul3A_727 = vector.broadcast %squeeze3A_671 : f32 to vector<16xf32>
        %mul3A_728 = arith.mulf %get3A_726, %mul3A_727 : vector<16xf32>
        %swap3A_729 = arith.index_cast %add3A_675 : i32 to index
        %swap3A_730 = arith.constant 96 : index
        %swap3A_731 = tpu.vector_load %arg22[%swap3A_729, %swap3A_730] {strides = array<i32>} : memref<64x128xf32, #tpu.memory_space<vmem>>, vector<16xf32>,
        tpu.vector_store %arg22[%swap3A_729, %swap3A_730], %mul3A_728 {strides = array<i32>} : memref<64x128xf32, #tpu.memory_space<vmem>>, vector<16xf32>,
        %get3A_732 = arith.index_cast %add3A_675 : i32 to index
        %get3A_733 = arith.constant 112 : index
        %get3A_734 = tpu.vector_load %arg22[%get3A_732, %get3A_733] {strides = array<i32>} : memref<64x128xf32, #tpu.memory_space<vmem>>, vector<16xf32>,
        %mul3A_735 = vector.broadcast %squeeze3A_671 : f32 to vector<16xf32>
        %mul3A_736 = arith.mulf %get3A_734, %mul3A_735 : vector<16xf32>
        %swap3A_737 = arith.index_cast %add3A_675 : i32 to index
        %swap3A_738 = arith.constant 112 : index
        %swap3A_739 = tpu.vector_load %arg22[%swap3A_737, %swap3A_738] {strides = array<i32>} : memref<64x128xf32, #tpu.memory_space<vmem>>, vector<16xf32>,
        tpu.vector_store %arg22[%swap3A_737, %swap3A_738], %mul3A_736 {strides = array<i32>} : memref<64x128xf32, #tpu.memory_space<vmem>>, vector<16xf32>,
        %slice3A_740 = vector.extract_strided_slice %get3A_181 {offsets = [8], sizes = [1], strides = [1]} : vector<16xf32> to vector<1xf32>
        %squeeze3A_741 = vector.extract %slice3A_740[0] : f32 from vector<1xf32>
        %mul3A_742 = arith.constant 16 : i32
        %mul3A_743 = arith.muli %scan3A_177, %mul3A_742 : i32
        %add3A_744 = arith.constant 8 : i32
        %add3A_745 = arith.addi %mul3A_743, %add3A_744 : i32
        %get3A_746 = arith.index_cast %add3A_745 : i32 to index
        %get3A_747 = arith.constant 0 : index
        %get3A_748 = tpu.vector_load %arg22[%get3A_746, %get3A_747] {strides = array<i32>} : memref<64x128xf32, #tpu.memory_space<vmem>>, vector<16xf32>,
        %mul3A_749 = vector.broadcast %squeeze3A_741 : f32 to vector<16xf32>
        %mul3A_750 = arith.mulf %get3A_748, %mul3A_749 : vector<16xf32>
        %swap3A_751 = arith.index_cast %add3A_745 : i32 to index
        %swap3A_752 = arith.constant 0 : index
        %swap3A_753 = tpu.vector_load %arg22[%swap3A_751, %swap3A_752] {strides = array<i32>} : memref<64x128xf32, #tpu.memory_space<vmem>>, vector<16xf32>,
        tpu.vector_store %arg22[%swap3A_751, %swap3A_752], %mul3A_750 {strides = array<i32>} : memref<64x128xf32, #tpu.memory_space<vmem>>, vector<16xf32>,
        %get3A_754 = arith.index_cast %add3A_745 : i32 to index
        %get3A_755 = arith.constant 16 : index
        %get3A_756 = tpu.vector_load %arg22[%get3A_754, %get3A_755] {strides = array<i32>} : memref<64x128xf32, #tpu.memory_space<vmem>>, vector<16xf32>,
        %mul3A_757 = vector.broadcast %squeeze3A_741 : f32 to vector<16xf32>
        %mul3A_758 = arith.mulf %get3A_756, %mul3A_757 : vector<16xf32>
        %swap3A_759 = arith.index_cast %add3A_745 : i32 to index
        %swap3A_760 = arith.constant 16 : index
        %swap3A_761 = tpu.vector_load %arg22[%swap3A_759, %swap3A_760] {strides = array<i32>} : memref<64x128xf32, #tpu.memory_space<vmem>>, vector<16xf32>,
        tpu.vector_store %arg22[%swap3A_759, %swap3A_760], %mul3A_758 {strides = array<i32>} : memref<64x128xf32, #tpu.memory_space<vmem>>, vector<16xf32>,
        %get3A_762 = arith.index_cast %add3A_745 : i32 to index
        %get3A_763 = arith.constant 32 : index
        %get3A_764 = tpu.vector_load %arg22[%get3A_762, %get3A_763] {strides = array<i32>} : memref<64x128xf32, #tpu.memory_space<vmem>>, vector<16xf32>,
        %mul3A_765 = vector.broadcast %squeeze3A_741 : f32 to vector<16xf32>
        %mul3A_766 = arith.mulf %get3A_764, %mul3A_765 : vector<16xf32>
        %swap3A_767 = arith.index_cast %add3A_745 : i32 to index
        %swap3A_768 = arith.constant 32 : index
        %swap3A_769 = tpu.vector_load %arg22[%swap3A_767, %swap3A_768] {strides = array<i32>} : memref<64x128xf32, #tpu.memory_space<vmem>>, vector<16xf32>,
        tpu.vector_store %arg22[%swap3A_767, %swap3A_768], %mul3A_766 {strides = array<i32>} : memref<64x128xf32, #tpu.memory_space<vmem>>, vector<16xf32>,
        %get3A_770 = arith.index_cast %add3A_745 : i32 to index
        %get3A_771 = arith.constant 48 : index
        %get3A_772 = tpu.vector_load %arg22[%get3A_770, %get3A_771] {strides = array<i32>} : memref<64x128xf32, #tpu.memory_space<vmem>>, vector<16xf32>,
        %mul3A_773 = vector.broadcast %squeeze3A_741 : f32 to vector<16xf32>
        %mul3A_774 = arith.mulf %get3A_772, %mul3A_773 : vector<16xf32>
        %swap3A_775 = arith.index_cast %add3A_745 : i32 to index
        %swap3A_776 = arith.constant 48 : index
        %swap3A_777 = tpu.vector_load %arg22[%swap3A_775, %swap3A_776] {strides = array<i32>} : memref<64x128xf32, #tpu.memory_space<vmem>>, vector<16xf32>,
        tpu.vector_store %arg22[%swap3A_775, %swap3A_776], %mul3A_774 {strides = array<i32>} : memref<64x128xf32, #tpu.memory_space<vmem>>, vector<16xf32>,
        %get3A_778 = arith.index_cast %add3A_745 : i32 to index
        %get3A_779 = arith.constant 64 : index
        %get3A_780 = tpu.vector_load %arg22[%get3A_778, %get3A_779] {strides = array<i32>} : memref<64x128xf32, #tpu.memory_space<vmem>>, vector<16xf32>,
        %mul3A_781 = vector.broadcast %squeeze3A_741 : f32 to vector<16xf32>
        %mul3A_782 = arith.mulf %get3A_780, %mul3A_781 : vector<16xf32>
        %swap3A_783 = arith.index_cast %add3A_745 : i32 to index
        %swap3A_784 = arith.constant 64 : index
        %swap3A_785 = tpu.vector_load %arg22[%swap3A_783, %swap3A_784] {strides = array<i32>} : memref<64x128xf32, #tpu.memory_space<vmem>>, vector<16xf32>,
        tpu.vector_store %arg22[%swap3A_783, %swap3A_784], %mul3A_782 {strides = array<i32>} : memref<64x128xf32, #tpu.memory_space<vmem>>, vector<16xf32>,
        %get3A_786 = arith.index_cast %add3A_745 : i32 to index
        %get3A_787 = arith.constant 80 : index
        %get3A_788 = tpu.vector_load %arg22[%get3A_786, %get3A_787] {strides = array<i32>} : memref<64x128xf32, #tpu.memory_space<vmem>>, vector<16xf32>,
        %mul3A_789 = vector.broadcast %squeeze3A_741 : f32 to vector<16xf32>
        %mul3A_790 = arith.mulf %get3A_788, %mul3A_789 : vector<16xf32>
        %swap3A_791 = arith.index_cast %add3A_745 : i32 to index
        %swap3A_792 = arith.constant 80 : index
        %swap3A_793 = tpu.vector_load %arg22[%swap3A_791, %swap3A_792] {strides = array<i32>} : memref<64x128xf32, #tpu.memory_space<vmem>>, vector<16xf32>,
        tpu.vector_store %arg22[%swap3A_791, %swap3A_792], %mul3A_790 {strides = array<i32>} : memref<64x128xf32, #tpu.memory_space<vmem>>, vector<16xf32>,
        %get3A_794 = arith.index_cast %add3A_745 : i32 to index
        %get3A_795 = arith.constant 96 : index
        %get3A_796 = tpu.vector_load %arg22[%get3A_794, %get3A_795] {strides = array<i32>} : memref<64x128xf32, #tpu.memory_space<vmem>>, vector<16xf32>,
        %mul3A_797 = vector.broadcast %squeeze3A_741 : f32 to vector<16xf32>
        %mul3A_798 = arith.mulf %get3A_796, %mul3A_797 : vector<16xf32>
        %swap3A_799 = arith.index_cast %add3A_745 : i32 to index
        %swap3A_800 = arith.constant 96 : index
        %swap3A_801 = tpu.vector_load %arg22[%swap3A_799, %swap3A_800] {strides = array<i32>} : memref<64x128xf32, #tpu.memory_space<vmem>>, vector<16xf32>,
        tpu.vector_store %arg22[%swap3A_799, %swap3A_800], %mul3A_798 {strides = array<i32>} : memref<64x128xf32, #tpu.memory_space<vmem>>, vector<16xf32>,
        %get3A_802 = arith.index_cast %add3A_745 : i32 to index
        %get3A_803 = arith.constant 112 : index
        %get3A_804 = tpu.vector_load %arg22[%get3A_802, %get3A_803] {strides = array<i32>} : memref<64x128xf32, #tpu.memory_space<vmem>>, vector<16xf32>,
        %mul3A_805 = vector.broadcast %squeeze3A_741 : f32 to vector<16xf32>
        %mul3A_806 = arith.mulf %get3A_804, %mul3A_805 : vector<16xf32>
        %swap3A_807 = arith.index_cast %add3A_745 : i32 to index
        %swap3A_808 = arith.constant 112 : index
        %swap3A_809 = tpu.vector_load %arg22[%swap3A_807, %swap3A_808] {strides = array<i32>} : memref<64x128xf32, #tpu.memory_space<vmem>>, vector<16xf32>,
        tpu.vector_store %arg22[%swap3A_807, %swap3A_808], %mul3A_806 {strides = array<i32>} : memref<64x128xf32, #tpu.memory_space<vmem>>, vector<16xf32>,
        %slice3A_810 = vector.extract_strided_slice %get3A_181 {offsets = [9], sizes = [1], strides = [1]} : vector<16xf32> to vector<1xf32>
        %squeeze3A_811 = vector.extract %slice3A_810[0] : f32 from vector<1xf32>
        %mul3A_812 = arith.constant 16 : i32
        %mul3A_813 = arith.muli %scan3A_177, %mul3A_812 : i32
        %add3A_814 = arith.constant 9 : i32
        %add3A_815 = arith.addi %mul3A_813, %add3A_814 : i32
        %get3A_816 = arith.index_cast %add3A_815 : i32 to index
        %get3A_817 = arith.constant 0 : index
        %get3A_818 = tpu.vector_load %arg22[%get3A_816, %get3A_817] {strides = array<i32>} : memref<64x128xf32, #tpu.memory_space<vmem>>, vector<16xf32>,
        %mul3A_819 = vector.broadcast %squeeze3A_811 : f32 to vector<16xf32>
        %mul3A_820 = arith.mulf %get3A_818, %mul3A_819 : vector<16xf32>
        %swap3A_821 = arith.index_cast %add3A_815 : i32 to index
        %swap3A_822 = arith.constant 0 : index
        %swap3A_823 = tpu.vector_load %arg22[%swap3A_821, %swap3A_822] {strides = array<i32>} : memref<64x128xf32, #tpu.memory_space<vmem>>, vector<16xf32>,
        tpu.vector_store %arg22[%swap3A_821, %swap3A_822], %mul3A_820 {strides = array<i32>} : memref<64x128xf32, #tpu.memory_space<vmem>>, vector<16xf32>,
        %get3A_824 = arith.index_cast %add3A_815 : i32 to index
        %get3A_825 = arith.constant 16 : index
        %get3A_826 = tpu.vector_load %arg22[%get3A_824, %get3A_825] {strides = array<i32>} : memref<64x128xf32, #tpu.memory_space<vmem>>, vector<16xf32>,
        %mul3A_827 = vector.broadcast %squeeze3A_811 : f32 to vector<16xf32>
        %mul3A_828 = arith.mulf %get3A_826, %mul3A_827 : vector<16xf32>
        %swap3A_829 = arith.index_cast %add3A_815 : i32 to index
        %swap3A_830 = arith.constant 16 : index
        %swap3A_831 = tpu.vector_load %arg22[%swap3A_829, %swap3A_830] {strides = array<i32>} : memref<64x128xf32, #tpu.memory_space<vmem>>, vector<16xf32>,
        tpu.vector_store %arg22[%swap3A_829, %swap3A_830], %mul3A_828 {strides = array<i32>} : memref<64x128xf32, #tpu.memory_space<vmem>>, vector<16xf32>,
        %get3A_832 = arith.index_cast %add3A_815 : i32 to index
        %get3A_833 = arith.constant 32 : index
        %get3A_834 = tpu.vector_load %arg22[%get3A_832, %get3A_833] {strides = array<i32>} : memref<64x128xf32, #tpu.memory_space<vmem>>, vector<16xf32>,
        %mul3A_835 = vector.broadcast %squeeze3A_811 : f32 to vector<16xf32>
        %mul3A_836 = arith.mulf %get3A_834, %mul3A_835 : vector<16xf32>
        %swap3A_837 = arith.index_cast %add3A_815 : i32 to index
        %swap3A_838 = arith.constant 32 : index
        %swap3A_839 = tpu.vector_load %arg22[%swap3A_837, %swap3A_838] {strides = array<i32>} : memref<64x128xf32, #tpu.memory_space<vmem>>, vector<16xf32>,
        tpu.vector_store %arg22[%swap3A_837, %swap3A_838], %mul3A_836 {strides = array<i32>} : memref<64x128xf32, #tpu.memory_space<vmem>>, vector<16xf32>,
        %get3A_840 = arith.index_cast %add3A_815 : i32 to index
        %get3A_841 = arith.constant 48 : index
        %get3A_842 = tpu.vector_load %arg22[%get3A_840, %get3A_841] {strides = array<i32>} : memref<64x128xf32, #tpu.memory_space<vmem>>, vector<16xf32>,
        %mul3A_843 = vector.broadcast %squeeze3A_811 : f32 to vector<16xf32>
        %mul3A_844 = arith.mulf %get3A_842, %mul3A_843 : vector<16xf32>
        %swap3A_845 = arith.index_cast %add3A_815 : i32 to index
        %swap3A_846 = arith.constant 48 : index
        %swap3A_847 = tpu.vector_load %arg22[%swap3A_845, %swap3A_846] {strides = array<i32>} : memref<64x128xf32, #tpu.memory_space<vmem>>, vector<16xf32>,
        tpu.vector_store %arg22[%swap3A_845, %swap3A_846], %mul3A_844 {strides = array<i32>} : memref<64x128xf32, #tpu.memory_space<vmem>>, vector<16xf32>,
        %get3A_848 = arith.index_cast %add3A_815 : i32 to index
        %get3A_849 = arith.constant 64 : index
        %get3A_850 = tpu.vector_load %arg22[%get3A_848, %get3A_849] {strides = array<i32>} : memref<64x128xf32, #tpu.memory_space<vmem>>, vector<16xf32>,
        %mul3A_851 = vector.broadcast %squeeze3A_811 : f32 to vector<16xf32>
        %mul3A_852 = arith.mulf %get3A_850, %mul3A_851 : vector<16xf32>
        %swap3A_853 = arith.index_cast %add3A_815 : i32 to index
        %swap3A_854 = arith.constant 64 : index
        %swap3A_855 = tpu.vector_load %arg22[%swap3A_853, %swap3A_854] {strides = array<i32>} : memref<64x128xf32, #tpu.memory_space<vmem>>, vector<16xf32>,
        tpu.vector_store %arg22[%swap3A_853, %swap3A_854], %mul3A_852 {strides = array<i32>} : memref<64x128xf32, #tpu.memory_space<vmem>>, vector<16xf32>,
        %get3A_856 = arith.index_cast %add3A_815 : i32 to index
        %get3A_857 = arith.constant 80 : index
        %get3A_858 = tpu.vector_load %arg22[%get3A_856, %get3A_857] {strides = array<i32>} : memref<64x128xf32, #tpu.memory_space<vmem>>, vector<16xf32>,
        %mul3A_859 = vector.broadcast %squeeze3A_811 : f32 to vector<16xf32>
        %mul3A_860 = arith.mulf %get3A_858, %mul3A_859 : vector<16xf32>
        %swap3A_861 = arith.index_cast %add3A_815 : i32 to index
        %swap3A_862 = arith.constant 80 : index
        %swap3A_863 = tpu.vector_load %arg22[%swap3A_861, %swap3A_862] {strides = array<i32>} : memref<64x128xf32, #tpu.memory_space<vmem>>, vector<16xf32>,
        tpu.vector_store %arg22[%swap3A_861, %swap3A_862], %mul3A_860 {strides = array<i32>} : memref<64x128xf32, #tpu.memory_space<vmem>>, vector<16xf32>,
        %get3A_864 = arith.index_cast %add3A_815 : i32 to index
        %get3A_865 = arith.constant 96 : index
        %get3A_866 = tpu.vector_load %arg22[%get3A_864, %get3A_865] {strides = array<i32>} : memref<64x128xf32, #tpu.memory_space<vmem>>, vector<16xf32>,
        %mul3A_867 = vector.broadcast %squeeze3A_811 : f32 to vector<16xf32>
        %mul3A_868 = arith.mulf %get3A_866, %mul3A_867 : vector<16xf32>
        %swap3A_869 = arith.index_cast %add3A_815 : i32 to index
        %swap3A_870 = arith.constant 96 : index
        %swap3A_871 = tpu.vector_load %arg22[%swap3A_869, %swap3A_870] {strides = array<i32>} : memref<64x128xf32, #tpu.memory_space<vmem>>, vector<16xf32>,
        tpu.vector_store %arg22[%swap3A_869, %swap3A_870], %mul3A_868 {strides = array<i32>} : memref<64x128xf32, #tpu.memory_space<vmem>>, vector<16xf32>,
        %get3A_872 = arith.index_cast %add3A_815 : i32 to index
        %get3A_873 = arith.constant 112 : index
        %get3A_874 = tpu.vector_load %arg22[%get3A_872, %get3A_873] {strides = array<i32>} : memref<64x128xf32, #tpu.memory_space<vmem>>, vector<16xf32>,
        %mul3A_875 = vector.broadcast %squeeze3A_811 : f32 to vector<16xf32>
        %mul3A_876 = arith.mulf %get3A_874, %mul3A_875 : vector<16xf32>
        %swap3A_877 = arith.index_cast %add3A_815 : i32 to index
        %swap3A_878 = arith.constant 112 : index
        %swap3A_879 = tpu.vector_load %arg22[%swap3A_877, %swap3A_878] {strides = array<i32>} : memref<64x128xf32, #tpu.memory_space<vmem>>, vector<16xf32>,
        tpu.vector_store %arg22[%swap3A_877, %swap3A_878], %mul3A_876 {strides = array<i32>} : memref<64x128xf32, #tpu.memory_space<vmem>>, vector<16xf32>,
        %slice3A_880 = vector.extract_strided_slice %get3A_181 {offsets = [10], sizes = [1], strides = [1]} : vector<16xf32> to vector<1xf32>
        %squeeze3A_881 = vector.extract %slice3A_880[0] : f32 from vector<1xf32>
        %mul3A_882 = arith.constant 16 : i32
        %mul3A_883 = arith.muli %scan3A_177, %mul3A_882 : i32
        %add3A_884 = arith.constant 10 : i32
        %add3A_885 = arith.addi %mul3A_883, %add3A_884 : i32
        %get3A_886 = arith.index_cast %add3A_885 : i32 to index
        %get3A_887 = arith.constant 0 : index
        %get3A_888 = tpu.vector_load %arg22[%get3A_886, %get3A_887] {strides = array<i32>} : memref<64x128xf32, #tpu.memory_space<vmem>>, vector<16xf32>,
        %mul3A_889 = vector.broadcast %squeeze3A_881 : f32 to vector<16xf32>
        %mul3A_890 = arith.mulf %get3A_888, %mul3A_889 : vector<16xf32>
        %swap3A_891 = arith.index_cast %add3A_885 : i32 to index
        %swap3A_892 = arith.constant 0 : index
        %swap3A_893 = tpu.vector_load %arg22[%swap3A_891, %swap3A_892] {strides = array<i32>} : memref<64x128xf32, #tpu.memory_space<vmem>>, vector<16xf32>,
        tpu.vector_store %arg22[%swap3A_891, %swap3A_892], %mul3A_890 {strides = array<i32>} : memref<64x128xf32, #tpu.memory_space<vmem>>, vector<16xf32>,
        %get3A_894 = arith.index_cast %add3A_885 : i32 to index
        %get3A_895 = arith.constant 16 : index
        %get3A_896 = tpu.vector_load %arg22[%get3A_894, %get3A_895] {strides = array<i32>} : memref<64x128xf32, #tpu.memory_space<vmem>>, vector<16xf32>,
        %mul3A_897 = vector.broadcast %squeeze3A_881 : f32 to vector<16xf32>
        %mul3A_898 = arith.mulf %get3A_896, %mul3A_897 : vector<16xf32>
        %swap3A_899 = arith.index_cast %add3A_885 : i32 to index
        %swap3A_900 = arith.constant 16 : index
        %swap3A_901 = tpu.vector_load %arg22[%swap3A_899, %swap3A_900] {strides = array<i32>} : memref<64x128xf32, #tpu.memory_space<vmem>>, vector<16xf32>,
        tpu.vector_store %arg22[%swap3A_899, %swap3A_900], %mul3A_898 {strides = array<i32>} : memref<64x128xf32, #tpu.memory_space<vmem>>, vector<16xf32>,
        %get3A_902 = arith.index_cast %add3A_885 : i32 to index
        %get3A_903 = arith.constant 32 : index
        %get3A_904 = tpu.vector_load %arg22[%get3A_902, %get3A_903] {strides = array<i32>} : memref<64x128xf32, #tpu.memory_space<vmem>>, vector<16xf32>,
        %mul3A_905 = vector.broadcast %squeeze3A_881 : f32 to vector<16xf32>
        %mul3A_906 = arith.mulf %get3A_904, %mul3A_905 : vector<16xf32>
        %swap3A_907 = arith.index_cast %add3A_885 : i32 to index
        %swap3A_908 = arith.constant 32 : index
        %swap3A_909 = tpu.vector_load %arg22[%swap3A_907, %swap3A_908] {strides = array<i32>} : memref<64x128xf32, #tpu.memory_space<vmem>>, vector<16xf32>,
        tpu.vector_store %arg22[%swap3A_907, %swap3A_908], %mul3A_906 {strides = array<i32>} : memref<64x128xf32, #tpu.memory_space<vmem>>, vector<16xf32>,
        %get3A_910 = arith.index_cast %add3A_885 : i32 to index
        %get3A_911 = arith.constant 48 : index
        %get3A_912 = tpu.vector_load %arg22[%get3A_910, %get3A_911] {strides = array<i32>} : memref<64x128xf32, #tpu.memory_space<vmem>>, vector<16xf32>,
        %mul3A_913 = vector.broadcast %squeeze3A_881 : f32 to vector<16xf32>
        %mul3A_914 = arith.mulf %get3A_912, %mul3A_913 : vector<16xf32>
        %swap3A_915 = arith.index_cast %add3A_885 : i32 to index
        %swap3A_916 = arith.constant 48 : index
        %swap3A_917 = tpu.vector_load %arg22[%swap3A_915, %swap3A_916] {strides = array<i32>} : memref<64x128xf32, #tpu.memory_space<vmem>>, vector<16xf32>,
        tpu.vector_store %arg22[%swap3A_915, %swap3A_916], %mul3A_914 {strides = array<i32>} : memref<64x128xf32, #tpu.memory_space<vmem>>, vector<16xf32>,
        %get3A_918 = arith.index_cast %add3A_885 : i32 to index
        %get3A_919 = arith.constant 64 : index
        %get3A_920 = tpu.vector_load %arg22[%get3A_918, %get3A_919] {strides = array<i32>} : memref<64x128xf32, #tpu.memory_space<vmem>>, vector<16xf32>,
        %mul3A_921 = vector.broadcast %squeeze3A_881 : f32 to vector<16xf32>
        %mul3A_922 = arith.mulf %get3A_920, %mul3A_921 : vector<16xf32>
        %swap3A_923 = arith.index_cast %add3A_885 : i32 to index
        %swap3A_924 = arith.constant 64 : index
        %swap3A_925 = tpu.vector_load %arg22[%swap3A_923, %swap3A_924] {strides = array<i32>} : memref<64x128xf32, #tpu.memory_space<vmem>>, vector<16xf32>,
        tpu.vector_store %arg22[%swap3A_923, %swap3A_924], %mul3A_922 {strides = array<i32>} : memref<64x128xf32, #tpu.memory_space<vmem>>, vector<16xf32>,
        %get3A_926 = arith.index_cast %add3A_885 : i32 to index
        %get3A_927 = arith.constant 80 : index
        %get3A_928 = tpu.vector_load %arg22[%get3A_926, %get3A_927] {strides = array<i32>} : memref<64x128xf32, #tpu.memory_space<vmem>>, vector<16xf32>,
        %mul3A_929 = vector.broadcast %squeeze3A_881 : f32 to vector<16xf32>
        %mul3A_930 = arith.mulf %get3A_928, %mul3A_929 : vector<16xf32>
        %swap3A_931 = arith.index_cast %add3A_885 : i32 to index
        %swap3A_932 = arith.constant 80 : index
        %swap3A_933 = tpu.vector_load %arg22[%swap3A_931, %swap3A_932] {strides = array<i32>} : memref<64x128xf32, #tpu.memory_space<vmem>>, vector<16xf32>,
        tpu.vector_store %arg22[%swap3A_931, %swap3A_932], %mul3A_930 {strides = array<i32>} : memref<64x128xf32, #tpu.memory_space<vmem>>, vector<16xf32>,
        %get3A_934 = arith.index_cast %add3A_885 : i32 to index
        %get3A_935 = arith.constant 96 : index
        %get3A_936 = tpu.vector_load %arg22[%get3A_934, %get3A_935] {strides = array<i32>} : memref<64x128xf32, #tpu.memory_space<vmem>>, vector<16xf32>,
        %mul3A_937 = vector.broadcast %squeeze3A_881 : f32 to vector<16xf32>
        %mul3A_938 = arith.mulf %get3A_936, %mul3A_937 : vector<16xf32>
        %swap3A_939 = arith.index_cast %add3A_885 : i32 to index
        %swap3A_940 = arith.constant 96 : index
        %swap3A_941 = tpu.vector_load %arg22[%swap3A_939, %swap3A_940] {strides = array<i32>} : memref<64x128xf32, #tpu.memory_space<vmem>>, vector<16xf32>,
        tpu.vector_store %arg22[%swap3A_939, %swap3A_940], %mul3A_938 {strides = array<i32>} : memref<64x128xf32, #tpu.memory_space<vmem>>, vector<16xf32>,
        %get3A_942 = arith.index_cast %add3A_885 : i32 to index
        %get3A_943 = arith.constant 112 : index
        %get3A_944 = tpu.vector_load %arg22[%get3A_942, %get3A_943] {strides = array<i32>} : memref<64x128xf32, #tpu.memory_space<vmem>>, vector<16xf32>,
        %mul3A_945 = vector.broadcast %squeeze3A_881 : f32 to vector<16xf32>
        %mul3A_946 = arith.mulf %get3A_944, %mul3A_945 : vector<16xf32>
        %swap3A_947 = arith.index_cast %add3A_885 : i32 to index
        %swap3A_948 = arith.constant 112 : index
        %swap3A_949 = tpu.vector_load %arg22[%swap3A_947, %swap3A_948] {strides = array<i32>} : memref<64x128xf32, #tpu.memory_space<vmem>>, vector<16xf32>,
        tpu.vector_store %arg22[%swap3A_947, %swap3A_948], %mul3A_946 {strides = array<i32>} : memref<64x128xf32, #tpu.memory_space<vmem>>, vector<16xf32>,
        %slice3A_950 = vector.extract_strided_slice %get3A_181 {offsets = [11], sizes = [1], strides = [1]} : vector<16xf32> to vector<1xf32>
        %squeeze3A_951 = vector.extract %slice3A_950[0] : f32 from vector<1xf32>
        %mul3A_952 = arith.constant 16 : i32
        %mul3A_953 = arith.muli %scan3A_177, %mul3A_952 : i32
        %add3A_954 = arith.constant 11 : i32
        %add3A_955 = arith.addi %mul3A_953, %add3A_954 : i32
        %get3A_956 = arith.index_cast %add3A_955 : i32 to index
        %get3A_957 = arith.constant 0 : index
        %get3A_958 = tpu.vector_load %arg22[%get3A_956, %get3A_957] {strides = array<i32>} : memref<64x128xf32, #tpu.memory_space<vmem>>, vector<16xf32>,
        %mul3A_959 = vector.broadcast %squeeze3A_951 : f32 to vector<16xf32>
        %mul3A_960 = arith.mulf %get3A_958, %mul3A_959 : vector<16xf32>
        %swap3A_961 = arith.index_cast %add3A_955 : i32 to index
        %swap3A_962 = arith.constant 0 : index
        %swap3A_963 = tpu.vector_load %arg22[%swap3A_961, %swap3A_962] {strides = array<i32>} : memref<64x128xf32, #tpu.memory_space<vmem>>, vector<16xf32>,
        tpu.vector_store %arg22[%swap3A_961, %swap3A_962], %mul3A_960 {strides = array<i32>} : memref<64x128xf32, #tpu.memory_space<vmem>>, vector<16xf32>,
        %get3A_964 = arith.index_cast %add3A_955 : i32 to index
        %get3A_965 = arith.constant 16 : index
        %get3A_966 = tpu.vector_load %arg22[%get3A_964, %get3A_965] {strides = array<i32>} : memref<64x128xf32, #tpu.memory_space<vmem>>, vector<16xf32>,
        %mul3A_967 = vector.broadcast %squeeze3A_951 : f32 to vector<16xf32>
        %mul3A_968 = arith.mulf %get3A_966, %mul3A_967 : vector<16xf32>
        %swap3A_969 = arith.index_cast %add3A_955 : i32 to index
        %swap3A_970 = arith.constant 16 : index
        %swap3A_971 = tpu.vector_load %arg22[%swap3A_969, %swap3A_970] {strides = array<i32>} : memref<64x128xf32, #tpu.memory_space<vmem>>, vector<16xf32>,
        tpu.vector_store %arg22[%swap3A_969, %swap3A_970], %mul3A_968 {strides = array<i32>} : memref<64x128xf32, #tpu.memory_space<vmem>>, vector<16xf32>,
        %get3A_972 = arith.index_cast %add3A_955 : i32 to index
        %get3A_973 = arith.constant 32 : index
        %get3A_974 = tpu.vector_load %arg22[%get3A_972, %get3A_973] {strides = array<i32>} : memref<64x128xf32, #tpu.memory_space<vmem>>, vector<16xf32>,
        %mul3A_975 = vector.broadcast %squeeze3A_951 : f32 to vector<16xf32>
        %mul3A_976 = arith.mulf %get3A_974, %mul3A_975 : vector<16xf32>
        %swap3A_977 = arith.index_cast %add3A_955 : i32 to index
        %swap3A_978 = arith.constant 32 : index
        %swap3A_979 = tpu.vector_load %arg22[%swap3A_977, %swap3A_978] {strides = array<i32>} : memref<64x128xf32, #tpu.memory_space<vmem>>, vector<16xf32>,
        tpu.vector_store %arg22[%swap3A_977, %swap3A_978], %mul3A_976 {strides = array<i32>} : memref<64x128xf32, #tpu.memory_space<vmem>>, vector<16xf32>,
        %get3A_980 = arith.index_cast %add3A_955 : i32 to index
        %get3A_981 = arith.constant 48 : index
        %get3A_982 = tpu.vector_load %arg22[%get3A_980, %get3A_981] {strides = array<i32>} : memref<64x128xf32, #tpu.memory_space<vmem>>, vector<16xf32>,
        %mul3A_983 = vector.broadcast %squeeze3A_951 : f32 to vector<16xf32>
        %mul3A_984 = arith.mulf %get3A_982, %mul3A_983 : vector<16xf32>
        %swap3A_985 = arith.index_cast %add3A_955 : i32 to index
        %swap3A_986 = arith.constant 48 : index
        %swap3A_987 = tpu.vector_load %arg22[%swap3A_985, %swap3A_986] {strides = array<i32>} : memref<64x128xf32, #tpu.memory_space<vmem>>, vector<16xf32>,
        tpu.vector_store %arg22[%swap3A_985, %swap3A_986], %mul3A_984 {strides = array<i32>} : memref<64x128xf32, #tpu.memory_space<vmem>>, vector<16xf32>,
        %get3A_988 = arith.index_cast %add3A_955 : i32 to index
        %get3A_989 = arith.constant 64 : index
        %get3A_990 = tpu.vector_load %arg22[%get3A_988, %get3A_989] {strides = array<i32>} : memref<64x128xf32, #tpu.memory_space<vmem>>, vector<16xf32>,
        %mul3A_991 = vector.broadcast %squeeze3A_951 : f32 to vector<16xf32>
        %mul3A_992 = arith.mulf %get3A_990, %mul3A_991 : vector<16xf32>
        %swap3A_993 = arith.index_cast %add3A_955 : i32 to index
        %swap3A_994 = arith.constant 64 : index
        %swap3A_995 = tpu.vector_load %arg22[%swap3A_993, %swap3A_994] {strides = array<i32>} : memref<64x128xf32, #tpu.memory_space<vmem>>, vector<16xf32>,
        tpu.vector_store %arg22[%swap3A_993, %swap3A_994], %mul3A_992 {strides = array<i32>} : memref<64x128xf32, #tpu.memory_space<vmem>>, vector<16xf32>,
        %get3A_996 = arith.index_cast %add3A_955 : i32 to index
        %get3A_997 = arith.constant 80 : index
        %get3A_998 = tpu.vector_load %arg22[%get3A_996, %get3A_997] {strides = array<i32>} : memref<64x128xf32, #tpu.memory_space<vmem>>, vector<16xf32>,
        %mul3A_999 = vector.broadcast %squeeze3A_951 : f32 to vector<16xf32>
        %mul3A_1000 = arith.mulf %get3A_998, %mul3A_999 : vector<16xf32>
        %swap3A_1001 = arith.index_cast %add3A_955 : i32 to index
        %swap3A_1002 = arith.constant 80 : index
        %swap3A_1003 = tpu.vector_load %arg22[%swap3A_1001, %swap3A_1002] {strides = array<i32>} : memref<64x128xf32, #tpu.memory_space<vmem>>, vector<16xf32>,
        tpu.vector_store %arg22[%swap3A_1001, %swap3A_1002], %mul3A_1000 {strides = array<i32>} : memref<64x128xf32, #tpu.memory_space<vmem>>, vector<16xf32>,
        %get3A_1004 = arith.index_cast %add3A_955 : i32 to index
        %get3A_1005 = arith.constant 96 : index
        %get3A_1006 = tpu.vector_load %arg22[%get3A_1004, %get3A_1005] {strides = array<i32>} : memref<64x128xf32, #tpu.memory_space<vmem>>, vector<16xf32>,
        %mul3A_1007 = vector.broadcast %squeeze3A_951 : f32 to vector<16xf32>
        %mul3A_1008 = arith.mulf %get3A_1006, %mul3A_1007 : vector<16xf32>
        %swap3A_1009 = arith.index_cast %add3A_955 : i32 to index
        %swap3A_1010 = arith.constant 96 : index
        %swap3A_1011 = tpu.vector_load %arg22[%swap3A_1009, %swap3A_1010] {strides = array<i32>} : memref<64x128xf32, #tpu.memory_space<vmem>>, vector<16xf32>,
        tpu.vector_store %arg22[%swap3A_1009, %swap3A_1010], %mul3A_1008 {strides = array<i32>} : memref<64x128xf32, #tpu.memory_space<vmem>>, vector<16xf32>,
        %get3A_1012 = arith.index_cast %add3A_955 : i32 to index
        %get3A_1013 = arith.constant 112 : index
        %get3A_1014 = tpu.vector_load %arg22[%get3A_1012, %get3A_1013] {strides = array<i32>} : memref<64x128xf32, #tpu.memory_space<vmem>>, vector<16xf32>,
        %mul3A_1015 = vector.broadcast %squeeze3A_951 : f32 to vector<16xf32>
        %mul3A_1016 = arith.mulf %get3A_1014, %mul3A_1015 : vector<16xf32>
        %swap3A_1017 = arith.index_cast %add3A_955 : i32 to index
        %swap3A_1018 = arith.constant 112 : index
        %swap3A_1019 = tpu.vector_load %arg22[%swap3A_1017, %swap3A_1018] {strides = array<i32>} : memref<64x128xf32, #tpu.memory_space<vmem>>, vector<16xf32>,
        tpu.vector_store %arg22[%swap3A_1017, %swap3A_1018], %mul3A_1016 {strides = array<i32>} : memref<64x128xf32, #tpu.memory_space<vmem>>, vector<16xf32>,
        %slice3A_1020 = vector.extract_strided_slice %get3A_181 {offsets = [12], sizes = [1], strides = [1]} : vector<16xf32> to vector<1xf32>
        %squeeze3A_1021 = vector.extract %slice3A_1020[0] : f32 from vector<1xf32>
        %mul3A_1022 = arith.constant 16 : i32
        %mul3A_1023 = arith.muli %scan3A_177, %mul3A_1022 : i32
        %add3A_1024 = arith.constant 12 : i32
        %add3A_1025 = arith.addi %mul3A_1023, %add3A_1024 : i32
        %get3A_1026 = arith.index_cast %add3A_1025 : i32 to index
        %get3A_1027 = arith.constant 0 : index
        %get3A_1028 = tpu.vector_load %arg22[%get3A_1026, %get3A_1027] {strides = array<i32>} : memref<64x128xf32, #tpu.memory_space<vmem>>, vector<16xf32>,
        %mul3A_1029 = vector.broadcast %squeeze3A_1021 : f32 to vector<16xf32>
        %mul3A_1030 = arith.mulf %get3A_1028, %mul3A_1029 : vector<16xf32>
        %swap3A_1031 = arith.index_cast %add3A_1025 : i32 to index
        %swap3A_1032 = arith.constant 0 : index
        %swap3A_1033 = tpu.vector_load %arg22[%swap3A_1031, %swap3A_1032] {strides = array<i32>} : memref<64x128xf32, #tpu.memory_space<vmem>>, vector<16xf32>,
        tpu.vector_store %arg22[%swap3A_1031, %swap3A_1032], %mul3A_1030 {strides = array<i32>} : memref<64x128xf32, #tpu.memory_space<vmem>>, vector<16xf32>,
        %get3A_1034 = arith.index_cast %add3A_1025 : i32 to index
        %get3A_1035 = arith.constant 16 : index
        %get3A_1036 = tpu.vector_load %arg22[%get3A_1034, %get3A_1035] {strides = array<i32>} : memref<64x128xf32, #tpu.memory_space<vmem>>, vector<16xf32>,
        %mul3A_1037 = vector.broadcast %squeeze3A_1021 : f32 to vector<16xf32>
        %mul3A_1038 = arith.mulf %get3A_1036, %mul3A_1037 : vector<16xf32>
        %swap3A_1039 = arith.index_cast %add3A_1025 : i32 to index
        %swap3A_1040 = arith.constant 16 : index
        %swap3A_1041 = tpu.vector_load %arg22[%swap3A_1039, %swap3A_1040] {strides = array<i32>} : memref<64x128xf32, #tpu.memory_space<vmem>>, vector<16xf32>,
        tpu.vector_store %arg22[%swap3A_1039, %swap3A_1040], %mul3A_1038 {strides = array<i32>} : memref<64x128xf32, #tpu.memory_space<vmem>>, vector<16xf32>,
        %get3A_1042 = arith.index_cast %add3A_1025 : i32 to index
        %get3A_1043 = arith.constant 32 : index
        %get3A_1044 = tpu.vector_load %arg22[%get3A_1042, %get3A_1043] {strides = array<i32>} : memref<64x128xf32, #tpu.memory_space<vmem>>, vector<16xf32>,
        %mul3A_1045 = vector.broadcast %squeeze3A_1021 : f32 to vector<16xf32>
        %mul3A_1046 = arith.mulf %get3A_1044, %mul3A_1045 : vector<16xf32>
        %swap3A_1047 = arith.index_cast %add3A_1025 : i32 to index
        %swap3A_1048 = arith.constant 32 : index
        %swap3A_1049 = tpu.vector_load %arg22[%swap3A_1047, %swap3A_1048] {strides = array<i32>} : memref<64x128xf32, #tpu.memory_space<vmem>>, vector<16xf32>,
        tpu.vector_store %arg22[%swap3A_1047, %swap3A_1048], %mul3A_1046 {strides = array<i32>} : memref<64x128xf32, #tpu.memory_space<vmem>>, vector<16xf32>,
        %get3A_1050 = arith.index_cast %add3A_1025 : i32 to index
        %get3A_1051 = arith.constant 48 : index
        %get3A_1052 = tpu.vector_load %arg22[%get3A_1050, %get3A_1051] {strides = array<i32>} : memref<64x128xf32, #tpu.memory_space<vmem>>, vector<16xf32>,
        %mul3A_1053 = vector.broadcast %squeeze3A_1021 : f32 to vector<16xf32>
        %mul3A_1054 = arith.mulf %get3A_1052, %mul3A_1053 : vector<16xf32>
        %swap3A_1055 = arith.index_cast %add3A_1025 : i32 to index
        %swap3A_1056 = arith.constant 48 : index
        %swap3A_1057 = tpu.vector_load %arg22[%swap3A_1055, %swap3A_1056] {strides = array<i32>} : memref<64x128xf32, #tpu.memory_space<vmem>>, vector<16xf32>,
        tpu.vector_store %arg22[%swap3A_1055, %swap3A_1056], %mul3A_1054 {strides = array<i32>} : memref<64x128xf32, #tpu.memory_space<vmem>>, vector<16xf32>,
        %get3A_1058 = arith.index_cast %add3A_1025 : i32 to index
        %get3A_1059 = arith.constant 64 : index
        %get3A_1060 = tpu.vector_load %arg22[%get3A_1058, %get3A_1059] {strides = array<i32>} : memref<64x128xf32, #tpu.memory_space<vmem>>, vector<16xf32>,
        %mul3A_1061 = vector.broadcast %squeeze3A_1021 : f32 to vector<16xf32>
        %mul3A_1062 = arith.mulf %get3A_1060, %mul3A_1061 : vector<16xf32>
        %swap3A_1063 = arith.index_cast %add3A_1025 : i32 to index
        %swap3A_1064 = arith.constant 64 : index
        %swap3A_1065 = tpu.vector_load %arg22[%swap3A_1063, %swap3A_1064] {strides = array<i32>} : memref<64x128xf32, #tpu.memory_space<vmem>>, vector<16xf32>,
        tpu.vector_store %arg22[%swap3A_1063, %swap3A_1064], %mul3A_1062 {strides = array<i32>} : memref<64x128xf32, #tpu.memory_space<vmem>>, vector<16xf32>,
        %get3A_1066 = arith.index_cast %add3A_1025 : i32 to index
        %get3A_1067 = arith.constant 80 : index
        %get3A_1068 = tpu.vector_load %arg22[%get3A_1066, %get3A_1067] {strides = array<i32>} : memref<64x128xf32, #tpu.memory_space<vmem>>, vector<16xf32>,
        %mul3A_1069 = vector.broadcast %squeeze3A_1021 : f32 to vector<16xf32>
        %mul3A_1070 = arith.mulf %get3A_1068, %mul3A_1069 : vector<16xf32>
        %swap3A_1071 = arith.index_cast %add3A_1025 : i32 to index
        %swap3A_1072 = arith.constant 80 : index
        %swap3A_1073 = tpu.vector_load %arg22[%swap3A_1071, %swap3A_1072] {strides = array<i32>} : memref<64x128xf32, #tpu.memory_space<vmem>>, vector<16xf32>,
        tpu.vector_store %arg22[%swap3A_1071, %swap3A_1072], %mul3A_1070 {strides = array<i32>} : memref<64x128xf32, #tpu.memory_space<vmem>>, vector<16xf32>,
        %get3A_1074 = arith.index_cast %add3A_1025 : i32 to index
        %get3A_1075 = arith.constant 96 : index
        %get3A_1076 = tpu.vector_load %arg22[%get3A_1074, %get3A_1075] {strides = array<i32>} : memref<64x128xf32, #tpu.memory_space<vmem>>, vector<16xf32>,
        %mul3A_1077 = vector.broadcast %squeeze3A_1021 : f32 to vector<16xf32>
        %mul3A_1078 = arith.mulf %get3A_1076, %mul3A_1077 : vector<16xf32>
        %swap3A_1079 = arith.index_cast %add3A_1025 : i32 to index
        %swap3A_1080 = arith.constant 96 : index
        %swap3A_1081 = tpu.vector_load %arg22[%swap3A_1079, %swap3A_1080] {strides = array<i32>} : memref<64x128xf32, #tpu.memory_space<vmem>>, vector<16xf32>,
        tpu.vector_store %arg22[%swap3A_1079, %swap3A_1080], %mul3A_1078 {strides = array<i32>} : memref<64x128xf32, #tpu.memory_space<vmem>>, vector<16xf32>,
        %get3A_1082 = arith.index_cast %add3A_1025 : i32 to index
        %get3A_1083 = arith.constant 112 : index
        %get3A_1084 = tpu.vector_load %arg22[%get3A_1082, %get3A_1083] {strides = array<i32>} : memref<64x128xf32, #tpu.memory_space<vmem>>, vector<16xf32>,
        %mul3A_1085 = vector.broadcast %squeeze3A_1021 : f32 to vector<16xf32>
        %mul3A_1086 = arith.mulf %get3A_1084, %mul3A_1085 : vector<16xf32>
        %swap3A_1087 = arith.index_cast %add3A_1025 : i32 to index
        %swap3A_1088 = arith.constant 112 : index
        %swap3A_1089 = tpu.vector_load %arg22[%swap3A_1087, %swap3A_1088] {strides = array<i32>} : memref<64x128xf32, #tpu.memory_space<vmem>>, vector<16xf32>,
        tpu.vector_store %arg22[%swap3A_1087, %swap3A_1088], %mul3A_1086 {strides = array<i32>} : memref<64x128xf32, #tpu.memory_space<vmem>>, vector<16xf32>,
        %slice3A_1090 = vector.extract_strided_slice %get3A_181 {offsets = [13], sizes = [1], strides = [1]} : vector<16xf32> to vector<1xf32>
        %squeeze3A_1091 = vector.extract %slice3A_1090[0] : f32 from vector<1xf32>
        %mul3A_1092 = arith.constant 16 : i32
        %mul3A_1093 = arith.muli %scan3A_177, %mul3A_1092 : i32
        %add3A_1094 = arith.constant 13 : i32
        %add3A_1095 = arith.addi %mul3A_1093, %add3A_1094 : i32
        %get3A_1096 = arith.index_cast %add3A_1095 : i32 to index
        %get3A_1097 = arith.constant 0 : index
        %get3A_1098 = tpu.vector_load %arg22[%get3A_1096, %get3A_1097] {strides = array<i32>} : memref<64x128xf32, #tpu.memory_space<vmem>>, vector<16xf32>,
        %mul3A_1099 = vector.broadcast %squeeze3A_1091 : f32 to vector<16xf32>
        %mul3A_1100 = arith.mulf %get3A_1098, %mul3A_1099 : vector<16xf32>
        %swap3A_1101 = arith.index_cast %add3A_1095 : i32 to index
        %swap3A_1102 = arith.constant 0 : index
        %swap3A_1103 = tpu.vector_load %arg22[%swap3A_1101, %swap3A_1102] {strides = array<i32>} : memref<64x128xf32, #tpu.memory_space<vmem>>, vector<16xf32>,
        tpu.vector_store %arg22[%swap3A_1101, %swap3A_1102], %mul3A_1100 {strides = array<i32>} : memref<64x128xf32, #tpu.memory_space<vmem>>, vector<16xf32>,
        %get3A_1104 = arith.index_cast %add3A_1095 : i32 to index
        %get3A_1105 = arith.constant 16 : index
        %get3A_1106 = tpu.vector_load %arg22[%get3A_1104, %get3A_1105] {strides = array<i32>} : memref<64x128xf32, #tpu.memory_space<vmem>>, vector<16xf32>,
        %mul3A_1107 = vector.broadcast %squeeze3A_1091 : f32 to vector<16xf32>
        %mul3A_1108 = arith.mulf %get3A_1106, %mul3A_1107 : vector<16xf32>
        %swap3A_1109 = arith.index_cast %add3A_1095 : i32 to index
        %swap3A_1110 = arith.constant 16 : index
        %swap3A_1111 = tpu.vector_load %arg22[%swap3A_1109, %swap3A_1110] {strides = array<i32>} : memref<64x128xf32, #tpu.memory_space<vmem>>, vector<16xf32>,
        tpu.vector_store %arg22[%swap3A_1109, %swap3A_1110], %mul3A_1108 {strides = array<i32>} : memref<64x128xf32, #tpu.memory_space<vmem>>, vector<16xf32>,
        %get3A_1112 = arith.index_cast %add3A_1095 : i32 to index
        %get3A_1113 = arith.constant 32 : index
        %get3A_1114 = tpu.vector_load %arg22[%get3A_1112, %get3A_1113] {strides = array<i32>} : memref<64x128xf32, #tpu.memory_space<vmem>>, vector<16xf32>,
        %mul3A_1115 = vector.broadcast %squeeze3A_1091 : f32 to vector<16xf32>
        %mul3A_1116 = arith.mulf %get3A_1114, %mul3A_1115 : vector<16xf32>
        %swap3A_1117 = arith.index_cast %add3A_1095 : i32 to index
        %swap3A_1118 = arith.constant 32 : index
        %swap3A_1119 = tpu.vector_load %arg22[%swap3A_1117, %swap3A_1118] {strides = array<i32>} : memref<64x128xf32, #tpu.memory_space<vmem>>, vector<16xf32>,
        tpu.vector_store %arg22[%swap3A_1117, %swap3A_1118], %mul3A_1116 {strides = array<i32>} : memref<64x128xf32, #tpu.memory_space<vmem>>, vector<16xf32>,
        %get3A_1120 = arith.index_cast %add3A_1095 : i32 to index
        %get3A_1121 = arith.constant 48 : index
        %get3A_1122 = tpu.vector_load %arg22[%get3A_1120, %get3A_1121] {strides = array<i32>} : memref<64x128xf32, #tpu.memory_space<vmem>>, vector<16xf32>,
        %mul3A_1123 = vector.broadcast %squeeze3A_1091 : f32 to vector<16xf32>
        %mul3A_1124 = arith.mulf %get3A_1122, %mul3A_1123 : vector<16xf32>
        %swap3A_1125 = arith.index_cast %add3A_1095 : i32 to index
        %swap3A_1126 = arith.constant 48 : index
        %swap3A_1127 = tpu.vector_load %arg22[%swap3A_1125, %swap3A_1126] {strides = array<i32>} : memref<64x128xf32, #tpu.memory_space<vmem>>, vector<16xf32>,
        tpu.vector_store %arg22[%swap3A_1125, %swap3A_1126], %mul3A_1124 {strides = array<i32>} : memref<64x128xf32, #tpu.memory_space<vmem>>, vector<16xf32>,
        %get3A_1128 = arith.index_cast %add3A_1095 : i32 to index
        %get3A_1129 = arith.constant 64 : index
        %get3A_1130 = tpu.vector_load %arg22[%get3A_1128, %get3A_1129] {strides = array<i32>} : memref<64x128xf32, #tpu.memory_space<vmem>>, vector<16xf32>,
        %mul3A_1131 = vector.broadcast %squeeze3A_1091 : f32 to vector<16xf32>
        %mul3A_1132 = arith.mulf %get3A_1130, %mul3A_1131 : vector<16xf32>
        %swap3A_1133 = arith.index_cast %add3A_1095 : i32 to index
        %swap3A_1134 = arith.constant 64 : index
        %swap3A_1135 = tpu.vector_load %arg22[%swap3A_1133, %swap3A_1134] {strides = array<i32>} : memref<64x128xf32, #tpu.memory_space<vmem>>, vector<16xf32>,
        tpu.vector_store %arg22[%swap3A_1133, %swap3A_1134], %mul3A_1132 {strides = array<i32>} : memref<64x128xf32, #tpu.memory_space<vmem>>, vector<16xf32>,
        %get3A_1136 = arith.index_cast %add3A_1095 : i32 to index
        %get3A_1137 = arith.constant 80 : index
        %get3A_1138 = tpu.vector_load %arg22[%get3A_1136, %get3A_1137] {strides = array<i32>} : memref<64x128xf32, #tpu.memory_space<vmem>>, vector<16xf32>,
        %mul3A_1139 = vector.broadcast %squeeze3A_1091 : f32 to vector<16xf32>
        %mul3A_1140 = arith.mulf %get3A_1138, %mul3A_1139 : vector<16xf32>
        %swap3A_1141 = arith.index_cast %add3A_1095 : i32 to index
        %swap3A_1142 = arith.constant 80 : index
        %swap3A_1143 = tpu.vector_load %arg22[%swap3A_1141, %swap3A_1142] {strides = array<i32>} : memref<64x128xf32, #tpu.memory_space<vmem>>, vector<16xf32>,
        tpu.vector_store %arg22[%swap3A_1141, %swap3A_1142], %mul3A_1140 {strides = array<i32>} : memref<64x128xf32, #tpu.memory_space<vmem>>, vector<16xf32>,
        %get3A_1144 = arith.index_cast %add3A_1095 : i32 to index
        %get3A_1145 = arith.constant 96 : index
        %get3A_1146 = tpu.vector_load %arg22[%get3A_1144, %get3A_1145] {strides = array<i32>} : memref<64x128xf32, #tpu.memory_space<vmem>>, vector<16xf32>,
        %mul3A_1147 = vector.broadcast %squeeze3A_1091 : f32 to vector<16xf32>
        %mul3A_1148 = arith.mulf %get3A_1146, %mul3A_1147 : vector<16xf32>
        %swap3A_1149 = arith.index_cast %add3A_1095 : i32 to index
        %swap3A_1150 = arith.constant 96 : index
        %swap3A_1151 = tpu.vector_load %arg22[%swap3A_1149, %swap3A_1150] {strides = array<i32>} : memref<64x128xf32, #tpu.memory_space<vmem>>, vector<16xf32>,
        tpu.vector_store %arg22[%swap3A_1149, %swap3A_1150], %mul3A_1148 {strides = array<i32>} : memref<64x128xf32, #tpu.memory_space<vmem>>, vector<16xf32>,
        %get3A_1152 = arith.index_cast %add3A_1095 : i32 to index
        %get3A_1153 = arith.constant 112 : index
        %get3A_1154 = tpu.vector_load %arg22[%get3A_1152, %get3A_1153] {strides = array<i32>} : memref<64x128xf32, #tpu.memory_space<vmem>>, vector<16xf32>,
        %mul3A_1155 = vector.broadcast %squeeze3A_1091 : f32 to vector<16xf32>
        %mul3A_1156 = arith.mulf %get3A_1154, %mul3A_1155 : vector<16xf32>
        %swap3A_1157 = arith.index_cast %add3A_1095 : i32 to index
        %swap3A_1158 = arith.constant 112 : index
        %swap3A_1159 = tpu.vector_load %arg22[%swap3A_1157, %swap3A_1158] {strides = array<i32>} : memref<64x128xf32, #tpu.memory_space<vmem>>, vector<16xf32>,
        tpu.vector_store %arg22[%swap3A_1157, %swap3A_1158], %mul3A_1156 {strides = array<i32>} : memref<64x128xf32, #tpu.memory_space<vmem>>, vector<16xf32>,
        %slice3A_1160 = vector.extract_strided_slice %get3A_181 {offsets = [14], sizes = [1], strides = [1]} : vector<16xf32> to vector<1xf32>
        %squeeze3A_1161 = vector.extract %slice3A_1160[0] : f32 from vector<1xf32>
        %mul3A_1162 = arith.constant 16 : i32
        %mul3A_1163 = arith.muli %scan3A_177, %mul3A_1162 : i32
        %add3A_1164 = arith.constant 14 : i32
        %add3A_1165 = arith.addi %mul3A_1163, %add3A_1164 : i32
        %get3A_1166 = arith.index_cast %add3A_1165 : i32 to index
        %get3A_1167 = arith.constant 0 : index
        %get3A_1168 = tpu.vector_load %arg22[%get3A_1166, %get3A_1167] {strides = array<i32>} : memref<64x128xf32, #tpu.memory_space<vmem>>, vector<16xf32>,
        %mul3A_1169 = vector.broadcast %squeeze3A_1161 : f32 to vector<16xf32>
        %mul3A_1170 = arith.mulf %get3A_1168, %mul3A_1169 : vector<16xf32>
        %swap3A_1171 = arith.index_cast %add3A_1165 : i32 to index
        %swap3A_1172 = arith.constant 0 : index
        %swap3A_1173 = tpu.vector_load %arg22[%swap3A_1171, %swap3A_1172] {strides = array<i32>} : memref<64x128xf32, #tpu.memory_space<vmem>>, vector<16xf32>,
        tpu.vector_store %arg22[%swap3A_1171, %swap3A_1172], %mul3A_1170 {strides = array<i32>} : memref<64x128xf32, #tpu.memory_space<vmem>>, vector<16xf32>,
        %get3A_1174 = arith.index_cast %add3A_1165 : i32 to index
        %get3A_1175 = arith.constant 16 : index
        %get3A_1176 = tpu.vector_load %arg22[%get3A_1174, %get3A_1175] {strides = array<i32>} : memref<64x128xf32, #tpu.memory_space<vmem>>, vector<16xf32>,
        %mul3A_1177 = vector.broadcast %squeeze3A_1161 : f32 to vector<16xf32>
        %mul3A_1178 = arith.mulf %get3A_1176, %mul3A_1177 : vector<16xf32>
        %swap3A_1179 = arith.index_cast %add3A_1165 : i32 to index
        %swap3A_1180 = arith.constant 16 : index
        %swap3A_1181 = tpu.vector_load %arg22[%swap3A_1179, %swap3A_1180] {strides = array<i32>} : memref<64x128xf32, #tpu.memory_space<vmem>>, vector<16xf32>,
        tpu.vector_store %arg22[%swap3A_1179, %swap3A_1180], %mul3A_1178 {strides = array<i32>} : memref<64x128xf32, #tpu.memory_space<vmem>>, vector<16xf32>,
        %get3A_1182 = arith.index_cast %add3A_1165 : i32 to index
        %get3A_1183 = arith.constant 32 : index
        %get3A_1184 = tpu.vector_load %arg22[%get3A_1182, %get3A_1183] {strides = array<i32>} : memref<64x128xf32, #tpu.memory_space<vmem>>, vector<16xf32>,
        %mul3A_1185 = vector.broadcast %squeeze3A_1161 : f32 to vector<16xf32>
        %mul3A_1186 = arith.mulf %get3A_1184, %mul3A_1185 : vector<16xf32>
        %swap3A_1187 = arith.index_cast %add3A_1165 : i32 to index
        %swap3A_1188 = arith.constant 32 : index
        %swap3A_1189 = tpu.vector_load %arg22[%swap3A_1187, %swap3A_1188] {strides = array<i32>} : memref<64x128xf32, #tpu.memory_space<vmem>>, vector<16xf32>,
        tpu.vector_store %arg22[%swap3A_1187, %swap3A_1188], %mul3A_1186 {strides = array<i32>} : memref<64x128xf32, #tpu.memory_space<vmem>>, vector<16xf32>,
        %get3A_1190 = arith.index_cast %add3A_1165 : i32 to index
        %get3A_1191 = arith.constant 48 : index
        %get3A_1192 = tpu.vector_load %arg22[%get3A_1190, %get3A_1191] {strides = array<i32>} : memref<64x128xf32, #tpu.memory_space<vmem>>, vector<16xf32>,
        %mul3A_1193 = vector.broadcast %squeeze3A_1161 : f32 to vector<16xf32>
        %mul3A_1194 = arith.mulf %get3A_1192, %mul3A_1193 : vector<16xf32>
        %swap3A_1195 = arith.index_cast %add3A_1165 : i32 to index
        %swap3A_1196 = arith.constant 48 : index
        %swap3A_1197 = tpu.vector_load %arg22[%swap3A_1195, %swap3A_1196] {strides = array<i32>} : memref<64x128xf32, #tpu.memory_space<vmem>>, vector<16xf32>,
        tpu.vector_store %arg22[%swap3A_1195, %swap3A_1196], %mul3A_1194 {strides = array<i32>} : memref<64x128xf32, #tpu.memory_space<vmem>>, vector<16xf32>,
        %get3A_1198 = arith.index_cast %add3A_1165 : i32 to index
        %get3A_1199 = arith.constant 64 : index
        %get3A_1200 = tpu.vector_load %arg22[%get3A_1198, %get3A_1199] {strides = array<i32>} : memref<64x128xf32, #tpu.memory_space<vmem>>, vector<16xf32>,
        %mul3A_1201 = vector.broadcast %squeeze3A_1161 : f32 to vector<16xf32>
        %mul3A_1202 = arith.mulf %get3A_1200, %mul3A_1201 : vector<16xf32>
        %swap3A_1203 = arith.index_cast %add3A_1165 : i32 to index
        %swap3A_1204 = arith.constant 64 : index
        %swap3A_1205 = tpu.vector_load %arg22[%swap3A_1203, %swap3A_1204] {strides = array<i32>} : memref<64x128xf32, #tpu.memory_space<vmem>>, vector<16xf32>,
        tpu.vector_store %arg22[%swap3A_1203, %swap3A_1204], %mul3A_1202 {strides = array<i32>} : memref<64x128xf32, #tpu.memory_space<vmem>>, vector<16xf32>,
        %get3A_1206 = arith.index_cast %add3A_1165 : i32 to index
        %get3A_1207 = arith.constant 80 : index
        %get3A_1208 = tpu.vector_load %arg22[%get3A_1206, %get3A_1207] {strides = array<i32>} : memref<64x128xf32, #tpu.memory_space<vmem>>, vector<16xf32>,
        %mul3A_1209 = vector.broadcast %squeeze3A_1161 : f32 to vector<16xf32>
        %mul3A_1210 = arith.mulf %get3A_1208, %mul3A_1209 : vector<16xf32>
        %swap3A_1211 = arith.index_cast %add3A_1165 : i32 to index
        %swap3A_1212 = arith.constant 80 : index
        %swap3A_1213 = tpu.vector_load %arg22[%swap3A_1211, %swap3A_1212] {strides = array<i32>} : memref<64x128xf32, #tpu.memory_space<vmem>>, vector<16xf32>,
        tpu.vector_store %arg22[%swap3A_1211, %swap3A_1212], %mul3A_1210 {strides = array<i32>} : memref<64x128xf32, #tpu.memory_space<vmem>>, vector<16xf32>,
        %get3A_1214 = arith.index_cast %add3A_1165 : i32 to index
        %get3A_1215 = arith.constant 96 : index
        %get3A_1216 = tpu.vector_load %arg22[%get3A_1214, %get3A_1215] {strides = array<i32>} : memref<64x128xf32, #tpu.memory_space<vmem>>, vector<16xf32>,
        %mul3A_1217 = vector.broadcast %squeeze3A_1161 : f32 to vector<16xf32>
        %mul3A_1218 = arith.mulf %get3A_1216, %mul3A_1217 : vector<16xf32>
        %swap3A_1219 = arith.index_cast %add3A_1165 : i32 to index
        %swap3A_1220 = arith.constant 96 : index
        %swap3A_1221 = tpu.vector_load %arg22[%swap3A_1219, %swap3A_1220] {strides = array<i32>} : memref<64x128xf32, #tpu.memory_space<vmem>>, vector<16xf32>,
        tpu.vector_store %arg22[%swap3A_1219, %swap3A_1220], %mul3A_1218 {strides = array<i32>} : memref<64x128xf32, #tpu.memory_space<vmem>>, vector<16xf32>,
        %get3A_1222 = arith.index_cast %add3A_1165 : i32 to index
        %get3A_1223 = arith.constant 112 : index
        %get3A_1224 = tpu.vector_load %arg22[%get3A_1222, %get3A_1223] {strides = array<i32>} : memref<64x128xf32, #tpu.memory_space<vmem>>, vector<16xf32>,
        %mul3A_1225 = vector.broadcast %squeeze3A_1161 : f32 to vector<16xf32>
        %mul3A_1226 = arith.mulf %get3A_1224, %mul3A_1225 : vector<16xf32>
        %swap3A_1227 = arith.index_cast %add3A_1165 : i32 to index
        %swap3A_1228 = arith.constant 112 : index
        %swap3A_1229 = tpu.vector_load %arg22[%swap3A_1227, %swap3A_1228] {strides = array<i32>} : memref<64x128xf32, #tpu.memory_space<vmem>>, vector<16xf32>,
        tpu.vector_store %arg22[%swap3A_1227, %swap3A_1228], %mul3A_1226 {strides = array<i32>} : memref<64x128xf32, #tpu.memory_space<vmem>>, vector<16xf32>,
        %slice3A_1230 = vector.extract_strided_slice %get3A_181 {offsets = [15], sizes = [1], strides = [1]} : vector<16xf32> to vector<1xf32>
        %squeeze3A_1231 = vector.extract %slice3A_1230[0] : f32 from vector<1xf32>
        %mul3A_1232 = arith.constant 16 : i32
        %mul3A_1233 = arith.muli %scan3A_177, %mul3A_1232 : i32
        %add3A_1234 = arith.constant 15 : i32
        %add3A_1235 = arith.addi %mul3A_1233, %add3A_1234 : i32
        %get3A_1236 = arith.index_cast %add3A_1235 : i32 to index
        %get3A_1237 = arith.constant 0 : index
        %get3A_1238 = tpu.vector_load %arg22[%get3A_1236, %get3A_1237] {strides = array<i32>} : memref<64x128xf32, #tpu.memory_space<vmem>>, vector<16xf32>,
        %mul3A_1239 = vector.broadcast %squeeze3A_1231 : f32 to vector<16xf32>
        %mul3A_1240 = arith.mulf %get3A_1238, %mul3A_1239 : vector<16xf32>
        %swap3A_1241 = arith.index_cast %add3A_1235 : i32 to index
        %swap3A_1242 = arith.constant 0 : index
        %swap3A_1243 = tpu.vector_load %arg22[%swap3A_1241, %swap3A_1242] {strides = array<i32>} : memref<64x128xf32, #tpu.memory_space<vmem>>, vector<16xf32>,
        tpu.vector_store %arg22[%swap3A_1241, %swap3A_1242], %mul3A_1240 {strides = array<i32>} : memref<64x128xf32, #tpu.memory_space<vmem>>, vector<16xf32>,
        %get3A_1244 = arith.index_cast %add3A_1235 : i32 to index
        %get3A_1245 = arith.constant 16 : index
        %get3A_1246 = tpu.vector_load %arg22[%get3A_1244, %get3A_1245] {strides = array<i32>} : memref<64x128xf32, #tpu.memory_space<vmem>>, vector<16xf32>,
        %mul3A_1247 = vector.broadcast %squeeze3A_1231 : f32 to vector<16xf32>
        %mul3A_1248 = arith.mulf %get3A_1246, %mul3A_1247 : vector<16xf32>
        %swap3A_1249 = arith.index_cast %add3A_1235 : i32 to index
        %swap3A_1250 = arith.constant 16 : index
        %swap3A_1251 = tpu.vector_load %arg22[%swap3A_1249, %swap3A_1250] {strides = array<i32>} : memref<64x128xf32, #tpu.memory_space<vmem>>, vector<16xf32>,
        tpu.vector_store %arg22[%swap3A_1249, %swap3A_1250], %mul3A_1248 {strides = array<i32>} : memref<64x128xf32, #tpu.memory_space<vmem>>, vector<16xf32>,
        %get3A_1252 = arith.index_cast %add3A_1235 : i32 to index
        %get3A_1253 = arith.constant 32 : index
        %get3A_1254 = tpu.vector_load %arg22[%get3A_1252, %get3A_1253] {strides = array<i32>} : memref<64x128xf32, #tpu.memory_space<vmem>>, vector<16xf32>,
        %mul3A_1255 = vector.broadcast %squeeze3A_1231 : f32 to vector<16xf32>
        %mul3A_1256 = arith.mulf %get3A_1254, %mul3A_1255 : vector<16xf32>
        %swap3A_1257 = arith.index_cast %add3A_1235 : i32 to index
        %swap3A_1258 = arith.constant 32 : index
        %swap3A_1259 = tpu.vector_load %arg22[%swap3A_1257, %swap3A_1258] {strides = array<i32>} : memref<64x128xf32, #tpu.memory_space<vmem>>, vector<16xf32>,
        tpu.vector_store %arg22[%swap3A_1257, %swap3A_1258], %mul3A_1256 {strides = array<i32>} : memref<64x128xf32, #tpu.memory_space<vmem>>, vector<16xf32>,
        %get3A_1260 = arith.index_cast %add3A_1235 : i32 to index
        %get3A_1261 = arith.constant 48 : index
        %get3A_1262 = tpu.vector_load %arg22[%get3A_1260, %get3A_1261] {strides = array<i32>} : memref<64x128xf32, #tpu.memory_space<vmem>>, vector<16xf32>,
        %mul3A_1263 = vector.broadcast %squeeze3A_1231 : f32 to vector<16xf32>
        %mul3A_1264 = arith.mulf %get3A_1262, %mul3A_1263 : vector<16xf32>
        %swap3A_1265 = arith.index_cast %add3A_1235 : i32 to index
        %swap3A_1266 = arith.constant 48 : index
        %swap3A_1267 = tpu.vector_load %arg22[%swap3A_1265, %swap3A_1266] {strides = array<i32>} : memref<64x128xf32, #tpu.memory_space<vmem>>, vector<16xf32>,
        tpu.vector_store %arg22[%swap3A_1265, %swap3A_1266], %mul3A_1264 {strides = array<i32>} : memref<64x128xf32, #tpu.memory_space<vmem>>, vector<16xf32>,
        %get3A_1268 = arith.index_cast %add3A_1235 : i32 to index
        %get3A_1269 = arith.constant 64 : index
        %get3A_1270 = tpu.vector_load %arg22[%get3A_1268, %get3A_1269] {strides = array<i32>} : memref<64x128xf32, #tpu.memory_space<vmem>>, vector<16xf32>,
        %mul3A_1271 = vector.broadcast %squeeze3A_1231 : f32 to vector<16xf32>
        %mul3A_1272 = arith.mulf %get3A_1270, %mul3A_1271 : vector<16xf32>
        %swap3A_1273 = arith.index_cast %add3A_1235 : i32 to index
        %swap3A_1274 = arith.constant 64 : index
        %swap3A_1275 = tpu.vector_load %arg22[%swap3A_1273, %swap3A_1274] {strides = array<i32>} : memref<64x128xf32, #tpu.memory_space<vmem>>, vector<16xf32>,
        tpu.vector_store %arg22[%swap3A_1273, %swap3A_1274], %mul3A_1272 {strides = array<i32>} : memref<64x128xf32, #tpu.memory_space<vmem>>, vector<16xf32>,
        %get3A_1276 = arith.index_cast %add3A_1235 : i32 to index
        %get3A_1277 = arith.constant 80 : index
        %get3A_1278 = tpu.vector_load %arg22[%get3A_1276, %get3A_1277] {strides = array<i32>} : memref<64x128xf32, #tpu.memory_space<vmem>>, vector<16xf32>,
        %mul3A_1279 = vector.broadcast %squeeze3A_1231 : f32 to vector<16xf32>
        %mul3A_1280 = arith.mulf %get3A_1278, %mul3A_1279 : vector<16xf32>
        %swap3A_1281 = arith.index_cast %add3A_1235 : i32 to index
        %swap3A_1282 = arith.constant 80 : index
        %swap3A_1283 = tpu.vector_load %arg22[%swap3A_1281, %swap3A_1282] {strides = array<i32>} : memref<64x128xf32, #tpu.memory_space<vmem>>, vector<16xf32>,
        tpu.vector_store %arg22[%swap3A_1281, %swap3A_1282], %mul3A_1280 {strides = array<i32>} : memref<64x128xf32, #tpu.memory_space<vmem>>, vector<16xf32>,
        %get3A_1284 = arith.index_cast %add3A_1235 : i32 to index
        %get3A_1285 = arith.constant 96 : index
        %get3A_1286 = tpu.vector_load %arg22[%get3A_1284, %get3A_1285] {strides = array<i32>} : memref<64x128xf32, #tpu.memory_space<vmem>>, vector<16xf32>,
        %mul3A_1287 = vector.broadcast %squeeze3A_1231 : f32 to vector<16xf32>
        %mul3A_1288 = arith.mulf %get3A_1286, %mul3A_1287 : vector<16xf32>
        %swap3A_1289 = arith.index_cast %add3A_1235 : i32 to index
        %swap3A_1290 = arith.constant 96 : index
        %swap3A_1291 = tpu.vector_load %arg22[%swap3A_1289, %swap3A_1290] {strides = array<i32>} : memref<64x128xf32, #tpu.memory_space<vmem>>, vector<16xf32>,
        tpu.vector_store %arg22[%swap3A_1289, %swap3A_1290], %mul3A_1288 {strides = array<i32>} : memref<64x128xf32, #tpu.memory_space<vmem>>, vector<16xf32>,
        %get3A_1292 = arith.index_cast %add3A_1235 : i32 to index
        %get3A_1293 = arith.constant 112 : index
        %get3A_1294 = tpu.vector_load %arg22[%get3A_1292, %get3A_1293] {strides = array<i32>} : memref<64x128xf32, #tpu.memory_space<vmem>>, vector<16xf32>,
        %mul3A_1295 = vector.broadcast %squeeze3A_1231 : f32 to vector<16xf32>
        %mul3A_1296 = arith.mulf %get3A_1294, %mul3A_1295 : vector<16xf32>
        %swap3A_1297 = arith.index_cast %add3A_1235 : i32 to index
        %swap3A_1298 = arith.constant 112 : index
        %swap3A_1299 = tpu.vector_load %arg22[%swap3A_1297, %swap3A_1298] {strides = array<i32>} : memref<64x128xf32, #tpu.memory_space<vmem>>, vector<16xf32>,
        tpu.vector_store %arg22[%swap3A_1297, %swap3A_1298], %mul3A_1296 {strides = array<i32>} : memref<64x128xf32, #tpu.memory_space<vmem>>, vector<16xf32>,
      }
      %scan3A_176 = arith.constant 4 : i32
      "tpu.region"() ({
        %run_scoped3A = tpu.sem_alloc : memref<!tpu.dma_semaphore, #tpu.memory_space<semaphore_mem>>
        %dma_start3A = arith.constant 0 : i32
        %dma_start3A_177 = arith.constant 0 : i32
        %dma_start3A_178 = tpu.memref_slice %arg13[%dma_start3A, %dma_start3A_177] : memref<10240x128xf32, #tpu.memory_space<vmem_shared>> -> memref<10240x128xf32, #tpu.memory_space<vmem_shared>>
        tpu.enqueue_indirect_dma source(%arg22 : memref<64x128xf32, #tpu.memory_space<vmem>>) target(%dma_start3A_178 : memref<10240x128xf32, #tpu.memory_space<vmem_shared>>) offsets(%arg18 : memref<64xi32, #tpu.memory_space<vmem>>) semaphore(%run_scoped3A : memref<!tpu.dma_semaphore, #tpu.memory_space<semaphore_mem>>) {add = true}
        %dma_wait3A = arith.constant 0 : i32
        %dma_wait3A_179 = arith.constant 0 : i32
        %dma_wait3A_180 = tpu.memref_slice %arg13[%dma_wait3A, %dma_wait3A_179] : memref<10240x128xf32, #tpu.memory_space<vmem_shared>> -> memref<10240x128xf32, #tpu.memory_space<vmem_shared>>
        tpu.wait_indirect_dma semaphore(%run_scoped3A : memref<!tpu.dma_semaphore, #tpu.memory_space<semaphore_mem>>) src(%arg22 : memref<64x128xf32, #tpu.memory_space<vmem>>) dst(%dma_wait3A_180 : memref<10240x128xf32, #tpu.memory_space<vmem_shared>>)
        tpu.yield
      }) : () -> ()
    }
    %barrier3A_45 = arith.constant 0 : index
    tpu.barrier barrier_id(%barrier3A_45)
    %eq3A_46 = arith.constant 0 : i32
    %eq3A_47 = arith.cmpi eq, %arg0, %eq3A_46 : i32
    %convert_element_type3A_48 = arith.extui %eq3A_47 : i1 to i32
    %cond3A_49 = arith.constant 0 : i32
    %cond3A_50 = arith.cmpi ne, %convert_element_type3A_48, %cond3A_49 : i32
    scf.if %cond3A_50 {
      "tpu.region"() ({
        %run_scoped3A = tpu.sem_alloc : memref<!tpu.dma_semaphore, #tpu.memory_space<semaphore_mem>>
        %dma_start3A = arith.constant 0 : i32
        %dma_start3A_62 = tpu.memref_slice %arg11[%mul3A_0, %dma_start3A] : memref<10240x128xf32, #tpu.memory_space<hbm>> -> memref<640x128xf32, #tpu.memory_space<hbm>>
        %dma_start3A_63 = arith.constant 0 : i32
        %dma_start3A_64 = tpu.memref_slice %arg13[%mul3A_0, %dma_start3A_63] : memref<10240x128xf32, #tpu.memory_space<vmem_shared>> -> memref<640x128xf32, #tpu.memory_space<vmem_shared>>
        tpu.enqueue_dma source(%dma_start3A_64 : memref<640x128xf32, #tpu.memory_space<vmem_shared>>) target(%dma_start3A_62 : memref<640x128xf32, #tpu.memory_space<hbm>>) target_semaphore(%run_scoped3A : memref<!tpu.dma_semaphore, #tpu.memory_space<semaphore_mem>>)
        %dma_wait3A = arith.constant 0 : i32
        %dma_wait3A_65 = tpu.memref_slice %arg11[%mul3A_0, %dma_wait3A] : memref<10240x128xf32, #tpu.memory_space<hbm>> -> memref<640x128xf32, #tpu.memory_space<hbm>>
        %dma_wait3A_66 = arith.constant 0 : i32
        %dma_wait3A_67 = tpu.memref_slice %arg13[%mul3A_0, %dma_wait3A_66] : memref<10240x128xf32, #tpu.memory_space<vmem_shared>> -> memref<640x128xf32, #tpu.memory_space<vmem_shared>>
        tpu.wait_dma2 semaphore(%run_scoped3A : memref<!tpu.dma_semaphore, #tpu.memory_space<semaphore_mem>>) src(%dma_wait3A_67 : memref<640x128xf32, #tpu.memory_space<vmem_shared>>) dst(%dma_wait3A_65 : memref<640x128xf32, #tpu.memory_space<hbm>>)
        tpu.yield
      }) : () -> ()
    } else {
    }
    %eq3A_51 = arith.constant 1 : i32
    %eq3A_52 = arith.cmpi eq, %arg0, %eq3A_51 : i32
    %convert_element_type3A_53 = arith.extui %eq3A_52 : i1 to i32
    %cond3A_54 = arith.constant 0 : i32
    %cond3A_55 = arith.cmpi ne, %convert_element_type3A_53, %cond3A_54 : i32
    scf.if %cond3A_55 {
      "tpu.region"() ({
        %run_scoped3A = tpu.sem_alloc : memref<!tpu.dma_semaphore, #tpu.memory_space<semaphore_mem>>
        %dma_start3A = arith.constant 0 : i32
        %dma_start3A_62 = tpu.memref_slice %arg12[%mul3A_0, %dma_start3A] : memref<10240x128xf32, #tpu.memory_space<hbm>> -> memref<640x128xf32, #tpu.memory_space<hbm>>
        %dma_start3A_63 = arith.constant 0 : i32
        %dma_start3A_64 = tpu.memref_slice %arg13[%mul3A_0, %dma_start3A_63] : memref<10240x128xf32, #tpu.memory_space<vmem_shared>> -> memref<640x128xf32, #tpu.memory_space<vmem_shared>>
        tpu.enqueue_dma source(%dma_start3A_64 : memref<640x128xf32, #tpu.memory_space<vmem_shared>>) target(%dma_start3A_62 : memref<640x128xf32, #tpu.memory_space<hbm>>) target_semaphore(%run_scoped3A : memref<!tpu.dma_semaphore, #tpu.memory_space<semaphore_mem>>)
        %dma_wait3A = arith.constant 0 : i32
        %dma_wait3A_65 = tpu.memref_slice %arg12[%mul3A_0, %dma_wait3A] : memref<10240x128xf32, #tpu.memory_space<hbm>> -> memref<640x128xf32, #tpu.memory_space<hbm>>
        %dma_wait3A_66 = arith.constant 0 : i32
        %dma_wait3A_67 = tpu.memref_slice %arg13[%mul3A_0, %dma_wait3A_66] : memref<10240x128xf32, #tpu.memory_space<vmem_shared>> -> memref<640x128xf32, #tpu.memory_space<vmem_shared>>
        tpu.wait_dma2 semaphore(%run_scoped3A : memref<!tpu.dma_semaphore, #tpu.memory_space<semaphore_mem>>) src(%dma_wait3A_67 : memref<640x128xf32, #tpu.memory_space<vmem_shared>>) dst(%dma_wait3A_65 : memref<640x128xf32, #tpu.memory_space<hbm>>)
        tpu.yield
      }) : () -> ()
    } else {
    }
    %barrier3A_56 = arith.constant 0 : index
    tpu.barrier barrier_id(%barrier3A_56)
    %eq3A_57 = arith.constant 0 : i32
    %eq3A_58 = arith.cmpi eq, %arg0, %eq3A_57 : i32
    %convert_element_type3A_59 = arith.extui %eq3A_58 : i1 to i32
    %cond3A_60 = arith.constant 0 : i32
    %cond3A_61 = arith.cmpi ne, %convert_element_type3A_59, %cond3A_60 : i32
    scf.if %cond3A_61 {
      %mul3A_62 = arith.constant 80 : i32
      %mul3A_63 = arith.muli %arg1, %mul3A_62 : i32
      "tpu.region"() ({
        %run_scoped3A = tpu.sem_alloc : memref<!tpu.dma_semaphore, #tpu.memory_space<semaphore_mem>>
        %dma_start3A = arith.constant 0 : i32
        %dma_start3A_70 = tpu.memref_slice %arg13[%mul3A_63, %dma_start3A] : memref<10240x128xf32, #tpu.memory_space<vmem_shared>> -> memref<80x128xf32, #tpu.memory_space<vmem_shared>>
        %dma_start3A_71 = arith.constant 0 : i32
        %dma_start3A_72 = tpu.memref_slice %arg13[%mul3A_63, %dma_start3A_71] : memref<10240x128xf32, #tpu.memory_space<vmem_shared>> -> memref<80x128xf32, #tpu.memory_space<vmem_shared>>
        tpu.enqueue_dma source(%arg23 : memref<80x128xf32, #tpu.memory_space<vmem>>) target(%dma_start3A_72 : memref<80x128xf32, #tpu.memory_space<vmem_shared>>) target_semaphore(%run_scoped3A : memref<!tpu.dma_semaphore, #tpu.memory_space<semaphore_mem>>)
        %dma_wait3A = arith.constant 0 : i32
        %dma_wait3A_73 = tpu.memref_slice %arg13[%mul3A_63, %dma_wait3A] : memref<10240x128xf32, #tpu.memory_space<vmem_shared>> -> memref<80x128xf32, #tpu.memory_space<vmem_shared>>
        %dma_wait3A_74 = arith.constant 0 : i32
        %dma_wait3A_75 = tpu.memref_slice %arg13[%mul3A_63, %dma_wait3A_74] : memref<10240x128xf32, #tpu.memory_space<vmem_shared>> -> memref<80x128xf32, #tpu.memory_space<vmem_shared>>
        tpu.wait_dma2 semaphore(%run_scoped3A : memref<!tpu.dma_semaphore, #tpu.memory_space<semaphore_mem>>) src(%arg23 : memref<80x128xf32, #tpu.memory_space<vmem>>) dst(%dma_wait3A_75 : memref<80x128xf32, #tpu.memory_space<vmem_shared>>)
        tpu.yield
      }) : () -> ()
      %barrier3A_64 = arith.constant 0 : index
      tpu.barrier barrier_id(%barrier3A_64)
      %lt3A_65 = arith.constant 10 : i32
      %lt3A_66 = arith.cmpi slt, %arg1, %lt3A_65 : i32
      %convert_element_type3A_67 = arith.extui %lt3A_66 : i1 to i32
      %cond3A_68 = arith.constant 0 : i32
      %cond3A_69 = arith.cmpi ne, %convert_element_type3A_67, %cond3A_68 : i32
      scf.if %cond3A_69 {
        %mul3A_70 = arith.constant 8 : i32
        %mul3A_71 = arith.muli %arg1, %mul3A_70 : i32
        "tpu.region"() ({
          %run_scoped3A = tpu.sem_alloc : memref<!tpu.dma_semaphore, #tpu.memory_space<semaphore_mem>>
          %dma_start3A = arith.constant 0 : i32
          %dma_start3A_79 = tpu.memref_slice %arg13[%mul3A_71, %dma_start3A] : memref<10240x128xf32, #tpu.memory_space<vmem_shared>> -> memref<8x128xf32, #tpu.memory_space<vmem_shared>>
          %dma_start3A_80 = arith.constant 0 : i32
          %dma_start3A_81 = tpu.memref_slice %arg13[%mul3A_71, %dma_start3A_80] : memref<10240x128xf32, #tpu.memory_space<vmem_shared>> -> memref<8x128xf32, #tpu.memory_space<vmem_shared>>
          tpu.enqueue_dma source(%dma_start3A_81 : memref<8x128xf32, #tpu.memory_space<vmem_shared>>) target(%arg25 : memref<8x128xf32, #tpu.memory_space<vmem>>) target_semaphore(%run_scoped3A : memref<!tpu.dma_semaphore, #tpu.memory_space<semaphore_mem>>)
          %dma_wait3A = arith.constant 0 : i32
          %dma_wait3A_82 = tpu.memref_slice %arg13[%mul3A_71, %dma_wait3A] : memref<10240x128xf32, #tpu.memory_space<vmem_shared>> -> memref<8x128xf32, #tpu.memory_space<vmem_shared>>
          %dma_wait3A_83 = arith.constant 0 : i32
          %dma_wait3A_84 = tpu.memref_slice %arg13[%mul3A_71, %dma_wait3A_83] : memref<10240x128xf32, #tpu.memory_space<vmem_shared>> -> memref<8x128xf32, #tpu.memory_space<vmem_shared>>
          tpu.wait_dma2 semaphore(%run_scoped3A : memref<!tpu.dma_semaphore, #tpu.memory_space<semaphore_mem>>) src(%dma_wait3A_84 : memref<8x128xf32, #tpu.memory_space<vmem_shared>>) dst(%arg25 : memref<8x128xf32, #tpu.memory_space<vmem>>)
          tpu.yield
        }) : () -> ()
        %scan3A_72 = arith.constant 1 : i32
        %scan3A_73 = arith.constant 15 : i32
        %scan3A_74 = arith.addi %scan3A_72, %scan3A_73 : i32
        %scan3A_75 = arith.constant 1 : i32
        scf.for %scan3A_79 = %scan3A_72 to %scan3A_74 step %scan3A_75  : i32 {
          %mul3A_80 = arith.constant 80 : i32
          %mul3A_81 = arith.muli %scan3A_79, %mul3A_80 : i32
          %mul3A_82 = arith.constant 8 : i32
          %mul3A_83 = arith.muli %arg1, %mul3A_82 : i32
          %add3A_84 = arith.addi %mul3A_81, %mul3A_83 : i32
          "tpu.region"() ({
            %run_scoped3A = tpu.sem_alloc : memref<!tpu.dma_semaphore, #tpu.memory_space<semaphore_mem>>
            %dma_start3A = arith.constant 0 : i32
            %dma_start3A_915 = tpu.memref_slice %arg13[%add3A_84, %dma_start3A] : memref<10240x128xf32, #tpu.memory_space<vmem_shared>> -> memref<8x128xf32, #tpu.memory_space<vmem_shared>>
            %dma_start3A_916 = arith.constant 0 : i32
            %dma_start3A_917 = tpu.memref_slice %arg13[%add3A_84, %dma_start3A_916] : memref<10240x128xf32, #tpu.memory_space<vmem_shared>> -> memref<8x128xf32, #tpu.memory_space<vmem_shared>>
            tpu.enqueue_dma source(%dma_start3A_917 : memref<8x128xf32, #tpu.memory_space<vmem_shared>>) target(%arg24 : memref<8x128xf32, #tpu.memory_space<vmem>>) target_semaphore(%run_scoped3A : memref<!tpu.dma_semaphore, #tpu.memory_space<semaphore_mem>>)
            %dma_wait3A = arith.constant 0 : i32
            %dma_wait3A_918 = tpu.memref_slice %arg13[%add3A_84, %dma_wait3A] : memref<10240x128xf32, #tpu.memory_space<vmem_shared>> -> memref<8x128xf32, #tpu.memory_space<vmem_shared>>
            %dma_wait3A_919 = arith.constant 0 : i32
            %dma_wait3A_920 = tpu.memref_slice %arg13[%add3A_84, %dma_wait3A_919] : memref<10240x128xf32, #tpu.memory_space<vmem_shared>> -> memref<8x128xf32, #tpu.memory_space<vmem_shared>>
            tpu.wait_dma2 semaphore(%run_scoped3A : memref<!tpu.dma_semaphore, #tpu.memory_space<semaphore_mem>>) src(%dma_wait3A_920 : memref<8x128xf32, #tpu.memory_space<vmem_shared>>) dst(%arg24 : memref<8x128xf32, #tpu.memory_space<vmem>>)
            tpu.yield
          }) : () -> ()
          %get3A = arith.constant 0 : i32
          %get3A_85 = arith.index_cast %get3A : i32 to index
          %get3A_86 = arith.constant 0 : index
          %get3A_87 = tpu.vector_load %arg25[%get3A_85, %get3A_86] {strides = array<i32>} : memref<8x128xf32, #tpu.memory_space<vmem>>, vector<16xf32>,
          %get3A_88 = arith.constant 0 : i32
          %get3A_89 = arith.index_cast %get3A_88 : i32 to index
          %get3A_90 = arith.constant 0 : index
          %get3A_91 = tpu.vector_load %arg24[%get3A_89, %get3A_90] {strides = array<i32>} : memref<8x128xf32, #tpu.memory_space<vmem>>, vector<16xf32>,
          %add3A_92 = arith.addf %get3A_87, %get3A_91 : vector<16xf32>
          %swap3A = arith.constant 0 : i32
          %swap3A_93 = arith.index_cast %swap3A : i32 to index
          %swap3A_94 = arith.constant 0 : index
          %swap3A_95 = tpu.vector_load %arg25[%swap3A_93, %swap3A_94] {strides = array<i32>} : memref<8x128xf32, #tpu.memory_space<vmem>>, vector<16xf32>,
          tpu.vector_store %arg25[%swap3A_93, %swap3A_94], %add3A_92 {strides = array<i32>} : memref<8x128xf32, #tpu.memory_space<vmem>>, vector<16xf32>,
          %get3A_96 = arith.constant 0 : i32
          %get3A_97 = arith.index_cast %get3A_96 : i32 to index
          %get3A_98 = arith.constant 16 : index
          %get3A_99 = tpu.vector_load %arg25[%get3A_97, %get3A_98] {strides = array<i32>} : memref<8x128xf32, #tpu.memory_space<vmem>>, vector<16xf32>,
          %get3A_100 = arith.constant 0 : i32
          %get3A_101 = arith.index_cast %get3A_100 : i32 to index
          %get3A_102 = arith.constant 16 : index
          %get3A_103 = tpu.vector_load %arg24[%get3A_101, %get3A_102] {strides = array<i32>} : memref<8x128xf32, #tpu.memory_space<vmem>>, vector<16xf32>,
          %add3A_104 = arith.addf %get3A_99, %get3A_103 : vector<16xf32>
          %swap3A_105 = arith.constant 0 : i32
          %swap3A_106 = arith.index_cast %swap3A_105 : i32 to index
          %swap3A_107 = arith.constant 16 : index
          %swap3A_108 = tpu.vector_load %arg25[%swap3A_106, %swap3A_107] {strides = array<i32>} : memref<8x128xf32, #tpu.memory_space<vmem>>, vector<16xf32>,
          tpu.vector_store %arg25[%swap3A_106, %swap3A_107], %add3A_104 {strides = array<i32>} : memref<8x128xf32, #tpu.memory_space<vmem>>, vector<16xf32>,
          %get3A_109 = arith.constant 0 : i32
          %get3A_110 = arith.index_cast %get3A_109 : i32 to index
          %get3A_111 = arith.constant 32 : index
          %get3A_112 = tpu.vector_load %arg25[%get3A_110, %get3A_111] {strides = array<i32>} : memref<8x128xf32, #tpu.memory_space<vmem>>, vector<16xf32>,
          %get3A_113 = arith.constant 0 : i32
          %get3A_114 = arith.index_cast %get3A_113 : i32 to index
          %get3A_115 = arith.constant 32 : index
          %get3A_116 = tpu.vector_load %arg24[%get3A_114, %get3A_115] {strides = array<i32>} : memref<8x128xf32, #tpu.memory_space<vmem>>, vector<16xf32>,
          %add3A_117 = arith.addf %get3A_112, %get3A_116 : vector<16xf32>
          %swap3A_118 = arith.constant 0 : i32
          %swap3A_119 = arith.index_cast %swap3A_118 : i32 to index
          %swap3A_120 = arith.constant 32 : index
          %swap3A_121 = tpu.vector_load %arg25[%swap3A_119, %swap3A_120] {strides = array<i32>} : memref<8x128xf32, #tpu.memory_space<vmem>>, vector<16xf32>,
          tpu.vector_store %arg25[%swap3A_119, %swap3A_120], %add3A_117 {strides = array<i32>} : memref<8x128xf32, #tpu.memory_space<vmem>>, vector<16xf32>,
          %get3A_122 = arith.constant 0 : i32
          %get3A_123 = arith.index_cast %get3A_122 : i32 to index
          %get3A_124 = arith.constant 48 : index
          %get3A_125 = tpu.vector_load %arg25[%get3A_123, %get3A_124] {strides = array<i32>} : memref<8x128xf32, #tpu.memory_space<vmem>>, vector<16xf32>,
          %get3A_126 = arith.constant 0 : i32
          %get3A_127 = arith.index_cast %get3A_126 : i32 to index
          %get3A_128 = arith.constant 48 : index
          %get3A_129 = tpu.vector_load %arg24[%get3A_127, %get3A_128] {strides = array<i32>} : memref<8x128xf32, #tpu.memory_space<vmem>>, vector<16xf32>,
          %add3A_130 = arith.addf %get3A_125, %get3A_129 : vector<16xf32>
          %swap3A_131 = arith.constant 0 : i32
          %swap3A_132 = arith.index_cast %swap3A_131 : i32 to index
          %swap3A_133 = arith.constant 48 : index
          %swap3A_134 = tpu.vector_load %arg25[%swap3A_132, %swap3A_133] {strides = array<i32>} : memref<8x128xf32, #tpu.memory_space<vmem>>, vector<16xf32>,
          tpu.vector_store %arg25[%swap3A_132, %swap3A_133], %add3A_130 {strides = array<i32>} : memref<8x128xf32, #tpu.memory_space<vmem>>, vector<16xf32>,
          %get3A_135 = arith.constant 0 : i32
          %get3A_136 = arith.index_cast %get3A_135 : i32 to index
          %get3A_137 = arith.constant 64 : index
          %get3A_138 = tpu.vector_load %arg25[%get3A_136, %get3A_137] {strides = array<i32>} : memref<8x128xf32, #tpu.memory_space<vmem>>, vector<16xf32>,
          %get3A_139 = arith.constant 0 : i32
          %get3A_140 = arith.index_cast %get3A_139 : i32 to index
          %get3A_141 = arith.constant 64 : index
          %get3A_142 = tpu.vector_load %arg24[%get3A_140, %get3A_141] {strides = array<i32>} : memref<8x128xf32, #tpu.memory_space<vmem>>, vector<16xf32>,
          %add3A_143 = arith.addf %get3A_138, %get3A_142 : vector<16xf32>
          %swap3A_144 = arith.constant 0 : i32
          %swap3A_145 = arith.index_cast %swap3A_144 : i32 to index
          %swap3A_146 = arith.constant 64 : index
          %swap3A_147 = tpu.vector_load %arg25[%swap3A_145, %swap3A_146] {strides = array<i32>} : memref<8x128xf32, #tpu.memory_space<vmem>>, vector<16xf32>,
          tpu.vector_store %arg25[%swap3A_145, %swap3A_146], %add3A_143 {strides = array<i32>} : memref<8x128xf32, #tpu.memory_space<vmem>>, vector<16xf32>,
          %get3A_148 = arith.constant 0 : i32
          %get3A_149 = arith.index_cast %get3A_148 : i32 to index
          %get3A_150 = arith.constant 80 : index
          %get3A_151 = tpu.vector_load %arg25[%get3A_149, %get3A_150] {strides = array<i32>} : memref<8x128xf32, #tpu.memory_space<vmem>>, vector<16xf32>,
          %get3A_152 = arith.constant 0 : i32
          %get3A_153 = arith.index_cast %get3A_152 : i32 to index
          %get3A_154 = arith.constant 80 : index
          %get3A_155 = tpu.vector_load %arg24[%get3A_153, %get3A_154] {strides = array<i32>} : memref<8x128xf32, #tpu.memory_space<vmem>>, vector<16xf32>,
          %add3A_156 = arith.addf %get3A_151, %get3A_155 : vector<16xf32>
          %swap3A_157 = arith.constant 0 : i32
          %swap3A_158 = arith.index_cast %swap3A_157 : i32 to index
          %swap3A_159 = arith.constant 80 : index
          %swap3A_160 = tpu.vector_load %arg25[%swap3A_158, %swap3A_159] {strides = array<i32>} : memref<8x128xf32, #tpu.memory_space<vmem>>, vector<16xf32>,
          tpu.vector_store %arg25[%swap3A_158, %swap3A_159], %add3A_156 {strides = array<i32>} : memref<8x128xf32, #tpu.memory_space<vmem>>, vector<16xf32>,
          %get3A_161 = arith.constant 0 : i32
          %get3A_162 = arith.index_cast %get3A_161 : i32 to index
          %get3A_163 = arith.constant 96 : index
          %get3A_164 = tpu.vector_load %arg25[%get3A_162, %get3A_163] {strides = array<i32>} : memref<8x128xf32, #tpu.memory_space<vmem>>, vector<16xf32>,
          %get3A_165 = arith.constant 0 : i32
          %get3A_166 = arith.index_cast %get3A_165 : i32 to index
          %get3A_167 = arith.constant 96 : index
          %get3A_168 = tpu.vector_load %arg24[%get3A_166, %get3A_167] {strides = array<i32>} : memref<8x128xf32, #tpu.memory_space<vmem>>, vector<16xf32>,
          %add3A_169 = arith.addf %get3A_164, %get3A_168 : vector<16xf32>
          %swap3A_170 = arith.constant 0 : i32
          %swap3A_171 = arith.index_cast %swap3A_170 : i32 to index
          %swap3A_172 = arith.constant 96 : index
          %swap3A_173 = tpu.vector_load %arg25[%swap3A_171, %swap3A_172] {strides = array<i32>} : memref<8x128xf32, #tpu.memory_space<vmem>>, vector<16xf32>,
          tpu.vector_store %arg25[%swap3A_171, %swap3A_172], %add3A_169 {strides = array<i32>} : memref<8x128xf32, #tpu.memory_space<vmem>>, vector<16xf32>,
          %get3A_174 = arith.constant 0 : i32
          %get3A_175 = arith.index_cast %get3A_174 : i32 to index
          %get3A_176 = arith.constant 112 : index
          %get3A_177 = tpu.vector_load %arg25[%get3A_175, %get3A_176] {strides = array<i32>} : memref<8x128xf32, #tpu.memory_space<vmem>>, vector<16xf32>,
          %get3A_178 = arith.constant 0 : i32
          %get3A_179 = arith.index_cast %get3A_178 : i32 to index
          %get3A_180 = arith.constant 112 : index
          %get3A_181 = tpu.vector_load %arg24[%get3A_179, %get3A_180] {strides = array<i32>} : memref<8x128xf32, #tpu.memory_space<vmem>>, vector<16xf32>,
          %add3A_182 = arith.addf %get3A_177, %get3A_181 : vector<16xf32>
          %swap3A_183 = arith.constant 0 : i32
          %swap3A_184 = arith.index_cast %swap3A_183 : i32 to index
          %swap3A_185 = arith.constant 112 : index
          %swap3A_186 = tpu.vector_load %arg25[%swap3A_184, %swap3A_185] {strides = array<i32>} : memref<8x128xf32, #tpu.memory_space<vmem>>, vector<16xf32>,
          tpu.vector_store %arg25[%swap3A_184, %swap3A_185], %add3A_182 {strides = array<i32>} : memref<8x128xf32, #tpu.memory_space<vmem>>, vector<16xf32>,
          %get3A_187 = arith.constant 1 : i32
          %get3A_188 = arith.index_cast %get3A_187 : i32 to index
          %get3A_189 = arith.constant 0 : index
          %get3A_190 = tpu.vector_load %arg25[%get3A_188, %get3A_189] {strides = array<i32>} : memref<8x128xf32, #tpu.memory_space<vmem>>, vector<16xf32>,
          %get3A_191 = arith.constant 1 : i32
          %get3A_192 = arith.index_cast %get3A_191 : i32 to index
          %get3A_193 = arith.constant 0 : index
          %get3A_194 = tpu.vector_load %arg24[%get3A_192, %get3A_193] {strides = array<i32>} : memref<8x128xf32, #tpu.memory_space<vmem>>, vector<16xf32>,
          %add3A_195 = arith.addf %get3A_190, %get3A_194 : vector<16xf32>
          %swap3A_196 = arith.constant 1 : i32
          %swap3A_197 = arith.index_cast %swap3A_196 : i32 to index
          %swap3A_198 = arith.constant 0 : index
          %swap3A_199 = tpu.vector_load %arg25[%swap3A_197, %swap3A_198] {strides = array<i32>} : memref<8x128xf32, #tpu.memory_space<vmem>>, vector<16xf32>,
          tpu.vector_store %arg25[%swap3A_197, %swap3A_198], %add3A_195 {strides = array<i32>} : memref<8x128xf32, #tpu.memory_space<vmem>>, vector<16xf32>,
          %get3A_200 = arith.constant 1 : i32
          %get3A_201 = arith.index_cast %get3A_200 : i32 to index
          %get3A_202 = arith.constant 16 : index
          %get3A_203 = tpu.vector_load %arg25[%get3A_201, %get3A_202] {strides = array<i32>} : memref<8x128xf32, #tpu.memory_space<vmem>>, vector<16xf32>,
          %get3A_204 = arith.constant 1 : i32
          %get3A_205 = arith.index_cast %get3A_204 : i32 to index
          %get3A_206 = arith.constant 16 : index
          %get3A_207 = tpu.vector_load %arg24[%get3A_205, %get3A_206] {strides = array<i32>} : memref<8x128xf32, #tpu.memory_space<vmem>>, vector<16xf32>,
          %add3A_208 = arith.addf %get3A_203, %get3A_207 : vector<16xf32>
          %swap3A_209 = arith.constant 1 : i32
          %swap3A_210 = arith.index_cast %swap3A_209 : i32 to index
          %swap3A_211 = arith.constant 16 : index
          %swap3A_212 = tpu.vector_load %arg25[%swap3A_210, %swap3A_211] {strides = array<i32>} : memref<8x128xf32, #tpu.memory_space<vmem>>, vector<16xf32>,
          tpu.vector_store %arg25[%swap3A_210, %swap3A_211], %add3A_208 {strides = array<i32>} : memref<8x128xf32, #tpu.memory_space<vmem>>, vector<16xf32>,
          %get3A_213 = arith.constant 1 : i32
          %get3A_214 = arith.index_cast %get3A_213 : i32 to index
          %get3A_215 = arith.constant 32 : index
          %get3A_216 = tpu.vector_load %arg25[%get3A_214, %get3A_215] {strides = array<i32>} : memref<8x128xf32, #tpu.memory_space<vmem>>, vector<16xf32>,
          %get3A_217 = arith.constant 1 : i32
          %get3A_218 = arith.index_cast %get3A_217 : i32 to index
          %get3A_219 = arith.constant 32 : index
          %get3A_220 = tpu.vector_load %arg24[%get3A_218, %get3A_219] {strides = array<i32>} : memref<8x128xf32, #tpu.memory_space<vmem>>, vector<16xf32>,
          %add3A_221 = arith.addf %get3A_216, %get3A_220 : vector<16xf32>
          %swap3A_222 = arith.constant 1 : i32
          %swap3A_223 = arith.index_cast %swap3A_222 : i32 to index
          %swap3A_224 = arith.constant 32 : index
          %swap3A_225 = tpu.vector_load %arg25[%swap3A_223, %swap3A_224] {strides = array<i32>} : memref<8x128xf32, #tpu.memory_space<vmem>>, vector<16xf32>,
          tpu.vector_store %arg25[%swap3A_223, %swap3A_224], %add3A_221 {strides = array<i32>} : memref<8x128xf32, #tpu.memory_space<vmem>>, vector<16xf32>,
          %get3A_226 = arith.constant 1 : i32
          %get3A_227 = arith.index_cast %get3A_226 : i32 to index
          %get3A_228 = arith.constant 48 : index
          %get3A_229 = tpu.vector_load %arg25[%get3A_227, %get3A_228] {strides = array<i32>} : memref<8x128xf32, #tpu.memory_space<vmem>>, vector<16xf32>,
          %get3A_230 = arith.constant 1 : i32
          %get3A_231 = arith.index_cast %get3A_230 : i32 to index
          %get3A_232 = arith.constant 48 : index
          %get3A_233 = tpu.vector_load %arg24[%get3A_231, %get3A_232] {strides = array<i32>} : memref<8x128xf32, #tpu.memory_space<vmem>>, vector<16xf32>,
          %add3A_234 = arith.addf %get3A_229, %get3A_233 : vector<16xf32>
          %swap3A_235 = arith.constant 1 : i32
          %swap3A_236 = arith.index_cast %swap3A_235 : i32 to index
          %swap3A_237 = arith.constant 48 : index
          %swap3A_238 = tpu.vector_load %arg25[%swap3A_236, %swap3A_237] {strides = array<i32>} : memref<8x128xf32, #tpu.memory_space<vmem>>, vector<16xf32>,
          tpu.vector_store %arg25[%swap3A_236, %swap3A_237], %add3A_234 {strides = array<i32>} : memref<8x128xf32, #tpu.memory_space<vmem>>, vector<16xf32>,
          %get3A_239 = arith.constant 1 : i32
          %get3A_240 = arith.index_cast %get3A_239 : i32 to index
          %get3A_241 = arith.constant 64 : index
          %get3A_242 = tpu.vector_load %arg25[%get3A_240, %get3A_241] {strides = array<i32>} : memref<8x128xf32, #tpu.memory_space<vmem>>, vector<16xf32>,
          %get3A_243 = arith.constant 1 : i32
          %get3A_244 = arith.index_cast %get3A_243 : i32 to index
          %get3A_245 = arith.constant 64 : index
          %get3A_246 = tpu.vector_load %arg24[%get3A_244, %get3A_245] {strides = array<i32>} : memref<8x128xf32, #tpu.memory_space<vmem>>, vector<16xf32>,
          %add3A_247 = arith.addf %get3A_242, %get3A_246 : vector<16xf32>
          %swap3A_248 = arith.constant 1 : i32
          %swap3A_249 = arith.index_cast %swap3A_248 : i32 to index
          %swap3A_250 = arith.constant 64 : index
          %swap3A_251 = tpu.vector_load %arg25[%swap3A_249, %swap3A_250] {strides = array<i32>} : memref<8x128xf32, #tpu.memory_space<vmem>>, vector<16xf32>,
          tpu.vector_store %arg25[%swap3A_249, %swap3A_250], %add3A_247 {strides = array<i32>} : memref<8x128xf32, #tpu.memory_space<vmem>>, vector<16xf32>,
          %get3A_252 = arith.constant 1 : i32
          %get3A_253 = arith.index_cast %get3A_252 : i32 to index
          %get3A_254 = arith.constant 80 : index
          %get3A_255 = tpu.vector_load %arg25[%get3A_253, %get3A_254] {strides = array<i32>} : memref<8x128xf32, #tpu.memory_space<vmem>>, vector<16xf32>,
          %get3A_256 = arith.constant 1 : i32
          %get3A_257 = arith.index_cast %get3A_256 : i32 to index
          %get3A_258 = arith.constant 80 : index
          %get3A_259 = tpu.vector_load %arg24[%get3A_257, %get3A_258] {strides = array<i32>} : memref<8x128xf32, #tpu.memory_space<vmem>>, vector<16xf32>,
          %add3A_260 = arith.addf %get3A_255, %get3A_259 : vector<16xf32>
          %swap3A_261 = arith.constant 1 : i32
          %swap3A_262 = arith.index_cast %swap3A_261 : i32 to index
          %swap3A_263 = arith.constant 80 : index
          %swap3A_264 = tpu.vector_load %arg25[%swap3A_262, %swap3A_263] {strides = array<i32>} : memref<8x128xf32, #tpu.memory_space<vmem>>, vector<16xf32>,
          tpu.vector_store %arg25[%swap3A_262, %swap3A_263], %add3A_260 {strides = array<i32>} : memref<8x128xf32, #tpu.memory_space<vmem>>, vector<16xf32>,
          %get3A_265 = arith.constant 1 : i32
          %get3A_266 = arith.index_cast %get3A_265 : i32 to index
          %get3A_267 = arith.constant 96 : index
          %get3A_268 = tpu.vector_load %arg25[%get3A_266, %get3A_267] {strides = array<i32>} : memref<8x128xf32, #tpu.memory_space<vmem>>, vector<16xf32>,
          %get3A_269 = arith.constant 1 : i32
          %get3A_270 = arith.index_cast %get3A_269 : i32 to index
          %get3A_271 = arith.constant 96 : index
          %get3A_272 = tpu.vector_load %arg24[%get3A_270, %get3A_271] {strides = array<i32>} : memref<8x128xf32, #tpu.memory_space<vmem>>, vector<16xf32>,
          %add3A_273 = arith.addf %get3A_268, %get3A_272 : vector<16xf32>
          %swap3A_274 = arith.constant 1 : i32
          %swap3A_275 = arith.index_cast %swap3A_274 : i32 to index
          %swap3A_276 = arith.constant 96 : index
          %swap3A_277 = tpu.vector_load %arg25[%swap3A_275, %swap3A_276] {strides = array<i32>} : memref<8x128xf32, #tpu.memory_space<vmem>>, vector<16xf32>,
          tpu.vector_store %arg25[%swap3A_275, %swap3A_276], %add3A_273 {strides = array<i32>} : memref<8x128xf32, #tpu.memory_space<vmem>>, vector<16xf32>,
          %get3A_278 = arith.constant 1 : i32
          %get3A_279 = arith.index_cast %get3A_278 : i32 to index
          %get3A_280 = arith.constant 112 : index
          %get3A_281 = tpu.vector_load %arg25[%get3A_279, %get3A_280] {strides = array<i32>} : memref<8x128xf32, #tpu.memory_space<vmem>>, vector<16xf32>,
          %get3A_282 = arith.constant 1 : i32
          %get3A_283 = arith.index_cast %get3A_282 : i32 to index
          %get3A_284 = arith.constant 112 : index
          %get3A_285 = tpu.vector_load %arg24[%get3A_283, %get3A_284] {strides = array<i32>} : memref<8x128xf32, #tpu.memory_space<vmem>>, vector<16xf32>,
          %add3A_286 = arith.addf %get3A_281, %get3A_285 : vector<16xf32>
          %swap3A_287 = arith.constant 1 : i32
          %swap3A_288 = arith.index_cast %swap3A_287 : i32 to index
          %swap3A_289 = arith.constant 112 : index
          %swap3A_290 = tpu.vector_load %arg25[%swap3A_288, %swap3A_289] {strides = array<i32>} : memref<8x128xf32, #tpu.memory_space<vmem>>, vector<16xf32>,
          tpu.vector_store %arg25[%swap3A_288, %swap3A_289], %add3A_286 {strides = array<i32>} : memref<8x128xf32, #tpu.memory_space<vmem>>, vector<16xf32>,
          %get3A_291 = arith.constant 2 : i32
          %get3A_292 = arith.index_cast %get3A_291 : i32 to index
          %get3A_293 = arith.constant 0 : index
          %get3A_294 = tpu.vector_load %arg25[%get3A_292, %get3A_293] {strides = array<i32>} : memref<8x128xf32, #tpu.memory_space<vmem>>, vector<16xf32>,
          %get3A_295 = arith.constant 2 : i32
          %get3A_296 = arith.index_cast %get3A_295 : i32 to index
          %get3A_297 = arith.constant 0 : index
          %get3A_298 = tpu.vector_load %arg24[%get3A_296, %get3A_297] {strides = array<i32>} : memref<8x128xf32, #tpu.memory_space<vmem>>, vector<16xf32>,
          %add3A_299 = arith.addf %get3A_294, %get3A_298 : vector<16xf32>
          %swap3A_300 = arith.constant 2 : i32
          %swap3A_301 = arith.index_cast %swap3A_300 : i32 to index
          %swap3A_302 = arith.constant 0 : index
          %swap3A_303 = tpu.vector_load %arg25[%swap3A_301, %swap3A_302] {strides = array<i32>} : memref<8x128xf32, #tpu.memory_space<vmem>>, vector<16xf32>,
          tpu.vector_store %arg25[%swap3A_301, %swap3A_302], %add3A_299 {strides = array<i32>} : memref<8x128xf32, #tpu.memory_space<vmem>>, vector<16xf32>,
          %get3A_304 = arith.constant 2 : i32
          %get3A_305 = arith.index_cast %get3A_304 : i32 to index
          %get3A_306 = arith.constant 16 : index
          %get3A_307 = tpu.vector_load %arg25[%get3A_305, %get3A_306] {strides = array<i32>} : memref<8x128xf32, #tpu.memory_space<vmem>>, vector<16xf32>,
          %get3A_308 = arith.constant 2 : i32
          %get3A_309 = arith.index_cast %get3A_308 : i32 to index
          %get3A_310 = arith.constant 16 : index
          %get3A_311 = tpu.vector_load %arg24[%get3A_309, %get3A_310] {strides = array<i32>} : memref<8x128xf32, #tpu.memory_space<vmem>>, vector<16xf32>,
          %add3A_312 = arith.addf %get3A_307, %get3A_311 : vector<16xf32>
          %swap3A_313 = arith.constant 2 : i32
          %swap3A_314 = arith.index_cast %swap3A_313 : i32 to index
          %swap3A_315 = arith.constant 16 : index
          %swap3A_316 = tpu.vector_load %arg25[%swap3A_314, %swap3A_315] {strides = array<i32>} : memref<8x128xf32, #tpu.memory_space<vmem>>, vector<16xf32>,
          tpu.vector_store %arg25[%swap3A_314, %swap3A_315], %add3A_312 {strides = array<i32>} : memref<8x128xf32, #tpu.memory_space<vmem>>, vector<16xf32>,
          %get3A_317 = arith.constant 2 : i32
          %get3A_318 = arith.index_cast %get3A_317 : i32 to index
          %get3A_319 = arith.constant 32 : index
          %get3A_320 = tpu.vector_load %arg25[%get3A_318, %get3A_319] {strides = array<i32>} : memref<8x128xf32, #tpu.memory_space<vmem>>, vector<16xf32>,
          %get3A_321 = arith.constant 2 : i32
          %get3A_322 = arith.index_cast %get3A_321 : i32 to index
          %get3A_323 = arith.constant 32 : index
          %get3A_324 = tpu.vector_load %arg24[%get3A_322, %get3A_323] {strides = array<i32>} : memref<8x128xf32, #tpu.memory_space<vmem>>, vector<16xf32>,
          %add3A_325 = arith.addf %get3A_320, %get3A_324 : vector<16xf32>
          %swap3A_326 = arith.constant 2 : i32
          %swap3A_327 = arith.index_cast %swap3A_326 : i32 to index
          %swap3A_328 = arith.constant 32 : index
          %swap3A_329 = tpu.vector_load %arg25[%swap3A_327, %swap3A_328] {strides = array<i32>} : memref<8x128xf32, #tpu.memory_space<vmem>>, vector<16xf32>,
          tpu.vector_store %arg25[%swap3A_327, %swap3A_328], %add3A_325 {strides = array<i32>} : memref<8x128xf32, #tpu.memory_space<vmem>>, vector<16xf32>,
          %get3A_330 = arith.constant 2 : i32
          %get3A_331 = arith.index_cast %get3A_330 : i32 to index
          %get3A_332 = arith.constant 48 : index
          %get3A_333 = tpu.vector_load %arg25[%get3A_331, %get3A_332] {strides = array<i32>} : memref<8x128xf32, #tpu.memory_space<vmem>>, vector<16xf32>,
          %get3A_334 = arith.constant 2 : i32
          %get3A_335 = arith.index_cast %get3A_334 : i32 to index
          %get3A_336 = arith.constant 48 : index
          %get3A_337 = tpu.vector_load %arg24[%get3A_335, %get3A_336] {strides = array<i32>} : memref<8x128xf32, #tpu.memory_space<vmem>>, vector<16xf32>,
          %add3A_338 = arith.addf %get3A_333, %get3A_337 : vector<16xf32>
          %swap3A_339 = arith.constant 2 : i32
          %swap3A_340 = arith.index_cast %swap3A_339 : i32 to index
          %swap3A_341 = arith.constant 48 : index
          %swap3A_342 = tpu.vector_load %arg25[%swap3A_340, %swap3A_341] {strides = array<i32>} : memref<8x128xf32, #tpu.memory_space<vmem>>, vector<16xf32>,
          tpu.vector_store %arg25[%swap3A_340, %swap3A_341], %add3A_338 {strides = array<i32>} : memref<8x128xf32, #tpu.memory_space<vmem>>, vector<16xf32>,
          %get3A_343 = arith.constant 2 : i32
          %get3A_344 = arith.index_cast %get3A_343 : i32 to index
          %get3A_345 = arith.constant 64 : index
          %get3A_346 = tpu.vector_load %arg25[%get3A_344, %get3A_345] {strides = array<i32>} : memref<8x128xf32, #tpu.memory_space<vmem>>, vector<16xf32>,
          %get3A_347 = arith.constant 2 : i32
          %get3A_348 = arith.index_cast %get3A_347 : i32 to index
          %get3A_349 = arith.constant 64 : index
          %get3A_350 = tpu.vector_load %arg24[%get3A_348, %get3A_349] {strides = array<i32>} : memref<8x128xf32, #tpu.memory_space<vmem>>, vector<16xf32>,
          %add3A_351 = arith.addf %get3A_346, %get3A_350 : vector<16xf32>
          %swap3A_352 = arith.constant 2 : i32
          %swap3A_353 = arith.index_cast %swap3A_352 : i32 to index
          %swap3A_354 = arith.constant 64 : index
          %swap3A_355 = tpu.vector_load %arg25[%swap3A_353, %swap3A_354] {strides = array<i32>} : memref<8x128xf32, #tpu.memory_space<vmem>>, vector<16xf32>,
          tpu.vector_store %arg25[%swap3A_353, %swap3A_354], %add3A_351 {strides = array<i32>} : memref<8x128xf32, #tpu.memory_space<vmem>>, vector<16xf32>,
          %get3A_356 = arith.constant 2 : i32
          %get3A_357 = arith.index_cast %get3A_356 : i32 to index
          %get3A_358 = arith.constant 80 : index
          %get3A_359 = tpu.vector_load %arg25[%get3A_357, %get3A_358] {strides = array<i32>} : memref<8x128xf32, #tpu.memory_space<vmem>>, vector<16xf32>,
          %get3A_360 = arith.constant 2 : i32
          %get3A_361 = arith.index_cast %get3A_360 : i32 to index
          %get3A_362 = arith.constant 80 : index
          %get3A_363 = tpu.vector_load %arg24[%get3A_361, %get3A_362] {strides = array<i32>} : memref<8x128xf32, #tpu.memory_space<vmem>>, vector<16xf32>,
          %add3A_364 = arith.addf %get3A_359, %get3A_363 : vector<16xf32>
          %swap3A_365 = arith.constant 2 : i32
          %swap3A_366 = arith.index_cast %swap3A_365 : i32 to index
          %swap3A_367 = arith.constant 80 : index
          %swap3A_368 = tpu.vector_load %arg25[%swap3A_366, %swap3A_367] {strides = array<i32>} : memref<8x128xf32, #tpu.memory_space<vmem>>, vector<16xf32>,
          tpu.vector_store %arg25[%swap3A_366, %swap3A_367], %add3A_364 {strides = array<i32>} : memref<8x128xf32, #tpu.memory_space<vmem>>, vector<16xf32>,
          %get3A_369 = arith.constant 2 : i32
          %get3A_370 = arith.index_cast %get3A_369 : i32 to index
          %get3A_371 = arith.constant 96 : index
          %get3A_372 = tpu.vector_load %arg25[%get3A_370, %get3A_371] {strides = array<i32>} : memref<8x128xf32, #tpu.memory_space<vmem>>, vector<16xf32>,
          %get3A_373 = arith.constant 2 : i32
          %get3A_374 = arith.index_cast %get3A_373 : i32 to index
          %get3A_375 = arith.constant 96 : index
          %get3A_376 = tpu.vector_load %arg24[%get3A_374, %get3A_375] {strides = array<i32>} : memref<8x128xf32, #tpu.memory_space<vmem>>, vector<16xf32>,
          %add3A_377 = arith.addf %get3A_372, %get3A_376 : vector<16xf32>
          %swap3A_378 = arith.constant 2 : i32
          %swap3A_379 = arith.index_cast %swap3A_378 : i32 to index
          %swap3A_380 = arith.constant 96 : index
          %swap3A_381 = tpu.vector_load %arg25[%swap3A_379, %swap3A_380] {strides = array<i32>} : memref<8x128xf32, #tpu.memory_space<vmem>>, vector<16xf32>,
          tpu.vector_store %arg25[%swap3A_379, %swap3A_380], %add3A_377 {strides = array<i32>} : memref<8x128xf32, #tpu.memory_space<vmem>>, vector<16xf32>,
          %get3A_382 = arith.constant 2 : i32
          %get3A_383 = arith.index_cast %get3A_382 : i32 to index
          %get3A_384 = arith.constant 112 : index
          %get3A_385 = tpu.vector_load %arg25[%get3A_383, %get3A_384] {strides = array<i32>} : memref<8x128xf32, #tpu.memory_space<vmem>>, vector<16xf32>,
          %get3A_386 = arith.constant 2 : i32
          %get3A_387 = arith.index_cast %get3A_386 : i32 to index
          %get3A_388 = arith.constant 112 : index
          %get3A_389 = tpu.vector_load %arg24[%get3A_387, %get3A_388] {strides = array<i32>} : memref<8x128xf32, #tpu.memory_space<vmem>>, vector<16xf32>,
          %add3A_390 = arith.addf %get3A_385, %get3A_389 : vector<16xf32>
          %swap3A_391 = arith.constant 2 : i32
          %swap3A_392 = arith.index_cast %swap3A_391 : i32 to index
          %swap3A_393 = arith.constant 112 : index
          %swap3A_394 = tpu.vector_load %arg25[%swap3A_392, %swap3A_393] {strides = array<i32>} : memref<8x128xf32, #tpu.memory_space<vmem>>, vector<16xf32>,
          tpu.vector_store %arg25[%swap3A_392, %swap3A_393], %add3A_390 {strides = array<i32>} : memref<8x128xf32, #tpu.memory_space<vmem>>, vector<16xf32>,
          %get3A_395 = arith.constant 3 : i32
          %get3A_396 = arith.index_cast %get3A_395 : i32 to index
          %get3A_397 = arith.constant 0 : index
          %get3A_398 = tpu.vector_load %arg25[%get3A_396, %get3A_397] {strides = array<i32>} : memref<8x128xf32, #tpu.memory_space<vmem>>, vector<16xf32>,
          %get3A_399 = arith.constant 3 : i32
          %get3A_400 = arith.index_cast %get3A_399 : i32 to index
          %get3A_401 = arith.constant 0 : index
          %get3A_402 = tpu.vector_load %arg24[%get3A_400, %get3A_401] {strides = array<i32>} : memref<8x128xf32, #tpu.memory_space<vmem>>, vector<16xf32>,
          %add3A_403 = arith.addf %get3A_398, %get3A_402 : vector<16xf32>
          %swap3A_404 = arith.constant 3 : i32
          %swap3A_405 = arith.index_cast %swap3A_404 : i32 to index
          %swap3A_406 = arith.constant 0 : index
          %swap3A_407 = tpu.vector_load %arg25[%swap3A_405, %swap3A_406] {strides = array<i32>} : memref<8x128xf32, #tpu.memory_space<vmem>>, vector<16xf32>,
          tpu.vector_store %arg25[%swap3A_405, %swap3A_406], %add3A_403 {strides = array<i32>} : memref<8x128xf32, #tpu.memory_space<vmem>>, vector<16xf32>,
          %get3A_408 = arith.constant 3 : i32
          %get3A_409 = arith.index_cast %get3A_408 : i32 to index
          %get3A_410 = arith.constant 16 : index
          %get3A_411 = tpu.vector_load %arg25[%get3A_409, %get3A_410] {strides = array<i32>} : memref<8x128xf32, #tpu.memory_space<vmem>>, vector<16xf32>,
          %get3A_412 = arith.constant 3 : i32
          %get3A_413 = arith.index_cast %get3A_412 : i32 to index
          %get3A_414 = arith.constant 16 : index
          %get3A_415 = tpu.vector_load %arg24[%get3A_413, %get3A_414] {strides = array<i32>} : memref<8x128xf32, #tpu.memory_space<vmem>>, vector<16xf32>,
          %add3A_416 = arith.addf %get3A_411, %get3A_415 : vector<16xf32>
          %swap3A_417 = arith.constant 3 : i32
          %swap3A_418 = arith.index_cast %swap3A_417 : i32 to index
          %swap3A_419 = arith.constant 16 : index
          %swap3A_420 = tpu.vector_load %arg25[%swap3A_418, %swap3A_419] {strides = array<i32>} : memref<8x128xf32, #tpu.memory_space<vmem>>, vector<16xf32>,
          tpu.vector_store %arg25[%swap3A_418, %swap3A_419], %add3A_416 {strides = array<i32>} : memref<8x128xf32, #tpu.memory_space<vmem>>, vector<16xf32>,
          %get3A_421 = arith.constant 3 : i32
          %get3A_422 = arith.index_cast %get3A_421 : i32 to index
          %get3A_423 = arith.constant 32 : index
          %get3A_424 = tpu.vector_load %arg25[%get3A_422, %get3A_423] {strides = array<i32>} : memref<8x128xf32, #tpu.memory_space<vmem>>, vector<16xf32>,
          %get3A_425 = arith.constant 3 : i32
          %get3A_426 = arith.index_cast %get3A_425 : i32 to index
          %get3A_427 = arith.constant 32 : index
          %get3A_428 = tpu.vector_load %arg24[%get3A_426, %get3A_427] {strides = array<i32>} : memref<8x128xf32, #tpu.memory_space<vmem>>, vector<16xf32>,
          %add3A_429 = arith.addf %get3A_424, %get3A_428 : vector<16xf32>
          %swap3A_430 = arith.constant 3 : i32
          %swap3A_431 = arith.index_cast %swap3A_430 : i32 to index
          %swap3A_432 = arith.constant 32 : index
          %swap3A_433 = tpu.vector_load %arg25[%swap3A_431, %swap3A_432] {strides = array<i32>} : memref<8x128xf32, #tpu.memory_space<vmem>>, vector<16xf32>,
          tpu.vector_store %arg25[%swap3A_431, %swap3A_432], %add3A_429 {strides = array<i32>} : memref<8x128xf32, #tpu.memory_space<vmem>>, vector<16xf32>,
          %get3A_434 = arith.constant 3 : i32
          %get3A_435 = arith.index_cast %get3A_434 : i32 to index
          %get3A_436 = arith.constant 48 : index
          %get3A_437 = tpu.vector_load %arg25[%get3A_435, %get3A_436] {strides = array<i32>} : memref<8x128xf32, #tpu.memory_space<vmem>>, vector<16xf32>,
          %get3A_438 = arith.constant 3 : i32
          %get3A_439 = arith.index_cast %get3A_438 : i32 to index
          %get3A_440 = arith.constant 48 : index
          %get3A_441 = tpu.vector_load %arg24[%get3A_439, %get3A_440] {strides = array<i32>} : memref<8x128xf32, #tpu.memory_space<vmem>>, vector<16xf32>,
          %add3A_442 = arith.addf %get3A_437, %get3A_441 : vector<16xf32>
          %swap3A_443 = arith.constant 3 : i32
          %swap3A_444 = arith.index_cast %swap3A_443 : i32 to index
          %swap3A_445 = arith.constant 48 : index
          %swap3A_446 = tpu.vector_load %arg25[%swap3A_444, %swap3A_445] {strides = array<i32>} : memref<8x128xf32, #tpu.memory_space<vmem>>, vector<16xf32>,
          tpu.vector_store %arg25[%swap3A_444, %swap3A_445], %add3A_442 {strides = array<i32>} : memref<8x128xf32, #tpu.memory_space<vmem>>, vector<16xf32>,
          %get3A_447 = arith.constant 3 : i32
          %get3A_448 = arith.index_cast %get3A_447 : i32 to index
          %get3A_449 = arith.constant 64 : index
          %get3A_450 = tpu.vector_load %arg25[%get3A_448, %get3A_449] {strides = array<i32>} : memref<8x128xf32, #tpu.memory_space<vmem>>, vector<16xf32>,
          %get3A_451 = arith.constant 3 : i32
          %get3A_452 = arith.index_cast %get3A_451 : i32 to index
          %get3A_453 = arith.constant 64 : index
          %get3A_454 = tpu.vector_load %arg24[%get3A_452, %get3A_453] {strides = array<i32>} : memref<8x128xf32, #tpu.memory_space<vmem>>, vector<16xf32>,
          %add3A_455 = arith.addf %get3A_450, %get3A_454 : vector<16xf32>
          %swap3A_456 = arith.constant 3 : i32
          %swap3A_457 = arith.index_cast %swap3A_456 : i32 to index
          %swap3A_458 = arith.constant 64 : index
          %swap3A_459 = tpu.vector_load %arg25[%swap3A_457, %swap3A_458] {strides = array<i32>} : memref<8x128xf32, #tpu.memory_space<vmem>>, vector<16xf32>,
          tpu.vector_store %arg25[%swap3A_457, %swap3A_458], %add3A_455 {strides = array<i32>} : memref<8x128xf32, #tpu.memory_space<vmem>>, vector<16xf32>,
          %get3A_460 = arith.constant 3 : i32
          %get3A_461 = arith.index_cast %get3A_460 : i32 to index
          %get3A_462 = arith.constant 80 : index
          %get3A_463 = tpu.vector_load %arg25[%get3A_461, %get3A_462] {strides = array<i32>} : memref<8x128xf32, #tpu.memory_space<vmem>>, vector<16xf32>,
          %get3A_464 = arith.constant 3 : i32
          %get3A_465 = arith.index_cast %get3A_464 : i32 to index
          %get3A_466 = arith.constant 80 : index
          %get3A_467 = tpu.vector_load %arg24[%get3A_465, %get3A_466] {strides = array<i32>} : memref<8x128xf32, #tpu.memory_space<vmem>>, vector<16xf32>,
          %add3A_468 = arith.addf %get3A_463, %get3A_467 : vector<16xf32>
          %swap3A_469 = arith.constant 3 : i32
          %swap3A_470 = arith.index_cast %swap3A_469 : i32 to index
          %swap3A_471 = arith.constant 80 : index
          %swap3A_472 = tpu.vector_load %arg25[%swap3A_470, %swap3A_471] {strides = array<i32>} : memref<8x128xf32, #tpu.memory_space<vmem>>, vector<16xf32>,
          tpu.vector_store %arg25[%swap3A_470, %swap3A_471], %add3A_468 {strides = array<i32>} : memref<8x128xf32, #tpu.memory_space<vmem>>, vector<16xf32>,
          %get3A_473 = arith.constant 3 : i32
          %get3A_474 = arith.index_cast %get3A_473 : i32 to index
          %get3A_475 = arith.constant 96 : index
          %get3A_476 = tpu.vector_load %arg25[%get3A_474, %get3A_475] {strides = array<i32>} : memref<8x128xf32, #tpu.memory_space<vmem>>, vector<16xf32>,
          %get3A_477 = arith.constant 3 : i32
          %get3A_478 = arith.index_cast %get3A_477 : i32 to index
          %get3A_479 = arith.constant 96 : index
          %get3A_480 = tpu.vector_load %arg24[%get3A_478, %get3A_479] {strides = array<i32>} : memref<8x128xf32, #tpu.memory_space<vmem>>, vector<16xf32>,
          %add3A_481 = arith.addf %get3A_476, %get3A_480 : vector<16xf32>
          %swap3A_482 = arith.constant 3 : i32
          %swap3A_483 = arith.index_cast %swap3A_482 : i32 to index
          %swap3A_484 = arith.constant 96 : index
          %swap3A_485 = tpu.vector_load %arg25[%swap3A_483, %swap3A_484] {strides = array<i32>} : memref<8x128xf32, #tpu.memory_space<vmem>>, vector<16xf32>,
          tpu.vector_store %arg25[%swap3A_483, %swap3A_484], %add3A_481 {strides = array<i32>} : memref<8x128xf32, #tpu.memory_space<vmem>>, vector<16xf32>,
          %get3A_486 = arith.constant 3 : i32
          %get3A_487 = arith.index_cast %get3A_486 : i32 to index
          %get3A_488 = arith.constant 112 : index
          %get3A_489 = tpu.vector_load %arg25[%get3A_487, %get3A_488] {strides = array<i32>} : memref<8x128xf32, #tpu.memory_space<vmem>>, vector<16xf32>,
          %get3A_490 = arith.constant 3 : i32
          %get3A_491 = arith.index_cast %get3A_490 : i32 to index
          %get3A_492 = arith.constant 112 : index
          %get3A_493 = tpu.vector_load %arg24[%get3A_491, %get3A_492] {strides = array<i32>} : memref<8x128xf32, #tpu.memory_space<vmem>>, vector<16xf32>,
          %add3A_494 = arith.addf %get3A_489, %get3A_493 : vector<16xf32>
          %swap3A_495 = arith.constant 3 : i32
          %swap3A_496 = arith.index_cast %swap3A_495 : i32 to index
          %swap3A_497 = arith.constant 112 : index
          %swap3A_498 = tpu.vector_load %arg25[%swap3A_496, %swap3A_497] {strides = array<i32>} : memref<8x128xf32, #tpu.memory_space<vmem>>, vector<16xf32>,
          tpu.vector_store %arg25[%swap3A_496, %swap3A_497], %add3A_494 {strides = array<i32>} : memref<8x128xf32, #tpu.memory_space<vmem>>, vector<16xf32>,
          %get3A_499 = arith.constant 4 : i32
          %get3A_500 = arith.index_cast %get3A_499 : i32 to index
          %get3A_501 = arith.constant 0 : index
          %get3A_502 = tpu.vector_load %arg25[%get3A_500, %get3A_501] {strides = array<i32>} : memref<8x128xf32, #tpu.memory_space<vmem>>, vector<16xf32>,
          %get3A_503 = arith.constant 4 : i32
          %get3A_504 = arith.index_cast %get3A_503 : i32 to index
          %get3A_505 = arith.constant 0 : index
          %get3A_506 = tpu.vector_load %arg24[%get3A_504, %get3A_505] {strides = array<i32>} : memref<8x128xf32, #tpu.memory_space<vmem>>, vector<16xf32>,
          %add3A_507 = arith.addf %get3A_502, %get3A_506 : vector<16xf32>
          %swap3A_508 = arith.constant 4 : i32
          %swap3A_509 = arith.index_cast %swap3A_508 : i32 to index
          %swap3A_510 = arith.constant 0 : index
          %swap3A_511 = tpu.vector_load %arg25[%swap3A_509, %swap3A_510] {strides = array<i32>} : memref<8x128xf32, #tpu.memory_space<vmem>>, vector<16xf32>,
          tpu.vector_store %arg25[%swap3A_509, %swap3A_510], %add3A_507 {strides = array<i32>} : memref<8x128xf32, #tpu.memory_space<vmem>>, vector<16xf32>,
          %get3A_512 = arith.constant 4 : i32
          %get3A_513 = arith.index_cast %get3A_512 : i32 to index
          %get3A_514 = arith.constant 16 : index
          %get3A_515 = tpu.vector_load %arg25[%get3A_513, %get3A_514] {strides = array<i32>} : memref<8x128xf32, #tpu.memory_space<vmem>>, vector<16xf32>,
          %get3A_516 = arith.constant 4 : i32
          %get3A_517 = arith.index_cast %get3A_516 : i32 to index
          %get3A_518 = arith.constant 16 : index
          %get3A_519 = tpu.vector_load %arg24[%get3A_517, %get3A_518] {strides = array<i32>} : memref<8x128xf32, #tpu.memory_space<vmem>>, vector<16xf32>,
          %add3A_520 = arith.addf %get3A_515, %get3A_519 : vector<16xf32>
          %swap3A_521 = arith.constant 4 : i32
          %swap3A_522 = arith.index_cast %swap3A_521 : i32 to index
          %swap3A_523 = arith.constant 16 : index
          %swap3A_524 = tpu.vector_load %arg25[%swap3A_522, %swap3A_523] {strides = array<i32>} : memref<8x128xf32, #tpu.memory_space<vmem>>, vector<16xf32>,
          tpu.vector_store %arg25[%swap3A_522, %swap3A_523], %add3A_520 {strides = array<i32>} : memref<8x128xf32, #tpu.memory_space<vmem>>, vector<16xf32>,
          %get3A_525 = arith.constant 4 : i32
          %get3A_526 = arith.index_cast %get3A_525 : i32 to index
          %get3A_527 = arith.constant 32 : index
          %get3A_528 = tpu.vector_load %arg25[%get3A_526, %get3A_527] {strides = array<i32>} : memref<8x128xf32, #tpu.memory_space<vmem>>, vector<16xf32>,
          %get3A_529 = arith.constant 4 : i32
          %get3A_530 = arith.index_cast %get3A_529 : i32 to index
          %get3A_531 = arith.constant 32 : index
          %get3A_532 = tpu.vector_load %arg24[%get3A_530, %get3A_531] {strides = array<i32>} : memref<8x128xf32, #tpu.memory_space<vmem>>, vector<16xf32>,
          %add3A_533 = arith.addf %get3A_528, %get3A_532 : vector<16xf32>
          %swap3A_534 = arith.constant 4 : i32
          %swap3A_535 = arith.index_cast %swap3A_534 : i32 to index
          %swap3A_536 = arith.constant 32 : index
          %swap3A_537 = tpu.vector_load %arg25[%swap3A_535, %swap3A_536] {strides = array<i32>} : memref<8x128xf32, #tpu.memory_space<vmem>>, vector<16xf32>,
          tpu.vector_store %arg25[%swap3A_535, %swap3A_536], %add3A_533 {strides = array<i32>} : memref<8x128xf32, #tpu.memory_space<vmem>>, vector<16xf32>,
          %get3A_538 = arith.constant 4 : i32
          %get3A_539 = arith.index_cast %get3A_538 : i32 to index
          %get3A_540 = arith.constant 48 : index
          %get3A_541 = tpu.vector_load %arg25[%get3A_539, %get3A_540] {strides = array<i32>} : memref<8x128xf32, #tpu.memory_space<vmem>>, vector<16xf32>,
          %get3A_542 = arith.constant 4 : i32
          %get3A_543 = arith.index_cast %get3A_542 : i32 to index
          %get3A_544 = arith.constant 48 : index
          %get3A_545 = tpu.vector_load %arg24[%get3A_543, %get3A_544] {strides = array<i32>} : memref<8x128xf32, #tpu.memory_space<vmem>>, vector<16xf32>,
          %add3A_546 = arith.addf %get3A_541, %get3A_545 : vector<16xf32>
          %swap3A_547 = arith.constant 4 : i32
          %swap3A_548 = arith.index_cast %swap3A_547 : i32 to index
          %swap3A_549 = arith.constant 48 : index
          %swap3A_550 = tpu.vector_load %arg25[%swap3A_548, %swap3A_549] {strides = array<i32>} : memref<8x128xf32, #tpu.memory_space<vmem>>, vector<16xf32>,
          tpu.vector_store %arg25[%swap3A_548, %swap3A_549], %add3A_546 {strides = array<i32>} : memref<8x128xf32, #tpu.memory_space<vmem>>, vector<16xf32>,
          %get3A_551 = arith.constant 4 : i32
          %get3A_552 = arith.index_cast %get3A_551 : i32 to index
          %get3A_553 = arith.constant 64 : index
          %get3A_554 = tpu.vector_load %arg25[%get3A_552, %get3A_553] {strides = array<i32>} : memref<8x128xf32, #tpu.memory_space<vmem>>, vector<16xf32>,
          %get3A_555 = arith.constant 4 : i32
          %get3A_556 = arith.index_cast %get3A_555 : i32 to index
          %get3A_557 = arith.constant 64 : index
          %get3A_558 = tpu.vector_load %arg24[%get3A_556, %get3A_557] {strides = array<i32>} : memref<8x128xf32, #tpu.memory_space<vmem>>, vector<16xf32>,
          %add3A_559 = arith.addf %get3A_554, %get3A_558 : vector<16xf32>
          %swap3A_560 = arith.constant 4 : i32
          %swap3A_561 = arith.index_cast %swap3A_560 : i32 to index
          %swap3A_562 = arith.constant 64 : index
          %swap3A_563 = tpu.vector_load %arg25[%swap3A_561, %swap3A_562] {strides = array<i32>} : memref<8x128xf32, #tpu.memory_space<vmem>>, vector<16xf32>,
          tpu.vector_store %arg25[%swap3A_561, %swap3A_562], %add3A_559 {strides = array<i32>} : memref<8x128xf32, #tpu.memory_space<vmem>>, vector<16xf32>,
          %get3A_564 = arith.constant 4 : i32
          %get3A_565 = arith.index_cast %get3A_564 : i32 to index
          %get3A_566 = arith.constant 80 : index
          %get3A_567 = tpu.vector_load %arg25[%get3A_565, %get3A_566] {strides = array<i32>} : memref<8x128xf32, #tpu.memory_space<vmem>>, vector<16xf32>,
          %get3A_568 = arith.constant 4 : i32
          %get3A_569 = arith.index_cast %get3A_568 : i32 to index
          %get3A_570 = arith.constant 80 : index
          %get3A_571 = tpu.vector_load %arg24[%get3A_569, %get3A_570] {strides = array<i32>} : memref<8x128xf32, #tpu.memory_space<vmem>>, vector<16xf32>,
          %add3A_572 = arith.addf %get3A_567, %get3A_571 : vector<16xf32>
          %swap3A_573 = arith.constant 4 : i32
          %swap3A_574 = arith.index_cast %swap3A_573 : i32 to index
          %swap3A_575 = arith.constant 80 : index
          %swap3A_576 = tpu.vector_load %arg25[%swap3A_574, %swap3A_575] {strides = array<i32>} : memref<8x128xf32, #tpu.memory_space<vmem>>, vector<16xf32>,
          tpu.vector_store %arg25[%swap3A_574, %swap3A_575], %add3A_572 {strides = array<i32>} : memref<8x128xf32, #tpu.memory_space<vmem>>, vector<16xf32>,
          %get3A_577 = arith.constant 4 : i32
          %get3A_578 = arith.index_cast %get3A_577 : i32 to index
          %get3A_579 = arith.constant 96 : index
          %get3A_580 = tpu.vector_load %arg25[%get3A_578, %get3A_579] {strides = array<i32>} : memref<8x128xf32, #tpu.memory_space<vmem>>, vector<16xf32>,
          %get3A_581 = arith.constant 4 : i32
          %get3A_582 = arith.index_cast %get3A_581 : i32 to index
          %get3A_583 = arith.constant 96 : index
          %get3A_584 = tpu.vector_load %arg24[%get3A_582, %get3A_583] {strides = array<i32>} : memref<8x128xf32, #tpu.memory_space<vmem>>, vector<16xf32>,
          %add3A_585 = arith.addf %get3A_580, %get3A_584 : vector<16xf32>
          %swap3A_586 = arith.constant 4 : i32
          %swap3A_587 = arith.index_cast %swap3A_586 : i32 to index
          %swap3A_588 = arith.constant 96 : index
          %swap3A_589 = tpu.vector_load %arg25[%swap3A_587, %swap3A_588] {strides = array<i32>} : memref<8x128xf32, #tpu.memory_space<vmem>>, vector<16xf32>,
          tpu.vector_store %arg25[%swap3A_587, %swap3A_588], %add3A_585 {strides = array<i32>} : memref<8x128xf32, #tpu.memory_space<vmem>>, vector<16xf32>,
          %get3A_590 = arith.constant 4 : i32
          %get3A_591 = arith.index_cast %get3A_590 : i32 to index
          %get3A_592 = arith.constant 112 : index
          %get3A_593 = tpu.vector_load %arg25[%get3A_591, %get3A_592] {strides = array<i32>} : memref<8x128xf32, #tpu.memory_space<vmem>>, vector<16xf32>,
          %get3A_594 = arith.constant 4 : i32
          %get3A_595 = arith.index_cast %get3A_594 : i32 to index
          %get3A_596 = arith.constant 112 : index
          %get3A_597 = tpu.vector_load %arg24[%get3A_595, %get3A_596] {strides = array<i32>} : memref<8x128xf32, #tpu.memory_space<vmem>>, vector<16xf32>,
          %add3A_598 = arith.addf %get3A_593, %get3A_597 : vector<16xf32>
          %swap3A_599 = arith.constant 4 : i32
          %swap3A_600 = arith.index_cast %swap3A_599 : i32 to index
          %swap3A_601 = arith.constant 112 : index
          %swap3A_602 = tpu.vector_load %arg25[%swap3A_600, %swap3A_601] {strides = array<i32>} : memref<8x128xf32, #tpu.memory_space<vmem>>, vector<16xf32>,
          tpu.vector_store %arg25[%swap3A_600, %swap3A_601], %add3A_598 {strides = array<i32>} : memref<8x128xf32, #tpu.memory_space<vmem>>, vector<16xf32>,
          %get3A_603 = arith.constant 5 : i32
          %get3A_604 = arith.index_cast %get3A_603 : i32 to index
          %get3A_605 = arith.constant 0 : index
          %get3A_606 = tpu.vector_load %arg25[%get3A_604, %get3A_605] {strides = array<i32>} : memref<8x128xf32, #tpu.memory_space<vmem>>, vector<16xf32>,
          %get3A_607 = arith.constant 5 : i32
          %get3A_608 = arith.index_cast %get3A_607 : i32 to index
          %get3A_609 = arith.constant 0 : index
          %get3A_610 = tpu.vector_load %arg24[%get3A_608, %get3A_609] {strides = array<i32>} : memref<8x128xf32, #tpu.memory_space<vmem>>, vector<16xf32>,
          %add3A_611 = arith.addf %get3A_606, %get3A_610 : vector<16xf32>
          %swap3A_612 = arith.constant 5 : i32
          %swap3A_613 = arith.index_cast %swap3A_612 : i32 to index
          %swap3A_614 = arith.constant 0 : index
          %swap3A_615 = tpu.vector_load %arg25[%swap3A_613, %swap3A_614] {strides = array<i32>} : memref<8x128xf32, #tpu.memory_space<vmem>>, vector<16xf32>,
          tpu.vector_store %arg25[%swap3A_613, %swap3A_614], %add3A_611 {strides = array<i32>} : memref<8x128xf32, #tpu.memory_space<vmem>>, vector<16xf32>,
          %get3A_616 = arith.constant 5 : i32
          %get3A_617 = arith.index_cast %get3A_616 : i32 to index
          %get3A_618 = arith.constant 16 : index
          %get3A_619 = tpu.vector_load %arg25[%get3A_617, %get3A_618] {strides = array<i32>} : memref<8x128xf32, #tpu.memory_space<vmem>>, vector<16xf32>,
          %get3A_620 = arith.constant 5 : i32
          %get3A_621 = arith.index_cast %get3A_620 : i32 to index
          %get3A_622 = arith.constant 16 : index
          %get3A_623 = tpu.vector_load %arg24[%get3A_621, %get3A_622] {strides = array<i32>} : memref<8x128xf32, #tpu.memory_space<vmem>>, vector<16xf32>,
          %add3A_624 = arith.addf %get3A_619, %get3A_623 : vector<16xf32>
          %swap3A_625 = arith.constant 5 : i32
          %swap3A_626 = arith.index_cast %swap3A_625 : i32 to index
          %swap3A_627 = arith.constant 16 : index
          %swap3A_628 = tpu.vector_load %arg25[%swap3A_626, %swap3A_627] {strides = array<i32>} : memref<8x128xf32, #tpu.memory_space<vmem>>, vector<16xf32>,
          tpu.vector_store %arg25[%swap3A_626, %swap3A_627], %add3A_624 {strides = array<i32>} : memref<8x128xf32, #tpu.memory_space<vmem>>, vector<16xf32>,
          %get3A_629 = arith.constant 5 : i32
          %get3A_630 = arith.index_cast %get3A_629 : i32 to index
          %get3A_631 = arith.constant 32 : index
          %get3A_632 = tpu.vector_load %arg25[%get3A_630, %get3A_631] {strides = array<i32>} : memref<8x128xf32, #tpu.memory_space<vmem>>, vector<16xf32>,
          %get3A_633 = arith.constant 5 : i32
          %get3A_634 = arith.index_cast %get3A_633 : i32 to index
          %get3A_635 = arith.constant 32 : index
          %get3A_636 = tpu.vector_load %arg24[%get3A_634, %get3A_635] {strides = array<i32>} : memref<8x128xf32, #tpu.memory_space<vmem>>, vector<16xf32>,
          %add3A_637 = arith.addf %get3A_632, %get3A_636 : vector<16xf32>
          %swap3A_638 = arith.constant 5 : i32
          %swap3A_639 = arith.index_cast %swap3A_638 : i32 to index
          %swap3A_640 = arith.constant 32 : index
          %swap3A_641 = tpu.vector_load %arg25[%swap3A_639, %swap3A_640] {strides = array<i32>} : memref<8x128xf32, #tpu.memory_space<vmem>>, vector<16xf32>,
          tpu.vector_store %arg25[%swap3A_639, %swap3A_640], %add3A_637 {strides = array<i32>} : memref<8x128xf32, #tpu.memory_space<vmem>>, vector<16xf32>,
          %get3A_642 = arith.constant 5 : i32
          %get3A_643 = arith.index_cast %get3A_642 : i32 to index
          %get3A_644 = arith.constant 48 : index
          %get3A_645 = tpu.vector_load %arg25[%get3A_643, %get3A_644] {strides = array<i32>} : memref<8x128xf32, #tpu.memory_space<vmem>>, vector<16xf32>,
          %get3A_646 = arith.constant 5 : i32
          %get3A_647 = arith.index_cast %get3A_646 : i32 to index
          %get3A_648 = arith.constant 48 : index
          %get3A_649 = tpu.vector_load %arg24[%get3A_647, %get3A_648] {strides = array<i32>} : memref<8x128xf32, #tpu.memory_space<vmem>>, vector<16xf32>,
          %add3A_650 = arith.addf %get3A_645, %get3A_649 : vector<16xf32>
          %swap3A_651 = arith.constant 5 : i32
          %swap3A_652 = arith.index_cast %swap3A_651 : i32 to index
          %swap3A_653 = arith.constant 48 : index
          %swap3A_654 = tpu.vector_load %arg25[%swap3A_652, %swap3A_653] {strides = array<i32>} : memref<8x128xf32, #tpu.memory_space<vmem>>, vector<16xf32>,
          tpu.vector_store %arg25[%swap3A_652, %swap3A_653], %add3A_650 {strides = array<i32>} : memref<8x128xf32, #tpu.memory_space<vmem>>, vector<16xf32>,
          %get3A_655 = arith.constant 5 : i32
          %get3A_656 = arith.index_cast %get3A_655 : i32 to index
          %get3A_657 = arith.constant 64 : index
          %get3A_658 = tpu.vector_load %arg25[%get3A_656, %get3A_657] {strides = array<i32>} : memref<8x128xf32, #tpu.memory_space<vmem>>, vector<16xf32>,
          %get3A_659 = arith.constant 5 : i32
          %get3A_660 = arith.index_cast %get3A_659 : i32 to index
          %get3A_661 = arith.constant 64 : index
          %get3A_662 = tpu.vector_load %arg24[%get3A_660, %get3A_661] {strides = array<i32>} : memref<8x128xf32, #tpu.memory_space<vmem>>, vector<16xf32>,
          %add3A_663 = arith.addf %get3A_658, %get3A_662 : vector<16xf32>
          %swap3A_664 = arith.constant 5 : i32
          %swap3A_665 = arith.index_cast %swap3A_664 : i32 to index
          %swap3A_666 = arith.constant 64 : index
          %swap3A_667 = tpu.vector_load %arg25[%swap3A_665, %swap3A_666] {strides = array<i32>} : memref<8x128xf32, #tpu.memory_space<vmem>>, vector<16xf32>,
          tpu.vector_store %arg25[%swap3A_665, %swap3A_666], %add3A_663 {strides = array<i32>} : memref<8x128xf32, #tpu.memory_space<vmem>>, vector<16xf32>,
          %get3A_668 = arith.constant 5 : i32
          %get3A_669 = arith.index_cast %get3A_668 : i32 to index
          %get3A_670 = arith.constant 80 : index
          %get3A_671 = tpu.vector_load %arg25[%get3A_669, %get3A_670] {strides = array<i32>} : memref<8x128xf32, #tpu.memory_space<vmem>>, vector<16xf32>,
          %get3A_672 = arith.constant 5 : i32
          %get3A_673 = arith.index_cast %get3A_672 : i32 to index
          %get3A_674 = arith.constant 80 : index
          %get3A_675 = tpu.vector_load %arg24[%get3A_673, %get3A_674] {strides = array<i32>} : memref<8x128xf32, #tpu.memory_space<vmem>>, vector<16xf32>,
          %add3A_676 = arith.addf %get3A_671, %get3A_675 : vector<16xf32>
          %swap3A_677 = arith.constant 5 : i32
          %swap3A_678 = arith.index_cast %swap3A_677 : i32 to index
          %swap3A_679 = arith.constant 80 : index
          %swap3A_680 = tpu.vector_load %arg25[%swap3A_678, %swap3A_679] {strides = array<i32>} : memref<8x128xf32, #tpu.memory_space<vmem>>, vector<16xf32>,
          tpu.vector_store %arg25[%swap3A_678, %swap3A_679], %add3A_676 {strides = array<i32>} : memref<8x128xf32, #tpu.memory_space<vmem>>, vector<16xf32>,
          %get3A_681 = arith.constant 5 : i32
          %get3A_682 = arith.index_cast %get3A_681 : i32 to index
          %get3A_683 = arith.constant 96 : index
          %get3A_684 = tpu.vector_load %arg25[%get3A_682, %get3A_683] {strides = array<i32>} : memref<8x128xf32, #tpu.memory_space<vmem>>, vector<16xf32>,
          %get3A_685 = arith.constant 5 : i32
          %get3A_686 = arith.index_cast %get3A_685 : i32 to index
          %get3A_687 = arith.constant 96 : index
          %get3A_688 = tpu.vector_load %arg24[%get3A_686, %get3A_687] {strides = array<i32>} : memref<8x128xf32, #tpu.memory_space<vmem>>, vector<16xf32>,
          %add3A_689 = arith.addf %get3A_684, %get3A_688 : vector<16xf32>
          %swap3A_690 = arith.constant 5 : i32
          %swap3A_691 = arith.index_cast %swap3A_690 : i32 to index
          %swap3A_692 = arith.constant 96 : index
          %swap3A_693 = tpu.vector_load %arg25[%swap3A_691, %swap3A_692] {strides = array<i32>} : memref<8x128xf32, #tpu.memory_space<vmem>>, vector<16xf32>,
          tpu.vector_store %arg25[%swap3A_691, %swap3A_692], %add3A_689 {strides = array<i32>} : memref<8x128xf32, #tpu.memory_space<vmem>>, vector<16xf32>,
          %get3A_694 = arith.constant 5 : i32
          %get3A_695 = arith.index_cast %get3A_694 : i32 to index
          %get3A_696 = arith.constant 112 : index
          %get3A_697 = tpu.vector_load %arg25[%get3A_695, %get3A_696] {strides = array<i32>} : memref<8x128xf32, #tpu.memory_space<vmem>>, vector<16xf32>,
          %get3A_698 = arith.constant 5 : i32
          %get3A_699 = arith.index_cast %get3A_698 : i32 to index
          %get3A_700 = arith.constant 112 : index
          %get3A_701 = tpu.vector_load %arg24[%get3A_699, %get3A_700] {strides = array<i32>} : memref<8x128xf32, #tpu.memory_space<vmem>>, vector<16xf32>,
          %add3A_702 = arith.addf %get3A_697, %get3A_701 : vector<16xf32>
          %swap3A_703 = arith.constant 5 : i32
          %swap3A_704 = arith.index_cast %swap3A_703 : i32 to index
          %swap3A_705 = arith.constant 112 : index
          %swap3A_706 = tpu.vector_load %arg25[%swap3A_704, %swap3A_705] {strides = array<i32>} : memref<8x128xf32, #tpu.memory_space<vmem>>, vector<16xf32>,
          tpu.vector_store %arg25[%swap3A_704, %swap3A_705], %add3A_702 {strides = array<i32>} : memref<8x128xf32, #tpu.memory_space<vmem>>, vector<16xf32>,
          %get3A_707 = arith.constant 6 : i32
          %get3A_708 = arith.index_cast %get3A_707 : i32 to index
          %get3A_709 = arith.constant 0 : index
          %get3A_710 = tpu.vector_load %arg25[%get3A_708, %get3A_709] {strides = array<i32>} : memref<8x128xf32, #tpu.memory_space<vmem>>, vector<16xf32>,
          %get3A_711 = arith.constant 6 : i32
          %get3A_712 = arith.index_cast %get3A_711 : i32 to index
          %get3A_713 = arith.constant 0 : index
          %get3A_714 = tpu.vector_load %arg24[%get3A_712, %get3A_713] {strides = array<i32>} : memref<8x128xf32, #tpu.memory_space<vmem>>, vector<16xf32>,
          %add3A_715 = arith.addf %get3A_710, %get3A_714 : vector<16xf32>
          %swap3A_716 = arith.constant 6 : i32
          %swap3A_717 = arith.index_cast %swap3A_716 : i32 to index
          %swap3A_718 = arith.constant 0 : index
          %swap3A_719 = tpu.vector_load %arg25[%swap3A_717, %swap3A_718] {strides = array<i32>} : memref<8x128xf32, #tpu.memory_space<vmem>>, vector<16xf32>,
          tpu.vector_store %arg25[%swap3A_717, %swap3A_718], %add3A_715 {strides = array<i32>} : memref<8x128xf32, #tpu.memory_space<vmem>>, vector<16xf32>,
          %get3A_720 = arith.constant 6 : i32
          %get3A_721 = arith.index_cast %get3A_720 : i32 to index
          %get3A_722 = arith.constant 16 : index
          %get3A_723 = tpu.vector_load %arg25[%get3A_721, %get3A_722] {strides = array<i32>} : memref<8x128xf32, #tpu.memory_space<vmem>>, vector<16xf32>,
          %get3A_724 = arith.constant 6 : i32
          %get3A_725 = arith.index_cast %get3A_724 : i32 to index
          %get3A_726 = arith.constant 16 : index
          %get3A_727 = tpu.vector_load %arg24[%get3A_725, %get3A_726] {strides = array<i32>} : memref<8x128xf32, #tpu.memory_space<vmem>>, vector<16xf32>,
          %add3A_728 = arith.addf %get3A_723, %get3A_727 : vector<16xf32>
          %swap3A_729 = arith.constant 6 : i32
          %swap3A_730 = arith.index_cast %swap3A_729 : i32 to index
          %swap3A_731 = arith.constant 16 : index
          %swap3A_732 = tpu.vector_load %arg25[%swap3A_730, %swap3A_731] {strides = array<i32>} : memref<8x128xf32, #tpu.memory_space<vmem>>, vector<16xf32>,
          tpu.vector_store %arg25[%swap3A_730, %swap3A_731], %add3A_728 {strides = array<i32>} : memref<8x128xf32, #tpu.memory_space<vmem>>, vector<16xf32>,
          %get3A_733 = arith.constant 6 : i32
          %get3A_734 = arith.index_cast %get3A_733 : i32 to index
          %get3A_735 = arith.constant 32 : index
          %get3A_736 = tpu.vector_load %arg25[%get3A_734, %get3A_735] {strides = array<i32>} : memref<8x128xf32, #tpu.memory_space<vmem>>, vector<16xf32>,
          %get3A_737 = arith.constant 6 : i32
          %get3A_738 = arith.index_cast %get3A_737 : i32 to index
          %get3A_739 = arith.constant 32 : index
          %get3A_740 = tpu.vector_load %arg24[%get3A_738, %get3A_739] {strides = array<i32>} : memref<8x128xf32, #tpu.memory_space<vmem>>, vector<16xf32>,
          %add3A_741 = arith.addf %get3A_736, %get3A_740 : vector<16xf32>
          %swap3A_742 = arith.constant 6 : i32
          %swap3A_743 = arith.index_cast %swap3A_742 : i32 to index
          %swap3A_744 = arith.constant 32 : index
          %swap3A_745 = tpu.vector_load %arg25[%swap3A_743, %swap3A_744] {strides = array<i32>} : memref<8x128xf32, #tpu.memory_space<vmem>>, vector<16xf32>,
          tpu.vector_store %arg25[%swap3A_743, %swap3A_744], %add3A_741 {strides = array<i32>} : memref<8x128xf32, #tpu.memory_space<vmem>>, vector<16xf32>,
          %get3A_746 = arith.constant 6 : i32
          %get3A_747 = arith.index_cast %get3A_746 : i32 to index
          %get3A_748 = arith.constant 48 : index
          %get3A_749 = tpu.vector_load %arg25[%get3A_747, %get3A_748] {strides = array<i32>} : memref<8x128xf32, #tpu.memory_space<vmem>>, vector<16xf32>,
          %get3A_750 = arith.constant 6 : i32
          %get3A_751 = arith.index_cast %get3A_750 : i32 to index
          %get3A_752 = arith.constant 48 : index
          %get3A_753 = tpu.vector_load %arg24[%get3A_751, %get3A_752] {strides = array<i32>} : memref<8x128xf32, #tpu.memory_space<vmem>>, vector<16xf32>,
          %add3A_754 = arith.addf %get3A_749, %get3A_753 : vector<16xf32>
          %swap3A_755 = arith.constant 6 : i32
          %swap3A_756 = arith.index_cast %swap3A_755 : i32 to index
          %swap3A_757 = arith.constant 48 : index
          %swap3A_758 = tpu.vector_load %arg25[%swap3A_756, %swap3A_757] {strides = array<i32>} : memref<8x128xf32, #tpu.memory_space<vmem>>, vector<16xf32>,
          tpu.vector_store %arg25[%swap3A_756, %swap3A_757], %add3A_754 {strides = array<i32>} : memref<8x128xf32, #tpu.memory_space<vmem>>, vector<16xf32>,
          %get3A_759 = arith.constant 6 : i32
          %get3A_760 = arith.index_cast %get3A_759 : i32 to index
          %get3A_761 = arith.constant 64 : index
          %get3A_762 = tpu.vector_load %arg25[%get3A_760, %get3A_761] {strides = array<i32>} : memref<8x128xf32, #tpu.memory_space<vmem>>, vector<16xf32>,
          %get3A_763 = arith.constant 6 : i32
          %get3A_764 = arith.index_cast %get3A_763 : i32 to index
          %get3A_765 = arith.constant 64 : index
          %get3A_766 = tpu.vector_load %arg24[%get3A_764, %get3A_765] {strides = array<i32>} : memref<8x128xf32, #tpu.memory_space<vmem>>, vector<16xf32>,
          %add3A_767 = arith.addf %get3A_762, %get3A_766 : vector<16xf32>
          %swap3A_768 = arith.constant 6 : i32
          %swap3A_769 = arith.index_cast %swap3A_768 : i32 to index
          %swap3A_770 = arith.constant 64 : index
          %swap3A_771 = tpu.vector_load %arg25[%swap3A_769, %swap3A_770] {strides = array<i32>} : memref<8x128xf32, #tpu.memory_space<vmem>>, vector<16xf32>,
          tpu.vector_store %arg25[%swap3A_769, %swap3A_770], %add3A_767 {strides = array<i32>} : memref<8x128xf32, #tpu.memory_space<vmem>>, vector<16xf32>,
          %get3A_772 = arith.constant 6 : i32
          %get3A_773 = arith.index_cast %get3A_772 : i32 to index
          %get3A_774 = arith.constant 80 : index
          %get3A_775 = tpu.vector_load %arg25[%get3A_773, %get3A_774] {strides = array<i32>} : memref<8x128xf32, #tpu.memory_space<vmem>>, vector<16xf32>,
          %get3A_776 = arith.constant 6 : i32
          %get3A_777 = arith.index_cast %get3A_776 : i32 to index
          %get3A_778 = arith.constant 80 : index
          %get3A_779 = tpu.vector_load %arg24[%get3A_777, %get3A_778] {strides = array<i32>} : memref<8x128xf32, #tpu.memory_space<vmem>>, vector<16xf32>,
          %add3A_780 = arith.addf %get3A_775, %get3A_779 : vector<16xf32>
          %swap3A_781 = arith.constant 6 : i32
          %swap3A_782 = arith.index_cast %swap3A_781 : i32 to index
          %swap3A_783 = arith.constant 80 : index
          %swap3A_784 = tpu.vector_load %arg25[%swap3A_782, %swap3A_783] {strides = array<i32>} : memref<8x128xf32, #tpu.memory_space<vmem>>, vector<16xf32>,
          tpu.vector_store %arg25[%swap3A_782, %swap3A_783], %add3A_780 {strides = array<i32>} : memref<8x128xf32, #tpu.memory_space<vmem>>, vector<16xf32>,
          %get3A_785 = arith.constant 6 : i32
          %get3A_786 = arith.index_cast %get3A_785 : i32 to index
          %get3A_787 = arith.constant 96 : index
          %get3A_788 = tpu.vector_load %arg25[%get3A_786, %get3A_787] {strides = array<i32>} : memref<8x128xf32, #tpu.memory_space<vmem>>, vector<16xf32>,
          %get3A_789 = arith.constant 6 : i32
          %get3A_790 = arith.index_cast %get3A_789 : i32 to index
          %get3A_791 = arith.constant 96 : index
          %get3A_792 = tpu.vector_load %arg24[%get3A_790, %get3A_791] {strides = array<i32>} : memref<8x128xf32, #tpu.memory_space<vmem>>, vector<16xf32>,
          %add3A_793 = arith.addf %get3A_788, %get3A_792 : vector<16xf32>
          %swap3A_794 = arith.constant 6 : i32
          %swap3A_795 = arith.index_cast %swap3A_794 : i32 to index
          %swap3A_796 = arith.constant 96 : index
          %swap3A_797 = tpu.vector_load %arg25[%swap3A_795, %swap3A_796] {strides = array<i32>} : memref<8x128xf32, #tpu.memory_space<vmem>>, vector<16xf32>,
          tpu.vector_store %arg25[%swap3A_795, %swap3A_796], %add3A_793 {strides = array<i32>} : memref<8x128xf32, #tpu.memory_space<vmem>>, vector<16xf32>,
          %get3A_798 = arith.constant 6 : i32
          %get3A_799 = arith.index_cast %get3A_798 : i32 to index
          %get3A_800 = arith.constant 112 : index
          %get3A_801 = tpu.vector_load %arg25[%get3A_799, %get3A_800] {strides = array<i32>} : memref<8x128xf32, #tpu.memory_space<vmem>>, vector<16xf32>,
          %get3A_802 = arith.constant 6 : i32
          %get3A_803 = arith.index_cast %get3A_802 : i32 to index
          %get3A_804 = arith.constant 112 : index
          %get3A_805 = tpu.vector_load %arg24[%get3A_803, %get3A_804] {strides = array<i32>} : memref<8x128xf32, #tpu.memory_space<vmem>>, vector<16xf32>,
          %add3A_806 = arith.addf %get3A_801, %get3A_805 : vector<16xf32>
          %swap3A_807 = arith.constant 6 : i32
          %swap3A_808 = arith.index_cast %swap3A_807 : i32 to index
          %swap3A_809 = arith.constant 112 : index
          %swap3A_810 = tpu.vector_load %arg25[%swap3A_808, %swap3A_809] {strides = array<i32>} : memref<8x128xf32, #tpu.memory_space<vmem>>, vector<16xf32>,
          tpu.vector_store %arg25[%swap3A_808, %swap3A_809], %add3A_806 {strides = array<i32>} : memref<8x128xf32, #tpu.memory_space<vmem>>, vector<16xf32>,
          %get3A_811 = arith.constant 7 : i32
          %get3A_812 = arith.index_cast %get3A_811 : i32 to index
          %get3A_813 = arith.constant 0 : index
          %get3A_814 = tpu.vector_load %arg25[%get3A_812, %get3A_813] {strides = array<i32>} : memref<8x128xf32, #tpu.memory_space<vmem>>, vector<16xf32>,
          %get3A_815 = arith.constant 7 : i32
          %get3A_816 = arith.index_cast %get3A_815 : i32 to index
          %get3A_817 = arith.constant 0 : index
          %get3A_818 = tpu.vector_load %arg24[%get3A_816, %get3A_817] {strides = array<i32>} : memref<8x128xf32, #tpu.memory_space<vmem>>, vector<16xf32>,
          %add3A_819 = arith.addf %get3A_814, %get3A_818 : vector<16xf32>
          %swap3A_820 = arith.constant 7 : i32
          %swap3A_821 = arith.index_cast %swap3A_820 : i32 to index
          %swap3A_822 = arith.constant 0 : index
          %swap3A_823 = tpu.vector_load %arg25[%swap3A_821, %swap3A_822] {strides = array<i32>} : memref<8x128xf32, #tpu.memory_space<vmem>>, vector<16xf32>,
          tpu.vector_store %arg25[%swap3A_821, %swap3A_822], %add3A_819 {strides = array<i32>} : memref<8x128xf32, #tpu.memory_space<vmem>>, vector<16xf32>,
          %get3A_824 = arith.constant 7 : i32
          %get3A_825 = arith.index_cast %get3A_824 : i32 to index
          %get3A_826 = arith.constant 16 : index
          %get3A_827 = tpu.vector_load %arg25[%get3A_825, %get3A_826] {strides = array<i32>} : memref<8x128xf32, #tpu.memory_space<vmem>>, vector<16xf32>,
          %get3A_828 = arith.constant 7 : i32
          %get3A_829 = arith.index_cast %get3A_828 : i32 to index
          %get3A_830 = arith.constant 16 : index
          %get3A_831 = tpu.vector_load %arg24[%get3A_829, %get3A_830] {strides = array<i32>} : memref<8x128xf32, #tpu.memory_space<vmem>>, vector<16xf32>,
          %add3A_832 = arith.addf %get3A_827, %get3A_831 : vector<16xf32>
          %swap3A_833 = arith.constant 7 : i32
          %swap3A_834 = arith.index_cast %swap3A_833 : i32 to index
          %swap3A_835 = arith.constant 16 : index
          %swap3A_836 = tpu.vector_load %arg25[%swap3A_834, %swap3A_835] {strides = array<i32>} : memref<8x128xf32, #tpu.memory_space<vmem>>, vector<16xf32>,
          tpu.vector_store %arg25[%swap3A_834, %swap3A_835], %add3A_832 {strides = array<i32>} : memref<8x128xf32, #tpu.memory_space<vmem>>, vector<16xf32>,
          %get3A_837 = arith.constant 7 : i32
          %get3A_838 = arith.index_cast %get3A_837 : i32 to index
          %get3A_839 = arith.constant 32 : index
          %get3A_840 = tpu.vector_load %arg25[%get3A_838, %get3A_839] {strides = array<i32>} : memref<8x128xf32, #tpu.memory_space<vmem>>, vector<16xf32>,
          %get3A_841 = arith.constant 7 : i32
          %get3A_842 = arith.index_cast %get3A_841 : i32 to index
          %get3A_843 = arith.constant 32 : index
          %get3A_844 = tpu.vector_load %arg24[%get3A_842, %get3A_843] {strides = array<i32>} : memref<8x128xf32, #tpu.memory_space<vmem>>, vector<16xf32>,
          %add3A_845 = arith.addf %get3A_840, %get3A_844 : vector<16xf32>
          %swap3A_846 = arith.constant 7 : i32
          %swap3A_847 = arith.index_cast %swap3A_846 : i32 to index
          %swap3A_848 = arith.constant 32 : index
          %swap3A_849 = tpu.vector_load %arg25[%swap3A_847, %swap3A_848] {strides = array<i32>} : memref<8x128xf32, #tpu.memory_space<vmem>>, vector<16xf32>,
          tpu.vector_store %arg25[%swap3A_847, %swap3A_848], %add3A_845 {strides = array<i32>} : memref<8x128xf32, #tpu.memory_space<vmem>>, vector<16xf32>,
          %get3A_850 = arith.constant 7 : i32
          %get3A_851 = arith.index_cast %get3A_850 : i32 to index
          %get3A_852 = arith.constant 48 : index
          %get3A_853 = tpu.vector_load %arg25[%get3A_851, %get3A_852] {strides = array<i32>} : memref<8x128xf32, #tpu.memory_space<vmem>>, vector<16xf32>,
          %get3A_854 = arith.constant 7 : i32
          %get3A_855 = arith.index_cast %get3A_854 : i32 to index
          %get3A_856 = arith.constant 48 : index
          %get3A_857 = tpu.vector_load %arg24[%get3A_855, %get3A_856] {strides = array<i32>} : memref<8x128xf32, #tpu.memory_space<vmem>>, vector<16xf32>,
          %add3A_858 = arith.addf %get3A_853, %get3A_857 : vector<16xf32>
          %swap3A_859 = arith.constant 7 : i32
          %swap3A_860 = arith.index_cast %swap3A_859 : i32 to index
          %swap3A_861 = arith.constant 48 : index
          %swap3A_862 = tpu.vector_load %arg25[%swap3A_860, %swap3A_861] {strides = array<i32>} : memref<8x128xf32, #tpu.memory_space<vmem>>, vector<16xf32>,
          tpu.vector_store %arg25[%swap3A_860, %swap3A_861], %add3A_858 {strides = array<i32>} : memref<8x128xf32, #tpu.memory_space<vmem>>, vector<16xf32>,
          %get3A_863 = arith.constant 7 : i32
          %get3A_864 = arith.index_cast %get3A_863 : i32 to index
          %get3A_865 = arith.constant 64 : index
          %get3A_866 = tpu.vector_load %arg25[%get3A_864, %get3A_865] {strides = array<i32>} : memref<8x128xf32, #tpu.memory_space<vmem>>, vector<16xf32>,
          %get3A_867 = arith.constant 7 : i32
          %get3A_868 = arith.index_cast %get3A_867 : i32 to index
          %get3A_869 = arith.constant 64 : index
          %get3A_870 = tpu.vector_load %arg24[%get3A_868, %get3A_869] {strides = array<i32>} : memref<8x128xf32, #tpu.memory_space<vmem>>, vector<16xf32>,
          %add3A_871 = arith.addf %get3A_866, %get3A_870 : vector<16xf32>
          %swap3A_872 = arith.constant 7 : i32
          %swap3A_873 = arith.index_cast %swap3A_872 : i32 to index
          %swap3A_874 = arith.constant 64 : index
          %swap3A_875 = tpu.vector_load %arg25[%swap3A_873, %swap3A_874] {strides = array<i32>} : memref<8x128xf32, #tpu.memory_space<vmem>>, vector<16xf32>,
          tpu.vector_store %arg25[%swap3A_873, %swap3A_874], %add3A_871 {strides = array<i32>} : memref<8x128xf32, #tpu.memory_space<vmem>>, vector<16xf32>,
          %get3A_876 = arith.constant 7 : i32
          %get3A_877 = arith.index_cast %get3A_876 : i32 to index
          %get3A_878 = arith.constant 80 : index
          %get3A_879 = tpu.vector_load %arg25[%get3A_877, %get3A_878] {strides = array<i32>} : memref<8x128xf32, #tpu.memory_space<vmem>>, vector<16xf32>,
          %get3A_880 = arith.constant 7 : i32
          %get3A_881 = arith.index_cast %get3A_880 : i32 to index
          %get3A_882 = arith.constant 80 : index
          %get3A_883 = tpu.vector_load %arg24[%get3A_881, %get3A_882] {strides = array<i32>} : memref<8x128xf32, #tpu.memory_space<vmem>>, vector<16xf32>,
          %add3A_884 = arith.addf %get3A_879, %get3A_883 : vector<16xf32>
          %swap3A_885 = arith.constant 7 : i32
          %swap3A_886 = arith.index_cast %swap3A_885 : i32 to index
          %swap3A_887 = arith.constant 80 : index
          %swap3A_888 = tpu.vector_load %arg25[%swap3A_886, %swap3A_887] {strides = array<i32>} : memref<8x128xf32, #tpu.memory_space<vmem>>, vector<16xf32>,
          tpu.vector_store %arg25[%swap3A_886, %swap3A_887], %add3A_884 {strides = array<i32>} : memref<8x128xf32, #tpu.memory_space<vmem>>, vector<16xf32>,
          %get3A_889 = arith.constant 7 : i32
          %get3A_890 = arith.index_cast %get3A_889 : i32 to index
          %get3A_891 = arith.constant 96 : index
          %get3A_892 = tpu.vector_load %arg25[%get3A_890, %get3A_891] {strides = array<i32>} : memref<8x128xf32, #tpu.memory_space<vmem>>, vector<16xf32>,
          %get3A_893 = arith.constant 7 : i32
          %get3A_894 = arith.index_cast %get3A_893 : i32 to index
          %get3A_895 = arith.constant 96 : index
          %get3A_896 = tpu.vector_load %arg24[%get3A_894, %get3A_895] {strides = array<i32>} : memref<8x128xf32, #tpu.memory_space<vmem>>, vector<16xf32>,
          %add3A_897 = arith.addf %get3A_892, %get3A_896 : vector<16xf32>
          %swap3A_898 = arith.constant 7 : i32
          %swap3A_899 = arith.index_cast %swap3A_898 : i32 to index
          %swap3A_900 = arith.constant 96 : index
          %swap3A_901 = tpu.vector_load %arg25[%swap3A_899, %swap3A_900] {strides = array<i32>} : memref<8x128xf32, #tpu.memory_space<vmem>>, vector<16xf32>,
          tpu.vector_store %arg25[%swap3A_899, %swap3A_900], %add3A_897 {strides = array<i32>} : memref<8x128xf32, #tpu.memory_space<vmem>>, vector<16xf32>,
          %get3A_902 = arith.constant 7 : i32
          %get3A_903 = arith.index_cast %get3A_902 : i32 to index
          %get3A_904 = arith.constant 112 : index
          %get3A_905 = tpu.vector_load %arg25[%get3A_903, %get3A_904] {strides = array<i32>} : memref<8x128xf32, #tpu.memory_space<vmem>>, vector<16xf32>,
          %get3A_906 = arith.constant 7 : i32
          %get3A_907 = arith.index_cast %get3A_906 : i32 to index
          %get3A_908 = arith.constant 112 : index
          %get3A_909 = tpu.vector_load %arg24[%get3A_907, %get3A_908] {strides = array<i32>} : memref<8x128xf32, #tpu.memory_space<vmem>>, vector<16xf32>,
          %add3A_910 = arith.addf %get3A_905, %get3A_909 : vector<16xf32>
          %swap3A_911 = arith.constant 7 : i32
          %swap3A_912 = arith.index_cast %swap3A_911 : i32 to index
          %swap3A_913 = arith.constant 112 : index
          %swap3A_914 = tpu.vector_load %arg25[%swap3A_912, %swap3A_913] {strides = array<i32>} : memref<8x128xf32, #tpu.memory_space<vmem>>, vector<16xf32>,
          tpu.vector_store %arg25[%swap3A_912, %swap3A_913], %add3A_910 {strides = array<i32>} : memref<8x128xf32, #tpu.memory_space<vmem>>, vector<16xf32>,
        }
        %scan3A_76 = arith.constant 15 : i32
        %mul3A_77 = arith.constant 8 : i32
        %mul3A_78 = arith.muli %arg1, %mul3A_77 : i32
        "tpu.region"() ({
          %run_scoped3A = tpu.sem_alloc : memref<!tpu.dma_semaphore, #tpu.memory_space<semaphore_mem>>
          %dma_start3A = arith.constant 0 : i32
          %dma_start3A_79 = tpu.memref_slice %arg10[%mul3A_78, %dma_start3A] : memref<80x128xf32, #tpu.memory_space<hbm>> -> memref<8x128xf32, #tpu.memory_space<hbm>>
          %dma_start3A_80 = arith.constant 0 : i32
          %dma_start3A_81 = tpu.memref_slice %arg10[%mul3A_78, %dma_start3A_80] : memref<80x128xf32, #tpu.memory_space<hbm>> -> memref<8x128xf32, #tpu.memory_space<hbm>>
          tpu.enqueue_dma source(%arg25 : memref<8x128xf32, #tpu.memory_space<vmem>>) target(%dma_start3A_81 : memref<8x128xf32, #tpu.memory_space<hbm>>) target_semaphore(%run_scoped3A : memref<!tpu.dma_semaphore, #tpu.memory_space<semaphore_mem>>)
          %dma_wait3A = arith.constant 0 : i32
          %dma_wait3A_82 = tpu.memref_slice %arg10[%mul3A_78, %dma_wait3A] : memref<80x128xf32, #tpu.memory_space<hbm>> -> memref<8x128xf32, #tpu.memory_space<hbm>>
          %dma_wait3A_83 = arith.constant 0 : i32
          %dma_wait3A_84 = tpu.memref_slice %arg10[%mul3A_78, %dma_wait3A_83] : memref<80x128xf32, #tpu.memory_space<hbm>> -> memref<8x128xf32, #tpu.memory_space<hbm>>
          tpu.wait_dma2 semaphore(%run_scoped3A : memref<!tpu.dma_semaphore, #tpu.memory_space<semaphore_mem>>) src(%arg25 : memref<8x128xf32, #tpu.memory_space<vmem>>) dst(%dma_wait3A_84 : memref<8x128xf32, #tpu.memory_space<hbm>>)
          tpu.yield
        }) : () -> ()
      } else {
      }
    } else {
    }
    return
  }
}

module attributes {stable_mosaic.version = 14 : i64} {
  func.func @_node_scalar_body(%arg0: memref<10000x128xf32, #tpu.memory_space<vmem>>, %arg1: memref<128x384xf32, #tpu.memory_space<vmem>>, %arg2: memref<1x128xf32, #tpu.memory_space<vmem>>, %arg3: memref<10000x2xf32, #tpu.memory_space<vmem>>) attributes {dimension_semantics = [], scalar_prefetch = 0 : i64, scratch_operands = 0 : i64, tpu.core_type = #tpu.core_type<tc>} {
    %get3A = arith.constant 0 : index
    %get3A_0 = arith.constant 0 : index
    %get3A_1 = vector.load %arg2[%get3A, %get3A_0] : memref<1x128xf32, #tpu.memory_space<vmem>>, vector<1x128xf32>
    %get3A_2 = arith.constant 0 : index
    %get3A_3 = arith.constant 0 : index
    %get3A_4 = vector.load %arg1[%get3A_2, %get3A_3] : memref<128x384xf32, #tpu.memory_space<vmem>>, vector<128x384xf32>
    %dot_general3A = arith.constant dense<0.000000e+00> : vector<1x384xf32>
    %dot_general3A_5 = tpu.matmul %get3A_1, %get3A_4, %dot_general3A {dimension_numbers = #tpu.dot_dimension_numbers<[1], [0], [0], [1], [0, 0, 1, 1], [], []>, transpose_lhs_hint = false} : vector<1x128xf32>, vector<128x384xf32>, vector<1x384xf32> -> vector<1x384xf32>
    %slice3A = vector.extract_strided_slice %dot_general3A_5 {offsets = [0, 0], sizes = [1, 128], strides = [1, 1]} : vector<1x384xf32> to vector<1x128xf32>
    %slice3A_6 = vector.extract_strided_slice %dot_general3A_5 {offsets = [0, 128], sizes = [1, 128], strides = [1, 1]} : vector<1x384xf32> to vector<1x128xf32>
    %concatenate3A = tpu.concatenate %slice3A, %slice3A_6 in 0 : vector<1x128xf32>, vector<1x128xf32> -> vector<2x128xf32>
    %get3A_7 = arith.constant 0 : index
    %get3A_8 = arith.constant 0 : index
    %get3A_9 = vector.load %arg0[%get3A_7, %get3A_8] : memref<10000x128xf32, #tpu.memory_space<vmem>>, vector<10000x128xf32>
    %dot_general3A_10 = arith.constant dense<0.000000e+00> : vector<10000x2xf32>
    %dot_general3A_11 = tpu.matmul %get3A_9, %concatenate3A, %dot_general3A_10 {dimension_numbers = #tpu.dot_dimension_numbers<[1], [1], [0], [0], [0, 0, 1, 0], [], []>, transpose_lhs_hint = false} : vector<10000x128xf32>, vector<2x128xf32>, vector<10000x2xf32> -> vector<10000x2xf32>
    %swap3A = arith.constant 0 : index
    %swap3A_12 = arith.constant 0 : index
    %swap3A_13 = vector.load %arg3[%swap3A, %swap3A_12] : memref<10000x2xf32, #tpu.memory_space<vmem>>, vector<10000x2xf32>
    tpu.vector_store %arg3[%swap3A, %swap3A_12], %dot_general3A_11 {strides = array<i32>} : memref<10000x2xf32, #tpu.memory_space<vmem>>, vector<10000x2xf32>,
    return
  }
}

module attributes {stable_mosaic.version = 14 : i64} {
  func.func @_pw_body(%arg0: i32, %arg1: memref<128x384xf32, #tpu.memory_space<vmem>>, %arg2: memref<1x128xf32, #tpu.memory_space<vmem>>, %arg3: memref<8000x128xf32, #tpu.memory_space<vmem>>, %arg4: memref<8000x1xf32, #tpu.memory_space<vmem>>) attributes {dimension_semantics = [#tpu.dimension_semantics<arbitrary>], iteration_bounds = array<i64: 32>, scalar_prefetch = 0 : i64, scratch_operands = 0 : i64, tpu.core_type = #tpu.core_type<tc>, window_params = [{pipeline_mode = #tpu.pipeline_mode<synchronous>, transform_indices = @transform_0, window_bounds = array<i64: 128, 384>}, {pipeline_mode = #tpu.pipeline_mode<synchronous>, transform_indices = @transform_1, window_bounds = array<i64: 1, 128>}, {transform_indices = @transform_2, window_bounds = array<i64: 8000, 128>}, {transform_indices = @transform_3, window_bounds = array<i64: 8000, 1>}]} {
    %get3A = arith.constant 0 : index
    %get3A_0 = arith.constant 0 : index
    %get3A_1 = vector.load %arg2[%get3A, %get3A_0] : memref<1x128xf32, #tpu.memory_space<vmem>>, vector<1x128xf32>
    %get3A_2 = arith.constant 0 : index
    %get3A_3 = arith.constant 0 : index
    %get3A_4 = vector.load %arg1[%get3A_2, %get3A_3] : memref<128x384xf32, #tpu.memory_space<vmem>>, vector<128x384xf32>
    %dot_general3A = arith.constant dense<0.000000e+00> : vector<1x384xf32>
    %dot_general3A_5 = tpu.matmul %get3A_1, %get3A_4, %dot_general3A {dimension_numbers = #tpu.dot_dimension_numbers<[1], [0], [0], [1], [0, 0, 1, 1], [], []>, transpose_lhs_hint = false} : vector<1x128xf32>, vector<128x384xf32>, vector<1x384xf32> -> vector<1x384xf32>
    %get3A_6 = arith.constant 0 : index
    %get3A_7 = arith.constant 0 : index
    %get3A_8 = vector.load %arg3[%get3A_6, %get3A_7] : memref<8000x128xf32, #tpu.memory_space<vmem>>, vector<8000x128xf32>
    %slice3A = vector.extract_strided_slice %dot_general3A_5 {offsets = [0, 256], sizes = [1, 128], strides = [1, 1]} : vector<1x384xf32> to vector<1x128xf32>
    %dot_general3A_9 = arith.constant dense<0.000000e+00> : vector<8000x1xf32>
    %dot_general3A_10 = tpu.matmul %get3A_8, %slice3A, %dot_general3A_9 {dimension_numbers = #tpu.dot_dimension_numbers<[1], [1], [0], [0], [0, 0, 1, 0], [], []>, transpose_lhs_hint = false} : vector<8000x128xf32>, vector<1x128xf32>, vector<8000x1xf32> -> vector<8000x1xf32>
    %swap3A = arith.constant 0 : index
    %swap3A_11 = arith.constant 0 : index
    %swap3A_12 = vector.load %arg4[%swap3A, %swap3A_11] : memref<8000x1xf32, #tpu.memory_space<vmem>>, vector<8000x1xf32>
    tpu.vector_store %arg4[%swap3A, %swap3A_11], %dot_general3A_10 {strides = array<i32>} : memref<8000x1xf32, #tpu.memory_space<vmem>>, vector<8000x1xf32>,
    return
  }
  func.func @transform_0(%arg0: i32) -> (i32, i32) {
    %c0_i32 = arith.constant 0 : i32
    %c0_i32_0 = arith.constant 0 : i32
    %c0_i32_1 = arith.constant 0 : i32
    return %c0_i32, %c0_i32_0 : i32, i32
  }
  func.func @transform_1(%arg0: i32) -> (i32, i32) {
    %c0_i32 = arith.constant 0 : i32
    %c0_i32_0 = arith.constant 0 : i32
    %c0_i32_1 = arith.constant 0 : i32
    return %c0_i32, %c0_i32_0 : i32, i32
  }
  func.func @transform_2(%arg0: i32) -> (i32, i32) {
    %c0_i32 = arith.constant 0 : i32
    %c0_i32_0 = arith.constant 0 : i32
    return %arg0, %c0_i32 : i32, i32
  }
  func.func @transform_3(%arg0: i32) -> (i32, i32) {
    %c0_i32 = arith.constant 0 : i32
    %c0_i32_0 = arith.constant 0 : i32
    return %arg0, %c0_i32 : i32, i32
  }
}

module attributes {stable_mosaic.version = 14 : i64} {
  func.func @_pw_body(%arg0: i32, %arg1: memref<128x384xf32, #tpu.memory_space<vmem>>, %arg2: memref<1x128xf32, #tpu.memory_space<vmem>>, %arg3: memref<8000x128xf32, #tpu.memory_space<vmem>>, %arg4: memref<8000x1xf32, #tpu.memory_space<vmem>>) attributes {dimension_semantics = [#tpu.dimension_semantics<arbitrary>], iteration_bounds = array<i64: 8>, scalar_prefetch = 0 : i64, scratch_operands = 0 : i64, tpu.core_type = #tpu.core_type<tc>, window_params = [{pipeline_mode = #tpu.pipeline_mode<synchronous>, transform_indices = @transform_0, window_bounds = array<i64: 128, 384>}, {pipeline_mode = #tpu.pipeline_mode<synchronous>, transform_indices = @transform_1, window_bounds = array<i64: 1, 128>}, {transform_indices = @transform_2, window_bounds = array<i64: 8000, 128>}, {transform_indices = @transform_3, window_bounds = array<i64: 8000, 1>}]} {
    %get3A = arith.constant 0 : index
    %get3A_0 = arith.constant 0 : index
    %get3A_1 = vector.load %arg2[%get3A, %get3A_0] : memref<1x128xf32, #tpu.memory_space<vmem>>, vector<1x128xf32>
    %get3A_2 = arith.constant 0 : index
    %get3A_3 = arith.constant 0 : index
    %get3A_4 = vector.load %arg1[%get3A_2, %get3A_3] : memref<128x384xf32, #tpu.memory_space<vmem>>, vector<128x384xf32>
    %dot_general3A = arith.constant dense<0.000000e+00> : vector<1x384xf32>
    %dot_general3A_5 = tpu.matmul %get3A_1, %get3A_4, %dot_general3A {dimension_numbers = #tpu.dot_dimension_numbers<[1], [0], [0], [1], [0, 0, 1, 1], [], []>, transpose_lhs_hint = false} : vector<1x128xf32>, vector<128x384xf32>, vector<1x384xf32> -> vector<1x384xf32>
    %get3A_6 = arith.constant 0 : index
    %get3A_7 = arith.constant 0 : index
    %get3A_8 = vector.load %arg3[%get3A_6, %get3A_7] : memref<8000x128xf32, #tpu.memory_space<vmem>>, vector<8000x128xf32>
    %slice3A = vector.extract_strided_slice %dot_general3A_5 {offsets = [0, 256], sizes = [1, 128], strides = [1, 1]} : vector<1x384xf32> to vector<1x128xf32>
    %dot_general3A_9 = arith.constant dense<0.000000e+00> : vector<8000x1xf32>
    %dot_general3A_10 = tpu.matmul %get3A_8, %slice3A, %dot_general3A_9 {dimension_numbers = #tpu.dot_dimension_numbers<[1], [1], [0], [0], [0, 0, 1, 0], [], []>, transpose_lhs_hint = false} : vector<8000x128xf32>, vector<1x128xf32>, vector<8000x1xf32> -> vector<8000x1xf32>
    %swap3A = arith.constant 0 : index
    %swap3A_11 = arith.constant 0 : index
    %swap3A_12 = vector.load %arg4[%swap3A, %swap3A_11] : memref<8000x1xf32, #tpu.memory_space<vmem>>, vector<8000x1xf32>
    tpu.vector_store %arg4[%swap3A, %swap3A_11], %dot_general3A_10 {strides = array<i32>} : memref<8000x1xf32, #tpu.memory_space<vmem>>, vector<8000x1xf32>,
    return
  }
  func.func @transform_0(%arg0: i32) -> (i32, i32) {
    %c0_i32 = arith.constant 0 : i32
    %c0_i32_0 = arith.constant 0 : i32
    %c0_i32_1 = arith.constant 0 : i32
    return %c0_i32, %c0_i32_0 : i32, i32
  }
  func.func @transform_1(%arg0: i32) -> (i32, i32) {
    %c0_i32 = arith.constant 0 : i32
    %c0_i32_0 = arith.constant 0 : i32
    %c0_i32_1 = arith.constant 0 : i32
    return %c0_i32, %c0_i32_0 : i32, i32
  }
  func.func @transform_2(%arg0: i32) -> (i32, i32) {
    %c0_i32 = arith.constant 0 : i32
    %c0_i32_0 = arith.constant 0 : i32
    return %arg0, %c0_i32 : i32, i32
  }
  func.func @transform_3(%arg0: i32) -> (i32, i32) {
    %c0_i32 = arith.constant 0 : i32
    %c0_i32_0 = arith.constant 0 : i32
    return %arg0, %c0_i32 : i32, i32
  }
}

module attributes {stable_mosaic.version = 14 : i64} {
  func.func @_final_body(%arg0: memref<10000x128xf32, #tpu.memory_space<vmem>>, %arg1: memref<128x384xf32, #tpu.memory_space<vmem>>, %arg2: memref<10000x1xf32, #tpu.memory_space<vmem>>, %arg3: memref<10000x128xf32, #tpu.memory_space<vmem>>, %arg4: memref<10000x128xf32, #tpu.memory_space<vmem>>, %arg5: memref<10000x128xf32, #tpu.memory_space<vmem>>) attributes {dimension_semantics = [], scalar_prefetch = 0 : i64, scratch_operands = 0 : i64, tpu.core_type = #tpu.core_type<tc>} {
    %get3A = arith.constant 0 : index
    %get3A_0 = arith.constant 0 : index
    %get3A_1 = vector.load %arg1[%get3A, %get3A_0] : memref<128x384xf32, #tpu.memory_space<vmem>>, vector<128x384xf32>
    %get3A_2 = arith.constant 0 : index
    %get3A_3 = arith.constant 0 : index
    %get3A_4 = vector.load %arg2[%get3A_2, %get3A_3] : memref<10000x1xf32, #tpu.memory_space<vmem>>, vector<10000x1xf32>
    %get3A_5 = arith.constant 0 : index
    %get3A_6 = arith.constant 0 : index
    %get3A_7 = vector.load %arg0[%get3A_5, %get3A_6] : memref<10000x128xf32, #tpu.memory_space<vmem>>, vector<10000x128xf32>
    %slice3A = vector.extract_strided_slice %get3A_1 {offsets = [0, 0], sizes = [128, 128], strides = [1, 1]} : vector<128x384xf32> to vector<128x128xf32>
    %dot_general3A = arith.constant dense<0.000000e+00> : vector<10000x128xf32>
    %dot_general3A_8 = tpu.matmul %get3A_7, %slice3A, %dot_general3A {dimension_numbers = #tpu.dot_dimension_numbers<[1], [1], [0], [0], [0, 0, 1, 0], [], []>, transpose_lhs_hint = false} : vector<10000x128xf32>, vector<128x128xf32>, vector<10000x128xf32> -> vector<10000x128xf32>
    %mul3A = vector.broadcast %get3A_4 : vector<10000x1xf32> to vector<10000x128xf32>
    %mul3A_9 = arith.mulf %mul3A, %dot_general3A_8 : vector<10000x128xf32>
    %get3A_10 = arith.constant 0 : index
    %get3A_11 = arith.constant 0 : index
    %get3A_12 = vector.load %arg3[%get3A_10, %get3A_11] : memref<10000x128xf32, #tpu.memory_space<vmem>>, vector<10000x128xf32>
    %slice3A_13 = vector.extract_strided_slice %get3A_1 {offsets = [0, 128], sizes = [128, 128], strides = [1, 1]} : vector<128x384xf32> to vector<128x128xf32>
    %dot_general3A_14 = arith.constant dense<0.000000e+00> : vector<10000x128xf32>
    %dot_general3A_15 = tpu.matmul %get3A_12, %slice3A_13, %dot_general3A_14 {dimension_numbers = #tpu.dot_dimension_numbers<[1], [1], [0], [0], [0, 0, 1, 0], [], []>, transpose_lhs_hint = false} : vector<10000x128xf32>, vector<128x128xf32>, vector<10000x128xf32> -> vector<10000x128xf32>
    %add3A = arith.addf %mul3A_9, %dot_general3A_15 : vector<10000x128xf32>
    %get3A_16 = arith.constant 0 : index
    %get3A_17 = arith.constant 0 : index
    %get3A_18 = vector.load %arg4[%get3A_16, %get3A_17] : memref<10000x128xf32, #tpu.memory_space<vmem>>, vector<10000x128xf32>
    %slice3A_19 = vector.extract_strided_slice %get3A_1 {offsets = [0, 256], sizes = [128, 128], strides = [1, 1]} : vector<128x384xf32> to vector<128x128xf32>
    %dot_general3A_20 = arith.constant dense<0.000000e+00> : vector<10000x128xf32>
    %dot_general3A_21 = tpu.matmul %get3A_18, %slice3A_19, %dot_general3A_20 {dimension_numbers = #tpu.dot_dimension_numbers<[1], [1], [0], [0], [0, 0, 1, 0], [], []>, transpose_lhs_hint = false} : vector<10000x128xf32>, vector<128x128xf32>, vector<10000x128xf32> -> vector<10000x128xf32>
    %add3A_22 = arith.addf %add3A, %dot_general3A_21 : vector<10000x128xf32>
    %eq3A = arith.constant 0.000000e+00 : f32
    %eq3A_23 = vector.broadcast %eq3A : f32 to vector<10000x1xf32>
    %eq3A_24 = arith.cmpf oeq, %get3A_4, %eq3A_23 : vector<10000x1xf32>
    %jit3A = arith.constant 9.99999996E-13 : f32
    %broadcast_in_dim3A = vector.broadcast %jit3A : f32 to vector<10000x1xf32>
    %select_n3A = arith.select %eq3A_24, %broadcast_in_dim3A, %get3A_4 : vector<10000x1xi1>, vector<10000x1xf32>
    %div3A = vector.broadcast %select_n3A : vector<10000x1xf32> to vector<10000x128xf32>
    %div3A_25 = arith.divf %add3A_22, %div3A : vector<10000x128xf32>
    %gt3A = arith.constant 0.000000e+00 : f32
    %gt3A_26 = vector.broadcast %gt3A : f32 to vector<10000x128xf32>
    %gt3A_27 = arith.cmpf ogt, %div3A_25, %gt3A_26 : vector<10000x128xf32>
    %min3A = arith.constant 0.000000e+00 : f32
    %min3A_28 = vector.broadcast %min3A : f32 to vector<10000x128xf32>
    %min3A_29 = arith.minimumf %div3A_25, %min3A_28 : vector<10000x128xf32>
    %exp3A = math.exp %min3A_29 : vector<10000x128xf32>
    %sub3A = arith.constant 1.000000e+00 : f32
    %sub3A_30 = vector.broadcast %sub3A : f32 to vector<10000x128xf32>
    %sub3A_31 = arith.subf %exp3A, %sub3A_30 : vector<10000x128xf32>
    %select_n3A_32 = arith.select %gt3A_27, %div3A_25, %sub3A_31 : vector<10000x128xi1>, vector<10000x128xf32>
    %swap3A = arith.constant 0 : index
    %swap3A_33 = arith.constant 0 : index
    %swap3A_34 = vector.load %arg5[%swap3A, %swap3A_33] : memref<10000x128xf32, #tpu.memory_space<vmem>>, vector<10000x128xf32>
    tpu.vector_store %arg5[%swap3A, %swap3A_33], %select_n3A_32 {strides = array<i32>} : memref<10000x128xf32, #tpu.memory_space<vmem>>, vector<10000x128xf32>,
    return
  }
}

</mosaic_0001>

<sc_bundles>
// kernel: kernel.7.cloned.1.call-start
scs
__scs_entry_jumppad:
0x0: {  	(pc) =	sbr.rel $0x88, $3  }
0x1: {  	(tag) =	ssettag $0x0;
	lr =	simm.s32 $0x1  }
0x2: {  	[smem:$0x3F9A] =	sst lr;
	_ =	strace $0xD0000000  }
0x3: {  	_ = 	snop  }
0x4: {  	_ = 	snop  }
0x5: {  	_ = 	snop  }
0x6: {  	_ = 	snop  }
0x7: {  	_ = 	snop  }
__scs_overlays_trampoline_lowered:
0x8: {  	[smem:$0x3FA9] =	sst s0  }
0x9: {  	[smem:$0x3FAA] =	sst s1  }
0xa: {  	[smem:$0x3FAB] =	sst s2  }
0xb: {  	[smem:$0x3FAC] =	sst s3  }
0xc: {  	[smem:$0x3FAD] =	sst s4  }
0xd: {  	[smem:$0x3FAE] =	sst s5  }
0xe: {  	[smem:$0x3FAF] =	sst s6  }
0xf: {  	[smem:$0x3FB0] =	sst s7  }
0x10: {  	[smem:$0x3FB1] =	sst s8  }
0x11: {  	[smem:$0x3FB2] =	sst s9;
	s0 =	simm.s32 @!p0 $0x0  }
0x12: {  	s1 =	sld [smem:$0x3F98];
	s0 =	simm.s32 @p0 $0x1  }
0x13: {  	[smem:$0x3FB3] =	sst s0;
	s0 =	simm.s32 @!p1 $0x0  }
0x14: {  	s2 =	sld [smem:$0x3F97];
	s0 =	simm.s32 @p1 $0x1  }
0x15: {  	[smem:$0x3FB4] =	sst s0;
	s0 =	simm.s32 @!p2 $0x0  }
0x16: {  	s3 =	sld [smem:$0x3FDB];
	s0 =	simm.s32 @p2 $0x1  }
0x17: {  	s4 =	simm.s32 $0x1BF5;
	[smem:$0x3FB6] =	sst s0  }
0x18: {  	s0 =	sld [smem:$0x3F99];
	_ =	swait.ge [sflag:s4], $0x0  }
0x19: {  	s7 =	sld [smem:$0x3F9A]  }
0x1a: {  	s8 =	sadd.s32 $0xFFFFE003, lr  }
0x1b: {  	s9 =	sadd.s32 $0xFFFFFEF7, lr;
	s5 =	simm.s32 $0xFFFFFFFF;
	p2 =	slt.u32 s8, $0xFFFFF086  }
0x1c: {  	p1 =	slt.u32 s9, $0xF7A;
	s5 =	simm.s32 @!p2 $0x0  }
0x1d: {  	s5 =	simm.s32 @p1 $0x1;
	p0 =	seq.s32 s7, s2  }
0x1e: {  	s7 =	smul.u32 @!p0 $0xF7A, s2;
	p2 =	seq.s32 @!p0 s5, $0x0  }
0x1f: {  	s9 =	smul.u32 $0xF7A, s1;
	s8 =	simm.s32 @!p0 $0x1BF5;
	p2 =	por !p2, p0  }
0x20: {  	[sflag:s8] =	ssyncset.s32 @!p0 $0xFFFFF086;
	s6 =	sadd.s32 @!p0 s3, s7;
	s7 =	simm.s32 @!p0 $0x108  }
0x21: {  	s3 =	sadd.s32 s3, s9;
	s6 =	sadd.s32 @!p0 $0x88, s6;
	s7 =	simm.s32 @p2 $0x1082  }
0x22: {  	[simem:s7], [sflag:s8] =	dma.local @!p0 [hbm:s6], $0xF7A  }
0x23: {  	s9 =	sor.u32 $0xD0000000, s2;
	s6 =	simm.s32 $0x108;
	_ =	swait.ge @!p0 [sflag:s8], $0x0  }
0x24: {  	s3 =	sadd.s32 $0x88, s3;
	s6 =	simm.s32 @!p1 $0x1082;
	[sflag:s4] =	ssyncset.s32 $0xFFFFF086  }
0x25: {  	[simem:s6], [sflag:s4] =	dma.local [hbm:s3], $0xF7A  }
0x26: {  	[smem:$0x3F9A] =	sst s1;
	(tag) =	ssettag s2;
	_ =	strace s9  }
0x27: {  	s1 =	sld [smem:$0x3FAA]  }
0x28: {  	s2 =	sld [smem:$0x3FAB]  }
0x29: {  	s4 =	sld [smem:$0x3FAD]  }
0x2a: {  	p0 =	seq.s32 s5, $0x0;
	s5 =	sld [smem:$0x3FAE]  }
0x2b: {  	s6 =	sld [smem:$0x3FAF]  }
0x2c: {  	s7 =	sld [smem:$0x3FB0]  }
0x2d: {  	s3 =	simm.s32 $0x108;
	s8 =	sld [smem:$0x3FB1]  }
0x2e: {  	s3 =	simm.s32 @!p0 $0x1082;
	s9 =	sld [smem:$0x3FB2]  }
0x2f: {  	lr =	sadd.s32 s0, s3;
	s0 =	sld [smem:$0x3FA9]  }
0x30: {  	s3 =	sld [smem:$0x3FAC]  }
0x31: {  	[smem:$0x3FB5] =	sst s10  }
0x32: {  	s10 =	sld [smem:$0x3FB3];
	_ =	sdelay $0x3  }
0x33: {  	p0 =	seq.s32 s10, $0x1;
	s10 =	sld [smem:$0x3FB5];
	_ =	sdelay $0x3  }
0x34: {  	[smem:$0x3FB5] =	sst s10  }
0x35: {  	s10 =	sld [smem:$0x3FB4];
	_ =	sdelay $0x3  }
0x36: {  	p1 =	seq.s32 s10, $0x1;
	s10 =	sld [smem:$0x3FB5];
	_ =	sdelay $0x3  }
0x37: {  	[smem:$0x3FB5] =	sst s10  }
0x38: {  	s10 =	sld [smem:$0x3FB6]  }
0x39: {  	_ = 	snop;
	(pc) =	sbr.ind lr, $3  }
0x3a: {  	_ = 	snop  }
0x3b: {  	_ = 	snop  }
0x3c: {  	p2 =	seq.s32 s10, $0x1;
	s10 =	sld [smem:$0x3FB5]  }
0x3d: {  	_ =	shalt  }
0x3e: {  	_ =	shalt  }
0x3f: {  	_ =	shalt  }
0x40: {  	_ =	shalt  }
0x41: {  	_ =	shalt  }
0x42: {  	_ =	shalt  }
0x43: {  	_ =	shalt  }
0x44: {  	_ =	shalt  }
0x45: {  	_ =	shalt  }
0x46: {  	_ =	shalt  }
0x47: {  	_ =	shalt  }
0x48: {  	_ =	shalt  }
0x49: {  	_ =	shalt  }
0x4a: {  	_ =	shalt  }
0x4b: {  	_ =	shalt  }
0x4c: {  	_ =	shalt  }
0x4d: {  	_ =	shalt  }
0x4e: {  	_ =	shalt  }
0x4f: {  	_ =	shalt  }
0x50: {  	_ =	shalt  }
0x51: {  	_ =	shalt  }
0x52: {  	_ =	shalt  }
0x53: {  	_ =	shalt  }
0x54: {  	_ =	shalt  }
0x55: {  	_ =	shalt  }
0x56: {  	_ =	shalt  }
0x57: {  	_ =	shalt  }
0x58: {  	_ =	shalt  }
0x59: {  	_ =	shalt  }
0x5a: {  	_ =	shalt  }
0x5b: {  	_ =	shalt  }
0x5c: {  	_ =	shalt  }
0x5d: {  	_ =	shalt  }
0x5e: {  	_ =	shalt  }
0x5f: {  	_ =	shalt  }
0x60: {  	_ =	shalt  }
0x61: {  	_ =	shalt  }
0x62: {  	_ =	shalt  }
0x63: {  	_ =	shalt  }
0x64: {  	_ =	shalt  }
0x65: {  	_ =	shalt  }
0x66: {  	_ =	shalt  }
0x67: {  	_ =	shalt  }
0x68: {  	_ =	shalt  }
0x69: {  	_ =	shalt  }
0x6a: {  	_ =	shalt  }
0x6b: {  	_ =	shalt  }
0x6c: {  	_ =	shalt  }
0x6d: {  	_ =	shalt  }
0x6e: {  	_ =	shalt  }
0x6f: {  	_ =	shalt  }
0x70: {  	_ =	shalt  }
0x71: {  	_ =	shalt  }
0x72: {  	_ =	shalt  }
0x73: {  	_ =	shalt  }
0x74: {  	_ =	shalt  }
0x75: {  	_ =	shalt  }
0x76: {  	_ =	shalt  }
0x77: {  	_ =	shalt  }
0x78: {  	_ =	shalt  }
0x79: {  	_ =	shalt  }
0x7a: {  	_ =	shalt  }
0x7b: {  	_ =	shalt  }
0x7c: {  	_ =	shalt  }
0x7d: {  	_ =	shalt  }
0x7e: {  	_ =	shalt  }
0x7f: {  	_ =	shalt  }
0x80: {  	_ =	shalt  }
0x81: {  	_ =	shalt  }
0x82: {  	_ =	shalt  }
0x83: {  	_ =	shalt  }
0x84: {  	_ =	shalt  }
0x85: {  	_ =	shalt  }
0x86: {  	_ =	shalt  }
0x87: {  	_ =	shalt  }
.Lfunc_end0:
.L_simem_size_0:
called_computation_lowered:
.L_overlay_start_0:
0x88: {  	s2 =	sld [smem:$0x3FD9]  }
0x89: {  	s3 =	sld [smem:$0x3FFE];
	_ =	sdelay $0x1  }
0x8a: {  	s1 =	srdreg.scid  }
0x8b: {  	s0 =	sand.u32 $0x1, s1  }
0x8c: {  	s17 =	sshll.u32 s0, $0xA;
	s2 =	sadd.s32 s3, s2  }
0x8d: {  	s2 =	sadd.s32 s2, s17  }
0x8e: {  	[smem:$0x3FC1] =	sst s2  }
0x8f: {  	_ = 	snop  }
0x90: {  	s2 =	sld [smem:$0x3FC9]  }
0x91: {  	s18 =	sld [smem:$0x3FC7]  }
0x92: {  	s4 =	sld [smem:$0x3FC5]  }
0x93: {  	s5 =	sld [smem:$0x3FD0];
	(tm) =	ssettm $0x1  }
0x94: {  	s6 =	sld [smem:$0x3FFB];
	_ =	sdelay $0x3  }
0x95: {  	_ =	strace s6  }
0x96: {  	s6 =	sld [smem:$0x3FFC];
	_ =	sdelay $0x3  }
0x97: {  	_ =	strace s6  }
0x98: {  	s6 =	sld [smem:$0x3FFD];
	_ =	sdelay $0x3  }
0x99: {  	_ =	strace s6  }
0x9a: {  	_ =	strace $0x8FFFFFFF  }
0x9b: {  	s19 =	sld [smem:$0x3FDB];
	_ =	sdelay $0x1  }
0x9c: {  	s7 =	simm.s32 $_scs_section_size  }
0x9d: {  	s8 =	simm.s32 $_size__tile_overlayer_lowered;
	s9 =	simm.s32 $_tile_overlayer_lowered  }
0x9e: {  	s22 =	simm.s32 $0x1BFF;
	s21 =	sshll.u32 s9, $0x1;
	s6 =	sadd.s32 s7, s19  }
0x9f: {  	s10 =	simm.s32 $0x0;
	s20 =	sshll.u32 s8, $0x1;
	s8 =	sadd.s32 s21, s6  }
0xa0: {  	[timem:s10], [sflag:s22] =	dma.local [hbm:s8], s20  }
0xa1: {  	_ =	swait.ge [sflag:s22], s20  }
0xa2: {  	s7 =	ssub.s32 $0x0, s20;
	[sflag:s22] =	ssyncset.done $0x0  }
0xa3: {  	[sflag:s22] =	ssyncadd.s32 s7;
	_ =	sdelay $0x1  }
0xa4: {  	s23 =	simm.s32 $0x1B8B  }
0xa5: {  	_ =	swait.ge [sflag:s23], $0x1  }
0xa6: {  	[sflag:s23] =	ssyncset.done $0x0  }
0xa7: {  	s25 =	simm.s32 $0x1B8E;
	s24 =	sld [smem:$0x3FFE];
	[sflag:s23] =	ssyncadd.s32 $0xFFFFFFFF  }
0xa8: {  	s26 =	simm.s32 $execute0_lowered;
	[smem:$0x3FD2] =	sst s25  }
0xa9: {  	s8 =	sshll.u32 s26, $0x1;
	_ =	strace $0x80000046;
	[dreg:$0x1] =	wrdreg $0xFFFFFFFF  }
0xaa: {  	s28 =	simm.s32 $_size_execute0_lowered;
	s6 =	sadd.s32 s6, s8;
	[dreg:$0x0] =	wrdreg $0x0  }
0xab: {  	s8 =	sshll.u32 s28, $0x1;
	[dreg:$0x2] =	wrdreg s6  }
0xac: {  	[dreg:$0x3] =	wrdreg s8  }
0xad: {  	[dreg:$0x4] =	wrdreg $0xC0  }
0xae: {  	_ =	task [dreg:s10], $0x5FFFF  }
0xaf: {  	[dreg:$0x1] =	wrdreg $0xFFFFFFFF  }
0xb0: {  	[dreg:$0x0] =	wrdreg $0x60  }
0xb1: {  	[dreg:$0x2] =	wrdreg s2  }
0xb2: {  	[dreg:$0x3] =	wrdreg s5  }
0xb3: {  	[dreg:$0x4] =	wrdreg s24  }
0xb4: {  	[dreg:$0x5] =	wrdreg s18  }
0xb5: {  	[dreg:$0x6] =	wrdreg s4  }
0xb6: {  	[dreg:$0x7] =	wrdreg $0x0  }
0xb7: {  	[dreg:$0x8] =	wrdreg $0x140000  }
0xb8: {  	[dreg:$0x9] =	wrdreg $0x142800  }
0xb9: {  	[dreg:$0xa] =	wrdreg $0x9  }
0xba: {  	_ =	task.clear_ibuf [dreg:s10], $0xBFFFF;
	_ =	strace $0x90000046  }
0xbb: {  	s29 =	simm.s32 $0x9;
	_ =	strace $0x80000048  }
0xbc: {  	_ =	swait.ge [sflag:s29], $0x1  }
0xbd: {  	[sflag:s29] =	ssyncadd.s32 $0xFFFFFFFF  }
0xbe: {  	_ =	strace $0x90000048  }
0xbf: {  	_ =	sfence  }
0xc0: {  	s30 =	sld [smem:$0x0];
	_ =	sdelay $0x2  }
0xc1: {  	s31 =	sshll.u32 s1, $0xD;
	s1 =	sshrl.u32 s1, $0x2  }
0xc2: {  	s3 =	sand.u32 $0x4000, s31;
	s1 =	sadd.s32 s1, s30  }
0xc3: {  	s0 =	sor.u32 s3, s0;
	s1 =	sshll.u32 s1, $0x11  }
0xc4: {  	s0 =	sor.u32 s1, s0  }
0xc5: {  	s0 =	sadd.s32 $0x8F2B, s0  }
0xc6: {  	[sflag:s0] =	ssyncadd.remote.s32 $0x1  }
0xc7: {  	_ =	sfence.sel $0xFFFF  }
0xc8: {  	[dreg:$0x0] =	wrdreg $0xFFFFFFFF;
	(pc) =	sbr.abs _section_cstart, $3  }
0xc9: {  	[dreg:$0x1] =	wrdreg $0xFFFFFFFF  }
0xca: {  	_ =	task.clear_ibuf [dreg:s10], $0x2FFFF;
	_ =	strace $0x9FFFFFFF  }
0xcb: {  	(tm) =	ssettm $0x7FFFFFFF  }
tec
execute0_lowered:
.L_overlay_start_1:
0x0: {  	(tag) =	ssettag $0x1  }
0x1: {  	s0 =	rddreg [dreg:$0x0]  }
0x2: {  	s1 =	rddreg [dreg:$0x1]  }
0x3: {  	s2 =	rddreg [dreg:$0x2]  }
0x4: {  	s3 =	rddreg [dreg:$0x3]  }
0x5: {  	s4 =	rddreg [dreg:$0x4]  }
0x6: {  	s5 =	rddreg [dreg:$0x5]  }
0x7: {  	s8 =	simm.s32 $0x0;
	s11 =	stileid.u32;
	s25 =	srdreg.scid  }
0x8: {  	s19 =	simm.s32 $0x139;
	[smem:$0x7FF] =	sst s8;
	s9 =	sadd.s32 $0x1C800, s2  }
0x9: {  	s10 =	sadd.s32 $0x12A00, s2;
	s6 =	sadd.s32 $0x11E00, s2;
	s7 =	smul.u32 $0x50000, s11  }
0xa: {  	s12 =	sadd.s32 $0x12400, s2;
	s26 =	sshll.u32 s11, $0x7;
	s13 =	smul.u32 $0x2800, s11  }
0xb: {  	s18 =	smul.u32 $0xA000, s11;
	p0 =	slt.u32 s11, $0x8;
	s22 =	sshll.u32 s11, $0xA  }
0xc: {  	p2 =	sne.s32 s11, $0x0;
	_ =	strace $0x80000047;
	[dreg:$0x9] =	wrdreg s6  }
0xd: {  	p3 =	sgt.u32 s11, $0x9;
	[dreg:$0xa] =	wrdreg s12;
	s6 =	sand.u32 $0x1, s25  }
0xe: {  	s12 =	sadd.s32 s26, s2;
	s19 =	simm.s32 @!p0 $0x138;
	s15 =	ssub.s32 $0x2, s6  }
0xf: {  	s7 =	sshrl.u32 s7, $0x2;
	s2 =	sadd.s32 s13, s2;
	s13 =	sshrl.u32 s18, $0x2  }
0x10: {  	p0 =	sne.s32 s6, $0x0;
	p1 =	seq.s32 s6, $0x0;
	s24 =	sadd.s32 $0x200, s12  }
0x11: {  	s6 =	simm.s32 $0x19580;
	s12 =	simm.s32 $0x40;
	s16 =	sshrl.u32 s15, $0x1  }
0x12: {  	s14 =	sadd.s32 s7, s5;
	s21 =	sadd.s32 $0x4E600, s2;
	s2 =	sadd.s32 $0x26600, s2  }
0x13: {  	s23 =	sadd.s32 s13, s5;
	[dreg:$0x12] =	wrdreg s24;
	s24 =	simm.s32 $0x2  }
0x14: {  	s7 =	simm.s32 $0x19600;
	s13 =	simm.s32 $0x1DF00;
	[dreg:$0xf] =	wrdreg s21  }
0x15: {  	s28 =	ssub.s32 s15, s16;
	s15 =	sadd.s32 $0x2000, s14;
	[dreg:$0x10] =	wrdreg s2  }
0x16: {  	s16 =	sadd.s32 $0x4000, s14;
	s17 =	sadd.s32 $0x6000, s14;
	[dreg:$0x11] =	wrdreg s23  }
0x17: {  	s20 =	sadd.s32 $0x8000, s14;
	s23 =	sadd.s32 s22, s5;
	[dreg:$0xb] =	wrdreg s15  }
0x18: {  	s26 =	sadd.s32 $0xA000, s14;
	s29 =	sadd.s32 $0xE000, s14;
	[dreg:$0xc] =	wrdreg s16  }
.Ltmp0:
0x19: {  	s30 =	sadd.s32 $0x10000, s14;
	[dreg:$0xd] =	wrdreg s17;
	(pc) =	sbr.rel .LBB2_1-.Ltmp0, $4  }
0x1a: {  	s31 =	sadd.s32 $0x12000, s14;
	s2 =	simm.s32 $0x14500;
	[dreg:$0xe] =	wrdreg s20  }
0x1b: {  	s21 =	simm.s32 $0x19700;
	s25 =	smax.u32 s28, $0x1;
	[dreg:$0x14] =	wrdreg s26  }
0x1c: {  	s22 =	simm.s32 $0x19500;
	s28 =	sadd.s32 $0xC000, s14;
	[dreg:$0x13] =	wrdreg s25  }
0x1d: {  	v0 =	vimm.f32 $0.0e+00;
	s20 =	simm.s32 $0x16D00;
	s15 =	simm.s32 $0x0;
	[dreg:$0x15] =	wrdreg s28  }
.LBB2_10:
0x1e: {  	s18 =	rddreg [dreg:$0xf]  }
0x1f: {  	[hbm:s18], [sflag:s17] =	dma.local [spmem:s16], $0x2800  }
0x20: {  	_ =	swait.ge [sflag:s24], $0x2800  }
0x21: {  	[sflag:s24] =	ssyncset.done $0x0  }
0x22: {  	[sflag:s24] =	ssyncadd.s32 $0xFFFFD800  }
0x23: {  	[bflag:$0x0] =	sbarrier.arrive $0xFFFF  }
.LBB2_15:
0x24: {  	s15 =	sadd.s32 $0x1, s15;
	s16 =	rddreg [dreg:$0x13]  }
0x25: {  	p4 =	sne.s32 s15, s16  }
.Ltmp1:
0x26: {  	_ = 	snop;
	(pc) =	sbr.rel @!p4 .LBB2_16-.Ltmp1, $1  }
0x27: {  	_ =	sdelay $0x3  }
.LBB2_1:
0x28: {  	s25 =	rddreg [dreg:$0x6]  }
0x29: {  	s17 =	simm.s32 @!p2 $0x1C02;
	s18 =	rddreg [dreg:$0x9];
	s16 =	sshrl.u32 @!p2 s25, $0x3  }
0x2a: {  	[spmem:s16], [sflag:s17] =	dma.local @!p2 [hbm:s18], $0x500  }
0x2b: {  	s16 =	simm.s32 @!p2 $0x2  }
0x2c: {  	_ =	swait.ge @!p2 [sflag:s16], $0x500  }
0x2d: {  	[sflag:s16] =	ssyncset.done @!p2 $0x0  }
0x2e: {  	[sflag:s16] =	ssyncadd.s32 @!p2 $0xFFFFFB00  }
0x2f: {  	s26 =	rddreg [dreg:$0x7]  }
0x30: {  	s28 =	rddreg [dreg:$0xa];
	s18 =	sshrl.u32 @!p2 s26, $0x3  }
0x31: {  	[spmem:s18], [sflag:s17] =	dma.local @!p2 [hbm:s28], $0x500  }
0x32: {  	_ =	swait.ge @!p2 [sflag:s16], $0x500  }
0x33: {  	[sflag:s16] =	ssyncset.done @!p2 $0x0  }
0x34: {  	[sflag:s16] =	ssyncadd.s32 @!p2 $0xFFFFFB00  }
0x35: {  	[bflag:$0x0] =	sbarrier.arrive $0xFFFF  }
0x36: {  	[tilespmem:s2], [sflag:$0x2] =	stream.linear.gather [spmem:s25], $0x2800, $0x38;
	[tilespmem:$0x1E700] =	vst v63  }
0x37: {  	_ =	swait.ge [sflag:s24], $0x2800  }
0x38: {  	[sflag:s24] =	ssyncset.done $0x0  }
0x39: {  	[sflag:s24] =	ssyncadd.s32 $0xFFFFD800  }
0x3a: {  	[tilespmem:s20], [sflag:$0x2] =	stream.linear.gather [spmem:s26], $0x2800, $0x38;
	[tilespmem:$0x1E700] =	vst v63  }
0x3b: {  	_ =	swait.ge [sflag:s24], $0x2800  }
0x3c: {  	[sflag:s24] =	ssyncset.done $0x0  }
0x3d: {  	s17 =	simm.s32 $0x200;
	s16 =	simm.s32 $0x0;
	[sflag:s24] =	ssyncadd.s32 $0xFFFFD800  }
.LBB2_2:
0x3e: {  	p4 =	sne.s32 s17, $0x9E00;
	[tilespmem:s16+$0x1B770] =	vst v0  }
0x3f: {  	[tilespmem:s16+$0x1B700] =	vst v0  }
0x40: {  	[tilespmem:s16+$0x1B710] =	vst v0  }
.Ltmp2:
0x41: {  	[tilespmem:s16+$0x1B720] =	vst v0;
	(pc) =	sbr.rel @p4 .LBB2_2-.Ltmp2, $4  }
0x42: {  	[tilespmem:s16+$0x1B730] =	vst v0  }
0x43: {  	[tilespmem:s16+$0x1B740] =	vst v0  }
0x44: {  	[tilespmem:s16+$0x1B750] =	vst v0  }
0x45: {  	[tilespmem:s16+$0x1B760] =	vst v0;
	s16 =	sshra.s32 s17, $0x2;
	s17 =	sadd.s32 $0x200, s17  }
0x46: {  	[tilespmem:s16+$0x1B770] =	vst v0  }
0x47: {  	[tilespmem:s16+$0x1B700] =	vst v0  }
0x48: {  	[tilespmem:s16+$0x1B710] =	vst v0  }
0x49: {  	[tilespmem:s16+$0x1B720] =	vst v0  }
0x4a: {  	[tilespmem:s16+$0x1B730] =	vst v0  }
0x4b: {  	[tilespmem:s16+$0x1B740] =	vst v0  }
0x4c: {  	[tilespmem:s16+$0x1B750] =	vst v0  }
0x4d: {  	[tilespmem:s16+$0x1B760] =	vst v0;
	s16 =	simm.s32 $0x0;
	s17 =	simm.s32 $0x200  }
.LBB2_4:
0x4e: {  	p4 =	sne.s32 s17, $0x7E00;
	[tilespmem:s16+$0x19770] =	vst v0  }
0x4f: {  	[tilespmem:s16+$0x19700] =	vst v0  }
0x50: {  	[tilespmem:s16+$0x19710] =	vst v0  }
.Ltmp3:
0x51: {  	[tilespmem:s16+$0x19720] =	vst v0;
	(pc) =	sbr.rel @p4 .LBB2_4-.Ltmp3, $4  }
0x52: {  	[tilespmem:s16+$0x19730] =	vst v0  }
0x53: {  	[tilespmem:s16+$0x19740] =	vst v0  }
0x54: {  	[tilespmem:s16+$0x19750] =	vst v0  }
0x55: {  	[tilespmem:s16+$0x19760] =	vst v0;
	s16 =	sshra.s32 s17, $0x2;
	s17 =	sadd.s32 $0x200, s17  }
0x56: {  	[tilespmem:s16+$0x19770] =	vst v0  }
0x57: {  	[tilespmem:s16+$0x19700] =	vst v0  }
0x58: {  	[tilespmem:s16+$0x19710] =	vst v0  }
0x59: {  	[tilespmem:s16+$0x19720] =	vst v0  }
0x5a: {  	[tilespmem:s16+$0x19730] =	vst v0  }
0x5b: {  	[tilespmem:s16+$0x19740] =	vst v0  }
0x5c: {  	[tilespmem:s16+$0x19750] =	vst v0  }
0x5d: {  	[tilespmem:s16+$0x19760] =	vst v0  }
0x5e: {  	[spmem:s14] =	stream.linear.scatter [tilespmem:s21], [sflag:$0x2], $0x2000, $0x38;
	[tilespmem:$0x1E700] =	vst v63  }
0x5f: {  	_ =	swait.ge [sflag:s24], $0x2000  }
0x60: {  	[sflag:s24] =	ssyncset.done $0x0  }
0x61: {  	s28 =	rddreg [dreg:$0xb];
	[sflag:s24] =	ssyncadd.s32 $0xFFFFE000  }
0x62: {  	[spmem:s28] =	stream.linear.scatter [tilespmem:s21], [sflag:$0x2], $0x2000, $0x38;
	[tilespmem:$0x1E700] =	vst v63  }
0x63: {  	_ =	swait.ge [sflag:s24], $0x2000  }
0x64: {  	[sflag:s24] =	ssyncset.done $0x0  }
0x65: {  	s17 =	rddreg [dreg:$0xc];
	[sflag:s24] =	ssyncadd.s32 $0xFFFFE000  }
0x66: {  	[spmem:s17] =	stream.linear.scatter [tilespmem:s21], [sflag:$0x2], $0x2000, $0x38;
	[tilespmem:$0x1E700] =	vst v63  }
0x67: {  	_ =	swait.ge [sflag:s24], $0x2000  }
0x68: {  	[sflag:s24] =	ssyncset.done $0x0  }
0x69: {  	s18 =	rddreg [dreg:$0xd];
	[sflag:s24] =	ssyncadd.s32 $0xFFFFE000  }
0x6a: {  	[spmem:s18] =	stream.linear.scatter [tilespmem:s21], [sflag:$0x2], $0x2000, $0x38;
	[tilespmem:$0x1E700] =	vst v63  }
0x6b: {  	_ =	swait.ge [sflag:s24], $0x2000  }
0x6c: {  	[sflag:s24] =	ssyncset.done $0x0  }
0x6d: {  	s25 =	rddreg [dreg:$0xe];
	[sflag:s24] =	ssyncadd.s32 $0xFFFFE000  }
0x6e: {  	[spmem:s25] =	stream.linear.scatter [tilespmem:s21], [sflag:$0x2], $0x2000, $0x38;
	[tilespmem:$0x1E700] =	vst v63  }
0x6f: {  	_ =	swait.ge [sflag:s24], $0x2000  }
0x70: {  	[sflag:s24] =	ssyncset.done $0x0  }
0x71: {  	s26 =	rddreg [dreg:$0x14];
	[sflag:s24] =	ssyncadd.s32 $0xFFFFE000  }
0x72: {  	[spmem:s26] =	stream.linear.scatter [tilespmem:s21], [sflag:$0x2], $0x2000, $0x38;
	[tilespmem:$0x1E700] =	vst v63  }
0x73: {  	_ =	swait.ge [sflag:s24], $0x2000  }
0x74: {  	[sflag:s24] =	ssyncset.done $0x0  }
0x75: {  	s28 =	rddreg [dreg:$0x15];
	[sflag:s24] =	ssyncadd.s32 $0xFFFFE000  }
0x76: {  	[spmem:s28] =	stream.linear.scatter [tilespmem:s21], [sflag:$0x2], $0x2000, $0x38;
	[tilespmem:$0x1E700] =	vst v63  }
0x77: {  	_ =	swait.ge [sflag:s24], $0x2000  }
0x78: {  	[sflag:s24] =	ssyncset.done $0x0  }
0x79: {  	[sflag:s24] =	ssyncadd.s32 $0xFFFFE000  }
0x7a: {  	[spmem:s29] =	stream.linear.scatter [tilespmem:s21], [sflag:$0x2], $0x2000, $0x38;
	[tilespmem:$0x1E700] =	vst v63  }
0x7b: {  	_ =	swait.ge [sflag:s24], $0x2000  }
0x7c: {  	[sflag:s24] =	ssyncset.done $0x0  }
0x7d: {  	[sflag:s24] =	ssyncadd.s32 $0xFFFFE000  }
0x7e: {  	[spmem:s30] =	stream.linear.scatter [tilespmem:s21], [sflag:$0x2], $0x2000, $0x38;
	[tilespmem:$0x1E700] =	vst v63  }
0x7f: {  	_ =	swait.ge [sflag:s24], $0x2000  }
0x80: {  	[sflag:s24] =	ssyncset.done $0x0  }
0x81: {  	[sflag:s24] =	ssyncadd.s32 $0xFFFFE000  }
0x82: {  	[spmem:s31] =	stream.linear.scatter [tilespmem:s21], [sflag:$0x2], $0x2000, $0x38;
	[tilespmem:$0x1E700] =	vst v63  }
0x83: {  	_ =	swait.ge [sflag:s24], $0x2000  }
0x84: {  	[sflag:s24] =	ssyncset.done $0x0  }
0x85: {  	[sflag:s24] =	ssyncadd.s32 $0xFFFFE000  }
0x86: {  	s16 =	simm.s32 $0x0;
	[bflag:$0x0] =	sbarrier.arrive $0xFFFF  }
.LBB2_6:
0x87: {  	s17 =	sshll.u32 s16, $0x4  }
0x88: {  	s18 =	sor.u32 s11, s17  }
0x89: {  	s25 =	sshll.u32 s18, $0x3  }
0x8a: {  	s26 =	sadd.s32 s1, s25  }
0x8b: {  	[tilespmem:s22], [sflag:$0x2] =	stream.linear.gather [hbm4b:s26+s8], $0x40, $0x38;
	[tilespmem:$0x1E700] =	vst v63  }
0x8c: {  	_ =	swait.ge [sflag:s24], $0x40  }
0x8d: {  	[sflag:s24] =	ssyncset.done $0x0  }
0x8e: {  	p5 =	sgt.u32 @p0 s17, $0xF9F;
	s28 =	sadd.s32 s9, s25;
	[sflag:s24] =	ssyncadd.s32 $0xFFFFFFC0  }
0x8f: {  	[tilespmem:s6], [sflag:$0x2] =	stream.linear.gather [hbm4b:s28+s8], $0x40, $0x38;
	[tilespmem:$0x1E700] =	vst v63  }
0x90: {  	p4 =	por !p5, !p0;
	_ =	swait.ge [sflag:s24], $0x40  }
0x91: {  	p5 =	por p5, !p0;
	s25 =	sadd.s32 s10, s25;
	[sflag:s24] =	ssyncset.done $0x0  }
0x92: {  	s17 =	sshll.u32 @!p4 s18, $0xD;
	s18 =	sshll.u32 @!p5 s18, $0xA;
	[sflag:s24] =	ssyncadd.s32 $0xFFFFFFC0  }
0x93: {  	[tilespmem:s7], [sflag:$0x2] =	stream.linear.gather [hbm4b:s25+s8], $0x40, $0x38;
	[tilespmem:$0x1E700] =	vst v63  }
0x94: {  	s17 =	sadd.s32 @!p4 $0xFE0C0000, s17;
	s26 =	simm.s32 @!p4 $0x19700;
	_ =	swait.ge [sflag:s24], $0x40  }
0x95: {  	s18 =	sadd.s32 @!p5 s3, s18;
	s17 =	sshrl.u32 @!p4 s17, $0x3;
	[sflag:s24] =	ssyncset.done $0x0  }
0x96: {  	s17 =	sadd.s32 @!p4 s4, s17;
	s25 =	simm.s32 @!p4 $0x0;
	[sflag:s24] =	ssyncadd.s32 $0xFFFFFFC0  }
0x97: {  	[tilespmem:s26], [sflag:$0x2] =	stream.linear.gather @!p4 [hbm4b:s17+s25], $0x2000, $0x38;
	[tilespmem:$0x1E700] =	vst v63  }
0x98: {  	s17 =	simm.s32 @!p4 $0x2;
	s25 =	simm.s32 @!p5 $0x0;
	s26 =	simm.s32 @!p5 $0x19700  }
0x99: {  	[tilespmem:s26], [sflag:$0x2] =	stream.linear.gather @!p5 [hbm4b:s18+s25], $0x2000, $0x38;
	[tilespmem:$0x1E700] =	vst v63  }
0x9a: {  	s17 =	simm.s32 @p4 $0x2;
	s18 =	simm.s32 @!p0 $0x40  }
0x9b: {  	s25 =	simm.s32 @!p0 $0x19580;
	s26 =	simm.s32 @!p0 $0x19700;
	s17 =	simm.s32 @!p0 $0x1  }
0x9c: {  	[tilespmem:s26], [sflag:$0x1] =	stream.indirect.gather @!p0 [hbm4b:s0+s18], $0x80, s25, s18, $0xb8;
	[tilespmem:$0x1E700] =	vst v63  }
0x9d: {  	_ =	swait.ge [sflag:s17], $0x2000  }
0x9e: {  	[sflag:s17] =	ssyncset.done $0x0  }
0x9f: {  	[sflag:s17] =	ssyncadd.s32 $0xFFFFE000  }
0xa0: {  	v1 =	vld [tilespmem:$0x19500]  }
0xa1: {  	v2 =	vld [tilespmem:$0x19580];
	_ =	sdelay $0x6  }
0xa2: {  	v3 =	vld.idx.msk [tilespmem:v1+s2+$0x0], $0xffff  }
0xa3: {  	v2 =	vld.idx.msk [tilespmem:v2+s20+$0x0], $0xffff;
	_ =	sdelay $0x1  }
0xa4: {  	v4 =	vld [tilespmem:$0x19600];
	_ =	sdelay $0x2  }
0xa5: {  	v2 =	vadd.f32 v2, v3;
	_ =	sdelay $0x1  }
0xa6: {  	v2 =	vadd.f32 v4, v2;
	_ =	sdelay $0x1  }
0xa7: {  	v3 =	vsub.f32 $0.0e+00, v2;
	v2 =	vmul.f32 $-2.000000030e-01, v2;
	_ =	sdelay $0x1  }
0xa8: {  	v2 =	vmin.f32 v3, v2  }
0xa9: {  	v2 =	vmul.f32 $1.442695020e+00, v2;
	_ =	sdelay $0x1  }
0xaa: {  	(erf) = vpow2.f32 v2;
	_ =	sdelay $0x8  }
0xab: {  	v2 =	vpop (erf)  }
0xac: {  	s17 =	simm.s32 @!p0 $0x1B700;
	[tilespmem:$0x19680] =	vst v2  }
0xad: {  	[tilespmem:v1+s17+$0x0] =	vst.idx.add.f32.msk @!p0 $0xffff, v2  }
0xae: {  	v1 =	vld [tilespmem:$0x19510]  }
0xaf: {  	v2 =	vld [tilespmem:$0x19590];
	_ =	sdelay $0x6  }
0xb0: {  	v3 =	vld.idx.msk [tilespmem:v1+s2+$0x0], $0xffff  }
0xb1: {  	v2 =	vld.idx.msk [tilespmem:v2+s20+$0x0], $0xffff;
	_ =	sdelay $0x1  }
0xb2: {  	v18 =	vld [tilespmem:$0x19610];
	_ =	sdelay $0x2  }
0xb3: {  	v2 =	vadd.f32 v2, v3;
	_ =	sdelay $0x1  }
0xb4: {  	v2 =	vadd.f32 v18, v2;
	_ =	sdelay $0x1  }
0xb5: {  	v3 =	vsub.f32 $0.0e+00, v2;
	v2 =	vmul.f32 $-2.000000030e-01, v2;
	_ =	sdelay $0x1  }
0xb6: {  	v2 =	vmin.f32 v3, v2  }
0xb7: {  	v2 =	vmul.f32 $1.442695020e+00, v2;
	_ =	sdelay $0x1  }
0xb8: {  	(erf) = vpow2.f32 v2;
	_ =	sdelay $0x8  }
0xb9: {  	v2 =	vpop (erf)  }
0xba: {  	[tilespmem:$0x19690] =	vst v2  }
0xbb: {  	[tilespmem:v1+s17+$0x0] =	vst.idx.add.f32.msk @!p0 $0xffff, v2  }
0xbc: {  	v1 =	vld [tilespmem:$0x19520]  }
0xbd: {  	v2 =	vld [tilespmem:$0x195A0];
	_ =	sdelay $0x6  }
0xbe: {  	v3 =	vld.idx.msk [tilespmem:v1+s2+$0x0], $0xffff  }
0xbf: {  	v2 =	vld.idx.msk [tilespmem:v2+s20+$0x0], $0xffff;
	_ =	sdelay $0x1  }
0xc0: {  	v19 =	vld [tilespmem:$0x19620];
	_ =	sdelay $0x2  }
0xc1: {  	v2 =	vadd.f32 v2, v3;
	_ =	sdelay $0x1  }
0xc2: {  	v2 =	vadd.f32 v19, v2;
	_ =	sdelay $0x1  }
0xc3: {  	v3 =	vsub.f32 $0.0e+00, v2;
	v2 =	vmul.f32 $-2.000000030e-01, v2;
	_ =	sdelay $0x1  }
0xc4: {  	v2 =	vmin.f32 v3, v2  }
0xc5: {  	v2 =	vmul.f32 $1.442695020e+00, v2;
	_ =	sdelay $0x1  }
0xc6: {  	(erf) = vpow2.f32 v2;
	_ =	sdelay $0x8  }
0xc7: {  	v2 =	vpop (erf)  }
0xc8: {  	[tilespmem:$0x196A0] =	vst v2  }
0xc9: {  	[tilespmem:v1+s17+$0x0] =	vst.idx.add.f32.msk @!p0 $0xffff, v2  }
0xca: {  	v1 =	vld [tilespmem:$0x19530]  }
0xcb: {  	v2 =	vld [tilespmem:$0x195B0];
	_ =	sdelay $0x6  }
0xcc: {  	v3 =	vld.idx.msk [tilespmem:v1+s2+$0x0], $0xffff  }
0xcd: {  	v2 =	vld.idx.msk [tilespmem:v2+s20+$0x0], $0xffff;
	_ =	sdelay $0x1  }
0xce: {  	v20 =	vld [tilespmem:$0x19630];
	_ =	sdelay $0x2  }
0xcf: {  	v2 =	vadd.f32 v2, v3;
	_ =	sdelay $0x1  }
0xd0: {  	v2 =	vadd.f32 v20, v2;
	_ =	sdelay $0x1  }
0xd1: {  	v3 =	vsub.f32 $0.0e+00, v2;
	v2 =	vmul.f32 $-2.000000030e-01, v2;
	_ =	sdelay $0x1  }
0xd2: {  	v2 =	vmin.f32 v3, v2  }
0xd3: {  	v2 =	vmul.f32 $1.442695020e+00, v2;
	_ =	sdelay $0x1  }
0xd4: {  	(erf) = vpow2.f32 v2;
	_ =	sdelay $0x8  }
0xd5: {  	v2 =	vpop (erf)  }
0xd6: {  	s25 =	simm.s32 $0x0;
	[tilespmem:$0x196B0] =	vst v2  }
0xd7: {  	s26 =	sand.u32 $0x3FFFFFF0, s25;
	[tilespmem:v1+s17+$0x0] =	vst.idx.add.f32.msk @!p0 $0xffff, v2  }
0xd8: {  	s28 =	simm.s32 $0x0;
	v1 =	vld [tilespmem:s26+$0x19680]  }
0xd9: {  	s17 =	sand.u32 $0x3FFFF800, s28  }
0xda: {  	v3 =	vld [tilespmem:s17+$0x19720]  }
0xdb: {  	v21 =	vld [tilespmem:s17+$0x19730]  }
0xdc: {  	v10 =	vld [tilespmem:s17+$0x19760]  }
0xdd: {  	v11 =	vld [tilespmem:s17+$0x19770];
	v2 =	vbroadcast v1, $0x0  }
0xde: {  	v12 =	vld [tilespmem:s17+$0x19780]  }
0xdf: {  	v13 =	vld [tilespmem:s17+$0x19790];
	v3 =	vmul.f32 v3, v2  }
0xe0: {  	v14 =	vld [tilespmem:s17+$0x197A0];
	v4 =	vmul.f32 v21, v2  }
0xe1: {  	v9 =	vld [tilespmem:s17+$0x197B0];
	v23 =	vbroadcast v1, $0x1;
	v22 =	vmul.f32 v10, v2;
	[tilespmem:s17+$0x19720] =	vst v3  }
0xe2: {  	v7 =	vld [tilespmem:s17+$0x197C0];
	v11 =	vmul.f32 v11, v2;
	[tilespmem:s17+$0x19730] =	vst v4  }
0xe3: {  	v8 =	vld [tilespmem:s17+$0x197D0];
	v12 =	vmul.f32 v12, v23;
	[tilespmem:s17+$0x19760] =	vst v22  }
0xe4: {  	v25 =	vld [tilespmem:s17+$0x197F0];
	v13 =	vmul.f32 v13, v23;
	[tilespmem:s17+$0x19770] =	vst v11  }
0xe5: {  	v26 =	vld [tilespmem:s17+$0x19800];
	v14 =	vmul.f32 v14, v23;
	[tilespmem:s17+$0x19780] =	vst v12  }
0xe6: {  	v27 =	vld [tilespmem:s17+$0x19810];
	v9 =	vmul.f32 v9, v23;
	[tilespmem:s17+$0x19790] =	vst v13  }
0xe7: {  	v6 =	vld [tilespmem:s17+$0x19C70];
	v7 =	vmul.f32 v7, v23;
	[tilespmem:s17+$0x197A0] =	vst v14  }
0xe8: {  	v24 =	vld [tilespmem:s17+$0x197E0];
	v15 =	vbroadcast v1, $0x2;
	v8 =	vmul.f32 v8, v23;
	[tilespmem:s17+$0x197B0] =	vst v9  }
0xe9: {  	v28 =	vld [tilespmem:s17+$0x19820];
	v10 =	vmul.f32 v25, v23;
	[tilespmem:s17+$0x197C0] =	vst v7  }
0xea: {  	v29 =	vld [tilespmem:s17+$0x19830];
	v5 =	vbroadcast v1, $0xA;
	v32 =	vmul.f32 v26, v15;
	[tilespmem:s17+$0x197D0] =	vst v8  }
0xeb: {  	v30 =	vld [tilespmem:s17+$0x19840];
	v34 =	vmul.f32 v27, v15;
	[tilespmem:s17+$0x197F0] =	vst v10  }
0xec: {  	v33 =	vld [tilespmem:s17+$0x19860];
	v3 =	vmul.f32 v6, v5;
	[tilespmem:s17+$0x19800] =	vst v32  }
0xed: {  	v35 =	vld [tilespmem:s17+$0x19870];
	v11 =	vmul.f32 v24, v23;
	[tilespmem:s17+$0x19810] =	vst v34  }
0xee: {  	v36 =	vld [tilespmem:s17+$0x19880];
	v9 =	vmul.f32 v28, v15;
	[tilespmem:s17+$0x19C70] =	vst v3  }
0xef: {  	v31 =	vld [tilespmem:s17+$0x19850];
	v7 =	vmul.f32 v29, v15;
	[tilespmem:s17+$0x197E0] =	vst v11  }
0xf0: {  	v37 =	vld [tilespmem:s17+$0x19890];
	v8 =	vmul.f32 v30, v15;
	[tilespmem:s17+$0x19820] =	vst v9  }
0xf1: {  	v38 =	vld [tilespmem:s17+$0x198A0];
	v41 =	vbroadcast v1, $0x3;
	v10 =	vmul.f32 v33, v15;
	[tilespmem:s17+$0x19830] =	vst v7  }
0xf2: {  	v39 =	vld [tilespmem:s17+$0x198B0];
	v12 =	vmul.f32 v35, v15;
	[tilespmem:s17+$0x19840] =	vst v8  }
0xf3: {  	v42 =	vld [tilespmem:s17+$0x198D0];
	v13 =	vmul.f32 v36, v41;
	[tilespmem:s17+$0x19860] =	vst v10  }
0xf4: {  	v43 =	vld [tilespmem:s17+$0x198E0];
	v11 =	vmul.f32 v31, v15;
	[tilespmem:s17+$0x19870] =	vst v12  }
0xf5: {  	v44 =	vld [tilespmem:s17+$0x198F0];
	v9 =	vmul.f32 v37, v41;
	[tilespmem:s17+$0x19880] =	vst v13  }
0xf6: {  	v40 =	vld [tilespmem:s17+$0x198C0];
	v7 =	vmul.f32 v38, v41;
	[tilespmem:s17+$0x19850] =	vst v11  }
0xf7: {  	v45 =	vld [tilespmem:s17+$0x19900];
	v8 =	vmul.f32 v39, v41;
	[tilespmem:s17+$0x19890] =	vst v9  }
0xf8: {  	v46 =	vld [tilespmem:s17+$0x19910];
	v10 =	vmul.f32 v42, v41;
	[tilespmem:s17+$0x198A0] =	vst v7  }
0xf9: {  	v47 =	vld [tilespmem:s17+$0x19920];
	v12 =	vmul.f32 v43, v41;
	[tilespmem:s17+$0x198B0] =	vst v8  }
0xfa: {  	v49 =	vld [tilespmem:s17+$0x19940];
	v50 =	vbroadcast v1, $0x4;
	v13 =	vmul.f32 v44, v41;
	[tilespmem:s17+$0x198D0] =	vst v10  }
0xfb: {  	v51 =	vld [tilespmem:s17+$0x19950];
	v11 =	vmul.f32 v40, v41;
	[tilespmem:s17+$0x198E0] =	vst v12  }
0xfc: {  	v52 =	vld [tilespmem:s17+$0x19960];
	v9 =	vmul.f32 v45, v50;
	[tilespmem:s17+$0x198F0] =	vst v13  }
0xfd: {  	v48 =	vld [tilespmem:s17+$0x19930];
	v7 =	vmul.f32 v46, v50;
	[tilespmem:s17+$0x198C0] =	vst v11  }
0xfe: {  	v53 =	vld [tilespmem:s17+$0x19970];
	v8 =	vmul.f32 v47, v50;
	[tilespmem:s17+$0x19900] =	vst v9  }
0xff: {  	v54 =	vld [tilespmem:s17+$0x19980];
	v10 =	vmul.f32 v49, v50;
	[tilespmem:s17+$0x19910] =	vst v7  }
0x100: {  	v55 =	vld [tilespmem:s17+$0x19990];
	v12 =	vmul.f32 v51, v50;
	[tilespmem:s17+$0x19920] =	vst v8  }
0x101: {  	v57 =	vld [tilespmem:s17+$0x199B0];
	v13 =	vmul.f32 v52, v50;
	[tilespmem:s17+$0x19940] =	vst v10  }
0x102: {  	v58 =	vld [tilespmem:s17+$0x199C0];
	v59 =	vbroadcast v1, $0x5;
	v11 =	vmul.f32 v48, v50;
	[tilespmem:s17+$0x19950] =	vst v12  }
0x103: {  	v60 =	vld [tilespmem:s17+$0x199D0];
	v9 =	vmul.f32 v53, v50;
	[tilespmem:s17+$0x19960] =	vst v13  }
0x104: {  	v56 =	vld [tilespmem:s17+$0x199A0];
	v7 =	vmul.f32 v54, v59;
	[tilespmem:s17+$0x19930] =	vst v11  }
0x105: {  	v61 =	vld [tilespmem:s17+$0x199E0];
	v8 =	vmul.f32 v55, v59;
	[tilespmem:s17+$0x19970] =	vst v9  }
0x106: {  	v62 =	vld [tilespmem:s17+$0x199F0];
	v10 =	vmul.f32 v57, v59;
	[tilespmem:s17+$0x19980] =	vst v7  }
0x107: {  	v63 =	vld [tilespmem:s17+$0x19A00];
	v12 =	vmul.f32 v58, v59;
	[tilespmem:s17+$0x19990] =	vst v8  }
0x108: {  	v19 =	vld [tilespmem:s17+$0x19A20];
	v13 =	vmul.f32 v60, v59;
	[tilespmem:s17+$0x199B0] =	vst v10  }
0x109: {  	v20 =	vld [tilespmem:s17+$0x19A30];
	v11 =	vmul.f32 v56, v59;
	[tilespmem:s17+$0x199C0] =	vst v12  }
0x10a: {  	v21 =	vld [tilespmem:s17+$0x19A40];
	v22 =	vbroadcast v1, $0x6;
	v9 =	vmul.f32 v61, v59;
	[tilespmem:s17+$0x199D0] =	vst v13  }
0x10b: {  	v18 =	vld [tilespmem:s17+$0x19A10];
	v7 =	vmul.f32 v62, v59;
	[tilespmem:s17+$0x199A0] =	vst v11  }
0x10c: {  	v23 =	vld [tilespmem:s17+$0x19A50];
	v8 =	vmul.f32 v63, v22;
	[tilespmem:s17+$0x199E0] =	vst v9  }
0x10d: {  	v24 =	vld [tilespmem:s17+$0x19A60];
	v10 =	vmul.f32 v19, v22;
	[tilespmem:s17+$0x199F0] =	vst v7  }
0x10e: {  	v25 =	vld [tilespmem:s17+$0x19A70];
	v12 =	vmul.f32 v20, v22;
	[tilespmem:s17+$0x19A00] =	vst v8  }
0x10f: {  	v27 =	vld [tilespmem:s17+$0x19A90];
	v13 =	vmul.f32 v21, v22;
	[tilespmem:s17+$0x19A20] =	vst v10  }
0x110: {  	v28 =	vld [tilespmem:s17+$0x19AA0];
	v11 =	vmul.f32 v18, v22;
	[tilespmem:s17+$0x19A30] =	vst v12  }
0x111: {  	v29 =	vld [tilespmem:s17+$0x19AB0];
	v9 =	vmul.f32 v23, v22;
	[tilespmem:s17+$0x19A40] =	vst v13  }
0x112: {  	v31 =	vbroadcast v1, $0x7;
	v53 =	vld [tilespmem:s17+$0x19C00];
	v7 =	vmul.f32 v24, v22;
	[tilespmem:s17+$0x19A10] =	vst v11  }
0x113: {  	v57 =	vld [tilespmem:s17+$0x19C40];
	v8 =	vmul.f32 v25, v22;
	[tilespmem:s17+$0x19A50] =	vst v9  }
0x114: {  	v58 =	vld [tilespmem:s17+$0x19C50];
	v10 =	vmul.f32 v27, v31;
	[tilespmem:s17+$0x19A60] =	vst v7  }
0x115: {  	v26 =	vld [tilespmem:s17+$0x19A80];
	v12 =	vmul.f32 v28, v31;
	[tilespmem:s17+$0x19A70] =	vst v8  }
0x116: {  	v30 =	vld [tilespmem:s17+$0x19AC0];
	v13 =	vmul.f32 v29, v31;
	[tilespmem:s17+$0x19A90] =	vst v10  }
0x117: {  	v32 =	vld [tilespmem:s17+$0x19AD0];
	v59 =	vmul.f32 v53, v5;
	[tilespmem:s17+$0x19AA0] =	vst v12  }
0x118: {  	v33 =	vld [tilespmem:s17+$0x19AE0];
	v18 =	vmul.f32 v57, v5;
	[tilespmem:s17+$0x19AB0] =	vst v13  }
0x119: {  	v35 =	vld [tilespmem:s17+$0x19B00];
	v20 =	vmul.f32 v58, v5;
	[tilespmem:s17+$0x19C00] =	vst v59  }
0x11a: {  	v36 =	vld [tilespmem:s17+$0x19B10];
	v11 =	vmul.f32 v26, v31;
	[tilespmem:s17+$0x19C40] =	vst v18  }
0x11b: {  	v37 =	vld [tilespmem:s17+$0x19B20];
	v9 =	vmul.f32 v30, v31;
	[tilespmem:s17+$0x19C50] =	vst v20  }
0x11c: {  	v4 =	vld [tilespmem:s17+$0x19C80];
	v40 =	vbroadcast v1, $0x8;
	v7 =	vmul.f32 v32, v31;
	[tilespmem:s17+$0x19A80] =	vst v11  }
0x11d: {  	v6 =	vld [tilespmem:s17+$0x19C90];
	v8 =	vmul.f32 v33, v31;
	[tilespmem:s17+$0x19AC0] =	vst v9  }
0x11e: {  	v3 =	vld [tilespmem:s17+$0x19ED0];
	v10 =	vmul.f32 v35, v40;
	[tilespmem:s17+$0x19AD0] =	vst v7  }
0x11f: {  	v61 =	vld [tilespmem:s17+$0x19700];
	v23 =	vbroadcast v1, $0xB;
	v12 =	vmul.f32 v36, v40;
	[tilespmem:s17+$0x19AE0] =	vst v8  }
0x120: {  	v34 =	vld [tilespmem:s17+$0x19AF0];
	v13 =	vmul.f32 v37, v40;
	[tilespmem:s17+$0x19B00] =	vst v10  }
0x121: {  	v38 =	vld [tilespmem:s17+$0x19B30];
	v27 =	vbroadcast v1, $0xF;
	v4 =	vmul.f32 v4, v23;
	[tilespmem:s17+$0x19B10] =	vst v12  }
0x122: {  	v39 =	vld [tilespmem:s17+$0x19B40];
	v6 =	vmul.f32 v6, v23;
	[tilespmem:s17+$0x19B20] =	vst v13  }
0x123: {  	v41 =	vld [tilespmem:s17+$0x19B50];
	v3 =	vmul.f32 v3, v27;
	[tilespmem:s17+$0x19C80] =	vst v4  }
0x124: {  	v43 =	vld [tilespmem:s17+$0x19B70];
	v24 =	vmul.f32 v2, v61;
	[tilespmem:s17+$0x19C90] =	vst v6  }
0x125: {  	v44 =	vld [tilespmem:s17+$0x19B80];
	v11 =	vmul.f32 v34, v31;
	[tilespmem:s17+$0x19ED0] =	vst v3  }
0x126: {  	v45 =	vld [tilespmem:s17+$0x19B90];
	v9 =	vmul.f32 v38, v40;
	[tilespmem:s17+$0x19700] =	vst v24  }
0x127: {  	v63 =	vld [tilespmem:s17+$0x19740];
	v7 =	vmul.f32 v39, v40;
	[tilespmem:s17+$0x19AF0] =	vst v11  }
0x128: {  	v49 =	vbroadcast v1, $0x9;
	v29 =	vld [tilespmem:s17+$0x19CF0];
	v8 =	vmul.f32 v41, v40;
	[tilespmem:s17+$0x19B30] =	vst v9  }
0x129: {  	v42 =	vld [tilespmem:s17+$0x19B60];
	v10 =	vmul.f32 v43, v40;
	[tilespmem:s17+$0x19B40] =	vst v7  }
0x12a: {  	v46 =	vld [tilespmem:s17+$0x19BA0];
	v12 =	vmul.f32 v44, v49;
	[tilespmem:s17+$0x19B50] =	vst v8  }
0x12b: {  	v47 =	vld [tilespmem:s17+$0x19BB0];
	v13 =	vmul.f32 v45, v49;
	[tilespmem:s17+$0x19B70] =	vst v10  }
0x12c: {  	v48 =	vld [tilespmem:s17+$0x19BC0];
	v3 =	vmul.f32 v63, v2;
	[tilespmem:s17+$0x19B80] =	vst v12  }
0x12d: {  	v51 =	vld [tilespmem:s17+$0x19BE0];
	v6 =	vmul.f32 v29, v23;
	[tilespmem:s17+$0x19B90] =	vst v13  }
0x12e: {  	v52 =	vld [tilespmem:s17+$0x19BF0];
	v11 =	vmul.f32 v42, v40;
	[tilespmem:s17+$0x19740] =	vst v3  }
0x12f: {  	v28 =	vld [tilespmem:s17+$0x19CE0];
	v9 =	vmul.f32 v46, v49;
	[tilespmem:s17+$0x19CF0] =	vst v6  }
0x130: {  	v26 =	vld [tilespmem:s17+$0x19CD0];
	v7 =	vmul.f32 v47, v49;
	[tilespmem:s17+$0x19B60] =	vst v11  }
0x131: {  	v30 =	vld [tilespmem:s17+$0x19D00];
	v8 =	vmul.f32 v48, v49;
	[tilespmem:s17+$0x19BA0] =	vst v9  }
0x132: {  	v50 =	vld [tilespmem:s17+$0x19BD0];
	v10 =	vmul.f32 v51, v49;
	[tilespmem:s17+$0x19BB0] =	vst v7  }
0x133: {  	v54 =	vld [tilespmem:s17+$0x19C10];
	v12 =	vmul.f32 v52, v49;
	[tilespmem:s17+$0x19BC0] =	vst v8  }
0x134: {  	v55 =	vld [tilespmem:s17+$0x19C20];
	v35 =	vbroadcast v1, $0xC;
	v40 =	vmul.f32 v28, v23;
	[tilespmem:s17+$0x19BE0] =	vst v10  }
0x135: {  	v56 =	vld [tilespmem:s17+$0x19C30];
	v32 =	vmul.f32 v26, v23;
	[tilespmem:s17+$0x19BF0] =	vst v12  }
0x136: {  	v60 =	vld [tilespmem:s17+$0x19C60];
	v15 =	vmul.f32 v30, v35;
	[tilespmem:s17+$0x19CE0] =	vst v40  }
0x137: {  	v62 =	vld [tilespmem:s17+$0x19710];
	v11 =	vmul.f32 v50, v49;
	[tilespmem:s17+$0x19CD0] =	vst v32  }
0x138: {  	v19 =	vld [tilespmem:s17+$0x19750];
	v9 =	vmul.f32 v54, v5;
	[tilespmem:s17+$0x19D00] =	vst v15  }
0x139: {  	v33 =	vld [tilespmem:s17+$0x19D30];
	v7 =	vmul.f32 v55, v5;
	[tilespmem:s17+$0x19BD0] =	vst v11  }
0x13a: {  	v61 =	vld [tilespmem:s17+$0x19EF0];
	v8 =	vmul.f32 v56, v5;
	[tilespmem:s17+$0x19C10] =	vst v9  }
0x13b: {  	v38 =	vld [tilespmem:s17+$0x19D70];
	v5 =	vmul.f32 v60, v5;
	[tilespmem:s17+$0x19C20] =	vst v7  }
0x13c: {  	v21 =	vld [tilespmem:s17+$0x19CA0];
	v12 =	vmul.f32 v62, v2;
	[tilespmem:s17+$0x19C30] =	vst v8  }
0x13d: {  	v22 =	vld [tilespmem:s17+$0x19CB0];
	v2 =	vmul.f32 v19, v2;
	[tilespmem:s17+$0x19C60] =	vst v5  }
0x13e: {  	v25 =	vld [tilespmem:s17+$0x19CC0];
	v62 =	vmul.f32 v33, v35;
	[tilespmem:s17+$0x19710] =	vst v12  }
0x13f: {  	v31 =	vld [tilespmem:s17+$0x19D10];
	v63 =	vmul.f32 v61, v27;
	[tilespmem:s17+$0x19750] =	vst v2  }
0x140: {  	v34 =	vld [tilespmem:s17+$0x19D40];
	v15 =	vmul.f32 v38, v35;
	[tilespmem:s17+$0x19D30] =	vst v62  }
0x141: {  	v41 =	vld [tilespmem:s17+$0x19DA0];
	v7 =	vmul.f32 v21, v23;
	[tilespmem:s17+$0x19EF0] =	vst v63  }
0x142: {  	v46 =	vld [tilespmem:s17+$0x19DE0];
	v8 =	vmul.f32 v22, v23;
	[tilespmem:s17+$0x19D70] =	vst v15  }
0x143: {  	v36 =	vld [tilespmem:s17+$0x19D50];
	v5 =	vmul.f32 v25, v23;
	[tilespmem:s17+$0x19CA0] =	vst v7  }
0x144: {  	v44 =	vbroadcast v1, $0xD;
	v9 =	vmul.f32 v31, v35;
	v2 =	vld [tilespmem:s17+$0x19D90];
	[tilespmem:s17+$0x19CB0] =	vst v8  }
0x145: {  	v37 =	vld [tilespmem:s17+$0x19D60];
	v12 =	vmul.f32 v34, v35;
	[tilespmem:s17+$0x19CC0] =	vst v5  }
0x146: {  	v39 =	vld [tilespmem:s17+$0x19D80];
	v11 =	vmul.f32 v41, v44;
	[tilespmem:s17+$0x19D10] =	vst v9  }
0x147: {  	v42 =	vld [tilespmem:s17+$0x19DB0];
	v51 =	vmul.f32 v46, v44;
	[tilespmem:s17+$0x19D40] =	vst v12  }
0x148: {  	v48 =	vld [tilespmem:s17+$0x19E10];
	v8 =	vmul.f32 v36, v35;
	[tilespmem:s17+$0x19DA0] =	vst v11  }
0x149: {  	v49 =	vld [tilespmem:s17+$0x19E20];
	[tilespmem:s17+$0x19DE0] =	vst v51;
	v2 =	vmul.f32 v2, v44  }
0x14a: {  	v50 =	vld [tilespmem:s17+$0x19E30];
	v5 =	vmul.f32 v37, v35;
	[tilespmem:s17+$0x19D50] =	vst v8  }
0x14b: {  	v1 =	vbroadcast v1, $0xE;
	v9 =	vmul.f32 v39, v44;
	[tilespmem:s17+$0x19D90] =	vst v2;
	v2 =	vld [tilespmem:s17+$0x19E00]  }
0x14c: {  	v60 =	vld [tilespmem:s17+$0x19EE0];
	v12 =	vmul.f32 v42, v44;
	[tilespmem:s17+$0x19D60] =	vst v5  }
0x14d: {  	v45 =	vld [tilespmem:s17+$0x19DD0];
	v11 =	vmul.f32 v48, v1;
	[tilespmem:s17+$0x19D80] =	vst v9  }
0x14e: {  	v47 =	vld [tilespmem:s17+$0x19DF0];
	v10 =	vmul.f32 v49, v1;
	[tilespmem:s17+$0x19DB0] =	vst v12  }
0x14f: {  	v43 =	vld [tilespmem:s17+$0x19DC0];
	v6 =	vmul.f32 v50, v1;
	[tilespmem:s17+$0x19E10] =	vst v11  }
0x150: {  	v55 =	vld [tilespmem:s17+$0x19E80];
	[tilespmem:s17+$0x19E20] =	vst v10;
	v2 =	vmul.f32 v2, v1  }
0x151: {  	v57 =	vld [tilespmem:s17+$0x19EA0];
	v4 =	vmul.f32 v60, v27;
	[tilespmem:s17+$0x19E30] =	vst v6  }
0x152: {  	v5 =	vmul.f32 v45, v44;
	[tilespmem:s17+$0x19E00] =	vst v2;
	v2 =	vld [tilespmem:s17+$0x19E70]  }
0x153: {  	v52 =	vld [tilespmem:s17+$0x19E40];
	v9 =	vmul.f32 v47, v44;
	[tilespmem:s17+$0x19EE0] =	vst v4  }
0x154: {  	v56 =	vld [tilespmem:s17+$0x19E90];
	v8 =	vmul.f32 v43, v44;
	[tilespmem:s17+$0x19DD0] =	vst v5  }
0x155: {  	v54 =	vld [tilespmem:s17+$0x19E60];
	v11 =	vmul.f32 v55, v27;
	[tilespmem:s17+$0x19DF0] =	vst v9  }
0x156: {  	v58 =	vld [tilespmem:s17+$0x19EB0];
	v6 =	vmul.f32 v57, v27;
	[tilespmem:s17+$0x19DC0] =	vst v8  }
0x157: {  	v53 =	vld [tilespmem:s17+$0x19E50];
	[tilespmem:s17+$0x19E80] =	vst v11;
	v2 =	vmul.f32 v2, v1  }
0x158: {  	v59 =	vld [tilespmem:s17+$0x19EC0];
	v5 =	vmul.f32 v52, v1;
	[tilespmem:s17+$0x19EA0] =	vst v6  }
0x159: {  	[tilespmem:s17+$0x19E70] =	vst v2;
	v2 =	vmul.f32 v56, v27  }
0x15a: {  	v3 =	vld [tilespmem:s17+$0x19D20];
	v9 =	vmul.f32 v54, v1;
	[tilespmem:s17+$0x19E40] =	vst v5  }
0x15b: {  	[tilespmem:s17+$0x19E90] =	vst v2;
	v2 =	vmul.f32 v58, v27  }
0x15c: {  	[tilespmem:s17+$0x19E60] =	vst v9;
	v1 =	vmul.f32 v53, v1  }
0x15d: {  	[tilespmem:s17+$0x19EB0] =	vst v2;
	v2 =	vmul.f32 v59, v27  }
0x15e: {  	[tilespmem:s17+$0x19E50] =	vst v1  }
0x15f: {  	s18 =	simm.s32 $0x1;
	[tilespmem:s17+$0x19EC0] =	vst v2;
	v2 =	vmul.f32 v3, v35  }
.LBB2_7:
0x160: {  	s25 =	sshll.u32 s18, $0x4  }
0x161: {  	p4 =	sne.s32 s18, $0x3;
	[tilespmem:s17+$0x19D20] =	vst v2;
	s17 =	smov.u32 s18;
	s18 =	sadd.s32 $0x1, s18  }
0x162: {  	s25 =	sand.u32 $0x3FFFFFF0, s25  }
0x163: {  	s17 =	sshll.u32 s17, $0xB;
	v1 =	vld [tilespmem:s25+$0x19680]  }
0x164: {  	s17 =	sand.u32 $0x3FFFF800, s17  }
0x165: {  	v8 =	vld [tilespmem:s17+$0x197C0]  }
0x166: {  	v9 =	vld [tilespmem:s17+$0x197D0]  }
0x167: {  	v10 =	vld [tilespmem:s17+$0x197B0]  }
0x168: {  	v2 =	vbroadcast v1, $0x0;
	v3 =	vld [tilespmem:s17+$0x19720];
	v7 =	vbroadcast v1, $0x4  }
0x169: {  	v5 =	vld [tilespmem:s17+$0x19730]  }
0x16a: {  	v6 =	vld [tilespmem:s17+$0x19C70]  }
0x16b: {  	v11 =	vld [tilespmem:s17+$0x19760]  }
0x16c: {  	v12 =	vld [tilespmem:s17+$0x19770]  }
0x16d: {  	v4 =	vbroadcast v1, $0xA;
	v3 =	vmul.f32 v3, v2;
	v13 =	vld [tilespmem:s17+$0x19780]  }
0x16e: {  	v5 =	vmul.f32 v5, v2;
	v14 =	vld [tilespmem:s17+$0x19790]  }
0x16f: {  	[tilespmem:s17+$0x19720] =	vst v3;
	v15 =	vld [tilespmem:s17+$0x197A0];
	v3 =	vmul.f32 v6, v4  }
0x170: {  	[tilespmem:s17+$0x19730] =	vst v5;
	v6 =	vmul.f32 v11, v2;
	v11 =	vbroadcast v1, $0x1;
	v5 =	vld [tilespmem:s17+$0x19C80]  }
0x171: {  	v12 =	vmul.f32 v12, v2;
	[tilespmem:s17+$0x19C70] =	vst v3;
	v3 =	vld [tilespmem:s17+$0x19ED0]  }
0x172: {  	[tilespmem:s17+$0x19760] =	vst v6;
	v13 =	vmul.f32 v13, v11;
	v6 =	vld [tilespmem:s17+$0x19C90]  }
0x173: {  	[tilespmem:s17+$0x19770] =	vst v12;
	v12 =	vmul.f32 v14, v11;
	v14 =	vld [tilespmem:s17+$0x197E0]  }
0x174: {  	[tilespmem:s17+$0x19780] =	vst v13;
	v13 =	vmul.f32 v15, v11;
	v15 =	vld [tilespmem:s17+$0x197F0]  }
0x175: {  	v10 =	vmul.f32 v10, v11;
	[tilespmem:s17+$0x19790] =	vst v12;
	v12 =	vld [tilespmem:s17+$0x19800]  }
0x176: {  	v8 =	vmul.f32 v8, v11;
	[tilespmem:s17+$0x197A0] =	vst v13;
	v13 =	vld [tilespmem:s17+$0x19810]  }
0x177: {  	v9 =	vmul.f32 v9, v11;
	[tilespmem:s17+$0x197B0] =	vst v10;
	v10 =	vld [tilespmem:s17+$0x19820]  }
0x178: {  	[tilespmem:s17+$0x197C0] =	vst v8;
	v8 =	vmul.f32 v14, v11;
	v14 =	vbroadcast v1, $0x2;
	v16 =	vld [tilespmem:s17+$0x19830]  }
0x179: {  	[tilespmem:s17+$0x197D0] =	vst v9;
	v9 =	vmul.f32 v15, v11;
	v11 =	vld [tilespmem:s17+$0x19840]  }
0x17a: {  	[tilespmem:s17+$0x197E0] =	vst v8;
	v8 =	vmul.f32 v12, v14;
	v12 =	vld [tilespmem:s17+$0x19850]  }
0x17b: {  	[tilespmem:s17+$0x197F0] =	vst v9;
	v9 =	vmul.f32 v13, v14;
	v13 =	vld [tilespmem:s17+$0x19860]  }
0x17c: {  	[tilespmem:s17+$0x19800] =	vst v8;
	v8 =	vmul.f32 v10, v14;
	v10 =	vld [tilespmem:s17+$0x19870]  }
0x17d: {  	[tilespmem:s17+$0x19810] =	vst v9;
	v9 =	vmul.f32 v16, v14;
	v15 =	vld [tilespmem:s17+$0x19880]  }
0x17e: {  	[tilespmem:s17+$0x19820] =	vst v8;
	v8 =	vmul.f32 v11, v14;
	v11 =	vld [tilespmem:s17+$0x19890]  }
0x17f: {  	[tilespmem:s17+$0x19830] =	vst v9;
	v9 =	vmul.f32 v12, v14;
	v12 =	vld [tilespmem:s17+$0x198A0]  }
0x180: {  	[tilespmem:s17+$0x19840] =	vst v8;
	v8 =	vmul.f32 v13, v14;
	v13 =	vbroadcast v1, $0x3;
	v16 =	vld [tilespmem:s17+$0x198B0]  }
0x181: {  	[tilespmem:s17+$0x19850] =	vst v9;
	v9 =	vmul.f32 v10, v14;
	v10 =	vld [tilespmem:s17+$0x198C0]  }
0x182: {  	[tilespmem:s17+$0x19860] =	vst v8;
	v8 =	vmul.f32 v15, v13;
	v14 =	vld [tilespmem:s17+$0x198D0]  }
0x183: {  	[tilespmem:s17+$0x19870] =	vst v9;
	v9 =	vmul.f32 v11, v13;
	v11 =	vld [tilespmem:s17+$0x198E0]  }
0x184: {  	[tilespmem:s17+$0x19880] =	vst v8;
	v8 =	vmul.f32 v12, v13;
	v12 =	vld [tilespmem:s17+$0x198F0]  }
0x185: {  	[tilespmem:s17+$0x19890] =	vst v9;
	v9 =	vmul.f32 v16, v13;
	v15 =	vld [tilespmem:s17+$0x19900]  }
0x186: {  	[tilespmem:s17+$0x198A0] =	vst v8;
	v8 =	vmul.f32 v10, v13;
	v10 =	vld [tilespmem:s17+$0x19910]  }
0x187: {  	[tilespmem:s17+$0x198B0] =	vst v9;
	v9 =	vmul.f32 v14, v13;
	v14 =	vld [tilespmem:s17+$0x19920]  }
0x188: {  	[tilespmem:s17+$0x198C0] =	vst v8;
	v8 =	vmul.f32 v11, v13;
	v11 =	vld [tilespmem:s17+$0x19930]  }
0x189: {  	[tilespmem:s17+$0x198D0] =	vst v9;
	v9 =	vmul.f32 v12, v13;
	v12 =	vld [tilespmem:s17+$0x19940]  }
0x18a: {  	[tilespmem:s17+$0x198E0] =	vst v8;
	v8 =	vmul.f32 v15, v7;
	v13 =	vld [tilespmem:s17+$0x19950]  }
0x18b: {  	[tilespmem:s17+$0x198F0] =	vst v9;
	v9 =	vmul.f32 v10, v7;
	v10 =	vld [tilespmem:s17+$0x19960]  }
0x18c: {  	[tilespmem:s17+$0x19900] =	vst v8;
	v8 =	vmul.f32 v14, v7;
	v14 =	vld [tilespmem:s17+$0x19970]  }
0x18d: {  	[tilespmem:s17+$0x19910] =	vst v9;
	v9 =	vmul.f32 v11, v7;
	v11 =	vld [tilespmem:s17+$0x19980]  }
0x18e: {  	[tilespmem:s17+$0x19920] =	vst v8;
	v8 =	vmul.f32 v12, v7;
	v12 =	vld [tilespmem:s17+$0x19990]  }
0x18f: {  	[tilespmem:s17+$0x19930] =	vst v9;
	v9 =	vmul.f32 v13, v7;
	v13 =	vld [tilespmem:s17+$0x199A0]  }
0x190: {  	[tilespmem:s17+$0x19940] =	vst v8;
	v8 =	vmul.f32 v10, v7;
	v10 =	vbroadcast v1, $0x5;
	v15 =	vld [tilespmem:s17+$0x199B0]  }
0x191: {  	[tilespmem:s17+$0x19950] =	vst v9;
	v7 =	vmul.f32 v14, v7;
	v9 =	vld [tilespmem:s17+$0x199C0]  }
0x192: {  	[tilespmem:s17+$0x19960] =	vst v8;
	v8 =	vmul.f32 v11, v10;
	v11 =	vld [tilespmem:s17+$0x199D0]  }
0x193: {  	[tilespmem:s17+$0x19970] =	vst v7;
	v7 =	vmul.f32 v12, v10;
	v12 =	vld [tilespmem:s17+$0x199E0]  }
0x194: {  	[tilespmem:s17+$0x19980] =	vst v8;
	v8 =	vmul.f32 v13, v10;
	v13 =	vld [tilespmem:s17+$0x199F0]  }
0x195: {  	[tilespmem:s17+$0x19990] =	vst v7;
	v7 =	vmul.f32 v15, v10;
	v14 =	vld [tilespmem:s17+$0x19A00]  }
0x196: {  	[tilespmem:s17+$0x199A0] =	vst v8;
	v8 =	vmul.f32 v9, v10;
	v9 =	vld [tilespmem:s17+$0x19A10]  }
0x197: {  	[tilespmem:s17+$0x199B0] =	vst v7;
	v7 =	vmul.f32 v11, v10;
	v11 =	vld [tilespmem:s17+$0x19A20]  }
0x198: {  	[tilespmem:s17+$0x199C0] =	vst v8;
	v8 =	vmul.f32 v12, v10;
	v12 =	vbroadcast v1, $0x6;
	v15 =	vld [tilespmem:s17+$0x19A30]  }
0x199: {  	[tilespmem:s17+$0x199D0] =	vst v7;
	v7 =	vmul.f32 v13, v10;
	v10 =	vld [tilespmem:s17+$0x19A40]  }
0x19a: {  	[tilespmem:s17+$0x199E0] =	vst v8;
	v8 =	vmul.f32 v14, v12;
	v13 =	vld [tilespmem:s17+$0x19A50]  }
0x19b: {  	[tilespmem:s17+$0x199F0] =	vst v7;
	v7 =	vmul.f32 v9, v12;
	v9 =	vld [tilespmem:s17+$0x19A60]  }
0x19c: {  	[tilespmem:s17+$0x19A00] =	vst v8;
	v8 =	vmul.f32 v11, v12;
	v11 =	vld [tilespmem:s17+$0x19A70]  }
0x19d: {  	[tilespmem:s17+$0x19A10] =	vst v7;
	v7 =	vmul.f32 v15, v12;
	v14 =	vld [tilespmem:s17+$0x19A80]  }
0x19e: {  	[tilespmem:s17+$0x19A20] =	vst v8;
	v8 =	vmul.f32 v10, v12;
	v10 =	vld [tilespmem:s17+$0x19A90]  }
0x19f: {  	[tilespmem:s17+$0x19A30] =	vst v7;
	v7 =	vmul.f32 v13, v12;
	v13 =	vld [tilespmem:s17+$0x19AA0]  }
0x1a0: {  	[tilespmem:s17+$0x19A40] =	vst v8;
	v8 =	vmul.f32 v9, v12;
	v9 =	vbroadcast v1, $0x7;
	v15 =	vld [tilespmem:s17+$0x19AB0]  }
0x1a1: {  	[tilespmem:s17+$0x19A50] =	vst v7;
	v7 =	vmul.f32 v11, v12;
	v11 =	vld [tilespmem:s17+$0x19AC0]  }
0x1a2: {  	[tilespmem:s17+$0x19A60] =	vst v8;
	v8 =	vmul.f32 v14, v9;
	v12 =	vld [tilespmem:s17+$0x19AD0]  }
0x1a3: {  	[tilespmem:s17+$0x19A70] =	vst v7;
	v7 =	vmul.f32 v10, v9;
	v10 =	vld [tilespmem:s17+$0x19AE0]  }
0x1a4: {  	[tilespmem:s17+$0x19A80] =	vst v8;
	v8 =	vmul.f32 v13, v9;
	v13 =	vld [tilespmem:s17+$0x19AF0]  }
0x1a5: {  	[tilespmem:s17+$0x19A90] =	vst v7;
	v7 =	vmul.f32 v15, v9;
	v14 =	vld [tilespmem:s17+$0x19B00]  }
0x1a6: {  	[tilespmem:s17+$0x19AA0] =	vst v8;
	v8 =	vmul.f32 v11, v9;
	v11 =	vld [tilespmem:s17+$0x19B10]  }
0x1a7: {  	[tilespmem:s17+$0x19AB0] =	vst v7;
	v7 =	vmul.f32 v12, v9;
	v12 =	vld [tilespmem:s17+$0x19B20]  }
0x1a8: {  	[tilespmem:s17+$0x19AC0] =	vst v8;
	v8 =	vmul.f32 v10, v9;
	v10 =	vbroadcast v1, $0x8;
	v15 =	vld [tilespmem:s17+$0x19B30]  }
0x1a9: {  	[tilespmem:s17+$0x19AD0] =	vst v7;
	v7 =	vmul.f32 v13, v9;
	v9 =	vld [tilespmem:s17+$0x19B40]  }
0x1aa: {  	[tilespmem:s17+$0x19AE0] =	vst v8;
	v8 =	vmul.f32 v14, v10;
	v13 =	vld [tilespmem:s17+$0x19B50]  }
0x1ab: {  	[tilespmem:s17+$0x19AF0] =	vst v7;
	v7 =	vmul.f32 v11, v10;
	v11 =	vld [tilespmem:s17+$0x19B60]  }
0x1ac: {  	[tilespmem:s17+$0x19B00] =	vst v8;
	v8 =	vmul.f32 v12, v10;
	v12 =	vld [tilespmem:s17+$0x19B70]  }
0x1ad: {  	[tilespmem:s17+$0x19B10] =	vst v7;
	v7 =	vmul.f32 v15, v10;
	v14 =	vld [tilespmem:s17+$0x19B80]  }
0x1ae: {  	[tilespmem:s17+$0x19B20] =	vst v8;
	v8 =	vmul.f32 v9, v10;
	v9 =	vld [tilespmem:s17+$0x19B90]  }
0x1af: {  	[tilespmem:s17+$0x19B30] =	vst v7;
	v7 =	vmul.f32 v13, v10;
	v13 =	vld [tilespmem:s17+$0x19BA0]  }
0x1b0: {  	[tilespmem:s17+$0x19B40] =	vst v8;
	v8 =	vmul.f32 v11, v10;
	v11 =	vbroadcast v1, $0x9;
	v15 =	vld [tilespmem:s17+$0x19BB0]  }
0x1b1: {  	[tilespmem:s17+$0x19B50] =	vst v7;
	v7 =	vmul.f32 v12, v10;
	v10 =	vld [tilespmem:s17+$0x19BC0]  }
0x1b2: {  	[tilespmem:s17+$0x19B60] =	vst v8;
	v8 =	vmul.f32 v14, v11;
	v12 =	vld [tilespmem:s17+$0x19BD0]  }
0x1b3: {  	[tilespmem:s17+$0x19B70] =	vst v7;
	v7 =	vmul.f32 v9, v11;
	v9 =	vld [tilespmem:s17+$0x19BE0]  }
0x1b4: {  	[tilespmem:s17+$0x19B80] =	vst v8;
	v8 =	vmul.f32 v13, v11;
	v13 =	vld [tilespmem:s17+$0x19BF0]  }
0x1b5: {  	[tilespmem:s17+$0x19B90] =	vst v7;
	v7 =	vmul.f32 v15, v11;
	v14 =	vld [tilespmem:s17+$0x19C00]  }
0x1b6: {  	[tilespmem:s17+$0x19BA0] =	vst v8;
	v8 =	vmul.f32 v10, v11;
	v10 =	vld [tilespmem:s17+$0x19C10]  }
0x1b7: {  	[tilespmem:s17+$0x19BB0] =	vst v7;
	v7 =	vmul.f32 v12, v11;
	v12 =	vld [tilespmem:s17+$0x19C20]  }
0x1b8: {  	[tilespmem:s17+$0x19BC0] =	vst v8;
	v8 =	vmul.f32 v9, v11;
	v9 =	vld [tilespmem:s17+$0x19C30]  }
0x1b9: {  	[tilespmem:s17+$0x19BD0] =	vst v7;
	v7 =	vmul.f32 v13, v11;
	v11 =	vld [tilespmem:s17+$0x19C40]  }
0x1ba: {  	[tilespmem:s17+$0x19BE0] =	vst v8;
	v8 =	vmul.f32 v14, v4;
	v13 =	vld [tilespmem:s17+$0x19C50]  }
0x1bb: {  	[tilespmem:s17+$0x19BF0] =	vst v7;
	v7 =	vmul.f32 v10, v4;
	v10 =	vld [tilespmem:s17+$0x19C60]  }
0x1bc: {  	v14 =	vld [tilespmem:s17+$0x19700];
	[tilespmem:s17+$0x19C00] =	vst v8;
	v8 =	vmul.f32 v12, v4  }
0x1bd: {  	v12 =	vld [tilespmem:s17+$0x19710];
	[tilespmem:s17+$0x19C10] =	vst v7;
	v7 =	vmul.f32 v9, v4  }
0x1be: {  	v9 =	vld [tilespmem:s17+$0x19740];
	[tilespmem:s17+$0x19C20] =	vst v8;
	v8 =	vmul.f32 v11, v4  }
0x1bf: {  	v11 =	vld [tilespmem:s17+$0x19750];
	[tilespmem:s17+$0x19C30] =	vst v7;
	v7 =	vmul.f32 v13, v4  }
0x1c0: {  	[tilespmem:s17+$0x19C40] =	vst v8;
	v8 =	vmul.f32 v10, v4;
	v10 =	vbroadcast v1, $0xB;
	v13 =	vld [tilespmem:s17+$0x19CA0]  }
0x1c1: {  	v4 =	vbroadcast v1, $0xF;
	v14 =	vmul.f32 v2, v14;
	[tilespmem:s17+$0x19C50] =	vst v7;
	v7 =	vld [tilespmem:s17+$0x19CB0]  }
0x1c2: {  	v12 =	vmul.f32 v12, v2;
	[tilespmem:s17+$0x19C60] =	vst v8;
	v5 =	vmul.f32 v5, v10;
	v8 =	vld [tilespmem:s17+$0x19CC0]  }
0x1c3: {  	v6 =	vmul.f32 v6, v10;
	[tilespmem:s17+$0x19700] =	vst v14;
	v9 =	vmul.f32 v9, v2;
	v14 =	vld [tilespmem:s17+$0x19CD0]  }
0x1c4: {  	v3 =	vmul.f32 v3, v4;
	v11 =	vmul.f32 v11, v2;
	[tilespmem:s17+$0x19C80] =	vst v5;
	v2 =	vld [tilespmem:s17+$0x19CE0]  }
0x1c5: {  	[tilespmem:s17+$0x19C90] =	vst v6;
	v5 =	vmul.f32 v13, v10;
	v6 =	vld [tilespmem:s17+$0x19CF0]  }
0x1c6: {  	v7 =	vmul.f32 v7, v10;
	v13 =	vld [tilespmem:s17+$0x19D00];
	[tilespmem:s17+$0x19ED0] =	vst v3  }
0x1c7: {  	[tilespmem:s17+$0x19710] =	vst v12;
	v3 =	vmul.f32 v8, v10;
	v8 =	vld [tilespmem:s17+$0x19D10]  }
0x1c8: {  	[tilespmem:s17+$0x19740] =	vst v9;
	v9 =	vmul.f32 v14, v10;
	v12 =	vld [tilespmem:s17+$0x19D20]  }
0x1c9: {  	v14 =	vbroadcast v1, $0xC;
	[tilespmem:s17+$0x19CA0] =	vst v5;
	v5 =	vmul.f32 v2, v10;
	v15 =	vld [tilespmem:s17+$0x19D30]  }
0x1ca: {  	[tilespmem:s17+$0x19CD0] =	vst v9;
	v6 =	vmul.f32 v6, v10;
	v9 =	vld [tilespmem:s17+$0x19D40]  }
0x1cb: {  	[tilespmem:s17+$0x19CB0] =	vst v7;
	v2 =	vmul.f32 v13, v14;
	v7 =	vld [tilespmem:s17+$0x19D50]  }
0x1cc: {  	[tilespmem:s17+$0x19CC0] =	vst v3;
	v3 =	vmul.f32 v8, v14;
	v8 =	vld [tilespmem:s17+$0x19D60]  }
0x1cd: {  	[tilespmem:s17+$0x19D00] =	vst v2;
	v2 =	vmul.f32 v12, v14;
	v10 =	vld [tilespmem:s17+$0x19D70]  }
0x1ce: {  	[tilespmem:s17+$0x19D10] =	vst v3;
	v3 =	vld [tilespmem:s17+$0x19D80]  }
0x1cf: {  	[tilespmem:s17+$0x19750] =	vst v11;
	v9 =	vmul.f32 v9, v14;
	v11 =	vld [tilespmem:s17+$0x19D90]  }
0x1d0: {  	[tilespmem:s17+$0x19CE0] =	vst v5;
	v5 =	vmul.f32 v7, v14;
	v7 =	vld [tilespmem:s17+$0x19DA0]  }
0x1d1: {  	[tilespmem:s17+$0x19D40] =	vst v9;
	v8 =	vmul.f32 v8, v14;
	v9 =	vbroadcast v1, $0xD;
	v12 =	vld [tilespmem:s17+$0x19DB0]  }
0x1d2: {  	[tilespmem:s17+$0x19D50] =	vst v5;
	v5 =	vmul.f32 v10, v14;
	v10 =	vld [tilespmem:s17+$0x19DC0]  }
0x1d3: {  	[tilespmem:s17+$0x19D60] =	vst v8;
	v3 =	vmul.f32 v3, v9;
	v8 =	vld [tilespmem:s17+$0x19DD0]  }
0x1d4: {  	[tilespmem:s17+$0x19D70] =	vst v5;
	v5 =	vmul.f32 v11, v9;
	v11 =	vld [tilespmem:s17+$0x19DE0]  }
0x1d5: {  	[tilespmem:s17+$0x19D80] =	vst v3;
	v3 =	vmul.f32 v7, v9;
	v7 =	vld [tilespmem:s17+$0x19DF0]  }
0x1d6: {  	[tilespmem:s17+$0x19D90] =	vst v5;
	v5 =	vmul.f32 v12, v9;
	v12 =	vld [tilespmem:s17+$0x19E00]  }
0x1d7: {  	[tilespmem:s17+$0x19DA0] =	vst v3;
	v3 =	vmul.f32 v10, v9;
	v10 =	vld [tilespmem:s17+$0x19E10]  }
0x1d8: {  	[tilespmem:s17+$0x19DB0] =	vst v5;
	v5 =	vmul.f32 v8, v9;
	v8 =	vld [tilespmem:s17+$0x19E20]  }
0x1d9: {  	v1 =	vbroadcast v1, $0xE;
	[tilespmem:s17+$0x19CF0] =	vst v6;
	v6 =	vmul.f32 v11, v9;
	v11 =	vld [tilespmem:s17+$0x19E30]  }
0x1da: {  	[tilespmem:s17+$0x19DD0] =	vst v5;
	v5 =	vmul.f32 v7, v9;
	v7 =	vld [tilespmem:s17+$0x19E40]  }
0x1db: {  	[tilespmem:s17+$0x19DE0] =	vst v6;
	v6 =	vmul.f32 v12, v1;
	v9 =	vld [tilespmem:s17+$0x19E50]  }
0x1dc: {  	[tilespmem:s17+$0x19DF0] =	vst v5;
	v5 =	vmul.f32 v10, v1;
	v10 =	vld [tilespmem:s17+$0x19E60]  }
0x1dd: {  	[tilespmem:s17+$0x19E00] =	vst v6;
	v6 =	vmul.f32 v8, v1;
	v8 =	vld [tilespmem:s17+$0x19E70]  }
0x1de: {  	[tilespmem:s17+$0x19E10] =	vst v5;
	v5 =	vmul.f32 v11, v1;
	v11 =	vld [tilespmem:s17+$0x19E80]  }
0x1df: {  	[tilespmem:s17+$0x19E20] =	vst v6;
	v6 =	vmul.f32 v7, v1;
	v7 =	vld [tilespmem:s17+$0x19E90]  }
0x1e0: {  	[tilespmem:s17+$0x19E30] =	vst v5;
	v5 =	vmul.f32 v9, v1;
	v9 =	vld [tilespmem:s17+$0x19EA0]  }
0x1e1: {  	[tilespmem:s17+$0x19E40] =	vst v6;
	v6 =	vmul.f32 v10, v1;
	v10 =	vld [tilespmem:s17+$0x19EB0]  }
0x1e2: {  	[tilespmem:s17+$0x19DC0] =	vst v3;
	v1 =	vmul.f32 v8, v1;
	v3 =	vld [tilespmem:s17+$0x19EC0]  }
0x1e3: {  	[tilespmem:s17+$0x19E60] =	vst v6;
	v6 =	vmul.f32 v11, v4;
	v8 =	vld [tilespmem:s17+$0x19EE0]  }
0x1e4: {  	[tilespmem:s17+$0x19E70] =	vst v1;
	v1 =	vmul.f32 v7, v4;
	v7 =	vld [tilespmem:s17+$0x19EF0]  }
0x1e5: {  	[tilespmem:s17+$0x19E80] =	vst v6;
	v6 =	vmul.f32 v9, v4  }
0x1e6: {  	[tilespmem:s17+$0x19E90] =	vst v1;
	v1 =	vmul.f32 v10, v4  }
0x1e7: {  	v9 =	vmul.f32 v15, v14;
	[tilespmem:s17+$0x19EA0] =	vst v6  }
0x1e8: {  	[tilespmem:s17+$0x19EB0] =	vst v1;
	v1 =	vmul.f32 v3, v4  }
.Ltmp4:
0x1e9: {  	[tilespmem:s17+$0x19D30] =	vst v9;
	v3 =	vmul.f32 v7, v4;
	(pc) =	sbr.rel @p4 .LBB2_7-.Ltmp4, $4  }
0x1ea: {  	[tilespmem:s17+$0x19EC0] =	vst v1  }
0x1eb: {  	v1 =	vmul.f32 v8, v4;
	[tilespmem:s17+$0x19EF0] =	vst v3  }
0x1ec: {  	[tilespmem:s17+$0x19E50] =	vst v5  }
0x1ed: {  	[tilespmem:s17+$0x19EE0] =	vst v1  }
0x1ee: {  	s16 =	sadd.s32 $0x1, s16  }
0x1ef: {  	p4 =	sne.s32 s16, s19  }
.Ltmp5:
0x1f0: {  	[tilespmem:s17+$0x19D20] =	vst v2;
	(pc) =	sbr.rel @p4 .LBB2_6-.Ltmp5, $4  }
0x1f1: {  	[spmem:s5] =	stream.indirect.scatter.add.f32 [tilespmem:s21], [sflag:$0x2], $0x80, s22, s12, $0xb8;
	[tilespmem:$0x1E700] =	vst v63  }
0x1f2: {  	_ =	swait.ge [sflag:s24], $0x2000  }
0x1f3: {  	[sflag:s24] =	ssyncset.done $0x0  }
0x1f4: {  	[sflag:s24] =	ssyncadd.s32 $0xFFFFE000  }
.Ltmp6:
0x1f5: {  	(pc) =	sbr.rel @!p1 .LBB2_10-.Ltmp6, $3  }
0x1f6: {  	_ =	sdelay $0x1  }
0x1f7: {  	s17 =	sshll.u32 s11, $0x6;
	[bflag:$0x0] =	sbarrier.arrive $0xFFFF  }
0x1f8: {  	s16 =	sshrl.u32 s14, $0x3;
	s17 =	sor.u32 $0x1C02, s17  }
0x1f9: {  	s18 =	rddreg [dreg:$0x10]  }
0x1fa: {  	[hbm:s18], [sflag:s17] =	dma.local [spmem:s16], $0x2800  }
0x1fb: {  	_ =	swait.ge [sflag:s24], $0x2800  }
0x1fc: {  	[sflag:s24] =	ssyncset.done $0x0  }
0x1fd: {  	[sflag:s24] =	ssyncadd.s32 $0xFFFFD800  }
0x1fe: {  	[bflag:$0x0] =	sbarrier.arrive $0xFFFF  }
0x1ff: {  	s28 =	simm.s32 $0x1B700;
	s26 =	rddreg [dreg:$0x11]  }
0x200: {  	[spmem:s26] =	stream.linear.scatter [tilespmem:s28], [sflag:$0x2], $0x2800, $0x38;
	[tilespmem:$0x1E700] =	vst v63  }
.Ltmp7:
0x201: {  	_ =	swait.ge [sflag:s24], $0x2800;
	(pc) =	sbr.rel @p3 .LBB2_15-.Ltmp7, $3  }
0x202: {  	[sflag:s24] =	ssyncset.done $0x0  }
0x203: {  	[sflag:s24] =	ssyncadd.s32 $0xFFFFD800  }
0x204: {  	[bflag:$0x0] =	sbarrier.arrive $0xFFFF;
	_ =	sdelay $0x1  }
0x205: {  	s16 =	simm.s32 $0x1E300  }
0x206: {  	[tilespmem:s16], [sflag:$0x2] =	stream.linear.gather [spmem:s23], $0x400, $0x38;
	[tilespmem:$0x1E700] =	vst v63  }
0x207: {  	_ =	swait.ge [sflag:s24], $0x400  }
0x208: {  	[sflag:s24] =	ssyncset.done $0x0  }
0x209: {  	s28 =	sadd.s32 $0x2800, s23;
	[sflag:s24] =	ssyncadd.s32 $0xFFFFFC00  }
0x20a: {  	[tilespmem:s13], [sflag:$0x2] =	stream.linear.gather [spmem:s28], $0x400, $0x38;
	[tilespmem:$0x1E700] =	vst v63  }
0x20b: {  	_ =	swait.ge [sflag:s24], $0x400  }
0x20c: {  	[sflag:s24] =	ssyncset.done $0x0  }
0x20d: {  	[sflag:s24] =	ssyncadd.s32 $0xFFFFFC00  }
0x20e: {  	v1 =	vld [tilespmem:$0x1E1B0]  }
0x20f: {  	v3 =	vld [tilespmem:$0x1E310]  }
0x210: {  	v4 =	vld [tilespmem:$0x1DF10]  }
0x211: {  	v5 =	vld [tilespmem:$0x1E320]  }
0x212: {  	v6 =	vld [tilespmem:$0x1DF20]  }
0x213: {  	v7 =	vld [tilespmem:$0x1E330]  }
0x214: {  	v8 =	vld [tilespmem:$0x1DF30]  }
0x215: {  	v9 =	vld [tilespmem:$0x1E340]  }
0x216: {  	v10 =	vld [tilespmem:$0x1DF40]  }
0x217: {  	v11 =	vld [tilespmem:$0x1E350]  }
0x218: {  	v12 =	vld [tilespmem:$0x1DF50]  }
0x219: {  	v13 =	vld [tilespmem:$0x1E360]  }
0x21a: {  	v14 =	vld [tilespmem:$0x1DF60]  }
0x21b: {  	v15 =	vld [tilespmem:$0x1E370]  }
0x21c: {  	v16 =	vld [tilespmem:$0x1DF70]  }
0x21d: {  	v17 =	vld [tilespmem:$0x1E380]  }
0x21e: {  	v18 =	vld [tilespmem:$0x1DF80]  }
0x21f: {  	v19 =	vld [tilespmem:$0x1E390]  }
0x220: {  	v20 =	vld [tilespmem:$0x1DF90]  }
0x221: {  	v21 =	vld [tilespmem:$0x1E3A0]  }
0x222: {  	v22 =	vld [tilespmem:$0x1DFA0]  }
0x223: {  	v23 =	vld [tilespmem:$0x1E3B0]  }
0x224: {  	v24 =	vld [tilespmem:$0x1DFB0]  }
0x225: {  	v25 =	vld [tilespmem:$0x1E3C0]  }
0x226: {  	v26 =	vld [tilespmem:$0x1DFC0]  }
0x227: {  	v27 =	vld [tilespmem:$0x1E3D0]  }
0x228: {  	v28 =	vld [tilespmem:$0x1DFD0]  }
0x229: {  	v29 =	vld [tilespmem:$0x1E3E0]  }
0x22a: {  	v30 =	vld [tilespmem:$0x1DFE0]  }
0x22b: {  	v31 =	vld [tilespmem:$0x1E3F0]  }
0x22c: {  	v32 =	vld [tilespmem:$0x1DFF0]  }
0x22d: {  	v33 =	vld [tilespmem:$0x1E400]  }
0x22e: {  	v34 =	vld [tilespmem:$0x1E000]  }
0x22f: {  	v35 =	vld [tilespmem:$0x1E410]  }
0x230: {  	v36 =	vld [tilespmem:$0x1E010]  }
0x231: {  	v37 =	vld [tilespmem:$0x1E420]  }
0x232: {  	v38 =	vld [tilespmem:$0x1E020]  }
0x233: {  	v39 =	vld [tilespmem:$0x1E430]  }
0x234: {  	v40 =	vld [tilespmem:$0x1E030]  }
0x235: {  	v41 =	vld [tilespmem:$0x1E440]  }
0x236: {  	v42 =	vld [tilespmem:$0x1E040]  }
0x237: {  	v43 =	vld [tilespmem:$0x1E450]  }
0x238: {  	v44 =	vld [tilespmem:$0x1E050]  }
0x239: {  	v45 =	vld [tilespmem:$0x1E460]  }
0x23a: {  	v46 =	vld [tilespmem:$0x1E060]  }
0x23b: {  	v47 =	vld [tilespmem:$0x1E470]  }
0x23c: {  	v48 =	vld [tilespmem:$0x1E070]  }
0x23d: {  	v49 =	vld [tilespmem:$0x1E480]  }
0x23e: {  	v50 =	vld [tilespmem:$0x1E080]  }
0x23f: {  	v51 =	vld [tilespmem:$0x1E490]  }
0x240: {  	v52 =	vld [tilespmem:$0x1E090]  }
0x241: {  	v53 =	vld [tilespmem:$0x1E4A0]  }
0x242: {  	v54 =	vld [tilespmem:$0x1E0A0]  }
0x243: {  	v55 =	vld [tilespmem:$0x1E4B0]  }
0x244: {  	v56 =	vld [tilespmem:$0x1E0B0]  }
0x245: {  	v57 =	vld [tilespmem:$0x1E4C0]  }
0x246: {  	v58 =	vld [tilespmem:$0x1E0C0]  }
0x247: {  	v59 =	vld [tilespmem:$0x1E4D0]  }
0x248: {  	v60 =	vld [tilespmem:$0x1E0D0]  }
0x249: {  	v2 =	vld [tilespmem:$0x1E500]  }
0x24a: {  	v61 =	vld [tilespmem:$0x1E4E0]  }
0x24b: {  	v62 =	vld [tilespmem:$0x1E0E0]  }
0x24c: {  	v63 =	vld [tilespmem:$0x1E4F0]  }
0x24d: {  	[tilespmem:$0x1FFE0] =	vst v1;
	v1 =	vld [tilespmem:$0x1DF00]  }
0x24e: {  	[tilespmem:$0x1FFA0] =	vst v2;
	v2 =	vld [tilespmem:$0x1E100]  }
0x24f: {  	v3 =	vadd.f32 v4, v3;
	v4 =	vld [tilespmem:$0x1E520]  }
0x250: {  	v5 =	vadd.f32 v6, v5;
	v6 =	vld [tilespmem:$0x1E120]  }
0x251: {  	v14 =	vadd.f32 v14, v13;
	v13 =	vld [tilespmem:$0x1E560]  }
0x252: {  	v18 =	vadd.f32 v18, v17;
	v17 =	vld [tilespmem:$0x1E580]  }
0x253: {  	v22 =	vadd.f32 v22, v21;
	v21 =	vld [tilespmem:$0x1E5A0];
	[tilespmem:$0x1E310] =	vst v3  }
0x254: {  	v26 =	vadd.f32 v26, v25;
	v25 =	vld [tilespmem:$0x1E5C0];
	[tilespmem:$0x1E320] =	vst v5  }
0x255: {  	v49 =	vadd.f32 v50, v49;
	v50 =	vld [tilespmem:$0x1E1D0];
	v3 =	vadd.f32 v8, v7;
	[tilespmem:$0x1E360] =	vst v14  }
0x256: {  	v38 =	vadd.f32 v38, v37;
	v37 =	vld [tilespmem:$0x1E630];
	[tilespmem:$0x1E380] =	vst v18  }
0x257: {  	v42 =	vadd.f32 v42, v41;
	v41 =	vld [tilespmem:$0x1E650];
	[tilespmem:$0x1E330] =	vst v3;
	v3 =	vadd.f32 v12, v11  }
0x258: {  	v46 =	vadd.f32 v46, v45;
	v45 =	vld [tilespmem:$0x1E670];
	[tilespmem:$0x1E3A0] =	vst v22  }
0x259: {  	v7 =	vld [tilespmem:$0x1E530];
	[tilespmem:$0x1E350] =	vst v3;
	v3 =	vadd.f32 v16, v15  }
0x25a: {  	v8 =	vld [tilespmem:$0x1E130];
	[tilespmem:$0x1E3C0] =	vst v26  }
0x25b: {  	v5 =	vadd.f32 v10, v9;
	v9 =	vld [tilespmem:$0x1E540];
	[tilespmem:$0x1E370] =	vst v3;
	v3 =	vadd.f32 v20, v19  }
0x25c: {  	v10 =	vld [tilespmem:$0x1E140];
	[tilespmem:$0x1E420] =	vst v38  }
0x25d: {  	v14 =	vld [tilespmem:$0x1E160];
	[tilespmem:$0x1E390] =	vst v3;
	v3 =	vadd.f32 v24, v23  }
0x25e: {  	v18 =	vld [tilespmem:$0x1E180];
	[tilespmem:$0x1E440] =	vst v42  }
0x25f: {  	v22 =	vld [tilespmem:$0x1E1A0];
	[tilespmem:$0x1E3B0] =	vst v3;
	v3 =	vadd.f32 v28, v27  }
0x260: {  	v26 =	vld [tilespmem:$0x1E1C0];
	[tilespmem:$0x1FFB0] =	vst v2  }
0x261: {  	v2 =	vld [tilespmem:$0x1E510];
	[tilespmem:$0x1E3D0] =	vst v3;
	v3 =	vadd.f32 v32, v31  }
0x262: {  	v38 =	vld [tilespmem:$0x1E230];
	[tilespmem:$0x1FFF0] =	vst v1  }
0x263: {  	v1 =	vld [tilespmem:$0x1E0F0];
	[tilespmem:$0x1E3F0] =	vst v3;
	v3 =	vadd.f32 v36, v35  }
0x264: {  	[tilespmem:$0x1E480] =	vst v49;
	v42 =	vld [tilespmem:$0x1E250]  }
0x265: {  	v49 =	vld [tilespmem:$0x1E280];
	[tilespmem:$0x1E410] =	vst v3;
	v3 =	vadd.f32 v40, v39  }
0x266: {  	v11 =	vld [tilespmem:$0x1E550];
	[tilespmem:$0x1FFC0] =	vst v2  }
0x267: {  	v2 =	vld [tilespmem:$0x1E110];
	[tilespmem:$0x1E430] =	vst v3;
	v3 =	vadd.f32 v44, v43  }
0x268: {  	[tilespmem:$0x1E460] =	vst v46;
	v12 =	vld [tilespmem:$0x1E150];
	v1 =	vadd.f32 v1, v63  }
0x269: {  	v15 =	vld [tilespmem:$0x1E570];
	[tilespmem:$0x1E450] =	vst v3;
	v3 =	vadd.f32 v48, v47  }
0x26a: {  	v16 =	vld [tilespmem:$0x1E170];
	[tilespmem:$0x1E4F0] =	vst v1  }
0x26b: {  	v46 =	vld [tilespmem:$0x1FFF0];
	[tilespmem:$0x1E470] =	vst v3;
	v3 =	vadd.f32 v52, v51  }
0x26c: {  	v19 =	vld [tilespmem:$0x1E590];
	[tilespmem:$0x1FFD0] =	vst v2  }
0x26d: {  	v1 =	vld [tilespmem:$0x1FFC0];
	[tilespmem:$0x1E490] =	vst v3;
	v3 =	vadd.f32 v56, v55  }
0x26e: {  	v55 =	vadd.f32 v58, v57;
	v58 =	vadd.f32 v62, v61;
	v62 =	vld [tilespmem:$0x1FFD0]  }
0x26f: {  	v30 =	vadd.f32 v30, v29;
	v20 =	vld [tilespmem:$0x1E190]  }
0x270: {  	v34 =	vadd.f32 v34, v33;
	v23 =	vld [tilespmem:$0x1E5B0]  }
0x271: {  	[tilespmem:$0x1E3E0] =	vst v30;
	v24 =	vld [tilespmem:$0x1E300]  }
0x272: {  	[tilespmem:$0x1E400] =	vst v34;
	v63 =	vld [tilespmem:$0x1E620];
	v52 =	vadd.f32 v54, v53  }
0x273: {  	[tilespmem:$0x1E340] =	vst v5;
	v2 =	vld [tilespmem:$0x1FFA0];
	v1 =	vadd.f32 v62, v1  }
0x274: {  	v36 =	vld [tilespmem:$0x1E220];
	[tilespmem:$0x1E4A0] =	vst v52  }
0x275: {  	v39 =	vld [tilespmem:$0x1E640];
	[tilespmem:$0x1E510] =	vst v1;
	v1 =	vadd.f32 v8, v7  }
0x276: {  	v40 =	vld [tilespmem:$0x1E240];
	[tilespmem:$0x1E4B0] =	vst v3  }
0x277: {  	v3 =	vadd.f32 v60, v59;
	v60 =	vld [tilespmem:$0x1FFB0];
	[tilespmem:$0x1E530] =	vst v1;
	v1 =	vadd.f32 v12, v11  }
0x278: {  	v48 =	vld [tilespmem:$0x1E5D0];
	[tilespmem:$0x1E4C0] =	vst v55  }
0x279: {  	v61 =	vld [tilespmem:$0x1E210];
	[tilespmem:$0x1E550] =	vst v1;
	v1 =	vadd.f32 v16, v15  }
0x27a: {  	[tilespmem:$0x1E4D0] =	vst v3;
	v3 =	vld [tilespmem:$0x1E610]  }
0x27b: {  	v43 =	vld [tilespmem:$0x1E660];
	[tilespmem:$0x1E570] =	vst v1;
	v1 =	vadd.f32 v20, v19  }
0x27c: {  	v44 =	vld [tilespmem:$0x1E260];
	[tilespmem:$0x1E4E0] =	vst v58;
	v2 =	vadd.f32 v60, v2  }
0x27d: {  	v48 =	vadd.f32 v50, v48;
	[tilespmem:$0x1E590] =	vst v1;
	v1 =	vld [tilespmem:$0x1FFE0]  }
0x27e: {  	v47 =	vld [tilespmem:$0x1E680];
	[tilespmem:$0x1E500] =	vst v2;
	v2 =	vadd.f32 v6, v4  }
0x27f: {  	v51 =	vld [tilespmem:$0x1E5E0];
	[tilespmem:$0x1E5D0] =	vst v48;
	v3 =	vadd.f32 v61, v3  }
0x280: {  	v53 =	vld [tilespmem:$0x1E1E0];
	[tilespmem:$0x1E520] =	vst v2;
	v2 =	vadd.f32 v10, v9  }
0x281: {  	v54 =	vld [tilespmem:$0x1E5F0];
	[tilespmem:$0x1E610] =	vst v3;
	v3 =	vadd.f32 v38, v37  }
0x282: {  	v57 =	vld [tilespmem:$0x1E600];
	[tilespmem:$0x1E540] =	vst v2;
	v1 =	vadd.f32 v1, v23  }
0x283: {  	v59 =	vld [tilespmem:$0x1E200];
	v2 =	vadd.f32 v14, v13;
	[tilespmem:$0x1E630] =	vst v3  }
0x284: {  	v56 =	vld [tilespmem:$0x1E1F0];
	[tilespmem:$0x1E5B0] =	vst v1;
	v1 =	vadd.f32 v26, v25  }
0x285: {  	v52 =	vld [tilespmem:$0x1E290];
	[tilespmem:$0x1E560] =	vst v2;
	v2 =	vadd.f32 v18, v17  }
0x286: {  	v50 =	vld [tilespmem:$0x1E690];
	[tilespmem:$0x1E5C0] =	vst v1;
	v1 =	vadd.f32 v53, v51  }
0x287: {  	v55 =	vld [tilespmem:$0x1E6B0];
	[tilespmem:$0x1E580] =	vst v2;
	v2 =	vadd.f32 v22, v21  }
0x288: {  	v58 =	vld [tilespmem:$0x1E2C0];
	[tilespmem:$0x1E5E0] =	vst v1;
	v1 =	vadd.f32 v59, v57  }
0x289: {  	v60 =	vld [tilespmem:$0x1E6E0];
	v3 =	vadd.f32 v42, v41;
	[tilespmem:$0x1E5A0] =	vst v2  }
0x28a: {  	v2 =	vld [tilespmem:$0x1E270];
	[tilespmem:$0x1E600] =	vst v1;
	v1 =	vadd.f32 v36, v63  }
0x28b: {  	v15 =	vadd.f32 v46, v24;
	[tilespmem:$0x1E650] =	vst v3;
	v3 =	vld [tilespmem:$0x1E2D0]  }
0x28c: {  	v53 =	vld [tilespmem:$0x1E6A0];
	[tilespmem:$0x1E620] =	vst v1;
	v1 =	vadd.f32 v40, v39  }
0x28d: {  	[tilespmem:$0x1E300] =	vst v15;
	v51 =	vadd.f32 v56, v54;
	v54 =	vld [tilespmem:$0x1E2A0]  }
0x28e: {  	v56 =	vld [tilespmem:$0x1E2B0];
	[tilespmem:$0x1E640] =	vst v1;
	v1 =	vadd.f32 v44, v43  }
0x28f: {  	v2 =	vadd.f32 v2, v45;
	[tilespmem:$0x1E5F0] =	vst v51;
	v57 =	vld [tilespmem:$0x1E6C0]  }
0x290: {  	v59 =	vld [tilespmem:$0x1E6D0];
	[tilespmem:$0x1E660] =	vst v1;
	v1 =	vadd.f32 v49, v47  }
0x291: {  	v61 =	vld [tilespmem:$0x1E2E0];
	[tilespmem:$0x1E670] =	vst v2;
	v2 =	vadd.f32 v52, v50  }
0x292: {  	v62 =	vld [tilespmem:$0x1E6F0];
	[tilespmem:$0x1E680] =	vst v1;
	v1 =	vadd.f32 v54, v53  }
0x293: {  	[tilespmem:$0x1E690] =	vst v2;
	v63 =	vld [tilespmem:$0x1E2F0];
	v2 =	vadd.f32 v56, v55  }
0x294: {  	[tilespmem:$0x1E6A0] =	vst v1;
	v1 =	vadd.f32 v58, v57  }
0x295: {  	[tilespmem:$0x1E6B0] =	vst v2;
	v2 =	vadd.f32 v3, v59  }
0x296: {  	[tilespmem:$0x1E6C0] =	vst v1;
	v1 =	vadd.f32 v61, v60  }
0x297: {  	[tilespmem:$0x1E6D0] =	vst v2  }
0x298: {  	s16 =	simm.s32 $0x14000;
	[tilespmem:$0x1E6E0] =	vst v1;
	v1 =	vadd.f32 v63, v62  }
.LBB2_13:
0x299: {  	_ = 	snop  }
0x29a: {  	s17 =	sshra.s32 s16, $0x2;
	p4 =	sne.s32 s16, $0x96000;
	s16 =	sadd.s32 $0xA000, s16;
	[tilespmem:$0x1E6F0] =	vst v1  }
0x29b: {  	s17 =	sadd.s32 s17, s23  }
0x29c: {  	[tilespmem:s13], [sflag:$0x2] =	stream.linear.gather [spmem:s17], $0x400, $0x38;
	[tilespmem:$0x1E700] =	vst v63  }
0x29d: {  	_ =	swait.ge [sflag:s24], $0x400  }
0x29e: {  	[sflag:s24] =	ssyncset.done $0x0  }
0x29f: {  	[sflag:s24] =	ssyncadd.s32 $0xFFFFFC00  }
0x2a0: {  	v2 =	vld [tilespmem:$0x1E1B0]  }
0x2a1: {  	v1 =	vld [tilespmem:$0x1DF00]  }
0x2a2: {  	v3 =	vld [tilespmem:$0x1E310]  }
0x2a3: {  	v4 =	vld [tilespmem:$0x1DF10]  }
0x2a4: {  	v5 =	vld [tilespmem:$0x1E320]  }
0x2a5: {  	v6 =	vld [tilespmem:$0x1DF20]  }
0x2a6: {  	v7 =	vld [tilespmem:$0x1E330]  }
0x2a7: {  	v8 =	vld [tilespmem:$0x1DF30]  }
0x2a8: {  	v3 =	vadd.f32 v4, v3;
	v4 =	vld [tilespmem:$0x1E340]  }
0x2a9: {  	v9 =	vld [tilespmem:$0x1DF40]  }
0x2aa: {  	[tilespmem:$0x1E310] =	vst v3;
	v3 =	vadd.f32 v6, v5;
	v5 =	vld [tilespmem:$0x1E350]  }
0x2ab: {  	v6 =	vld [tilespmem:$0x1DF50]  }
0x2ac: {  	[tilespmem:$0x1E320] =	vst v3;
	v3 =	vadd.f32 v8, v7;
	v7 =	vld [tilespmem:$0x1E360]  }
0x2ad: {  	v8 =	vld [tilespmem:$0x1DF60]  }
0x2ae: {  	[tilespmem:$0x1E330] =	vst v3;
	v3 =	vadd.f32 v9, v4;
	v4 =	vld [tilespmem:$0x1E370]  }
0x2af: {  	v9 =	vld [tilespmem:$0x1DF70]  }
0x2b0: {  	[tilespmem:$0x1E340] =	vst v3;
	v3 =	vadd.f32 v6, v5;
	v5 =	vld [tilespmem:$0x1E380]  }
0x2b1: {  	v6 =	vld [tilespmem:$0x1DF80]  }
0x2b2: {  	[tilespmem:$0x1E350] =	vst v3;
	v3 =	vadd.f32 v8, v7;
	v7 =	vld [tilespmem:$0x1E390]  }
0x2b3: {  	v8 =	vld [tilespmem:$0x1DF90]  }
0x2b4: {  	[tilespmem:$0x1E360] =	vst v3;
	v3 =	vadd.f32 v9, v4;
	v4 =	vld [tilespmem:$0x1E3A0]  }
0x2b5: {  	v9 =	vld [tilespmem:$0x1DFA0]  }
0x2b6: {  	[tilespmem:$0x1E370] =	vst v3;
	v3 =	vadd.f32 v6, v5;
	v5 =	vld [tilespmem:$0x1E3B0]  }
0x2b7: {  	v6 =	vld [tilespmem:$0x1DFB0]  }
0x2b8: {  	[tilespmem:$0x1E380] =	vst v3;
	v3 =	vadd.f32 v8, v7;
	v7 =	vld [tilespmem:$0x1E3C0]  }
0x2b9: {  	v8 =	vld [tilespmem:$0x1DFC0]  }
0x2ba: {  	[tilespmem:$0x1E390] =	vst v3;
	v3 =	vadd.f32 v9, v4;
	v4 =	vld [tilespmem:$0x1E3D0]  }
0x2bb: {  	v9 =	vld [tilespmem:$0x1DFD0]  }
0x2bc: {  	[tilespmem:$0x1E3A0] =	vst v3;
	v3 =	vadd.f32 v6, v5;
	v5 =	vld [tilespmem:$0x1E3E0]  }
0x2bd: {  	v6 =	vld [tilespmem:$0x1DFE0]  }
0x2be: {  	[tilespmem:$0x1E3B0] =	vst v3;
	v3 =	vadd.f32 v8, v7;
	v7 =	vld [tilespmem:$0x1E3F0]  }
0x2bf: {  	v8 =	vld [tilespmem:$0x1DFF0]  }
0x2c0: {  	[tilespmem:$0x1E3C0] =	vst v3;
	v3 =	vadd.f32 v9, v4;
	v4 =	vld [tilespmem:$0x1E400]  }
0x2c1: {  	v9 =	vld [tilespmem:$0x1E000]  }
0x2c2: {  	[tilespmem:$0x1E3D0] =	vst v3;
	v3 =	vadd.f32 v6, v5;
	v5 =	vld [tilespmem:$0x1E410]  }
0x2c3: {  	v6 =	vld [tilespmem:$0x1E010]  }
0x2c4: {  	[tilespmem:$0x1E3E0] =	vst v3;
	v3 =	vadd.f32 v8, v7;
	v7 =	vld [tilespmem:$0x1E420]  }
0x2c5: {  	v8 =	vld [tilespmem:$0x1E020]  }
0x2c6: {  	[tilespmem:$0x1E3F0] =	vst v3;
	v3 =	vadd.f32 v9, v4;
	v4 =	vld [tilespmem:$0x1E430]  }
0x2c7: {  	v9 =	vld [tilespmem:$0x1E030]  }
0x2c8: {  	[tilespmem:$0x1E400] =	vst v3;
	v3 =	vadd.f32 v6, v5;
	v5 =	vld [tilespmem:$0x1E440]  }
0x2c9: {  	v6 =	vld [tilespmem:$0x1E040]  }
0x2ca: {  	[tilespmem:$0x1E410] =	vst v3;
	v3 =	vadd.f32 v8, v7;
	v7 =	vld [tilespmem:$0x1E450]  }
0x2cb: {  	v8 =	vld [tilespmem:$0x1E050]  }
0x2cc: {  	[tilespmem:$0x1E420] =	vst v3;
	v3 =	vadd.f32 v9, v4;
	v4 =	vld [tilespmem:$0x1E460]  }
0x2cd: {  	v9 =	vld [tilespmem:$0x1E060]  }
0x2ce: {  	[tilespmem:$0x1E430] =	vst v3;
	v3 =	vadd.f32 v6, v5;
	v5 =	vld [tilespmem:$0x1E470]  }
0x2cf: {  	v6 =	vld [tilespmem:$0x1E070]  }
0x2d0: {  	[tilespmem:$0x1E440] =	vst v3;
	v3 =	vadd.f32 v8, v7;
	v7 =	vld [tilespmem:$0x1E480]  }
0x2d1: {  	v8 =	vld [tilespmem:$0x1E080]  }
0x2d2: {  	[tilespmem:$0x1E450] =	vst v3;
	v3 =	vadd.f32 v9, v4;
	v4 =	vld [tilespmem:$0x1E490]  }
0x2d3: {  	v9 =	vld [tilespmem:$0x1E090]  }
0x2d4: {  	[tilespmem:$0x1E460] =	vst v3;
	v3 =	vadd.f32 v6, v5;
	v5 =	vld [tilespmem:$0x1E4A0]  }
0x2d5: {  	v6 =	vld [tilespmem:$0x1E0A0]  }
0x2d6: {  	[tilespmem:$0x1E470] =	vst v3;
	v3 =	vadd.f32 v8, v7;
	v7 =	vld [tilespmem:$0x1E4B0]  }
0x2d7: {  	v8 =	vld [tilespmem:$0x1E0B0]  }
0x2d8: {  	[tilespmem:$0x1E480] =	vst v3;
	v3 =	vadd.f32 v9, v4;
	v4 =	vld [tilespmem:$0x1E4C0]  }
0x2d9: {  	v9 =	vld [tilespmem:$0x1E0C0]  }
0x2da: {  	[tilespmem:$0x1E490] =	vst v3;
	v3 =	vadd.f32 v6, v5;
	v5 =	vld [tilespmem:$0x1E4D0]  }
0x2db: {  	v6 =	vld [tilespmem:$0x1E0D0]  }
0x2dc: {  	[tilespmem:$0x1E4A0] =	vst v3;
	v3 =	vadd.f32 v8, v7;
	v7 =	vld [tilespmem:$0x1E4E0]  }
0x2dd: {  	v8 =	vld [tilespmem:$0x1E0E0]  }
0x2de: {  	[tilespmem:$0x1E4B0] =	vst v3;
	v3 =	vadd.f32 v9, v4;
	v4 =	vld [tilespmem:$0x1E4F0]  }
0x2df: {  	v9 =	vld [tilespmem:$0x1E0F0]  }
0x2e0: {  	[tilespmem:$0x1E4C0] =	vst v3;
	v3 =	vadd.f32 v6, v5;
	v5 =	vld [tilespmem:$0x1E500]  }
0x2e1: {  	v6 =	vld [tilespmem:$0x1E100]  }
0x2e2: {  	[tilespmem:$0x1E4D0] =	vst v3;
	v3 =	vadd.f32 v8, v7;
	v7 =	vld [tilespmem:$0x1E510]  }
0x2e3: {  	v8 =	vld [tilespmem:$0x1E110]  }
0x2e4: {  	[tilespmem:$0x1E4E0] =	vst v3;
	v3 =	vadd.f32 v9, v4;
	v4 =	vld [tilespmem:$0x1E520]  }
0x2e5: {  	v9 =	vld [tilespmem:$0x1E120]  }
0x2e6: {  	[tilespmem:$0x1E4F0] =	vst v3;
	v3 =	vadd.f32 v6, v5;
	v5 =	vld [tilespmem:$0x1E530]  }
0x2e7: {  	v6 =	vld [tilespmem:$0x1E130]  }
0x2e8: {  	[tilespmem:$0x1E500] =	vst v3;
	v3 =	vadd.f32 v8, v7;
	v7 =	vld [tilespmem:$0x1E540]  }
0x2e9: {  	v8 =	vld [tilespmem:$0x1E140]  }
0x2ea: {  	[tilespmem:$0x1E510] =	vst v3;
	v3 =	vadd.f32 v9, v4;
	v4 =	vld [tilespmem:$0x1E550]  }
0x2eb: {  	v9 =	vld [tilespmem:$0x1E150]  }
0x2ec: {  	[tilespmem:$0x1E520] =	vst v3;
	v3 =	vadd.f32 v6, v5;
	v5 =	vld [tilespmem:$0x1E560]  }
0x2ed: {  	v6 =	vld [tilespmem:$0x1E160]  }
0x2ee: {  	[tilespmem:$0x1E530] =	vst v3;
	v3 =	vadd.f32 v8, v7;
	v7 =	vld [tilespmem:$0x1E570]  }
0x2ef: {  	v8 =	vld [tilespmem:$0x1E170]  }
0x2f0: {  	[tilespmem:$0x1E540] =	vst v3;
	v3 =	vadd.f32 v9, v4;
	v4 =	vld [tilespmem:$0x1E580]  }
0x2f1: {  	v9 =	vld [tilespmem:$0x1E180]  }
0x2f2: {  	[tilespmem:$0x1E550] =	vst v3;
	v3 =	vadd.f32 v6, v5;
	v5 =	vld [tilespmem:$0x1E590]  }
0x2f3: {  	v6 =	vld [tilespmem:$0x1E190]  }
0x2f4: {  	[tilespmem:$0x1E560] =	vst v3;
	v3 =	vadd.f32 v8, v7;
	v7 =	vld [tilespmem:$0x1E5A0]  }
0x2f5: {  	v8 =	vld [tilespmem:$0x1E1A0]  }
0x2f6: {  	[tilespmem:$0x1E570] =	vst v3;
	v3 =	vadd.f32 v9, v4;
	v4 =	vld [tilespmem:$0x1E5B0]  }
0x2f7: {  	v9 =	vld [tilespmem:$0x1E300]  }
0x2f8: {  	[tilespmem:$0x1E580] =	vst v3;
	v3 =	vadd.f32 v6, v5;
	v5 =	vld [tilespmem:$0x1E5C0]  }
0x2f9: {  	v6 =	vld [tilespmem:$0x1E1C0]  }
0x2fa: {  	[tilespmem:$0x1E590] =	vst v3;
	v3 =	vadd.f32 v8, v7;
	v7 =	vld [tilespmem:$0x1E5D0]  }
0x2fb: {  	v2 =	vadd.f32 v2, v4;
	v4 =	vld [tilespmem:$0x1E1D0]  }
0x2fc: {  	v1 =	vadd.f32 v1, v9;
	[tilespmem:$0x1E5A0] =	vst v3;
	v3 =	vld [tilespmem:$0x1E5E0]  }
0x2fd: {  	[tilespmem:$0x1E5B0] =	vst v2;
	v2 =	vld [tilespmem:$0x1E1E0]  }
0x2fe: {  	[tilespmem:$0x1E300] =	vst v1;
	v1 =	vadd.f32 v6, v5;
	v5 =	vld [tilespmem:$0x1E5F0]  }
0x2ff: {  	v6 =	vld [tilespmem:$0x1E1F0]  }
0x300: {  	[tilespmem:$0x1E5C0] =	vst v1;
	v1 =	vadd.f32 v4, v7;
	v4 =	vld [tilespmem:$0x1E600]  }
0x301: {  	v7 =	vld [tilespmem:$0x1E200]  }
0x302: {  	[tilespmem:$0x1E5D0] =	vst v1;
	v1 =	vadd.f32 v2, v3;
	v2 =	vld [tilespmem:$0x1E610]  }
0x303: {  	v3 =	vld [tilespmem:$0x1E210]  }
0x304: {  	[tilespmem:$0x1E5E0] =	vst v1;
	v1 =	vadd.f32 v6, v5;
	v5 =	vld [tilespmem:$0x1E620]  }
0x305: {  	v6 =	vld [tilespmem:$0x1E220]  }
0x306: {  	[tilespmem:$0x1E5F0] =	vst v1;
	v1 =	vadd.f32 v7, v4;
	v4 =	vld [tilespmem:$0x1E630]  }
0x307: {  	v7 =	vld [tilespmem:$0x1E230]  }
0x308: {  	[tilespmem:$0x1E600] =	vst v1;
	v1 =	vadd.f32 v3, v2;
	v2 =	vld [tilespmem:$0x1E640]  }
0x309: {  	v3 =	vld [tilespmem:$0x1E240]  }
0x30a: {  	[tilespmem:$0x1E610] =	vst v1;
	v1 =	vadd.f32 v6, v5;
	v5 =	vld [tilespmem:$0x1E650]  }
0x30b: {  	v6 =	vld [tilespmem:$0x1E250]  }
0x30c: {  	[tilespmem:$0x1E620] =	vst v1;
	v1 =	vadd.f32 v7, v4;
	v4 =	vld [tilespmem:$0x1E660]  }
0x30d: {  	v7 =	vld [tilespmem:$0x1E260]  }
0x30e: {  	[tilespmem:$0x1E630] =	vst v1;
	v1 =	vadd.f32 v3, v2;
	v2 =	vld [tilespmem:$0x1E670]  }
0x30f: {  	v3 =	vld [tilespmem:$0x1E270]  }
0x310: {  	[tilespmem:$0x1E640] =	vst v1;
	v1 =	vadd.f32 v6, v5;
	v5 =	vld [tilespmem:$0x1E680]  }
0x311: {  	v6 =	vld [tilespmem:$0x1E280]  }
0x312: {  	[tilespmem:$0x1E650] =	vst v1;
	v1 =	vadd.f32 v7, v4;
	v4 =	vld [tilespmem:$0x1E690]  }
0x313: {  	v7 =	vld [tilespmem:$0x1E290]  }
0x314: {  	[tilespmem:$0x1E660] =	vst v1;
	v1 =	vadd.f32 v3, v2;
	v2 =	vld [tilespmem:$0x1E6A0]  }
0x315: {  	v3 =	vld [tilespmem:$0x1E2A0]  }
0x316: {  	[tilespmem:$0x1E670] =	vst v1;
	v1 =	vadd.f32 v6, v5;
	v5 =	vld [tilespmem:$0x1E6B0]  }
0x317: {  	v6 =	vld [tilespmem:$0x1E2B0]  }
0x318: {  	[tilespmem:$0x1E680] =	vst v1;
	v1 =	vadd.f32 v7, v4;
	v4 =	vld [tilespmem:$0x1E6C0]  }
0x319: {  	v7 =	vld [tilespmem:$0x1E2C0]  }
0x31a: {  	[tilespmem:$0x1E690] =	vst v1;
	v1 =	vadd.f32 v3, v2;
	v2 =	vld [tilespmem:$0x1E6D0]  }
0x31b: {  	v3 =	vld [tilespmem:$0x1E2D0]  }
0x31c: {  	[tilespmem:$0x1E6A0] =	vst v1;
	v1 =	vadd.f32 v6, v5;
	v5 =	vld [tilespmem:$0x1E6E0]  }
0x31d: {  	v6 =	vld [tilespmem:$0x1E2E0]  }
0x31e: {  	[tilespmem:$0x1E6B0] =	vst v1;
	v1 =	vadd.f32 v7, v4;
	v4 =	vld [tilespmem:$0x1E6F0]  }
0x31f: {  	v7 =	vld [tilespmem:$0x1E2F0]  }
.Ltmp8:
0x320: {  	[tilespmem:$0x1E6C0] =	vst v1;
	v1 =	vadd.f32 v3, v2;
	(pc) =	sbr.rel @p4 .LBB2_13-.Ltmp8, $3  }
0x321: {  	_ = 	snop  }
0x322: {  	[tilespmem:$0x1E6D0] =	vst v1;
	v1 =	vadd.f32 v6, v5;
	_ =	sdelay $0x1  }
0x323: {  	[tilespmem:$0x1E6E0] =	vst v1;
	v1 =	vadd.f32 v7, v4  }
0x324: {  	_ = 	snop  }
.Ltmp9:
0x325: {  	s16 =	rddreg [dreg:$0x12];
	s17 =	simm.s32 $0x1E300;
	[tilespmem:$0x1E6F0] =	vst v1;
	(pc) =	sbr.rel .LBB2_15-.Ltmp9, $4  }
0x326: {  	[hbm4b:s16+s8] =	stream.linear.scatter [tilespmem:s17], [sflag:$0x2], $0x400, $0x38;
	[tilespmem:$0x1E700] =	vst v63  }
0x327: {  	_ =	swait.ge [sflag:s24], $0x400  }
0x328: {  	[sflag:s24] =	ssyncset.done $0x0  }
0x329: {  	[sflag:s24] =	ssyncadd.s32 $0xFFFFFC00  }
.LBB2_16:
0x32a: {  	_ =	sfence.sel $0x180000  }
0x32b: {  	[bflag:$0x0] =	sbarrier.arrive $0xFFFF  }
0x32c: {  	_ =	strace $0x90000047  }
0x32d: {  	[bflag:$0x2] =	sbarrier.arrive $0xFFFF  }
0x32e: {  	s0 =	rddreg [dreg:$0x8]  }
0x32f: {  	s0 =	sadd.s32 @!p2 $0x100000, s0  }
0x330: {  	[sflag:s0] =	ssyncadd.tile.s32 @!p2 $0x1;
	_ =	shalt  }
.Lfunc_end2:
_tile_overlayer_lowered:
.L_overlay_start_2:
0x331: {  	(tag) =	ssettag $0x2  }
0x332: {  	s0 =	rddreg [dreg:$0x0];
	s2 =	stileid.u32  }
0x333: {  	s1 =	rddreg [dreg:$0x1];
	p0 =	sne.s32 s2, $0x0  }
0x334: {  	s3 =	rddreg [dreg:$0x2];
	[bflag:$0x3] =	sbarrier.arrive $0xFFFF;
	s2 =	simm.s32 @!p0 $0x1C02  }
0x335: {  	[timem:s3], [sflag:s2] =	dma.local @!p0 [hbm:s0], s1  }
0x336: {  	s0 =	simm.s32 @!p0 $0x2  }
0x337: {  	_ =	swait.ge @!p0 [sflag:s0], s1  }
0x338: {  	s1 =	ssub.s32 @!p0 $0x0, s1;
	[sflag:s0] =	ssyncset.done @!p0 $0x0  }
0x339: {  	[sflag:s0] =	ssyncadd.s32 @!p0 s1  }
0x33a: {  	[bflag:$0x3] =	sbarrier.arrive $0xFFFF  }
0x33b: {  	_ =	shalt  }

</sc_bundles>
